<compile_context>
chip_gen: v7x
topology: tpu7x:2x2x1
jax: 0.10.2.dev20260603
libtpu: 0.0.44.dev20260713+nightly
codegen_flags: <defaults>
</compile_context>

<pallas_src>
import functools

import jax
import jax.numpy as jnp
from jax import lax
from jax.experimental import pallas as pl
from jax.experimental.pallas import tpu as pltpu
from jax.experimental.pallas import tpu_sc as plsc

EPS = 1e-5
CH = 128
NC = 2
NS = 16
D = 128


def _drain(acc, stage, out_ref, s, n_nodes):
  bpt = (n_nodes // NS) // 8 * 8
  rem = n_nodes - NS * bpt
  for k in range(0, bpt, CH):
    sz = min(CH, bpt - k)
    dyn = s * bpt + k
    pltpu.sync_copy(acc.at[pl.ds(dyn, sz)], stage.at[pl.ds(0, sz)])
    pltpu.sync_copy(stage.at[pl.ds(0, sz)], out_ref.at[pl.ds(dyn, sz)])
  if rem:
    @pl.when(s == NS - 1)
    def _():
      off = NS * bpt
      pltpu.sync_copy(acc.at[pl.ds(off, rem)], stage.at[pl.ds(0, rem)])
      pltpu.sync_copy(stage.at[pl.ds(0, rem)], out_ref.at[pl.ds(off, rem)])



def _hist_kernel(n_nodes, n_chunks):
  acc_rows = ((n_nodes + 16 + NS * 8 - 1) // (NS * 8)) * (NS * 8)
  rpt = acc_rows // NS
  cpt = n_chunks // (NC * NS)
  mesh = plsc.VectorSubcoreMesh(core_axis_name="c", subcore_axis_name="s")

  depth = 4
  @functools.partial(
      pl.kernel,
      out_type=jax.ShapeDtypeStruct((NC, n_nodes, D), jnp.float32),
      mesh=mesh,
      scratch_types=[
          pltpu.VMEM((cpt, 1, CH), jnp.int32),
          pltpu.VMEM((CH, D), jnp.float32),
          pltpu.VMEM_SHARED((acc_rows, D), jnp.float32),
          pltpu.SemaphoreType.DMA,
          pltpu.SemaphoreType.DMA,
      ],
  )
  def hist(zeros_hbm, ones_hbm, dst_hbm, out_hbm, idx_d, rows, acc,
           ssem, hsem):
    c = lax.axis_index("c")
    s = lax.axis_index("s")
    wid = s * NC + c
    ic = pltpu.async_copy(dst_hbm.at[pl.ds(wid * cpt, cpt)], idx_d, hsem)
    pltpu.sync_copy(zeros_hbm, rows)
    for k in range(0, rpt, CH):
      sz = min(CH, rpt - k)
      pltpu.sync_copy(rows.at[pl.ds(0, sz)],
                      acc.at[pl.ds(s * rpt + k, sz)])
    pltpu.sync_copy(ones_hbm, rows)
    ic.wait()
    plsc.subcore_barrier()

    def body(j, _):
      pltpu.async_copy(rows, acc.at[idx_d.at[j, 0]], ssem, add=True)
      @pl.when(j >= depth)
      def _():
        pltpu.make_async_copy(zeros_hbm, rows, ssem).wait()
      return 0
    lax.fori_loop(0, cpt, body, 0)
    for _ in range(depth):
      pltpu.make_async_copy(zeros_hbm, rows, ssem).wait()
    plsc.subcore_barrier()
    _drain(acc, rows, out_hbm.at[c], s, n_nodes)

  return hist


NBUF = 4


def _agg_kernel(n_nodes, n_chunks, cpt0=None):
  acc_rows = ((n_nodes + 16 + NS * 8 - 1) // (NS * 8)) * (NS * 8)
  rpt = acc_rows // NS
  cps = n_chunks // NS
  if cpt0 is None:
    cpt0 = (cps // 2) // 2 * 2
  cpt1 = cps - cpt0
  assert cpt0 % 2 == 0 and cpt1 % 2 == 0
  mesh = plsc.VectorSubcoreMesh(core_axis_name="c", subcore_axis_name="s")

  @functools.partial(
      pl.kernel,
      out_type=jax.ShapeDtypeStruct((NC, n_nodes, D), jnp.float32),
      mesh=mesh,
      scratch_types=[
          pltpu.VMEM((2, CH), jnp.int32),
          pltpu.VMEM((2, CH), jnp.int32),
          pltpu.VMEM((2, CH, D), jnp.float32),
          pltpu.VMEM_SHARED((acc_rows, D), jnp.float32),
          [pltpu.SemaphoreType.DMA] * 2,
      ],
  )
  def agg(table_hbm, zeros_hbm, src_hbm, dst_hbm, out_hbm,
          idx_s, idx_d, rows, acc, gsem):
    c = lax.axis_index("c")
    s = lax.axis_index("s")
    cpt = jnp.where(c == 0, cpt0, cpt1)
    base = jnp.where(c == 0, s * cpt0, NS * cpt0 + s * cpt1)
    pltpu.sync_copy(zeros_hbm, rows.at[0])
    for k in range(0, rpt, CH):
      sz = min(CH, rpt - k)
      pltpu.sync_copy(rows.at[0].at[pl.ds(0, sz)],
                      acc.at[pl.ds(s * rpt + k, sz)])
    plsc.subcore_barrier()
    pltpu.sync_copy(src_hbm.at[base, 0], idx_s.at[0])
    pltpu.sync_copy(dst_hbm.at[base, 0], idx_d.at[0])
    pltpu.async_copy(table_hbm.at[idx_s.at[0]], rows.at[0], gsem[0])

    def half(i, p):
      j = 2 * i + p
      @pl.when(j + 1 < cpt)
      def _():
        g = base + j + 1
        pltpu.sync_copy(src_hbm.at[g, 0], idx_s.at[1 - p])
        pltpu.sync_copy(dst_hbm.at[g, 0], idx_d.at[1 - p])
        pltpu.async_copy(table_hbm.at[idx_s.at[1 - p]], rows.at[1 - p],
                         gsem[1 - p])
      pltpu.make_async_copy(zeros_hbm, rows.at[p], gsem[p]).wait()
      pltpu.sync_copy(rows.at[p], acc.at[idx_d.at[p]], add=True)

    def body(i, _):
      half(i, 0)
      half(i, 1)
      return 0
    lax.fori_loop(0, cpt // 2, body, 0)
    plsc.subcore_barrier()
    _drain(acc, rows.at[0], out_hbm.at[c], s, n_nodes)

  return agg



def _mm(x, w0t):
  n, d_in = x.shape
  bm = 1000
  grid = (n // bm,)

  def body(x_ref, w_ref, t_ref):
    t_ref[...] = jnp.dot(x_ref[...], w_ref[...],
                         preferred_element_type=jnp.float32)

  return pl.pallas_call(
      body,
      grid=grid,
      in_specs=[
          pl.BlockSpec((bm, d_in), lambda i: (i, 0)),
          pl.BlockSpec((d_in, D), lambda i: (0, 0)),
      ],
      out_specs=pl.BlockSpec((bm, D), lambda i: (i, 0)),
      out_shape=jax.ShapeDtypeStruct((n, D), jnp.float32),
  )(x, w0t)


def _scale(degA, degB, mm):
  n = mm.shape[0]
  bm = 1000
  grid = (n // bm,)

  def body(da_ref, db_ref, mm_ref, t_ref, dis_ref):
    deg = da_ref[:, :1] + db_ref[:, :1]
    dis = jnp.where(deg > 0, lax.rsqrt(deg), 0.0)
    t_ref[...] = dis * mm_ref[...]
    dis_ref[...] = dis

  return pl.pallas_call(
      body,
      grid=grid,
      in_specs=[
          pl.BlockSpec((bm, D), lambda i: (i, 0)),
          pl.BlockSpec((bm, D), lambda i: (i, 0)),
          pl.BlockSpec((bm, D), lambda i: (i, 0)),
      ],
      out_specs=[
          pl.BlockSpec((bm, D), lambda i: (i, 0)),
          pl.BlockSpec((bm, 1), lambda i: (i, 0)),
      ],
      out_shape=[
          jax.ShapeDtypeStruct((n, D), jnp.float32),
          jax.ShapeDtypeStruct((n, 1), jnp.float32),
      ],
  )(degA, degB, mm)


def _combine_stats(accA, accB, dis):
  n = accA.shape[0]
  bm = 1000
  grid = (n // bm,)

  def body(a_ref, b_ref, dis_ref, u_ref, st_ref):
    i = pl.program_id(0)
    u = dis_ref[...] * (a_ref[...] + b_ref[...])
    u_ref[...] = u
    @pl.when(i == 0)
    def _():
      st_ref[...] = jnp.zeros((2, D), jnp.float32)
    st_ref[0:1, :] += jnp.sum(u, axis=0, keepdims=True)
    st_ref[1:2, :] += jnp.sum(u * u, axis=0, keepdims=True)

  return pl.pallas_call(
      body,
      grid=grid,
      in_specs=[
          pl.BlockSpec((bm, D), lambda i: (i, 0)),
          pl.BlockSpec((bm, D), lambda i: (i, 0)),
          pl.BlockSpec((bm, 1), lambda i: (i, 0)),
      ],
      out_specs=[
          pl.BlockSpec((bm, D), lambda i: (i, 0)),
          pl.BlockSpec((2, D), lambda i: (0, 0)),
      ],
      out_shape=[
          jax.ShapeDtypeStruct((n, D), jnp.float32),
          jax.ShapeDtypeStruct((2, D), jnp.float32),
      ],
  )(accA, accB, dis)


def _bn_relu_mm_scale(u, st, dis, w1t):
  n = u.shape[0]
  bm = 1000
  grid = (n // bm,)

  def body(u_ref, st_ref, dis_ref, w_ref, t_ref):
    mean = st_ref[0:1, :] / n
    var = st_ref[1:2, :] / n - mean * mean
    h = jnp.maximum((u_ref[...] - mean) * lax.rsqrt(var + EPS), 0.0)
    t_ref[...] = dis_ref[...] * jnp.dot(h, w_ref[...],
                                        preferred_element_type=jnp.float32)

  return pl.pallas_call(
      body,
      grid=grid,
      in_specs=[
          pl.BlockSpec((bm, D), lambda i: (i, 0)),
          pl.BlockSpec((2, D), lambda i: (0, 0)),
          pl.BlockSpec((bm, 1), lambda i: (i, 0)),
          pl.BlockSpec((D, D), lambda i: (0, 0)),
      ],
      out_specs=pl.BlockSpec((bm, D), lambda i: (i, 0)),
      out_shape=jax.ShapeDtypeStruct((n, D), jnp.float32),
  )(u, st, dis, w1t)


def _combine_bias(accA, accB, dis, b1):
  n = accA.shape[0]
  bm = 1000
  grid = (n // bm,)

  def body(a_ref, b_ref, dis_ref, b1_ref, o_ref):
    o_ref[...] = dis_ref[...] * (a_ref[...] + b_ref[...]) + b1_ref[...]

  return pl.pallas_call(
      body,
      grid=grid,
      in_specs=[
          pl.BlockSpec((bm, D), lambda i: (i, 0)),
          pl.BlockSpec((bm, D), lambda i: (i, 0)),
          pl.BlockSpec((bm, 1), lambda i: (i, 0)),
          pl.BlockSpec((1, D), lambda i: (0, 0)),
      ],
      out_specs=pl.BlockSpec((bm, D), lambda i: (i, 0)),
      out_shape=jax.ShapeDtypeStruct((n, D), jnp.float32),
  )(accA, accB, dis, b1)



def kernel(x, edge_index, W0, b0, W1, b1):
  n, _ = x.shape
  e = edge_index.shape[1]
  src = edge_index[0]
  dst = edge_index[1]

  grp = NC * NS
  n_chunks = ((e + CH - 1) // CH + grp - 1) // grp * grp
  e_pad = n_chunks * CH
  npad = e_pad - e
  acc_rows = ((n + 16 + NS * 8 - 1) // (NS * 8)) * (NS * 8)
  pad_dst = n + jnp.arange(npad, dtype=jnp.int32) % (acc_rows - n)
  src_p = jnp.concatenate(
      [src, jnp.zeros((npad,), jnp.int32)]).reshape(-1, 1, CH)
  dst_p = jnp.concatenate([dst, pad_dst]).reshape(-1, 1, CH)

  ones = jnp.ones((CH, D), jnp.float32)
  zeros = jnp.zeros((CH, D), jnp.float32)

  deg = _hist_kernel(n, n_chunks)(zeros, ones, dst_p)
  mm = _mm(x, W0.T)
  t0, dis = _scale(deg[0], deg[1], mm)
  agg = _agg_kernel(n, n_chunks, cpt0=102)
  acc0 = agg(t0, zeros, src_p, dst_p)
  u, st = _combine_stats(acc0[0], acc0[1], dis)
  t1 = _bn_relu_mm_scale(u, st, dis, W1.T)
  acc1 = agg(t1, zeros, src_p, dst_p)
  return _combine_bias(acc1[0], acc1[1], dis, b1.reshape(1, D))

# --- scband reference (transcript-rebuilt; emitter-appended) ---
"""Pipeline reference for scband-pmlp-gcn-2216203125084 (READ-ONLY COPY).

The authoritative reference and input builder live on the scoring server;
editing this copy changes nothing except your own understanding.
"""

import jax, jax.numpy as jnp
import numpy as np

N = 10000
E = 320000
D_IN = 128
D_HID = 128
D_OUT = 128
EPS = 1e-5


def _xavier(key, shape, gain=1.414):
    # matches torch.nn.init.xavier_uniform_ for a Linear weight of shape (out, in)
    fan_out, fan_in = shape
    a = gain * np.sqrt(6.0 / (fan_in + fan_out))
    return jax.random.uniform(key, shape, minval=-a, maxval=a, dtype=jnp.float32)


def setup_inputs(seed: int = 0) -> dict:
    key = jax.random.key(seed)
    k1, k2, k3, k4 = jax.random.split(key, 4)
    x = jax.random.normal(k1, (N, D_IN), dtype=jnp.float32)
    edge_index = jax.random.randint(k2, (2, E), 0, N, dtype=jnp.int32)
    W0 = _xavier(k3, (D_HID, D_IN))
    b0 = jnp.zeros((D_HID,), dtype=jnp.float32)
    W1 = _xavier(k4, (D_OUT, D_HID))
    b1 = jnp.zeros((D_OUT,), dtype=jnp.float32)
    return {"x": x, "edge_index": edge_index, "W0": W0, "b0": b0, "W1": W1, "b1": b1}


def gcn_conv(h, edge_index):
    # symmetric-normalized GCN propagation: A_hat @ h with D^-1/2 A D^-1/2 weights
    src = edge_index[0]
    dst = edge_index[1]
    deg = jnp.zeros((N,), dtype=h.dtype).at[dst].add(1.0)
    deg_inv_sqrt = jnp.where(deg > 0, deg ** -0.5, 0.0)
    w = deg_inv_sqrt[src] * deg_inv_sqrt[dst]
    msgs = w[:, None] * jnp.take(h, src, axis=0)
    return jnp.zeros_like(h).at[dst].add(msgs)


def batch_norm_eval(x):
    # BatchNorm1d(affine=False, track_running_stats=False): uses batch stats (biased var)
    mean = jnp.mean(x, axis=0)
    var = jnp.mean((x - mean) ** 2, axis=0)
    return (x - mean) / jnp.sqrt(var + EPS)


def reference(x, edge_index, W0, b0, W1, b1):
    # PMLP_GCN forward in eval mode (num_layers=2, dropout inactive)
    h = x @ W0.T
    h = gcn_conv(h, edge_index)
    h = h + b0
    h = jnp.maximum(batch_norm_eval(h), 0.0)
    h = h @ W1.T
    h = gcn_conv(h, edge_index)
    h = h + b1
    return h

if __name__ == "__main__":
    import jax
    _d = setup_inputs()
    print(jax.jit(kernel)(*tuple(_d.values())))

</pallas_src>

<mosaic_0001>
#map = affine_map<(d0, d1) -> (0, 0)>
#map1 = affine_map<(d0, d1) -> (0, 0, 0)>
module attributes {stable_mosaic.version = 14 : i64} {
  func.func @agg(%arg0: i32, %arg1: i32, %arg2: memref<10000x128xf32, #tpu.memory_space<hbm>>, %arg3: memref<128x128xf32, #tpu.memory_space<hbm>>, %arg4: memref<2528x1x128xi32, #tpu.memory_space<hbm>>, %arg5: memref<2528x1x128xi32, #tpu.memory_space<hbm>>, %arg6: memref<2x10000x128xf32, #tpu.memory_space<hbm>>, %arg7: memref<2x128xi32, #tpu.memory_space<vmem>>, %arg8: memref<2x128xi32, #tpu.memory_space<vmem>>, %arg9: memref<2x128x128xf32, #tpu.memory_space<vmem>>, %arg10: memref<10112x128xf32, #tpu.memory_space<vmem_shared>>, %arg11: memref<!tpu.dma_semaphore, #tpu.memory_space<semaphore_mem>>, %arg12: memref<!tpu.dma_semaphore, #tpu.memory_space<semaphore_mem>>) attributes {dimension_semantics = [#tpu.dimension_semantics<core_parallel>, #tpu.dimension_semantics<subcore_parallel>], iteration_bounds = array<i64: 2, 16>, scalar_prefetch = 0 : i64, scratch_operands = 6 : i64, tpu.core_type = #tpu.core_type<sc_vector_subcore>, window_params = [{transform_indices = #map}, {transform_indices = #map}, {transform_indices = #map1}, {transform_indices = #map1}, {transform_indices = #map1}]} {
    %eq3A = arith.constant 0 : i32
    %eq3A_0 = arith.cmpi eq, %arg0, %eq3A : i32
    %jit3A = arith.constant 102 : i32
    %jit3A_1 = arith.constant 56 : i32
    %select_n3A = arith.select %eq3A_0, %jit3A, %jit3A_1 : i32
    %eq3A_2 = arith.constant 0 : i32
    %eq3A_3 = arith.cmpi eq, %arg0, %eq3A_2 : i32
    %mul3A = arith.constant 102 : i32
    %mul3A_4 = arith.muli %arg1, %mul3A : i32
    %mul3A_5 = arith.constant 56 : i32
    %mul3A_6 = arith.muli %arg1, %mul3A_5 : i32
    %add3A = arith.constant 1632 : i32
    %add3A_7 = arith.addi %add3A, %mul3A_6 : i32
    %select_n3A_8 = arith.select %eq3A_3, %mul3A_4, %add3A_7 : i32
    %run_scoped3A = arith.constant 0 : i32
    "tpu.region"() ({
      %run_scoped3A_113 = tpu.sem_alloc : memref<!tpu.dma_semaphore, #tpu.memory_space<semaphore_mem>>
      %dma_start3A_114 = arith.constant 0 : i32
      %dma_start3A_115 = arith.constant 0 : i32
      %dma_start3A_116 = tpu.memref_slice %arg9[%run_scoped3A, %dma_start3A_114, %dma_start3A_115] : memref<2x128x128xf32, #tpu.memory_space<vmem>> -> memref<1x128x128xf32, #tpu.memory_space<vmem>>
      %dma_start3A_117 = tpu.memref_squeeze %dma_start3A_116 : memref<1x128x128xf32, #tpu.memory_space<vmem>> -> memref<128x128xf32, #tpu.memory_space<vmem>>
      %dma_start3A_118 = arith.constant 0 : i32
      %dma_start3A_119 = arith.constant 0 : i32
      %dma_start3A_120 = tpu.memref_slice %arg9[%run_scoped3A, %dma_start3A_118, %dma_start3A_119] : memref<2x128x128xf32, #tpu.memory_space<vmem>> -> memref<1x128x128xf32, #tpu.memory_space<vmem>>
      %dma_start3A_121 = tpu.memref_squeeze %dma_start3A_120 : memref<1x128x128xf32, #tpu.memory_space<vmem>> -> memref<128x128xf32, #tpu.memory_space<vmem>>
      tpu.enqueue_dma source(%arg3 : memref<128x128xf32, #tpu.memory_space<hbm>>) target(%dma_start3A_121 : memref<128x128xf32, #tpu.memory_space<vmem>>) target_semaphore(%run_scoped3A_113 : memref<!tpu.dma_semaphore, #tpu.memory_space<semaphore_mem>>)
      %dma_wait3A = arith.constant 0 : i32
      %dma_wait3A_122 = arith.constant 0 : i32
      %dma_wait3A_123 = tpu.memref_slice %arg9[%run_scoped3A, %dma_wait3A, %dma_wait3A_122] : memref<2x128x128xf32, #tpu.memory_space<vmem>> -> memref<1x128x128xf32, #tpu.memory_space<vmem>>
      %dma_wait3A_124 = tpu.memref_squeeze %dma_wait3A_123 : memref<1x128x128xf32, #tpu.memory_space<vmem>> -> memref<128x128xf32, #tpu.memory_space<vmem>>
      %dma_wait3A_125 = arith.constant 0 : i32
      %dma_wait3A_126 = arith.constant 0 : i32
      %dma_wait3A_127 = tpu.memref_slice %arg9[%run_scoped3A, %dma_wait3A_125, %dma_wait3A_126] : memref<2x128x128xf32, #tpu.memory_space<vmem>> -> memref<1x128x128xf32, #tpu.memory_space<vmem>>
      %dma_wait3A_128 = tpu.memref_squeeze %dma_wait3A_127 : memref<1x128x128xf32, #tpu.memory_space<vmem>> -> memref<128x128xf32, #tpu.memory_space<vmem>>
      tpu.wait_dma2 semaphore(%run_scoped3A_113 : memref<!tpu.dma_semaphore, #tpu.memory_space<semaphore_mem>>) src(%arg3 : memref<128x128xf32, #tpu.memory_space<hbm>>) dst(%dma_wait3A_128 : memref<128x128xf32, #tpu.memory_space<vmem>>)
      tpu.yield
    }) : () -> ()
    %mul3A_9 = arith.constant 632 : i32
    %mul3A_10 = arith.muli %arg1, %mul3A_9 : i32
    %add3A_11 = arith.constant 0 : i32
    %add3A_12 = arith.addi %mul3A_10, %add3A_11 : i32
    %run_scoped3A_13 = arith.constant 0 : i32
    "tpu.region"() ({
      %run_scoped3A_113 = tpu.sem_alloc : memref<!tpu.dma_semaphore, #tpu.memory_space<semaphore_mem>>
      %dma_start3A_114 = arith.constant 0 : i32
      %dma_start3A_115 = arith.constant 0 : i32
      %dma_start3A_116 = tpu.memref_slice %arg9[%run_scoped3A_13, %dma_start3A_114, %dma_start3A_115] : memref<2x128x128xf32, #tpu.memory_space<vmem>> -> memref<1x128x128xf32, #tpu.memory_space<vmem>>
      %dma_start3A_117 = tpu.memref_squeeze %dma_start3A_116 : memref<1x128x128xf32, #tpu.memory_space<vmem>> -> memref<128x128xf32, #tpu.memory_space<vmem>>
      %dma_start3A_118 = arith.constant 0 : i32
      %dma_start3A_119 = arith.constant 0 : i32
      %dma_start3A_120 = tpu.memref_slice %dma_start3A_117[%dma_start3A_118, %dma_start3A_119] : memref<128x128xf32, #tpu.memory_space<vmem>> -> memref<128x128xf32, #tpu.memory_space<vmem>>
      %dma_start3A_121 = arith.constant 0 : i32
      %dma_start3A_122 = tpu.memref_slice %arg10[%add3A_12, %dma_start3A_121] : memref<10112x128xf32, #tpu.memory_space<vmem_shared>> -> memref<128x128xf32, #tpu.memory_space<vmem_shared>>
      %dma_start3A_123 = arith.constant 0 : i32
      %dma_start3A_124 = tpu.memref_slice %arg10[%add3A_12, %dma_start3A_123] : memref<10112x128xf32, #tpu.memory_space<vmem_shared>> -> memref<128x128xf32, #tpu.memory_space<vmem_shared>>
      %dma_start3A_125 = arith.constant 0 : i32
      %dma_start3A_126 = arith.constant 0 : i32
      %dma_start3A_127 = tpu.memref_slice %arg9[%run_scoped3A_13, %dma_start3A_125, %dma_start3A_126] : memref<2x128x128xf32, #tpu.memory_space<vmem>> -> memref<1x128x128xf32, #tpu.memory_space<vmem>>
      %dma_start3A_128 = tpu.memref_squeeze %dma_start3A_127 : memref<1x128x128xf32, #tpu.memory_space<vmem>> -> memref<128x128xf32, #tpu.memory_space<vmem>>
      %dma_start3A_129 = arith.constant 0 : i32
      %dma_start3A_130 = arith.constant 0 : i32
      %dma_start3A_131 = tpu.memref_slice %dma_start3A_128[%dma_start3A_129, %dma_start3A_130] : memref<128x128xf32, #tpu.memory_space<vmem>> -> memref<128x128xf32, #tpu.memory_space<vmem>>
      tpu.enqueue_dma source(%dma_start3A_131 : memref<128x128xf32, #tpu.memory_space<vmem>>) target(%dma_start3A_124 : memref<128x128xf32, #tpu.memory_space<vmem_shared>>) target_semaphore(%run_scoped3A_113 : memref<!tpu.dma_semaphore, #tpu.memory_space<semaphore_mem>>)
      %dma_wait3A = arith.constant 0 : i32
      %dma_wait3A_132 = arith.constant 0 : i32
      %dma_wait3A_133 = tpu.memref_slice %arg9[%run_scoped3A_13, %dma_wait3A, %dma_wait3A_132] : memref<2x128x128xf32, #tpu.memory_space<vmem>> -> memref<1x128x128xf32, #tpu.memory_space<vmem>>
      %dma_wait3A_134 = tpu.memref_squeeze %dma_wait3A_133 : memref<1x128x128xf32, #tpu.memory_space<vmem>> -> memref<128x128xf32, #tpu.memory_space<vmem>>
      %dma_wait3A_135 = arith.constant 0 : i32
      %dma_wait3A_136 = arith.constant 0 : i32
      %dma_wait3A_137 = tpu.memref_slice %dma_wait3A_134[%dma_wait3A_135, %dma_wait3A_136] : memref<128x128xf32, #tpu.memory_space<vmem>> -> memref<128x128xf32, #tpu.memory_space<vmem>>
      %dma_wait3A_138 = arith.constant 0 : i32
      %dma_wait3A_139 = tpu.memref_slice %arg10[%add3A_12, %dma_wait3A_138] : memref<10112x128xf32, #tpu.memory_space<vmem_shared>> -> memref<128x128xf32, #tpu.memory_space<vmem_shared>>
      %dma_wait3A_140 = arith.constant 0 : i32
      %dma_wait3A_141 = tpu.memref_slice %arg10[%add3A_12, %dma_wait3A_140] : memref<10112x128xf32, #tpu.memory_space<vmem_shared>> -> memref<128x128xf32, #tpu.memory_space<vmem_shared>>
      %dma_wait3A_142 = arith.constant 0 : i32
      %dma_wait3A_143 = arith.constant 0 : i32
      %dma_wait3A_144 = tpu.memref_slice %arg9[%run_scoped3A_13, %dma_wait3A_142, %dma_wait3A_143] : memref<2x128x128xf32, #tpu.memory_space<vmem>> -> memref<1x128x128xf32, #tpu.memory_space<vmem>>
      %dma_wait3A_145 = tpu.memref_squeeze %dma_wait3A_144 : memref<1x128x128xf32, #tpu.memory_space<vmem>> -> memref<128x128xf32, #tpu.memory_space<vmem>>
      %dma_wait3A_146 = arith.constant 0 : i32
      %dma_wait3A_147 = arith.constant 0 : i32
      %dma_wait3A_148 = tpu.memref_slice %dma_wait3A_145[%dma_wait3A_146, %dma_wait3A_147] : memref<128x128xf32, #tpu.memory_space<vmem>> -> memref<128x128xf32, #tpu.memory_space<vmem>>
      tpu.wait_dma2 semaphore(%run_scoped3A_113 : memref<!tpu.dma_semaphore, #tpu.memory_space<semaphore_mem>>) src(%dma_wait3A_148 : memref<128x128xf32, #tpu.memory_space<vmem>>) dst(%dma_wait3A_141 : memref<128x128xf32, #tpu.memory_space<vmem_shared>>)
      tpu.yield
    }) : () -> ()
    %mul3A_14 = arith.constant 632 : i32
    %mul3A_15 = arith.muli %arg1, %mul3A_14 : i32
    %add3A_16 = arith.constant 128 : i32
    %add3A_17 = arith.addi %mul3A_15, %add3A_16 : i32
    %run_scoped3A_18 = arith.constant 0 : i32
    "tpu.region"() ({
      %run_scoped3A_113 = tpu.sem_alloc : memref<!tpu.dma_semaphore, #tpu.memory_space<semaphore_mem>>
      %dma_start3A_114 = arith.constant 0 : i32
      %dma_start3A_115 = arith.constant 0 : i32
      %dma_start3A_116 = tpu.memref_slice %arg9[%run_scoped3A_18, %dma_start3A_114, %dma_start3A_115] : memref<2x128x128xf32, #tpu.memory_space<vmem>> -> memref<1x128x128xf32, #tpu.memory_space<vmem>>
      %dma_start3A_117 = tpu.memref_squeeze %dma_start3A_116 : memref<1x128x128xf32, #tpu.memory_space<vmem>> -> memref<128x128xf32, #tpu.memory_space<vmem>>
      %dma_start3A_118 = arith.constant 0 : i32
      %dma_start3A_119 = arith.constant 0 : i32
      %dma_start3A_120 = tpu.memref_slice %dma_start3A_117[%dma_start3A_118, %dma_start3A_119] : memref<128x128xf32, #tpu.memory_space<vmem>> -> memref<128x128xf32, #tpu.memory_space<vmem>>
      %dma_start3A_121 = arith.constant 0 : i32
      %dma_start3A_122 = tpu.memref_slice %arg10[%add3A_17, %dma_start3A_121] : memref<10112x128xf32, #tpu.memory_space<vmem_shared>> -> memref<128x128xf32, #tpu.memory_space<vmem_shared>>
      %dma_start3A_123 = arith.constant 0 : i32
      %dma_start3A_124 = tpu.memref_slice %arg10[%add3A_17, %dma_start3A_123] : memref<10112x128xf32, #tpu.memory_space<vmem_shared>> -> memref<128x128xf32, #tpu.memory_space<vmem_shared>>
      %dma_start3A_125 = arith.constant 0 : i32
      %dma_start3A_126 = arith.constant 0 : i32
      %dma_start3A_127 = tpu.memref_slice %arg9[%run_scoped3A_18, %dma_start3A_125, %dma_start3A_126] : memref<2x128x128xf32, #tpu.memory_space<vmem>> -> memref<1x128x128xf32, #tpu.memory_space<vmem>>
      %dma_start3A_128 = tpu.memref_squeeze %dma_start3A_127 : memref<1x128x128xf32, #tpu.memory_space<vmem>> -> memref<128x128xf32, #tpu.memory_space<vmem>>
      %dma_start3A_129 = arith.constant 0 : i32
      %dma_start3A_130 = arith.constant 0 : i32
      %dma_start3A_131 = tpu.memref_slice %dma_start3A_128[%dma_start3A_129, %dma_start3A_130] : memref<128x128xf32, #tpu.memory_space<vmem>> -> memref<128x128xf32, #tpu.memory_space<vmem>>
      tpu.enqueue_dma source(%dma_start3A_131 : memref<128x128xf32, #tpu.memory_space<vmem>>) target(%dma_start3A_124 : memref<128x128xf32, #tpu.memory_space<vmem_shared>>) target_semaphore(%run_scoped3A_113 : memref<!tpu.dma_semaphore, #tpu.memory_space<semaphore_mem>>)
      %dma_wait3A = arith.constant 0 : i32
      %dma_wait3A_132 = arith.constant 0 : i32
      %dma_wait3A_133 = tpu.memref_slice %arg9[%run_scoped3A_18, %dma_wait3A, %dma_wait3A_132] : memref<2x128x128xf32, #tpu.memory_space<vmem>> -> memref<1x128x128xf32, #tpu.memory_space<vmem>>
      %dma_wait3A_134 = tpu.memref_squeeze %dma_wait3A_133 : memref<1x128x128xf32, #tpu.memory_space<vmem>> -> memref<128x128xf32, #tpu.memory_space<vmem>>
      %dma_wait3A_135 = arith.constant 0 : i32
      %dma_wait3A_136 = arith.constant 0 : i32
      %dma_wait3A_137 = tpu.memref_slice %dma_wait3A_134[%dma_wait3A_135, %dma_wait3A_136] : memref<128x128xf32, #tpu.memory_space<vmem>> -> memref<128x128xf32, #tpu.memory_space<vmem>>
      %dma_wait3A_138 = arith.constant 0 : i32
      %dma_wait3A_139 = tpu.memref_slice %arg10[%add3A_17, %dma_wait3A_138] : memref<10112x128xf32, #tpu.memory_space<vmem_shared>> -> memref<128x128xf32, #tpu.memory_space<vmem_shared>>
      %dma_wait3A_140 = arith.constant 0 : i32
      %dma_wait3A_141 = tpu.memref_slice %arg10[%add3A_17, %dma_wait3A_140] : memref<10112x128xf32, #tpu.memory_space<vmem_shared>> -> memref<128x128xf32, #tpu.memory_space<vmem_shared>>
      %dma_wait3A_142 = arith.constant 0 : i32
      %dma_wait3A_143 = arith.constant 0 : i32
      %dma_wait3A_144 = tpu.memref_slice %arg9[%run_scoped3A_18, %dma_wait3A_142, %dma_wait3A_143] : memref<2x128x128xf32, #tpu.memory_space<vmem>> -> memref<1x128x128xf32, #tpu.memory_space<vmem>>
      %dma_wait3A_145 = tpu.memref_squeeze %dma_wait3A_144 : memref<1x128x128xf32, #tpu.memory_space<vmem>> -> memref<128x128xf32, #tpu.memory_space<vmem>>
      %dma_wait3A_146 = arith.constant 0 : i32
      %dma_wait3A_147 = arith.constant 0 : i32
      %dma_wait3A_148 = tpu.memref_slice %dma_wait3A_145[%dma_wait3A_146, %dma_wait3A_147] : memref<128x128xf32, #tpu.memory_space<vmem>> -> memref<128x128xf32, #tpu.memory_space<vmem>>
      tpu.wait_dma2 semaphore(%run_scoped3A_113 : memref<!tpu.dma_semaphore, #tpu.memory_space<semaphore_mem>>) src(%dma_wait3A_148 : memref<128x128xf32, #tpu.memory_space<vmem>>) dst(%dma_wait3A_141 : memref<128x128xf32, #tpu.memory_space<vmem_shared>>)
      tpu.yield
    }) : () -> ()
    %mul3A_19 = arith.constant 632 : i32
    %mul3A_20 = arith.muli %arg1, %mul3A_19 : i32
    %add3A_21 = arith.constant 256 : i32
    %add3A_22 = arith.addi %mul3A_20, %add3A_21 : i32
    %run_scoped3A_23 = arith.constant 0 : i32
    "tpu.region"() ({
      %run_scoped3A_113 = tpu.sem_alloc : memref<!tpu.dma_semaphore, #tpu.memory_space<semaphore_mem>>
      %dma_start3A_114 = arith.constant 0 : i32
      %dma_start3A_115 = arith.constant 0 : i32
      %dma_start3A_116 = tpu.memref_slice %arg9[%run_scoped3A_23, %dma_start3A_114, %dma_start3A_115] : memref<2x128x128xf32, #tpu.memory_space<vmem>> -> memref<1x128x128xf32, #tpu.memory_space<vmem>>
      %dma_start3A_117 = tpu.memref_squeeze %dma_start3A_116 : memref<1x128x128xf32, #tpu.memory_space<vmem>> -> memref<128x128xf32, #tpu.memory_space<vmem>>
      %dma_start3A_118 = arith.constant 0 : i32
      %dma_start3A_119 = arith.constant 0 : i32
      %dma_start3A_120 = tpu.memref_slice %dma_start3A_117[%dma_start3A_118, %dma_start3A_119] : memref<128x128xf32, #tpu.memory_space<vmem>> -> memref<128x128xf32, #tpu.memory_space<vmem>>
      %dma_start3A_121 = arith.constant 0 : i32
      %dma_start3A_122 = tpu.memref_slice %arg10[%add3A_22, %dma_start3A_121] : memref<10112x128xf32, #tpu.memory_space<vmem_shared>> -> memref<128x128xf32, #tpu.memory_space<vmem_shared>>
      %dma_start3A_123 = arith.constant 0 : i32
      %dma_start3A_124 = tpu.memref_slice %arg10[%add3A_22, %dma_start3A_123] : memref<10112x128xf32, #tpu.memory_space<vmem_shared>> -> memref<128x128xf32, #tpu.memory_space<vmem_shared>>
      %dma_start3A_125 = arith.constant 0 : i32
      %dma_start3A_126 = arith.constant 0 : i32
      %dma_start3A_127 = tpu.memref_slice %arg9[%run_scoped3A_23, %dma_start3A_125, %dma_start3A_126] : memref<2x128x128xf32, #tpu.memory_space<vmem>> -> memref<1x128x128xf32, #tpu.memory_space<vmem>>
      %dma_start3A_128 = tpu.memref_squeeze %dma_start3A_127 : memref<1x128x128xf32, #tpu.memory_space<vmem>> -> memref<128x128xf32, #tpu.memory_space<vmem>>
      %dma_start3A_129 = arith.constant 0 : i32
      %dma_start3A_130 = arith.constant 0 : i32
      %dma_start3A_131 = tpu.memref_slice %dma_start3A_128[%dma_start3A_129, %dma_start3A_130] : memref<128x128xf32, #tpu.memory_space<vmem>> -> memref<128x128xf32, #tpu.memory_space<vmem>>
      tpu.enqueue_dma source(%dma_start3A_131 : memref<128x128xf32, #tpu.memory_space<vmem>>) target(%dma_start3A_124 : memref<128x128xf32, #tpu.memory_space<vmem_shared>>) target_semaphore(%run_scoped3A_113 : memref<!tpu.dma_semaphore, #tpu.memory_space<semaphore_mem>>)
      %dma_wait3A = arith.constant 0 : i32
      %dma_wait3A_132 = arith.constant 0 : i32
      %dma_wait3A_133 = tpu.memref_slice %arg9[%run_scoped3A_23, %dma_wait3A, %dma_wait3A_132] : memref<2x128x128xf32, #tpu.memory_space<vmem>> -> memref<1x128x128xf32, #tpu.memory_space<vmem>>
      %dma_wait3A_134 = tpu.memref_squeeze %dma_wait3A_133 : memref<1x128x128xf32, #tpu.memory_space<vmem>> -> memref<128x128xf32, #tpu.memory_space<vmem>>
      %dma_wait3A_135 = arith.constant 0 : i32
      %dma_wait3A_136 = arith.constant 0 : i32
      %dma_wait3A_137 = tpu.memref_slice %dma_wait3A_134[%dma_wait3A_135, %dma_wait3A_136] : memref<128x128xf32, #tpu.memory_space<vmem>> -> memref<128x128xf32, #tpu.memory_space<vmem>>
      %dma_wait3A_138 = arith.constant 0 : i32
      %dma_wait3A_139 = tpu.memref_slice %arg10[%add3A_22, %dma_wait3A_138] : memref<10112x128xf32, #tpu.memory_space<vmem_shared>> -> memref<128x128xf32, #tpu.memory_space<vmem_shared>>
      %dma_wait3A_140 = arith.constant 0 : i32
      %dma_wait3A_141 = tpu.memref_slice %arg10[%add3A_22, %dma_wait3A_140] : memref<10112x128xf32, #tpu.memory_space<vmem_shared>> -> memref<128x128xf32, #tpu.memory_space<vmem_shared>>
      %dma_wait3A_142 = arith.constant 0 : i32
      %dma_wait3A_143 = arith.constant 0 : i32
      %dma_wait3A_144 = tpu.memref_slice %arg9[%run_scoped3A_23, %dma_wait3A_142, %dma_wait3A_143] : memref<2x128x128xf32, #tpu.memory_space<vmem>> -> memref<1x128x128xf32, #tpu.memory_space<vmem>>
      %dma_wait3A_145 = tpu.memref_squeeze %dma_wait3A_144 : memref<1x128x128xf32, #tpu.memory_space<vmem>> -> memref<128x128xf32, #tpu.memory_space<vmem>>
      %dma_wait3A_146 = arith.constant 0 : i32
      %dma_wait3A_147 = arith.constant 0 : i32
      %dma_wait3A_148 = tpu.memref_slice %dma_wait3A_145[%dma_wait3A_146, %dma_wait3A_147] : memref<128x128xf32, #tpu.memory_space<vmem>> -> memref<128x128xf32, #tpu.memory_space<vmem>>
      tpu.wait_dma2 semaphore(%run_scoped3A_113 : memref<!tpu.dma_semaphore, #tpu.memory_space<semaphore_mem>>) src(%dma_wait3A_148 : memref<128x128xf32, #tpu.memory_space<vmem>>) dst(%dma_wait3A_141 : memref<128x128xf32, #tpu.memory_space<vmem_shared>>)
      tpu.yield
    }) : () -> ()
    %mul3A_24 = arith.constant 632 : i32
    %mul3A_25 = arith.muli %arg1, %mul3A_24 : i32
    %add3A_26 = arith.constant 384 : i32
    %add3A_27 = arith.addi %mul3A_25, %add3A_26 : i32
    %run_scoped3A_28 = arith.constant 0 : i32
    "tpu.region"() ({
      %run_scoped3A_113 = tpu.sem_alloc : memref<!tpu.dma_semaphore, #tpu.memory_space<semaphore_mem>>
      %dma_start3A_114 = arith.constant 0 : i32
      %dma_start3A_115 = arith.constant 0 : i32
      %dma_start3A_116 = tpu.memref_slice %arg9[%run_scoped3A_28, %dma_start3A_114, %dma_start3A_115] : memref<2x128x128xf32, #tpu.memory_space<vmem>> -> memref<1x128x128xf32, #tpu.memory_space<vmem>>
      %dma_start3A_117 = tpu.memref_squeeze %dma_start3A_116 : memref<1x128x128xf32, #tpu.memory_space<vmem>> -> memref<128x128xf32, #tpu.memory_space<vmem>>
      %dma_start3A_118 = arith.constant 0 : i32
      %dma_start3A_119 = arith.constant 0 : i32
      %dma_start3A_120 = tpu.memref_slice %dma_start3A_117[%dma_start3A_118, %dma_start3A_119] : memref<128x128xf32, #tpu.memory_space<vmem>> -> memref<128x128xf32, #tpu.memory_space<vmem>>
      %dma_start3A_121 = arith.constant 0 : i32
      %dma_start3A_122 = tpu.memref_slice %arg10[%add3A_27, %dma_start3A_121] : memref<10112x128xf32, #tpu.memory_space<vmem_shared>> -> memref<128x128xf32, #tpu.memory_space<vmem_shared>>
      %dma_start3A_123 = arith.constant 0 : i32
      %dma_start3A_124 = tpu.memref_slice %arg10[%add3A_27, %dma_start3A_123] : memref<10112x128xf32, #tpu.memory_space<vmem_shared>> -> memref<128x128xf32, #tpu.memory_space<vmem_shared>>
      %dma_start3A_125 = arith.constant 0 : i32
      %dma_start3A_126 = arith.constant 0 : i32
      %dma_start3A_127 = tpu.memref_slice %arg9[%run_scoped3A_28, %dma_start3A_125, %dma_start3A_126] : memref<2x128x128xf32, #tpu.memory_space<vmem>> -> memref<1x128x128xf32, #tpu.memory_space<vmem>>
      %dma_start3A_128 = tpu.memref_squeeze %dma_start3A_127 : memref<1x128x128xf32, #tpu.memory_space<vmem>> -> memref<128x128xf32, #tpu.memory_space<vmem>>
      %dma_start3A_129 = arith.constant 0 : i32
      %dma_start3A_130 = arith.constant 0 : i32
      %dma_start3A_131 = tpu.memref_slice %dma_start3A_128[%dma_start3A_129, %dma_start3A_130] : memref<128x128xf32, #tpu.memory_space<vmem>> -> memref<128x128xf32, #tpu.memory_space<vmem>>
      tpu.enqueue_dma source(%dma_start3A_131 : memref<128x128xf32, #tpu.memory_space<vmem>>) target(%dma_start3A_124 : memref<128x128xf32, #tpu.memory_space<vmem_shared>>) target_semaphore(%run_scoped3A_113 : memref<!tpu.dma_semaphore, #tpu.memory_space<semaphore_mem>>)
      %dma_wait3A = arith.constant 0 : i32
      %dma_wait3A_132 = arith.constant 0 : i32
      %dma_wait3A_133 = tpu.memref_slice %arg9[%run_scoped3A_28, %dma_wait3A, %dma_wait3A_132] : memref<2x128x128xf32, #tpu.memory_space<vmem>> -> memref<1x128x128xf32, #tpu.memory_space<vmem>>
      %dma_wait3A_134 = tpu.memref_squeeze %dma_wait3A_133 : memref<1x128x128xf32, #tpu.memory_space<vmem>> -> memref<128x128xf32, #tpu.memory_space<vmem>>
      %dma_wait3A_135 = arith.constant 0 : i32
      %dma_wait3A_136 = arith.constant 0 : i32
      %dma_wait3A_137 = tpu.memref_slice %dma_wait3A_134[%dma_wait3A_135, %dma_wait3A_136] : memref<128x128xf32, #tpu.memory_space<vmem>> -> memref<128x128xf32, #tpu.memory_space<vmem>>
      %dma_wait3A_138 = arith.constant 0 : i32
      %dma_wait3A_139 = tpu.memref_slice %arg10[%add3A_27, %dma_wait3A_138] : memref<10112x128xf32, #tpu.memory_space<vmem_shared>> -> memref<128x128xf32, #tpu.memory_space<vmem_shared>>
      %dma_wait3A_140 = arith.constant 0 : i32
      %dma_wait3A_141 = tpu.memref_slice %arg10[%add3A_27, %dma_wait3A_140] : memref<10112x128xf32, #tpu.memory_space<vmem_shared>> -> memref<128x128xf32, #tpu.memory_space<vmem_shared>>
      %dma_wait3A_142 = arith.constant 0 : i32
      %dma_wait3A_143 = arith.constant 0 : i32
      %dma_wait3A_144 = tpu.memref_slice %arg9[%run_scoped3A_28, %dma_wait3A_142, %dma_wait3A_143] : memref<2x128x128xf32, #tpu.memory_space<vmem>> -> memref<1x128x128xf32, #tpu.memory_space<vmem>>
      %dma_wait3A_145 = tpu.memref_squeeze %dma_wait3A_144 : memref<1x128x128xf32, #tpu.memory_space<vmem>> -> memref<128x128xf32, #tpu.memory_space<vmem>>
      %dma_wait3A_146 = arith.constant 0 : i32
      %dma_wait3A_147 = arith.constant 0 : i32
      %dma_wait3A_148 = tpu.memref_slice %dma_wait3A_145[%dma_wait3A_146, %dma_wait3A_147] : memref<128x128xf32, #tpu.memory_space<vmem>> -> memref<128x128xf32, #tpu.memory_space<vmem>>
      tpu.wait_dma2 semaphore(%run_scoped3A_113 : memref<!tpu.dma_semaphore, #tpu.memory_space<semaphore_mem>>) src(%dma_wait3A_148 : memref<128x128xf32, #tpu.memory_space<vmem>>) dst(%dma_wait3A_141 : memref<128x128xf32, #tpu.memory_space<vmem_shared>>)
      tpu.yield
    }) : () -> ()
    %mul3A_29 = arith.constant 632 : i32
    %mul3A_30 = arith.muli %arg1, %mul3A_29 : i32
    %add3A_31 = arith.constant 512 : i32
    %add3A_32 = arith.addi %mul3A_30, %add3A_31 : i32
    %run_scoped3A_33 = arith.constant 0 : i32
    "tpu.region"() ({
      %run_scoped3A_113 = tpu.sem_alloc : memref<!tpu.dma_semaphore, #tpu.memory_space<semaphore_mem>>
      %dma_start3A_114 = arith.constant 0 : i32
      %dma_start3A_115 = arith.constant 0 : i32
      %dma_start3A_116 = tpu.memref_slice %arg9[%run_scoped3A_33, %dma_start3A_114, %dma_start3A_115] : memref<2x128x128xf32, #tpu.memory_space<vmem>> -> memref<1x128x128xf32, #tpu.memory_space<vmem>>
      %dma_start3A_117 = tpu.memref_squeeze %dma_start3A_116 : memref<1x128x128xf32, #tpu.memory_space<vmem>> -> memref<128x128xf32, #tpu.memory_space<vmem>>
      %dma_start3A_118 = arith.constant 0 : i32
      %dma_start3A_119 = arith.constant 0 : i32
      %dma_start3A_120 = tpu.memref_slice %dma_start3A_117[%dma_start3A_118, %dma_start3A_119] : memref<128x128xf32, #tpu.memory_space<vmem>> -> memref<120x128xf32, #tpu.memory_space<vmem>>
      %dma_start3A_121 = arith.constant 0 : i32
      %dma_start3A_122 = tpu.memref_slice %arg10[%add3A_32, %dma_start3A_121] : memref<10112x128xf32, #tpu.memory_space<vmem_shared>> -> memref<120x128xf32, #tpu.memory_space<vmem_shared>>
      %dma_start3A_123 = arith.constant 0 : i32
      %dma_start3A_124 = tpu.memref_slice %arg10[%add3A_32, %dma_start3A_123] : memref<10112x128xf32, #tpu.memory_space<vmem_shared>> -> memref<120x128xf32, #tpu.memory_space<vmem_shared>>
      %dma_start3A_125 = arith.constant 0 : i32
      %dma_start3A_126 = arith.constant 0 : i32
      %dma_start3A_127 = tpu.memref_slice %arg9[%run_scoped3A_33, %dma_start3A_125, %dma_start3A_126] : memref<2x128x128xf32, #tpu.memory_space<vmem>> -> memref<1x128x128xf32, #tpu.memory_space<vmem>>
      %dma_start3A_128 = tpu.memref_squeeze %dma_start3A_127 : memref<1x128x128xf32, #tpu.memory_space<vmem>> -> memref<128x128xf32, #tpu.memory_space<vmem>>
      %dma_start3A_129 = arith.constant 0 : i32
      %dma_start3A_130 = arith.constant 0 : i32
      %dma_start3A_131 = tpu.memref_slice %dma_start3A_128[%dma_start3A_129, %dma_start3A_130] : memref<128x128xf32, #tpu.memory_space<vmem>> -> memref<120x128xf32, #tpu.memory_space<vmem>>
      tpu.enqueue_dma source(%dma_start3A_131 : memref<120x128xf32, #tpu.memory_space<vmem>>) target(%dma_start3A_124 : memref<120x128xf32, #tpu.memory_space<vmem_shared>>) target_semaphore(%run_scoped3A_113 : memref<!tpu.dma_semaphore, #tpu.memory_space<semaphore_mem>>)
      %dma_wait3A = arith.constant 0 : i32
      %dma_wait3A_132 = arith.constant 0 : i32
      %dma_wait3A_133 = tpu.memref_slice %arg9[%run_scoped3A_33, %dma_wait3A, %dma_wait3A_132] : memref<2x128x128xf32, #tpu.memory_space<vmem>> -> memref<1x128x128xf32, #tpu.memory_space<vmem>>
      %dma_wait3A_134 = tpu.memref_squeeze %dma_wait3A_133 : memref<1x128x128xf32, #tpu.memory_space<vmem>> -> memref<128x128xf32, #tpu.memory_space<vmem>>
      %dma_wait3A_135 = arith.constant 0 : i32
      %dma_wait3A_136 = arith.constant 0 : i32
      %dma_wait3A_137 = tpu.memref_slice %dma_wait3A_134[%dma_wait3A_135, %dma_wait3A_136] : memref<128x128xf32, #tpu.memory_space<vmem>> -> memref<120x128xf32, #tpu.memory_space<vmem>>
      %dma_wait3A_138 = arith.constant 0 : i32
      %dma_wait3A_139 = tpu.memref_slice %arg10[%add3A_32, %dma_wait3A_138] : memref<10112x128xf32, #tpu.memory_space<vmem_shared>> -> memref<120x128xf32, #tpu.memory_space<vmem_shared>>
      %dma_wait3A_140 = arith.constant 0 : i32
      %dma_wait3A_141 = tpu.memref_slice %arg10[%add3A_32, %dma_wait3A_140] : memref<10112x128xf32, #tpu.memory_space<vmem_shared>> -> memref<120x128xf32, #tpu.memory_space<vmem_shared>>
      %dma_wait3A_142 = arith.constant 0 : i32
      %dma_wait3A_143 = arith.constant 0 : i32
      %dma_wait3A_144 = tpu.memref_slice %arg9[%run_scoped3A_33, %dma_wait3A_142, %dma_wait3A_143] : memref<2x128x128xf32, #tpu.memory_space<vmem>> -> memref<1x128x128xf32, #tpu.memory_space<vmem>>
      %dma_wait3A_145 = tpu.memref_squeeze %dma_wait3A_144 : memref<1x128x128xf32, #tpu.memory_space<vmem>> -> memref<128x128xf32, #tpu.memory_space<vmem>>
      %dma_wait3A_146 = arith.constant 0 : i32
      %dma_wait3A_147 = arith.constant 0 : i32
      %dma_wait3A_148 = tpu.memref_slice %dma_wait3A_145[%dma_wait3A_146, %dma_wait3A_147] : memref<128x128xf32, #tpu.memory_space<vmem>> -> memref<120x128xf32, #tpu.memory_space<vmem>>
      tpu.wait_dma2 semaphore(%run_scoped3A_113 : memref<!tpu.dma_semaphore, #tpu.memory_space<semaphore_mem>>) src(%dma_wait3A_148 : memref<120x128xf32, #tpu.memory_space<vmem>>) dst(%dma_wait3A_141 : memref<120x128xf32, #tpu.memory_space<vmem_shared>>)
      tpu.yield
    }) : () -> ()
    %barrier3A = arith.constant 0 : index
    tpu.barrier barrier_id(%barrier3A)
    %run_scoped3A_34 = arith.constant 0 : i32
    %run_scoped3A_35 = arith.constant 0 : i32
    "tpu.region"() ({
      %run_scoped3A_113 = tpu.sem_alloc : memref<!tpu.dma_semaphore, #tpu.memory_space<semaphore_mem>>
      %dma_start3A_114 = arith.constant 0 : i32
      %dma_start3A_115 = tpu.memref_slice %arg7[%run_scoped3A_35, %dma_start3A_114] : memref<2x128xi32, #tpu.memory_space<vmem>> -> memref<1x128xi32, #tpu.memory_space<vmem>>
      %dma_start3A_116 = tpu.memref_squeeze %dma_start3A_115 : memref<1x128xi32, #tpu.memory_space<vmem>> -> memref<128xi32, #tpu.memory_space<vmem>>
      %dma_start3A_117 = arith.constant 0 : i32
      %dma_start3A_118 = tpu.memref_slice %arg4[%select_n3A_8, %run_scoped3A_34, %dma_start3A_117] : memref<2528x1x128xi32, #tpu.memory_space<hbm>> -> memref<1x1x128xi32, #tpu.memory_space<hbm>>
      %dma_start3A_119 = tpu.memref_squeeze %dma_start3A_118 : memref<1x1x128xi32, #tpu.memory_space<hbm>> -> memref<128xi32, #tpu.memory_space<hbm>>
      %dma_start3A_120 = arith.constant 0 : i32
      %dma_start3A_121 = tpu.memref_slice %arg7[%run_scoped3A_35, %dma_start3A_120] : memref<2x128xi32, #tpu.memory_space<vmem>> -> memref<1x128xi32, #tpu.memory_space<vmem>>
      %dma_start3A_122 = tpu.memref_squeeze %dma_start3A_121 : memref<1x128xi32, #tpu.memory_space<vmem>> -> memref<128xi32, #tpu.memory_space<vmem>>
      %dma_start3A_123 = arith.constant 0 : i32
      %dma_start3A_124 = tpu.memref_slice %arg4[%select_n3A_8, %run_scoped3A_34, %dma_start3A_123] : memref<2528x1x128xi32, #tpu.memory_space<hbm>> -> memref<1x1x128xi32, #tpu.memory_space<hbm>>
      %dma_start3A_125 = tpu.memref_squeeze %dma_start3A_124 : memref<1x1x128xi32, #tpu.memory_space<hbm>> -> memref<128xi32, #tpu.memory_space<hbm>>
      tpu.enqueue_dma source(%dma_start3A_125 : memref<128xi32, #tpu.memory_space<hbm>>) target(%dma_start3A_122 : memref<128xi32, #tpu.memory_space<vmem>>) target_semaphore(%run_scoped3A_113 : memref<!tpu.dma_semaphore, #tpu.memory_space<semaphore_mem>>)
      %dma_wait3A = arith.constant 0 : i32
      %dma_wait3A_126 = tpu.memref_slice %arg7[%run_scoped3A_35, %dma_wait3A] : memref<2x128xi32, #tpu.memory_space<vmem>> -> memref<1x128xi32, #tpu.memory_space<vmem>>
      %dma_wait3A_127 = tpu.memref_squeeze %dma_wait3A_126 : memref<1x128xi32, #tpu.memory_space<vmem>> -> memref<128xi32, #tpu.memory_space<vmem>>
      %dma_wait3A_128 = arith.constant 0 : i32
      %dma_wait3A_129 = tpu.memref_slice %arg4[%select_n3A_8, %run_scoped3A_34, %dma_wait3A_128] : memref<2528x1x128xi32, #tpu.memory_space<hbm>> -> memref<1x1x128xi32, #tpu.memory_space<hbm>>
      %dma_wait3A_130 = tpu.memref_squeeze %dma_wait3A_129 : memref<1x1x128xi32, #tpu.memory_space<hbm>> -> memref<128xi32, #tpu.memory_space<hbm>>
      %dma_wait3A_131 = arith.constant 0 : i32
      %dma_wait3A_132 = tpu.memref_slice %arg7[%run_scoped3A_35, %dma_wait3A_131] : memref<2x128xi32, #tpu.memory_space<vmem>> -> memref<1x128xi32, #tpu.memory_space<vmem>>
      %dma_wait3A_133 = tpu.memref_squeeze %dma_wait3A_132 : memref<1x128xi32, #tpu.memory_space<vmem>> -> memref<128xi32, #tpu.memory_space<vmem>>
      %dma_wait3A_134 = arith.constant 0 : i32
      %dma_wait3A_135 = tpu.memref_slice %arg4[%select_n3A_8, %run_scoped3A_34, %dma_wait3A_134] : memref<2528x1x128xi32, #tpu.memory_space<hbm>> -> memref<1x1x128xi32, #tpu.memory_space<hbm>>
      %dma_wait3A_136 = tpu.memref_squeeze %dma_wait3A_135 : memref<1x1x128xi32, #tpu.memory_space<hbm>> -> memref<128xi32, #tpu.memory_space<hbm>>
      tpu.wait_dma2 semaphore(%run_scoped3A_113 : memref<!tpu.dma_semaphore, #tpu.memory_space<semaphore_mem>>) src(%dma_wait3A_136 : memref<128xi32, #tpu.memory_space<hbm>>) dst(%dma_wait3A_133 : memref<128xi32, #tpu.memory_space<vmem>>)
      tpu.yield
    }) : () -> ()
    %run_scoped3A_36 = arith.constant 0 : i32
    %run_scoped3A_37 = arith.constant 0 : i32
    "tpu.region"() ({
      %run_scoped3A_113 = tpu.sem_alloc : memref<!tpu.dma_semaphore, #tpu.memory_space<semaphore_mem>>
      %dma_start3A_114 = arith.constant 0 : i32
      %dma_start3A_115 = tpu.memref_slice %arg8[%run_scoped3A_37, %dma_start3A_114] : memref<2x128xi32, #tpu.memory_space<vmem>> -> memref<1x128xi32, #tpu.memory_space<vmem>>
      %dma_start3A_116 = tpu.memref_squeeze %dma_start3A_115 : memref<1x128xi32, #tpu.memory_space<vmem>> -> memref<128xi32, #tpu.memory_space<vmem>>
      %dma_start3A_117 = arith.constant 0 : i32
      %dma_start3A_118 = tpu.memref_slice %arg5[%select_n3A_8, %run_scoped3A_36, %dma_start3A_117] : memref<2528x1x128xi32, #tpu.memory_space<hbm>> -> memref<1x1x128xi32, #tpu.memory_space<hbm>>
      %dma_start3A_119 = tpu.memref_squeeze %dma_start3A_118 : memref<1x1x128xi32, #tpu.memory_space<hbm>> -> memref<128xi32, #tpu.memory_space<hbm>>
      %dma_start3A_120 = arith.constant 0 : i32
      %dma_start3A_121 = tpu.memref_slice %arg8[%run_scoped3A_37, %dma_start3A_120] : memref<2x128xi32, #tpu.memory_space<vmem>> -> memref<1x128xi32, #tpu.memory_space<vmem>>
      %dma_start3A_122 = tpu.memref_squeeze %dma_start3A_121 : memref<1x128xi32, #tpu.memory_space<vmem>> -> memref<128xi32, #tpu.memory_space<vmem>>
      %dma_start3A_123 = arith.constant 0 : i32
      %dma_start3A_124 = tpu.memref_slice %arg5[%select_n3A_8, %run_scoped3A_36, %dma_start3A_123] : memref<2528x1x128xi32, #tpu.memory_space<hbm>> -> memref<1x1x128xi32, #tpu.memory_space<hbm>>
      %dma_start3A_125 = tpu.memref_squeeze %dma_start3A_124 : memref<1x1x128xi32, #tpu.memory_space<hbm>> -> memref<128xi32, #tpu.memory_space<hbm>>
      tpu.enqueue_dma source(%dma_start3A_125 : memref<128xi32, #tpu.memory_space<hbm>>) target(%dma_start3A_122 : memref<128xi32, #tpu.memory_space<vmem>>) target_semaphore(%run_scoped3A_113 : memref<!tpu.dma_semaphore, #tpu.memory_space<semaphore_mem>>)
      %dma_wait3A = arith.constant 0 : i32
      %dma_wait3A_126 = tpu.memref_slice %arg8[%run_scoped3A_37, %dma_wait3A] : memref<2x128xi32, #tpu.memory_space<vmem>> -> memref<1x128xi32, #tpu.memory_space<vmem>>
      %dma_wait3A_127 = tpu.memref_squeeze %dma_wait3A_126 : memref<1x128xi32, #tpu.memory_space<vmem>> -> memref<128xi32, #tpu.memory_space<vmem>>
      %dma_wait3A_128 = arith.constant 0 : i32
      %dma_wait3A_129 = tpu.memref_slice %arg5[%select_n3A_8, %run_scoped3A_36, %dma_wait3A_128] : memref<2528x1x128xi32, #tpu.memory_space<hbm>> -> memref<1x1x128xi32, #tpu.memory_space<hbm>>
      %dma_wait3A_130 = tpu.memref_squeeze %dma_wait3A_129 : memref<1x1x128xi32, #tpu.memory_space<hbm>> -> memref<128xi32, #tpu.memory_space<hbm>>
      %dma_wait3A_131 = arith.constant 0 : i32
      %dma_wait3A_132 = tpu.memref_slice %arg8[%run_scoped3A_37, %dma_wait3A_131] : memref<2x128xi32, #tpu.memory_space<vmem>> -> memref<1x128xi32, #tpu.memory_space<vmem>>
      %dma_wait3A_133 = tpu.memref_squeeze %dma_wait3A_132 : memref<1x128xi32, #tpu.memory_space<vmem>> -> memref<128xi32, #tpu.memory_space<vmem>>
      %dma_wait3A_134 = arith.constant 0 : i32
      %dma_wait3A_135 = tpu.memref_slice %arg5[%select_n3A_8, %run_scoped3A_36, %dma_wait3A_134] : memref<2528x1x128xi32, #tpu.memory_space<hbm>> -> memref<1x1x128xi32, #tpu.memory_space<hbm>>
      %dma_wait3A_136 = tpu.memref_squeeze %dma_wait3A_135 : memref<1x1x128xi32, #tpu.memory_space<hbm>> -> memref<128xi32, #tpu.memory_space<hbm>>
      tpu.wait_dma2 semaphore(%run_scoped3A_113 : memref<!tpu.dma_semaphore, #tpu.memory_space<semaphore_mem>>) src(%dma_wait3A_136 : memref<128xi32, #tpu.memory_space<hbm>>) dst(%dma_wait3A_133 : memref<128xi32, #tpu.memory_space<vmem>>)
      tpu.yield
    }) : () -> ()
    %dma_start3A = arith.constant 0 : i32
    %dma_start3A_38 = arith.constant 0 : i32
    %dma_start3A_39 = arith.constant 0 : i32
    %dma_start3A_40 = arith.constant 0 : i32
    %dma_start3A_41 = tpu.memref_slice %arg9[%dma_start3A_38, %dma_start3A_39, %dma_start3A_40] : memref<2x128x128xf32, #tpu.memory_space<vmem>> -> memref<1x128x128xf32, #tpu.memory_space<vmem>>
    %dma_start3A_42 = tpu.memref_squeeze %dma_start3A_41 : memref<1x128x128xf32, #tpu.memory_space<vmem>> -> memref<128x128xf32, #tpu.memory_space<vmem>>
    %dma_start3A_43 = arith.constant 0 : i32
    %dma_start3A_44 = tpu.memref_slice %arg7[%dma_start3A, %dma_start3A_43] : memref<2x128xi32, #tpu.memory_space<vmem>> -> memref<1x128xi32, #tpu.memory_space<vmem>>
    %dma_start3A_45 = tpu.memref_squeeze %dma_start3A_44 : memref<1x128xi32, #tpu.memory_space<vmem>> -> memref<128xi32, #tpu.memory_space<vmem>>
    %dma_start3A_46 = arith.constant 0 : i32
    %dma_start3A_47 = arith.constant 0 : i32
    %dma_start3A_48 = tpu.memref_slice %arg2[%dma_start3A_46, %dma_start3A_47] : memref<10000x128xf32, #tpu.memory_space<hbm>> -> memref<10000x128xf32, #tpu.memory_space<hbm>>
    tpu.enqueue_indirect_dma source(%dma_start3A_48 : memref<10000x128xf32, #tpu.memory_space<hbm>>) target(%dma_start3A_42 : memref<128x128xf32, #tpu.memory_space<vmem>>) offsets(%dma_start3A_45 : memref<128xi32, #tpu.memory_space<vmem>>) semaphore(%arg11 : memref<!tpu.dma_semaphore, #tpu.memory_space<semaphore_mem>>)
    %jit3A_49 = arith.constant 2 : i32
    %div3A = arith.divsi %select_n3A, %jit3A_49 : i32
    %sign3A = arith.constant 0 : i32
    %sign3A_50 = arith.cmpi sgt, %select_n3A, %sign3A : i32
    %sign3A_51 = arith.extui %sign3A_50 : i1 to i32
    %sign3A_52 = arith.constant 0 : i32
    %sign3A_53 = arith.cmpi slt, %select_n3A, %sign3A_52 : i32
    %sign3A_54 = arith.extui %sign3A_53 : i1 to i32
    %sign3A_55 = arith.subi %sign3A_51, %sign3A_54 : i32
    %sign3A_56 = arith.constant 0 : i32
    %sign3A_57 = arith.cmpi sgt, %jit3A_49, %sign3A_56 : i32
    %sign3A_58 = arith.extui %sign3A_57 : i1 to i32
    %sign3A_59 = arith.constant 0 : i32
    %sign3A_60 = arith.cmpi slt, %jit3A_49, %sign3A_59 : i32
    %sign3A_61 = arith.extui %sign3A_60 : i1 to i32
    %sign3A_62 = arith.subi %sign3A_58, %sign3A_61 : i32
    %ne3A = arith.cmpi ne, %sign3A_55, %sign3A_62 : i32
    %rem3A = arith.remsi %select_n3A, %jit3A_49 : i32
    %ne3A_63 = arith.constant 0 : i32
    %ne3A_64 = arith.cmpi ne, %rem3A, %ne3A_63 : i32
    %and3A = arith.andi %ne3A, %ne3A_64 : i1
    %sub3A = arith.constant 1 : i32
    %sub3A_65 = arith.subi %div3A, %sub3A : i32
    %select_n3A_66 = arith.select %and3A, %sub3A_65, %div3A : i32
    %while3A = arith.constant 0 : i32
    %while3A_67 = arith.constant 0 : i32
    %while3A_68 = arith.subi %select_n3A_66, %while3A : i32
    %while3A_69 = arith.addi %while3A, %while3A_68 : i32
    %while3A_70 = arith.constant 1 : i32
    %while3A_71 = arith.divsi %while3A_68, %while3A_70 : i32
    %while3A_72 = arith.muli %while3A_71, %while3A_70 : i32
    %while3A_73 = arith.addi %while3A, %while3A_72 : i32
    %while3A_74 = arith.constant 1 : i32
    %while3A_75 = scf.for %while3A_113 = %while3A to %while3A_73 step %while3A_74 iter_args(%while3A_114 = %while3A_67) -> (i32)  : i32 {
      %mul3A_115 = arith.constant 2 : i32
      %mul3A_116 = arith.muli %mul3A_115, %while3A_113 : i32
      %add3A_117 = arith.constant 0 : i32
      %add3A_118 = arith.addi %mul3A_116, %add3A_117 : i32
      %add3A_119 = arith.constant 1 : i32
      %add3A_120 = arith.addi %add3A_118, %add3A_119 : i32
      %lt3A = arith.cmpi slt, %add3A_120, %select_n3A : i32
      %convert_element_type3A_121 = arith.extui %lt3A : i1 to i32
      %cond3A_122 = arith.constant 0 : i32
      %cond3A_123 = arith.cmpi ne, %convert_element_type3A_121, %cond3A_122 : i32
      scf.if %cond3A_123 {
        %add3A_156 = arith.addi %select_n3A_8, %add3A_118 : i32
        %add3A_157 = arith.constant 1 : i32
        %add3A_158 = arith.addi %add3A_156, %add3A_157 : i32
        %run_scoped3A_159 = arith.constant 0 : i32
        %run_scoped3A_160 = arith.constant 1 : i32
        "tpu.region"() ({
          %run_scoped3A_175 = tpu.sem_alloc : memref<!tpu.dma_semaphore, #tpu.memory_space<semaphore_mem>>
          %dma_start3A_176 = arith.constant 0 : i32
          %dma_start3A_177 = tpu.memref_slice %arg7[%run_scoped3A_160, %dma_start3A_176] : memref<2x128xi32, #tpu.memory_space<vmem>> -> memref<1x128xi32, #tpu.memory_space<vmem>>
          %dma_start3A_178 = tpu.memref_squeeze %dma_start3A_177 : memref<1x128xi32, #tpu.memory_space<vmem>> -> memref<128xi32, #tpu.memory_space<vmem>>
          %dma_start3A_179 = arith.constant 0 : i32
          %dma_start3A_180 = tpu.memref_slice %arg4[%add3A_158, %run_scoped3A_159, %dma_start3A_179] : memref<2528x1x128xi32, #tpu.memory_space<hbm>> -> memref<1x1x128xi32, #tpu.memory_space<hbm>>
          %dma_start3A_181 = tpu.memref_squeeze %dma_start3A_180 : memref<1x1x128xi32, #tpu.memory_space<hbm>> -> memref<128xi32, #tpu.memory_space<hbm>>
          %dma_start3A_182 = arith.constant 0 : i32
          %dma_start3A_183 = tpu.memref_slice %arg7[%run_scoped3A_160, %dma_start3A_182] : memref<2x128xi32, #tpu.memory_space<vmem>> -> memref<1x128xi32, #tpu.memory_space<vmem>>
          %dma_start3A_184 = tpu.memref_squeeze %dma_start3A_183 : memref<1x128xi32, #tpu.memory_space<vmem>> -> memref<128xi32, #tpu.memory_space<vmem>>
          %dma_start3A_185 = arith.constant 0 : i32
          %dma_start3A_186 = tpu.memref_slice %arg4[%add3A_158, %run_scoped3A_159, %dma_start3A_185] : memref<2528x1x128xi32, #tpu.memory_space<hbm>> -> memref<1x1x128xi32, #tpu.memory_space<hbm>>
          %dma_start3A_187 = tpu.memref_squeeze %dma_start3A_186 : memref<1x1x128xi32, #tpu.memory_space<hbm>> -> memref<128xi32, #tpu.memory_space<hbm>>
          tpu.enqueue_dma source(%dma_start3A_187 : memref<128xi32, #tpu.memory_space<hbm>>) target(%dma_start3A_184 : memref<128xi32, #tpu.memory_space<vmem>>) target_semaphore(%run_scoped3A_175 : memref<!tpu.dma_semaphore, #tpu.memory_space<semaphore_mem>>)
          %dma_wait3A_188 = arith.constant 0 : i32
          %dma_wait3A_189 = tpu.memref_slice %arg7[%run_scoped3A_160, %dma_wait3A_188] : memref<2x128xi32, #tpu.memory_space<vmem>> -> memref<1x128xi32, #tpu.memory_space<vmem>>
          %dma_wait3A_190 = tpu.memref_squeeze %dma_wait3A_189 : memref<1x128xi32, #tpu.memory_space<vmem>> -> memref<128xi32, #tpu.memory_space<vmem>>
          %dma_wait3A_191 = arith.constant 0 : i32
          %dma_wait3A_192 = tpu.memref_slice %arg4[%add3A_158, %run_scoped3A_159, %dma_wait3A_191] : memref<2528x1x128xi32, #tpu.memory_space<hbm>> -> memref<1x1x128xi32, #tpu.memory_space<hbm>>
          %dma_wait3A_193 = tpu.memref_squeeze %dma_wait3A_192 : memref<1x1x128xi32, #tpu.memory_space<hbm>> -> memref<128xi32, #tpu.memory_space<hbm>>
          %dma_wait3A_194 = arith.constant 0 : i32
          %dma_wait3A_195 = tpu.memref_slice %arg7[%run_scoped3A_160, %dma_wait3A_194] : memref<2x128xi32, #tpu.memory_space<vmem>> -> memref<1x128xi32, #tpu.memory_space<vmem>>
          %dma_wait3A_196 = tpu.memref_squeeze %dma_wait3A_195 : memref<1x128xi32, #tpu.memory_space<vmem>> -> memref<128xi32, #tpu.memory_space<vmem>>
          %dma_wait3A_197 = arith.constant 0 : i32
          %dma_wait3A_198 = tpu.memref_slice %arg4[%add3A_158, %run_scoped3A_159, %dma_wait3A_197] : memref<2528x1x128xi32, #tpu.memory_space<hbm>> -> memref<1x1x128xi32, #tpu.memory_space<hbm>>
          %dma_wait3A_199 = tpu.memref_squeeze %dma_wait3A_198 : memref<1x1x128xi32, #tpu.memory_space<hbm>> -> memref<128xi32, #tpu.memory_space<hbm>>
          tpu.wait_dma2 semaphore(%run_scoped3A_175 : memref<!tpu.dma_semaphore, #tpu.memory_space<semaphore_mem>>) src(%dma_wait3A_199 : memref<128xi32, #tpu.memory_space<hbm>>) dst(%dma_wait3A_196 : memref<128xi32, #tpu.memory_space<vmem>>)
          tpu.yield
        }) : () -> ()
        %run_scoped3A_161 = arith.constant 0 : i32
        %run_scoped3A_162 = arith.constant 1 : i32
        "tpu.region"() ({
          %run_scoped3A_175 = tpu.sem_alloc : memref<!tpu.dma_semaphore, #tpu.memory_space<semaphore_mem>>
          %dma_start3A_176 = arith.constant 0 : i32
          %dma_start3A_177 = tpu.memref_slice %arg8[%run_scoped3A_162, %dma_start3A_176] : memref<2x128xi32, #tpu.memory_space<vmem>> -> memref<1x128xi32, #tpu.memory_space<vmem>>
          %dma_start3A_178 = tpu.memref_squeeze %dma_start3A_177 : memref<1x128xi32, #tpu.memory_space<vmem>> -> memref<128xi32, #tpu.memory_space<vmem>>
          %dma_start3A_179 = arith.constant 0 : i32
          %dma_start3A_180 = tpu.memref_slice %arg5[%add3A_158, %run_scoped3A_161, %dma_start3A_179] : memref<2528x1x128xi32, #tpu.memory_space<hbm>> -> memref<1x1x128xi32, #tpu.memory_space<hbm>>
          %dma_start3A_181 = tpu.memref_squeeze %dma_start3A_180 : memref<1x1x128xi32, #tpu.memory_space<hbm>> -> memref<128xi32, #tpu.memory_space<hbm>>
          %dma_start3A_182 = arith.constant 0 : i32
          %dma_start3A_183 = tpu.memref_slice %arg8[%run_scoped3A_162, %dma_start3A_182] : memref<2x128xi32, #tpu.memory_space<vmem>> -> memref<1x128xi32, #tpu.memory_space<vmem>>
          %dma_start3A_184 = tpu.memref_squeeze %dma_start3A_183 : memref<1x128xi32, #tpu.memory_space<vmem>> -> memref<128xi32, #tpu.memory_space<vmem>>
          %dma_start3A_185 = arith.constant 0 : i32
          %dma_start3A_186 = tpu.memref_slice %arg5[%add3A_158, %run_scoped3A_161, %dma_start3A_185] : memref<2528x1x128xi32, #tpu.memory_space<hbm>> -> memref<1x1x128xi32, #tpu.memory_space<hbm>>
          %dma_start3A_187 = tpu.memref_squeeze %dma_start3A_186 : memref<1x1x128xi32, #tpu.memory_space<hbm>> -> memref<128xi32, #tpu.memory_space<hbm>>
          tpu.enqueue_dma source(%dma_start3A_187 : memref<128xi32, #tpu.memory_space<hbm>>) target(%dma_start3A_184 : memref<128xi32, #tpu.memory_space<vmem>>) target_semaphore(%run_scoped3A_175 : memref<!tpu.dma_semaphore, #tpu.memory_space<semaphore_mem>>)
          %dma_wait3A_188 = arith.constant 0 : i32
          %dma_wait3A_189 = tpu.memref_slice %arg8[%run_scoped3A_162, %dma_wait3A_188] : memref<2x128xi32, #tpu.memory_space<vmem>> -> memref<1x128xi32, #tpu.memory_space<vmem>>
          %dma_wait3A_190 = tpu.memref_squeeze %dma_wait3A_189 : memref<1x128xi32, #tpu.memory_space<vmem>> -> memref<128xi32, #tpu.memory_space<vmem>>
          %dma_wait3A_191 = arith.constant 0 : i32
          %dma_wait3A_192 = tpu.memref_slice %arg5[%add3A_158, %run_scoped3A_161, %dma_wait3A_191] : memref<2528x1x128xi32, #tpu.memory_space<hbm>> -> memref<1x1x128xi32, #tpu.memory_space<hbm>>
          %dma_wait3A_193 = tpu.memref_squeeze %dma_wait3A_192 : memref<1x1x128xi32, #tpu.memory_space<hbm>> -> memref<128xi32, #tpu.memory_space<hbm>>
          %dma_wait3A_194 = arith.constant 0 : i32
          %dma_wait3A_195 = tpu.memref_slice %arg8[%run_scoped3A_162, %dma_wait3A_194] : memref<2x128xi32, #tpu.memory_space<vmem>> -> memref<1x128xi32, #tpu.memory_space<vmem>>
          %dma_wait3A_196 = tpu.memref_squeeze %dma_wait3A_195 : memref<1x128xi32, #tpu.memory_space<vmem>> -> memref<128xi32, #tpu.memory_space<vmem>>
          %dma_wait3A_197 = arith.constant 0 : i32
          %dma_wait3A_198 = tpu.memref_slice %arg5[%add3A_158, %run_scoped3A_161, %dma_wait3A_197] : memref<2528x1x128xi32, #tpu.memory_space<hbm>> -> memref<1x1x128xi32, #tpu.memory_space<hbm>>
          %dma_wait3A_199 = tpu.memref_squeeze %dma_wait3A_198 : memref<1x1x128xi32, #tpu.memory_space<hbm>> -> memref<128xi32, #tpu.memory_space<hbm>>
          tpu.wait_dma2 semaphore(%run_scoped3A_175 : memref<!tpu.dma_semaphore, #tpu.memory_space<semaphore_mem>>) src(%dma_wait3A_199 : memref<128xi32, #tpu.memory_space<hbm>>) dst(%dma_wait3A_196 : memref<128xi32, #tpu.memory_space<vmem>>)
          tpu.yield
        }) : () -> ()
        %dma_start3A_163 = arith.constant 1 : i32
        %dma_start3A_164 = arith.constant 1 : i32
        %dma_start3A_165 = arith.constant 0 : i32
        %dma_start3A_166 = arith.constant 0 : i32
        %dma_start3A_167 = tpu.memref_slice %arg9[%dma_start3A_164, %dma_start3A_165, %dma_start3A_166] : memref<2x128x128xf32, #tpu.memory_space<vmem>> -> memref<1x128x128xf32, #tpu.memory_space<vmem>>
        %dma_start3A_168 = tpu.memref_squeeze %dma_start3A_167 : memref<1x128x128xf32, #tpu.memory_space<vmem>> -> memref<128x128xf32, #tpu.memory_space<vmem>>
        %dma_start3A_169 = arith.constant 0 : i32
        %dma_start3A_170 = tpu.memref_slice %arg7[%dma_start3A_163, %dma_start3A_169] : memref<2x128xi32, #tpu.memory_space<vmem>> -> memref<1x128xi32, #tpu.memory_space<vmem>>
        %dma_start3A_171 = tpu.memref_squeeze %dma_start3A_170 : memref<1x128xi32, #tpu.memory_space<vmem>> -> memref<128xi32, #tpu.memory_space<vmem>>
        %dma_start3A_172 = arith.constant 0 : i32
        %dma_start3A_173 = arith.constant 0 : i32
        %dma_start3A_174 = tpu.memref_slice %arg2[%dma_start3A_172, %dma_start3A_173] : memref<10000x128xf32, #tpu.memory_space<hbm>> -> memref<10000x128xf32, #tpu.memory_space<hbm>>
        tpu.enqueue_indirect_dma source(%dma_start3A_174 : memref<10000x128xf32, #tpu.memory_space<hbm>>) target(%dma_start3A_168 : memref<128x128xf32, #tpu.memory_space<vmem>>) offsets(%dma_start3A_171 : memref<128xi32, #tpu.memory_space<vmem>>) semaphore(%arg12 : memref<!tpu.dma_semaphore, #tpu.memory_space<semaphore_mem>>)
      } else {
      }
      %dma_wait3A = arith.constant 0 : i32
      %dma_wait3A_124 = arith.constant 0 : i32
      %dma_wait3A_125 = arith.constant 0 : i32
      %dma_wait3A_126 = tpu.memref_slice %arg9[%dma_wait3A, %dma_wait3A_124, %dma_wait3A_125] : memref<2x128x128xf32, #tpu.memory_space<vmem>> -> memref<1x128x128xf32, #tpu.memory_space<vmem>>
      %dma_wait3A_127 = tpu.memref_squeeze %dma_wait3A_126 : memref<1x128x128xf32, #tpu.memory_space<vmem>> -> memref<128x128xf32, #tpu.memory_space<vmem>>
      %dma_wait3A_128 = arith.constant 0 : i32
      %dma_wait3A_129 = arith.constant 0 : i32
      %dma_wait3A_130 = tpu.memref_slice %arg9[%dma_wait3A, %dma_wait3A_128, %dma_wait3A_129] : memref<2x128x128xf32, #tpu.memory_space<vmem>> -> memref<1x128x128xf32, #tpu.memory_space<vmem>>
      %dma_wait3A_131 = tpu.memref_squeeze %dma_wait3A_130 : memref<1x128x128xf32, #tpu.memory_space<vmem>> -> memref<128x128xf32, #tpu.memory_space<vmem>>
      tpu.wait_dma2 semaphore(%arg11 : memref<!tpu.dma_semaphore, #tpu.memory_space<semaphore_mem>>) src(%arg3 : memref<128x128xf32, #tpu.memory_space<hbm>>) dst(%dma_wait3A_131 : memref<128x128xf32, #tpu.memory_space<vmem>>)
      %run_scoped3A_132 = arith.constant 0 : i32
      %run_scoped3A_133 = arith.constant 0 : i32
      "tpu.region"() ({
        %run_scoped3A_156 = tpu.sem_alloc : memref<!tpu.dma_semaphore, #tpu.memory_space<semaphore_mem>>
        %dma_start3A_157 = arith.constant 0 : i32
        %dma_start3A_158 = arith.constant 0 : i32
        %dma_start3A_159 = tpu.memref_slice %arg9[%run_scoped3A_132, %dma_start3A_157, %dma_start3A_158] : memref<2x128x128xf32, #tpu.memory_space<vmem>> -> memref<1x128x128xf32, #tpu.memory_space<vmem>>
        %dma_start3A_160 = tpu.memref_squeeze %dma_start3A_159 : memref<1x128x128xf32, #tpu.memory_space<vmem>> -> memref<128x128xf32, #tpu.memory_space<vmem>>
        %dma_start3A_161 = arith.constant 0 : i32
        %dma_start3A_162 = tpu.memref_slice %arg8[%run_scoped3A_133, %dma_start3A_161] : memref<2x128xi32, #tpu.memory_space<vmem>> -> memref<1x128xi32, #tpu.memory_space<vmem>>
        %dma_start3A_163 = tpu.memref_squeeze %dma_start3A_162 : memref<1x128xi32, #tpu.memory_space<vmem>> -> memref<128xi32, #tpu.memory_space<vmem>>
        %dma_start3A_164 = arith.constant 0 : i32
        %dma_start3A_165 = arith.constant 0 : i32
        %dma_start3A_166 = tpu.memref_slice %arg10[%dma_start3A_164, %dma_start3A_165] : memref<10112x128xf32, #tpu.memory_space<vmem_shared>> -> memref<10112x128xf32, #tpu.memory_space<vmem_shared>>
        tpu.enqueue_indirect_dma source(%dma_start3A_160 : memref<128x128xf32, #tpu.memory_space<vmem>>) target(%dma_start3A_166 : memref<10112x128xf32, #tpu.memory_space<vmem_shared>>) offsets(%dma_start3A_163 : memref<128xi32, #tpu.memory_space<vmem>>) semaphore(%run_scoped3A_156 : memref<!tpu.dma_semaphore, #tpu.memory_space<semaphore_mem>>) {add = true}
        %dma_wait3A_167 = arith.constant 0 : i32
        %dma_wait3A_168 = arith.constant 0 : i32
        %dma_wait3A_169 = tpu.memref_slice %arg9[%run_scoped3A_132, %dma_wait3A_167, %dma_wait3A_168] : memref<2x128x128xf32, #tpu.memory_space<vmem>> -> memref<1x128x128xf32, #tpu.memory_space<vmem>>
        %dma_wait3A_170 = tpu.memref_squeeze %dma_wait3A_169 : memref<1x128x128xf32, #tpu.memory_space<vmem>> -> memref<128x128xf32, #tpu.memory_space<vmem>>
        %dma_wait3A_171 = arith.constant 0 : i32
        %dma_wait3A_172 = tpu.memref_slice %arg8[%run_scoped3A_133, %dma_wait3A_171] : memref<2x128xi32, #tpu.memory_space<vmem>> -> memref<1x128xi32, #tpu.memory_space<vmem>>
        %dma_wait3A_173 = tpu.memref_squeeze %dma_wait3A_172 : memref<1x128xi32, #tpu.memory_space<vmem>> -> memref<128xi32, #tpu.memory_space<vmem>>
        %dma_wait3A_174 = arith.constant 0 : i32
        %dma_wait3A_175 = arith.constant 0 : i32
        %dma_wait3A_176 = tpu.memref_slice %arg10[%dma_wait3A_174, %dma_wait3A_175] : memref<10112x128xf32, #tpu.memory_space<vmem_shared>> -> memref<10112x128xf32, #tpu.memory_space<vmem_shared>>
        tpu.wait_indirect_dma semaphore(%run_scoped3A_156 : memref<!tpu.dma_semaphore, #tpu.memory_space<semaphore_mem>>) src(%dma_wait3A_170 : memref<128x128xf32, #tpu.memory_space<vmem>>) dst(%dma_wait3A_176 : memref<10112x128xf32, #tpu.memory_space<vmem_shared>>)
        tpu.yield
      }) : () -> ()
      %mul3A_134 = arith.constant 2 : i32
      %mul3A_135 = arith.muli %mul3A_134, %while3A_113 : i32
      %add3A_136 = arith.constant 1 : i32
      %add3A_137 = arith.addi %mul3A_135, %add3A_136 : i32
      %add3A_138 = arith.constant 1 : i32
      %add3A_139 = arith.addi %add3A_137, %add3A_138 : i32
      %lt3A_140 = arith.cmpi slt, %add3A_139, %select_n3A : i32
      %convert_element_type3A_141 = arith.extui %lt3A_140 : i1 to i32
      %cond3A_142 = arith.constant 0 : i32
      %cond3A_143 = arith.cmpi ne, %convert_element_type3A_141, %cond3A_142 : i32
      scf.if %cond3A_143 {
        %add3A_156 = arith.addi %select_n3A_8, %add3A_137 : i32
        %add3A_157 = arith.constant 1 : i32
        %add3A_158 = arith.addi %add3A_156, %add3A_157 : i32
        %run_scoped3A_159 = arith.constant 0 : i32
        %run_scoped3A_160 = arith.constant 0 : i32
        "tpu.region"() ({
          %run_scoped3A_175 = tpu.sem_alloc : memref<!tpu.dma_semaphore, #tpu.memory_space<semaphore_mem>>
          %dma_start3A_176 = arith.constant 0 : i32
          %dma_start3A_177 = tpu.memref_slice %arg7[%run_scoped3A_160, %dma_start3A_176] : memref<2x128xi32, #tpu.memory_space<vmem>> -> memref<1x128xi32, #tpu.memory_space<vmem>>
          %dma_start3A_178 = tpu.memref_squeeze %dma_start3A_177 : memref<1x128xi32, #tpu.memory_space<vmem>> -> memref<128xi32, #tpu.memory_space<vmem>>
          %dma_start3A_179 = arith.constant 0 : i32
          %dma_start3A_180 = tpu.memref_slice %arg4[%add3A_158, %run_scoped3A_159, %dma_start3A_179] : memref<2528x1x128xi32, #tpu.memory_space<hbm>> -> memref<1x1x128xi32, #tpu.memory_space<hbm>>
          %dma_start3A_181 = tpu.memref_squeeze %dma_start3A_180 : memref<1x1x128xi32, #tpu.memory_space<hbm>> -> memref<128xi32, #tpu.memory_space<hbm>>
          %dma_start3A_182 = arith.constant 0 : i32
          %dma_start3A_183 = tpu.memref_slice %arg7[%run_scoped3A_160, %dma_start3A_182] : memref<2x128xi32, #tpu.memory_space<vmem>> -> memref<1x128xi32, #tpu.memory_space<vmem>>
          %dma_start3A_184 = tpu.memref_squeeze %dma_start3A_183 : memref<1x128xi32, #tpu.memory_space<vmem>> -> memref<128xi32, #tpu.memory_space<vmem>>
          %dma_start3A_185 = arith.constant 0 : i32
          %dma_start3A_186 = tpu.memref_slice %arg4[%add3A_158, %run_scoped3A_159, %dma_start3A_185] : memref<2528x1x128xi32, #tpu.memory_space<hbm>> -> memref<1x1x128xi32, #tpu.memory_space<hbm>>
          %dma_start3A_187 = tpu.memref_squeeze %dma_start3A_186 : memref<1x1x128xi32, #tpu.memory_space<hbm>> -> memref<128xi32, #tpu.memory_space<hbm>>
          tpu.enqueue_dma source(%dma_start3A_187 : memref<128xi32, #tpu.memory_space<hbm>>) target(%dma_start3A_184 : memref<128xi32, #tpu.memory_space<vmem>>) target_semaphore(%run_scoped3A_175 : memref<!tpu.dma_semaphore, #tpu.memory_space<semaphore_mem>>)
          %dma_wait3A_188 = arith.constant 0 : i32
          %dma_wait3A_189 = tpu.memref_slice %arg7[%run_scoped3A_160, %dma_wait3A_188] : memref<2x128xi32, #tpu.memory_space<vmem>> -> memref<1x128xi32, #tpu.memory_space<vmem>>
          %dma_wait3A_190 = tpu.memref_squeeze %dma_wait3A_189 : memref<1x128xi32, #tpu.memory_space<vmem>> -> memref<128xi32, #tpu.memory_space<vmem>>
          %dma_wait3A_191 = arith.constant 0 : i32
          %dma_wait3A_192 = tpu.memref_slice %arg4[%add3A_158, %run_scoped3A_159, %dma_wait3A_191] : memref<2528x1x128xi32, #tpu.memory_space<hbm>> -> memref<1x1x128xi32, #tpu.memory_space<hbm>>
          %dma_wait3A_193 = tpu.memref_squeeze %dma_wait3A_192 : memref<1x1x128xi32, #tpu.memory_space<hbm>> -> memref<128xi32, #tpu.memory_space<hbm>>
          %dma_wait3A_194 = arith.constant 0 : i32
          %dma_wait3A_195 = tpu.memref_slice %arg7[%run_scoped3A_160, %dma_wait3A_194] : memref<2x128xi32, #tpu.memory_space<vmem>> -> memref<1x128xi32, #tpu.memory_space<vmem>>
          %dma_wait3A_196 = tpu.memref_squeeze %dma_wait3A_195 : memref<1x128xi32, #tpu.memory_space<vmem>> -> memref<128xi32, #tpu.memory_space<vmem>>
          %dma_wait3A_197 = arith.constant 0 : i32
          %dma_wait3A_198 = tpu.memref_slice %arg4[%add3A_158, %run_scoped3A_159, %dma_wait3A_197] : memref<2528x1x128xi32, #tpu.memory_space<hbm>> -> memref<1x1x128xi32, #tpu.memory_space<hbm>>
          %dma_wait3A_199 = tpu.memref_squeeze %dma_wait3A_198 : memref<1x1x128xi32, #tpu.memory_space<hbm>> -> memref<128xi32, #tpu.memory_space<hbm>>
          tpu.wait_dma2 semaphore(%run_scoped3A_175 : memref<!tpu.dma_semaphore, #tpu.memory_space<semaphore_mem>>) src(%dma_wait3A_199 : memref<128xi32, #tpu.memory_space<hbm>>) dst(%dma_wait3A_196 : memref<128xi32, #tpu.memory_space<vmem>>)
          tpu.yield
        }) : () -> ()
        %run_scoped3A_161 = arith.constant 0 : i32
        %run_scoped3A_162 = arith.constant 0 : i32
        "tpu.region"() ({
          %run_scoped3A_175 = tpu.sem_alloc : memref<!tpu.dma_semaphore, #tpu.memory_space<semaphore_mem>>
          %dma_start3A_176 = arith.constant 0 : i32
          %dma_start3A_177 = tpu.memref_slice %arg8[%run_scoped3A_162, %dma_start3A_176] : memref<2x128xi32, #tpu.memory_space<vmem>> -> memref<1x128xi32, #tpu.memory_space<vmem>>
          %dma_start3A_178 = tpu.memref_squeeze %dma_start3A_177 : memref<1x128xi32, #tpu.memory_space<vmem>> -> memref<128xi32, #tpu.memory_space<vmem>>
          %dma_start3A_179 = arith.constant 0 : i32
          %dma_start3A_180 = tpu.memref_slice %arg5[%add3A_158, %run_scoped3A_161, %dma_start3A_179] : memref<2528x1x128xi32, #tpu.memory_space<hbm>> -> memref<1x1x128xi32, #tpu.memory_space<hbm>>
          %dma_start3A_181 = tpu.memref_squeeze %dma_start3A_180 : memref<1x1x128xi32, #tpu.memory_space<hbm>> -> memref<128xi32, #tpu.memory_space<hbm>>
          %dma_start3A_182 = arith.constant 0 : i32
          %dma_start3A_183 = tpu.memref_slice %arg8[%run_scoped3A_162, %dma_start3A_182] : memref<2x128xi32, #tpu.memory_space<vmem>> -> memref<1x128xi32, #tpu.memory_space<vmem>>
          %dma_start3A_184 = tpu.memref_squeeze %dma_start3A_183 : memref<1x128xi32, #tpu.memory_space<vmem>> -> memref<128xi32, #tpu.memory_space<vmem>>
          %dma_start3A_185 = arith.constant 0 : i32
          %dma_start3A_186 = tpu.memref_slice %arg5[%add3A_158, %run_scoped3A_161, %dma_start3A_185] : memref<2528x1x128xi32, #tpu.memory_space<hbm>> -> memref<1x1x128xi32, #tpu.memory_space<hbm>>
          %dma_start3A_187 = tpu.memref_squeeze %dma_start3A_186 : memref<1x1x128xi32, #tpu.memory_space<hbm>> -> memref<128xi32, #tpu.memory_space<hbm>>
          tpu.enqueue_dma source(%dma_start3A_187 : memref<128xi32, #tpu.memory_space<hbm>>) target(%dma_start3A_184 : memref<128xi32, #tpu.memory_space<vmem>>) target_semaphore(%run_scoped3A_175 : memref<!tpu.dma_semaphore, #tpu.memory_space<semaphore_mem>>)
          %dma_wait3A_188 = arith.constant 0 : i32
          %dma_wait3A_189 = tpu.memref_slice %arg8[%run_scoped3A_162, %dma_wait3A_188] : memref<2x128xi32, #tpu.memory_space<vmem>> -> memref<1x128xi32, #tpu.memory_space<vmem>>
          %dma_wait3A_190 = tpu.memref_squeeze %dma_wait3A_189 : memref<1x128xi32, #tpu.memory_space<vmem>> -> memref<128xi32, #tpu.memory_space<vmem>>
          %dma_wait3A_191 = arith.constant 0 : i32
          %dma_wait3A_192 = tpu.memref_slice %arg5[%add3A_158, %run_scoped3A_161, %dma_wait3A_191] : memref<2528x1x128xi32, #tpu.memory_space<hbm>> -> memref<1x1x128xi32, #tpu.memory_space<hbm>>
          %dma_wait3A_193 = tpu.memref_squeeze %dma_wait3A_192 : memref<1x1x128xi32, #tpu.memory_space<hbm>> -> memref<128xi32, #tpu.memory_space<hbm>>
          %dma_wait3A_194 = arith.constant 0 : i32
          %dma_wait3A_195 = tpu.memref_slice %arg8[%run_scoped3A_162, %dma_wait3A_194] : memref<2x128xi32, #tpu.memory_space<vmem>> -> memref<1x128xi32, #tpu.memory_space<vmem>>
          %dma_wait3A_196 = tpu.memref_squeeze %dma_wait3A_195 : memref<1x128xi32, #tpu.memory_space<vmem>> -> memref<128xi32, #tpu.memory_space<vmem>>
          %dma_wait3A_197 = arith.constant 0 : i32
          %dma_wait3A_198 = tpu.memref_slice %arg5[%add3A_158, %run_scoped3A_161, %dma_wait3A_197] : memref<2528x1x128xi32, #tpu.memory_space<hbm>> -> memref<1x1x128xi32, #tpu.memory_space<hbm>>
          %dma_wait3A_199 = tpu.memref_squeeze %dma_wait3A_198 : memref<1x1x128xi32, #tpu.memory_space<hbm>> -> memref<128xi32, #tpu.memory_space<hbm>>
          tpu.wait_dma2 semaphore(%run_scoped3A_175 : memref<!tpu.dma_semaphore, #tpu.memory_space<semaphore_mem>>) src(%dma_wait3A_199 : memref<128xi32, #tpu.memory_space<hbm>>) dst(%dma_wait3A_196 : memref<128xi32, #tpu.memory_space<vmem>>)
          tpu.yield
        }) : () -> ()
        %dma_start3A_163 = arith.constant 0 : i32
        %dma_start3A_164 = arith.constant 0 : i32
        %dma_start3A_165 = arith.constant 0 : i32
        %dma_start3A_166 = arith.constant 0 : i32
        %dma_start3A_167 = tpu.memref_slice %arg9[%dma_start3A_164, %dma_start3A_165, %dma_start3A_166] : memref<2x128x128xf32, #tpu.memory_space<vmem>> -> memref<1x128x128xf32, #tpu.memory_space<vmem>>
        %dma_start3A_168 = tpu.memref_squeeze %dma_start3A_167 : memref<1x128x128xf32, #tpu.memory_space<vmem>> -> memref<128x128xf32, #tpu.memory_space<vmem>>
        %dma_start3A_169 = arith.constant 0 : i32
        %dma_start3A_170 = tpu.memref_slice %arg7[%dma_start3A_163, %dma_start3A_169] : memref<2x128xi32, #tpu.memory_space<vmem>> -> memref<1x128xi32, #tpu.memory_space<vmem>>
        %dma_start3A_171 = tpu.memref_squeeze %dma_start3A_170 : memref<1x128xi32, #tpu.memory_space<vmem>> -> memref<128xi32, #tpu.memory_space<vmem>>
        %dma_start3A_172 = arith.constant 0 : i32
        %dma_start3A_173 = arith.constant 0 : i32
        %dma_start3A_174 = tpu.memref_slice %arg2[%dma_start3A_172, %dma_start3A_173] : memref<10000x128xf32, #tpu.memory_space<hbm>> -> memref<10000x128xf32, #tpu.memory_space<hbm>>
        tpu.enqueue_indirect_dma source(%dma_start3A_174 : memref<10000x128xf32, #tpu.memory_space<hbm>>) target(%dma_start3A_168 : memref<128x128xf32, #tpu.memory_space<vmem>>) offsets(%dma_start3A_171 : memref<128xi32, #tpu.memory_space<vmem>>) semaphore(%arg11 : memref<!tpu.dma_semaphore, #tpu.memory_space<semaphore_mem>>)
      } else {
      }
      %dma_wait3A_144 = arith.constant 1 : i32
      %dma_wait3A_145 = arith.constant 0 : i32
      %dma_wait3A_146 = arith.constant 0 : i32
      %dma_wait3A_147 = tpu.memref_slice %arg9[%dma_wait3A_144, %dma_wait3A_145, %dma_wait3A_146] : memref<2x128x128xf32, #tpu.memory_space<vmem>> -> memref<1x128x128xf32, #tpu.memory_space<vmem>>
      %dma_wait3A_148 = tpu.memref_squeeze %dma_wait3A_147 : memref<1x128x128xf32, #tpu.memory_space<vmem>> -> memref<128x128xf32, #tpu.memory_space<vmem>>
      %dma_wait3A_149 = arith.constant 0 : i32
      %dma_wait3A_150 = arith.constant 0 : i32
      %dma_wait3A_151 = tpu.memref_slice %arg9[%dma_wait3A_144, %dma_wait3A_149, %dma_wait3A_150] : memref<2x128x128xf32, #tpu.memory_space<vmem>> -> memref<1x128x128xf32, #tpu.memory_space<vmem>>
      %dma_wait3A_152 = tpu.memref_squeeze %dma_wait3A_151 : memref<1x128x128xf32, #tpu.memory_space<vmem>> -> memref<128x128xf32, #tpu.memory_space<vmem>>
      tpu.wait_dma2 semaphore(%arg12 : memref<!tpu.dma_semaphore, #tpu.memory_space<semaphore_mem>>) src(%arg3 : memref<128x128xf32, #tpu.memory_space<hbm>>) dst(%dma_wait3A_152 : memref<128x128xf32, #tpu.memory_space<vmem>>)
      %run_scoped3A_153 = arith.constant 1 : i32
      %run_scoped3A_154 = arith.constant 1 : i32
      "tpu.region"() ({
        %run_scoped3A_156 = tpu.sem_alloc : memref<!tpu.dma_semaphore, #tpu.memory_space<semaphore_mem>>
        %dma_start3A_157 = arith.constant 0 : i32
        %dma_start3A_158 = arith.constant 0 : i32
        %dma_start3A_159 = tpu.memref_slice %arg9[%run_scoped3A_153, %dma_start3A_157, %dma_start3A_158] : memref<2x128x128xf32, #tpu.memory_space<vmem>> -> memref<1x128x128xf32, #tpu.memory_space<vmem>>
        %dma_start3A_160 = tpu.memref_squeeze %dma_start3A_159 : memref<1x128x128xf32, #tpu.memory_space<vmem>> -> memref<128x128xf32, #tpu.memory_space<vmem>>
        %dma_start3A_161 = arith.constant 0 : i32
        %dma_start3A_162 = tpu.memref_slice %arg8[%run_scoped3A_154, %dma_start3A_161] : memref<2x128xi32, #tpu.memory_space<vmem>> -> memref<1x128xi32, #tpu.memory_space<vmem>>
        %dma_start3A_163 = tpu.memref_squeeze %dma_start3A_162 : memref<1x128xi32, #tpu.memory_space<vmem>> -> memref<128xi32, #tpu.memory_space<vmem>>
        %dma_start3A_164 = arith.constant 0 : i32
        %dma_start3A_165 = arith.constant 0 : i32
        %dma_start3A_166 = tpu.memref_slice %arg10[%dma_start3A_164, %dma_start3A_165] : memref<10112x128xf32, #tpu.memory_space<vmem_shared>> -> memref<10112x128xf32, #tpu.memory_space<vmem_shared>>
        tpu.enqueue_indirect_dma source(%dma_start3A_160 : memref<128x128xf32, #tpu.memory_space<vmem>>) target(%dma_start3A_166 : memref<10112x128xf32, #tpu.memory_space<vmem_shared>>) offsets(%dma_start3A_163 : memref<128xi32, #tpu.memory_space<vmem>>) semaphore(%run_scoped3A_156 : memref<!tpu.dma_semaphore, #tpu.memory_space<semaphore_mem>>) {add = true}
        %dma_wait3A_167 = arith.constant 0 : i32
        %dma_wait3A_168 = arith.constant 0 : i32
        %dma_wait3A_169 = tpu.memref_slice %arg9[%run_scoped3A_153, %dma_wait3A_167, %dma_wait3A_168] : memref<2x128x128xf32, #tpu.memory_space<vmem>> -> memref<1x128x128xf32, #tpu.memory_space<vmem>>
        %dma_wait3A_170 = tpu.memref_squeeze %dma_wait3A_169 : memref<1x128x128xf32, #tpu.memory_space<vmem>> -> memref<128x128xf32, #tpu.memory_space<vmem>>
        %dma_wait3A_171 = arith.constant 0 : i32
        %dma_wait3A_172 = tpu.memref_slice %arg8[%run_scoped3A_154, %dma_wait3A_171] : memref<2x128xi32, #tpu.memory_space<vmem>> -> memref<1x128xi32, #tpu.memory_space<vmem>>
        %dma_wait3A_173 = tpu.memref_squeeze %dma_wait3A_172 : memref<1x128xi32, #tpu.memory_space<vmem>> -> memref<128xi32, #tpu.memory_space<vmem>>
        %dma_wait3A_174 = arith.constant 0 : i32
        %dma_wait3A_175 = arith.constant 0 : i32
        %dma_wait3A_176 = tpu.memref_slice %arg10[%dma_wait3A_174, %dma_wait3A_175] : memref<10112x128xf32, #tpu.memory_space<vmem_shared>> -> memref<10112x128xf32, #tpu.memory_space<vmem_shared>>
        tpu.wait_indirect_dma semaphore(%run_scoped3A_156 : memref<!tpu.dma_semaphore, #tpu.memory_space<semaphore_mem>>) src(%dma_wait3A_170 : memref<128x128xf32, #tpu.memory_space<vmem>>) dst(%dma_wait3A_176 : memref<10112x128xf32, #tpu.memory_space<vmem_shared>>)
        tpu.yield
      }) : () -> ()
      %while3A_155 = arith.constant 0 : i32
      scf.yield %while3A_155 : i32
    }
    %while3A_76 = arith.constant 1 : i32
    %while3A_77 = scf.for %while3A_113 = %while3A_73 to %while3A_69 step %while3A_76 iter_args(%while3A_114 = %while3A_75) -> (i32)  : i32 {
      %mul3A_115 = arith.constant 2 : i32
      %mul3A_116 = arith.muli %mul3A_115, %while3A_113 : i32
      %add3A_117 = arith.constant 0 : i32
      %add3A_118 = arith.addi %mul3A_116, %add3A_117 : i32
      %add3A_119 = arith.constant 1 : i32
      %add3A_120 = arith.addi %add3A_118, %add3A_119 : i32
      %lt3A = arith.cmpi slt, %add3A_120, %select_n3A : i32
      %convert_element_type3A_121 = arith.extui %lt3A : i1 to i32
      %cond3A_122 = arith.constant 0 : i32
      %cond3A_123 = arith.cmpi ne, %convert_element_type3A_121, %cond3A_122 : i32
      scf.if %cond3A_123 {
        %add3A_156 = arith.addi %select_n3A_8, %add3A_118 : i32
        %add3A_157 = arith.constant 1 : i32
        %add3A_158 = arith.addi %add3A_156, %add3A_157 : i32
        %run_scoped3A_159 = arith.constant 0 : i32
        %run_scoped3A_160 = arith.constant 1 : i32
        "tpu.region"() ({
          %run_scoped3A_175 = tpu.sem_alloc : memref<!tpu.dma_semaphore, #tpu.memory_space<semaphore_mem>>
          %dma_start3A_176 = arith.constant 0 : i32
          %dma_start3A_177 = tpu.memref_slice %arg7[%run_scoped3A_160, %dma_start3A_176] : memref<2x128xi32, #tpu.memory_space<vmem>> -> memref<1x128xi32, #tpu.memory_space<vmem>>
          %dma_start3A_178 = tpu.memref_squeeze %dma_start3A_177 : memref<1x128xi32, #tpu.memory_space<vmem>> -> memref<128xi32, #tpu.memory_space<vmem>>
          %dma_start3A_179 = arith.constant 0 : i32
          %dma_start3A_180 = tpu.memref_slice %arg4[%add3A_158, %run_scoped3A_159, %dma_start3A_179] : memref<2528x1x128xi32, #tpu.memory_space<hbm>> -> memref<1x1x128xi32, #tpu.memory_space<hbm>>
          %dma_start3A_181 = tpu.memref_squeeze %dma_start3A_180 : memref<1x1x128xi32, #tpu.memory_space<hbm>> -> memref<128xi32, #tpu.memory_space<hbm>>
          %dma_start3A_182 = arith.constant 0 : i32
          %dma_start3A_183 = tpu.memref_slice %arg7[%run_scoped3A_160, %dma_start3A_182] : memref<2x128xi32, #tpu.memory_space<vmem>> -> memref<1x128xi32, #tpu.memory_space<vmem>>
          %dma_start3A_184 = tpu.memref_squeeze %dma_start3A_183 : memref<1x128xi32, #tpu.memory_space<vmem>> -> memref<128xi32, #tpu.memory_space<vmem>>
          %dma_start3A_185 = arith.constant 0 : i32
          %dma_start3A_186 = tpu.memref_slice %arg4[%add3A_158, %run_scoped3A_159, %dma_start3A_185] : memref<2528x1x128xi32, #tpu.memory_space<hbm>> -> memref<1x1x128xi32, #tpu.memory_space<hbm>>
          %dma_start3A_187 = tpu.memref_squeeze %dma_start3A_186 : memref<1x1x128xi32, #tpu.memory_space<hbm>> -> memref<128xi32, #tpu.memory_space<hbm>>
          tpu.enqueue_dma source(%dma_start3A_187 : memref<128xi32, #tpu.memory_space<hbm>>) target(%dma_start3A_184 : memref<128xi32, #tpu.memory_space<vmem>>) target_semaphore(%run_scoped3A_175 : memref<!tpu.dma_semaphore, #tpu.memory_space<semaphore_mem>>)
          %dma_wait3A_188 = arith.constant 0 : i32
          %dma_wait3A_189 = tpu.memref_slice %arg7[%run_scoped3A_160, %dma_wait3A_188] : memref<2x128xi32, #tpu.memory_space<vmem>> -> memref<1x128xi32, #tpu.memory_space<vmem>>
          %dma_wait3A_190 = tpu.memref_squeeze %dma_wait3A_189 : memref<1x128xi32, #tpu.memory_space<vmem>> -> memref<128xi32, #tpu.memory_space<vmem>>
          %dma_wait3A_191 = arith.constant 0 : i32
          %dma_wait3A_192 = tpu.memref_slice %arg4[%add3A_158, %run_scoped3A_159, %dma_wait3A_191] : memref<2528x1x128xi32, #tpu.memory_space<hbm>> -> memref<1x1x128xi32, #tpu.memory_space<hbm>>
          %dma_wait3A_193 = tpu.memref_squeeze %dma_wait3A_192 : memref<1x1x128xi32, #tpu.memory_space<hbm>> -> memref<128xi32, #tpu.memory_space<hbm>>
          %dma_wait3A_194 = arith.constant 0 : i32
          %dma_wait3A_195 = tpu.memref_slice %arg7[%run_scoped3A_160, %dma_wait3A_194] : memref<2x128xi32, #tpu.memory_space<vmem>> -> memref<1x128xi32, #tpu.memory_space<vmem>>
          %dma_wait3A_196 = tpu.memref_squeeze %dma_wait3A_195 : memref<1x128xi32, #tpu.memory_space<vmem>> -> memref<128xi32, #tpu.memory_space<vmem>>
          %dma_wait3A_197 = arith.constant 0 : i32
          %dma_wait3A_198 = tpu.memref_slice %arg4[%add3A_158, %run_scoped3A_159, %dma_wait3A_197] : memref<2528x1x128xi32, #tpu.memory_space<hbm>> -> memref<1x1x128xi32, #tpu.memory_space<hbm>>
          %dma_wait3A_199 = tpu.memref_squeeze %dma_wait3A_198 : memref<1x1x128xi32, #tpu.memory_space<hbm>> -> memref<128xi32, #tpu.memory_space<hbm>>
          tpu.wait_dma2 semaphore(%run_scoped3A_175 : memref<!tpu.dma_semaphore, #tpu.memory_space<semaphore_mem>>) src(%dma_wait3A_199 : memref<128xi32, #tpu.memory_space<hbm>>) dst(%dma_wait3A_196 : memref<128xi32, #tpu.memory_space<vmem>>)
          tpu.yield
        }) : () -> ()
        %run_scoped3A_161 = arith.constant 0 : i32
        %run_scoped3A_162 = arith.constant 1 : i32
        "tpu.region"() ({
          %run_scoped3A_175 = tpu.sem_alloc : memref<!tpu.dma_semaphore, #tpu.memory_space<semaphore_mem>>
          %dma_start3A_176 = arith.constant 0 : i32
          %dma_start3A_177 = tpu.memref_slice %arg8[%run_scoped3A_162, %dma_start3A_176] : memref<2x128xi32, #tpu.memory_space<vmem>> -> memref<1x128xi32, #tpu.memory_space<vmem>>
          %dma_start3A_178 = tpu.memref_squeeze %dma_start3A_177 : memref<1x128xi32, #tpu.memory_space<vmem>> -> memref<128xi32, #tpu.memory_space<vmem>>
          %dma_start3A_179 = arith.constant 0 : i32
          %dma_start3A_180 = tpu.memref_slice %arg5[%add3A_158, %run_scoped3A_161, %dma_start3A_179] : memref<2528x1x128xi32, #tpu.memory_space<hbm>> -> memref<1x1x128xi32, #tpu.memory_space<hbm>>
          %dma_start3A_181 = tpu.memref_squeeze %dma_start3A_180 : memref<1x1x128xi32, #tpu.memory_space<hbm>> -> memref<128xi32, #tpu.memory_space<hbm>>
          %dma_start3A_182 = arith.constant 0 : i32
          %dma_start3A_183 = tpu.memref_slice %arg8[%run_scoped3A_162, %dma_start3A_182] : memref<2x128xi32, #tpu.memory_space<vmem>> -> memref<1x128xi32, #tpu.memory_space<vmem>>
          %dma_start3A_184 = tpu.memref_squeeze %dma_start3A_183 : memref<1x128xi32, #tpu.memory_space<vmem>> -> memref<128xi32, #tpu.memory_space<vmem>>
          %dma_start3A_185 = arith.constant 0 : i32
          %dma_start3A_186 = tpu.memref_slice %arg5[%add3A_158, %run_scoped3A_161, %dma_start3A_185] : memref<2528x1x128xi32, #tpu.memory_space<hbm>> -> memref<1x1x128xi32, #tpu.memory_space<hbm>>
          %dma_start3A_187 = tpu.memref_squeeze %dma_start3A_186 : memref<1x1x128xi32, #tpu.memory_space<hbm>> -> memref<128xi32, #tpu.memory_space<hbm>>
          tpu.enqueue_dma source(%dma_start3A_187 : memref<128xi32, #tpu.memory_space<hbm>>) target(%dma_start3A_184 : memref<128xi32, #tpu.memory_space<vmem>>) target_semaphore(%run_scoped3A_175 : memref<!tpu.dma_semaphore, #tpu.memory_space<semaphore_mem>>)
          %dma_wait3A_188 = arith.constant 0 : i32
          %dma_wait3A_189 = tpu.memref_slice %arg8[%run_scoped3A_162, %dma_wait3A_188] : memref<2x128xi32, #tpu.memory_space<vmem>> -> memref<1x128xi32, #tpu.memory_space<vmem>>
          %dma_wait3A_190 = tpu.memref_squeeze %dma_wait3A_189 : memref<1x128xi32, #tpu.memory_space<vmem>> -> memref<128xi32, #tpu.memory_space<vmem>>
          %dma_wait3A_191 = arith.constant 0 : i32
          %dma_wait3A_192 = tpu.memref_slice %arg5[%add3A_158, %run_scoped3A_161, %dma_wait3A_191] : memref<2528x1x128xi32, #tpu.memory_space<hbm>> -> memref<1x1x128xi32, #tpu.memory_space<hbm>>
          %dma_wait3A_193 = tpu.memref_squeeze %dma_wait3A_192 : memref<1x1x128xi32, #tpu.memory_space<hbm>> -> memref<128xi32, #tpu.memory_space<hbm>>
          %dma_wait3A_194 = arith.constant 0 : i32
          %dma_wait3A_195 = tpu.memref_slice %arg8[%run_scoped3A_162, %dma_wait3A_194] : memref<2x128xi32, #tpu.memory_space<vmem>> -> memref<1x128xi32, #tpu.memory_space<vmem>>
          %dma_wait3A_196 = tpu.memref_squeeze %dma_wait3A_195 : memref<1x128xi32, #tpu.memory_space<vmem>> -> memref<128xi32, #tpu.memory_space<vmem>>
          %dma_wait3A_197 = arith.constant 0 : i32
          %dma_wait3A_198 = tpu.memref_slice %arg5[%add3A_158, %run_scoped3A_161, %dma_wait3A_197] : memref<2528x1x128xi32, #tpu.memory_space<hbm>> -> memref<1x1x128xi32, #tpu.memory_space<hbm>>
          %dma_wait3A_199 = tpu.memref_squeeze %dma_wait3A_198 : memref<1x1x128xi32, #tpu.memory_space<hbm>> -> memref<128xi32, #tpu.memory_space<hbm>>
          tpu.wait_dma2 semaphore(%run_scoped3A_175 : memref<!tpu.dma_semaphore, #tpu.memory_space<semaphore_mem>>) src(%dma_wait3A_199 : memref<128xi32, #tpu.memory_space<hbm>>) dst(%dma_wait3A_196 : memref<128xi32, #tpu.memory_space<vmem>>)
          tpu.yield
        }) : () -> ()
        %dma_start3A_163 = arith.constant 1 : i32
        %dma_start3A_164 = arith.constant 1 : i32
        %dma_start3A_165 = arith.constant 0 : i32
        %dma_start3A_166 = arith.constant 0 : i32
        %dma_start3A_167 = tpu.memref_slice %arg9[%dma_start3A_164, %dma_start3A_165, %dma_start3A_166] : memref<2x128x128xf32, #tpu.memory_space<vmem>> -> memref<1x128x128xf32, #tpu.memory_space<vmem>>
        %dma_start3A_168 = tpu.memref_squeeze %dma_start3A_167 : memref<1x128x128xf32, #tpu.memory_space<vmem>> -> memref<128x128xf32, #tpu.memory_space<vmem>>
        %dma_start3A_169 = arith.constant 0 : i32
        %dma_start3A_170 = tpu.memref_slice %arg7[%dma_start3A_163, %dma_start3A_169] : memref<2x128xi32, #tpu.memory_space<vmem>> -> memref<1x128xi32, #tpu.memory_space<vmem>>
        %dma_start3A_171 = tpu.memref_squeeze %dma_start3A_170 : memref<1x128xi32, #tpu.memory_space<vmem>> -> memref<128xi32, #tpu.memory_space<vmem>>
        %dma_start3A_172 = arith.constant 0 : i32
        %dma_start3A_173 = arith.constant 0 : i32
        %dma_start3A_174 = tpu.memref_slice %arg2[%dma_start3A_172, %dma_start3A_173] : memref<10000x128xf32, #tpu.memory_space<hbm>> -> memref<10000x128xf32, #tpu.memory_space<hbm>>
        tpu.enqueue_indirect_dma source(%dma_start3A_174 : memref<10000x128xf32, #tpu.memory_space<hbm>>) target(%dma_start3A_168 : memref<128x128xf32, #tpu.memory_space<vmem>>) offsets(%dma_start3A_171 : memref<128xi32, #tpu.memory_space<vmem>>) semaphore(%arg12 : memref<!tpu.dma_semaphore, #tpu.memory_space<semaphore_mem>>)
      } else {
      }
      %dma_wait3A = arith.constant 0 : i32
      %dma_wait3A_124 = arith.constant 0 : i32
      %dma_wait3A_125 = arith.constant 0 : i32
      %dma_wait3A_126 = tpu.memref_slice %arg9[%dma_wait3A, %dma_wait3A_124, %dma_wait3A_125] : memref<2x128x128xf32, #tpu.memory_space<vmem>> -> memref<1x128x128xf32, #tpu.memory_space<vmem>>
      %dma_wait3A_127 = tpu.memref_squeeze %dma_wait3A_126 : memref<1x128x128xf32, #tpu.memory_space<vmem>> -> memref<128x128xf32, #tpu.memory_space<vmem>>
      %dma_wait3A_128 = arith.constant 0 : i32
      %dma_wait3A_129 = arith.constant 0 : i32
      %dma_wait3A_130 = tpu.memref_slice %arg9[%dma_wait3A, %dma_wait3A_128, %dma_wait3A_129] : memref<2x128x128xf32, #tpu.memory_space<vmem>> -> memref<1x128x128xf32, #tpu.memory_space<vmem>>
      %dma_wait3A_131 = tpu.memref_squeeze %dma_wait3A_130 : memref<1x128x128xf32, #tpu.memory_space<vmem>> -> memref<128x128xf32, #tpu.memory_space<vmem>>
      tpu.wait_dma2 semaphore(%arg11 : memref<!tpu.dma_semaphore, #tpu.memory_space<semaphore_mem>>) src(%arg3 : memref<128x128xf32, #tpu.memory_space<hbm>>) dst(%dma_wait3A_131 : memref<128x128xf32, #tpu.memory_space<vmem>>)
      %run_scoped3A_132 = arith.constant 0 : i32
      %run_scoped3A_133 = arith.constant 0 : i32
      "tpu.region"() ({
        %run_scoped3A_156 = tpu.sem_alloc : memref<!tpu.dma_semaphore, #tpu.memory_space<semaphore_mem>>
        %dma_start3A_157 = arith.constant 0 : i32
        %dma_start3A_158 = arith.constant 0 : i32
        %dma_start3A_159 = tpu.memref_slice %arg9[%run_scoped3A_132, %dma_start3A_157, %dma_start3A_158] : memref<2x128x128xf32, #tpu.memory_space<vmem>> -> memref<1x128x128xf32, #tpu.memory_space<vmem>>
        %dma_start3A_160 = tpu.memref_squeeze %dma_start3A_159 : memref<1x128x128xf32, #tpu.memory_space<vmem>> -> memref<128x128xf32, #tpu.memory_space<vmem>>
        %dma_start3A_161 = arith.constant 0 : i32
        %dma_start3A_162 = tpu.memref_slice %arg8[%run_scoped3A_133, %dma_start3A_161] : memref<2x128xi32, #tpu.memory_space<vmem>> -> memref<1x128xi32, #tpu.memory_space<vmem>>
        %dma_start3A_163 = tpu.memref_squeeze %dma_start3A_162 : memref<1x128xi32, #tpu.memory_space<vmem>> -> memref<128xi32, #tpu.memory_space<vmem>>
        %dma_start3A_164 = arith.constant 0 : i32
        %dma_start3A_165 = arith.constant 0 : i32
        %dma_start3A_166 = tpu.memref_slice %arg10[%dma_start3A_164, %dma_start3A_165] : memref<10112x128xf32, #tpu.memory_space<vmem_shared>> -> memref<10112x128xf32, #tpu.memory_space<vmem_shared>>
        tpu.enqueue_indirect_dma source(%dma_start3A_160 : memref<128x128xf32, #tpu.memory_space<vmem>>) target(%dma_start3A_166 : memref<10112x128xf32, #tpu.memory_space<vmem_shared>>) offsets(%dma_start3A_163 : memref<128xi32, #tpu.memory_space<vmem>>) semaphore(%run_scoped3A_156 : memref<!tpu.dma_semaphore, #tpu.memory_space<semaphore_mem>>) {add = true}
        %dma_wait3A_167 = arith.constant 0 : i32
        %dma_wait3A_168 = arith.constant 0 : i32
        %dma_wait3A_169 = tpu.memref_slice %arg9[%run_scoped3A_132, %dma_wait3A_167, %dma_wait3A_168] : memref<2x128x128xf32, #tpu.memory_space<vmem>> -> memref<1x128x128xf32, #tpu.memory_space<vmem>>
        %dma_wait3A_170 = tpu.memref_squeeze %dma_wait3A_169 : memref<1x128x128xf32, #tpu.memory_space<vmem>> -> memref<128x128xf32, #tpu.memory_space<vmem>>
        %dma_wait3A_171 = arith.constant 0 : i32
        %dma_wait3A_172 = tpu.memref_slice %arg8[%run_scoped3A_133, %dma_wait3A_171] : memref<2x128xi32, #tpu.memory_space<vmem>> -> memref<1x128xi32, #tpu.memory_space<vmem>>
        %dma_wait3A_173 = tpu.memref_squeeze %dma_wait3A_172 : memref<1x128xi32, #tpu.memory_space<vmem>> -> memref<128xi32, #tpu.memory_space<vmem>>
        %dma_wait3A_174 = arith.constant 0 : i32
        %dma_wait3A_175 = arith.constant 0 : i32
        %dma_wait3A_176 = tpu.memref_slice %arg10[%dma_wait3A_174, %dma_wait3A_175] : memref<10112x128xf32, #tpu.memory_space<vmem_shared>> -> memref<10112x128xf32, #tpu.memory_space<vmem_shared>>
        tpu.wait_indirect_dma semaphore(%run_scoped3A_156 : memref<!tpu.dma_semaphore, #tpu.memory_space<semaphore_mem>>) src(%dma_wait3A_170 : memref<128x128xf32, #tpu.memory_space<vmem>>) dst(%dma_wait3A_176 : memref<10112x128xf32, #tpu.memory_space<vmem_shared>>)
        tpu.yield
      }) : () -> ()
      %mul3A_134 = arith.constant 2 : i32
      %mul3A_135 = arith.muli %mul3A_134, %while3A_113 : i32
      %add3A_136 = arith.constant 1 : i32
      %add3A_137 = arith.addi %mul3A_135, %add3A_136 : i32
      %add3A_138 = arith.constant 1 : i32
      %add3A_139 = arith.addi %add3A_137, %add3A_138 : i32
      %lt3A_140 = arith.cmpi slt, %add3A_139, %select_n3A : i32
      %convert_element_type3A_141 = arith.extui %lt3A_140 : i1 to i32
      %cond3A_142 = arith.constant 0 : i32
      %cond3A_143 = arith.cmpi ne, %convert_element_type3A_141, %cond3A_142 : i32
      scf.if %cond3A_143 {
        %add3A_156 = arith.addi %select_n3A_8, %add3A_137 : i32
        %add3A_157 = arith.constant 1 : i32
        %add3A_158 = arith.addi %add3A_156, %add3A_157 : i32
        %run_scoped3A_159 = arith.constant 0 : i32
        %run_scoped3A_160 = arith.constant 0 : i32
        "tpu.region"() ({
          %run_scoped3A_175 = tpu.sem_alloc : memref<!tpu.dma_semaphore, #tpu.memory_space<semaphore_mem>>
          %dma_start3A_176 = arith.constant 0 : i32
          %dma_start3A_177 = tpu.memref_slice %arg7[%run_scoped3A_160, %dma_start3A_176] : memref<2x128xi32, #tpu.memory_space<vmem>> -> memref<1x128xi32, #tpu.memory_space<vmem>>
          %dma_start3A_178 = tpu.memref_squeeze %dma_start3A_177 : memref<1x128xi32, #tpu.memory_space<vmem>> -> memref<128xi32, #tpu.memory_space<vmem>>
          %dma_start3A_179 = arith.constant 0 : i32
          %dma_start3A_180 = tpu.memref_slice %arg4[%add3A_158, %run_scoped3A_159, %dma_start3A_179] : memref<2528x1x128xi32, #tpu.memory_space<hbm>> -> memref<1x1x128xi32, #tpu.memory_space<hbm>>
          %dma_start3A_181 = tpu.memref_squeeze %dma_start3A_180 : memref<1x1x128xi32, #tpu.memory_space<hbm>> -> memref<128xi32, #tpu.memory_space<hbm>>
          %dma_start3A_182 = arith.constant 0 : i32
          %dma_start3A_183 = tpu.memref_slice %arg7[%run_scoped3A_160, %dma_start3A_182] : memref<2x128xi32, #tpu.memory_space<vmem>> -> memref<1x128xi32, #tpu.memory_space<vmem>>
          %dma_start3A_184 = tpu.memref_squeeze %dma_start3A_183 : memref<1x128xi32, #tpu.memory_space<vmem>> -> memref<128xi32, #tpu.memory_space<vmem>>
          %dma_start3A_185 = arith.constant 0 : i32
          %dma_start3A_186 = tpu.memref_slice %arg4[%add3A_158, %run_scoped3A_159, %dma_start3A_185] : memref<2528x1x128xi32, #tpu.memory_space<hbm>> -> memref<1x1x128xi32, #tpu.memory_space<hbm>>
          %dma_start3A_187 = tpu.memref_squeeze %dma_start3A_186 : memref<1x1x128xi32, #tpu.memory_space<hbm>> -> memref<128xi32, #tpu.memory_space<hbm>>
          tpu.enqueue_dma source(%dma_start3A_187 : memref<128xi32, #tpu.memory_space<hbm>>) target(%dma_start3A_184 : memref<128xi32, #tpu.memory_space<vmem>>) target_semaphore(%run_scoped3A_175 : memref<!tpu.dma_semaphore, #tpu.memory_space<semaphore_mem>>)
          %dma_wait3A_188 = arith.constant 0 : i32
          %dma_wait3A_189 = tpu.memref_slice %arg7[%run_scoped3A_160, %dma_wait3A_188] : memref<2x128xi32, #tpu.memory_space<vmem>> -> memref<1x128xi32, #tpu.memory_space<vmem>>
          %dma_wait3A_190 = tpu.memref_squeeze %dma_wait3A_189 : memref<1x128xi32, #tpu.memory_space<vmem>> -> memref<128xi32, #tpu.memory_space<vmem>>
          %dma_wait3A_191 = arith.constant 0 : i32
          %dma_wait3A_192 = tpu.memref_slice %arg4[%add3A_158, %run_scoped3A_159, %dma_wait3A_191] : memref<2528x1x128xi32, #tpu.memory_space<hbm>> -> memref<1x1x128xi32, #tpu.memory_space<hbm>>
          %dma_wait3A_193 = tpu.memref_squeeze %dma_wait3A_192 : memref<1x1x128xi32, #tpu.memory_space<hbm>> -> memref<128xi32, #tpu.memory_space<hbm>>
          %dma_wait3A_194 = arith.constant 0 : i32
          %dma_wait3A_195 = tpu.memref_slice %arg7[%run_scoped3A_160, %dma_wait3A_194] : memref<2x128xi32, #tpu.memory_space<vmem>> -> memref<1x128xi32, #tpu.memory_space<vmem>>
          %dma_wait3A_196 = tpu.memref_squeeze %dma_wait3A_195 : memref<1x128xi32, #tpu.memory_space<vmem>> -> memref<128xi32, #tpu.memory_space<vmem>>
          %dma_wait3A_197 = arith.constant 0 : i32
          %dma_wait3A_198 = tpu.memref_slice %arg4[%add3A_158, %run_scoped3A_159, %dma_wait3A_197] : memref<2528x1x128xi32, #tpu.memory_space<hbm>> -> memref<1x1x128xi32, #tpu.memory_space<hbm>>
          %dma_wait3A_199 = tpu.memref_squeeze %dma_wait3A_198 : memref<1x1x128xi32, #tpu.memory_space<hbm>> -> memref<128xi32, #tpu.memory_space<hbm>>
          tpu.wait_dma2 semaphore(%run_scoped3A_175 : memref<!tpu.dma_semaphore, #tpu.memory_space<semaphore_mem>>) src(%dma_wait3A_199 : memref<128xi32, #tpu.memory_space<hbm>>) dst(%dma_wait3A_196 : memref<128xi32, #tpu.memory_space<vmem>>)
          tpu.yield
        }) : () -> ()
        %run_scoped3A_161 = arith.constant 0 : i32
        %run_scoped3A_162 = arith.constant 0 : i32
        "tpu.region"() ({
          %run_scoped3A_175 = tpu.sem_alloc : memref<!tpu.dma_semaphore, #tpu.memory_space<semaphore_mem>>
          %dma_start3A_176 = arith.constant 0 : i32
          %dma_start3A_177 = tpu.memref_slice %arg8[%run_scoped3A_162, %dma_start3A_176] : memref<2x128xi32, #tpu.memory_space<vmem>> -> memref<1x128xi32, #tpu.memory_space<vmem>>
          %dma_start3A_178 = tpu.memref_squeeze %dma_start3A_177 : memref<1x128xi32, #tpu.memory_space<vmem>> -> memref<128xi32, #tpu.memory_space<vmem>>
          %dma_start3A_179 = arith.constant 0 : i32
          %dma_start3A_180 = tpu.memref_slice %arg5[%add3A_158, %run_scoped3A_161, %dma_start3A_179] : memref<2528x1x128xi32, #tpu.memory_space<hbm>> -> memref<1x1x128xi32, #tpu.memory_space<hbm>>
          %dma_start3A_181 = tpu.memref_squeeze %dma_start3A_180 : memref<1x1x128xi32, #tpu.memory_space<hbm>> -> memref<128xi32, #tpu.memory_space<hbm>>
          %dma_start3A_182 = arith.constant 0 : i32
          %dma_start3A_183 = tpu.memref_slice %arg8[%run_scoped3A_162, %dma_start3A_182] : memref<2x128xi32, #tpu.memory_space<vmem>> -> memref<1x128xi32, #tpu.memory_space<vmem>>
          %dma_start3A_184 = tpu.memref_squeeze %dma_start3A_183 : memref<1x128xi32, #tpu.memory_space<vmem>> -> memref<128xi32, #tpu.memory_space<vmem>>
          %dma_start3A_185 = arith.constant 0 : i32
          %dma_start3A_186 = tpu.memref_slice %arg5[%add3A_158, %run_scoped3A_161, %dma_start3A_185] : memref<2528x1x128xi32, #tpu.memory_space<hbm>> -> memref<1x1x128xi32, #tpu.memory_space<hbm>>
          %dma_start3A_187 = tpu.memref_squeeze %dma_start3A_186 : memref<1x1x128xi32, #tpu.memory_space<hbm>> -> memref<128xi32, #tpu.memory_space<hbm>>
          tpu.enqueue_dma source(%dma_start3A_187 : memref<128xi32, #tpu.memory_space<hbm>>) target(%dma_start3A_184 : memref<128xi32, #tpu.memory_space<vmem>>) target_semaphore(%run_scoped3A_175 : memref<!tpu.dma_semaphore, #tpu.memory_space<semaphore_mem>>)
          %dma_wait3A_188 = arith.constant 0 : i32
          %dma_wait3A_189 = tpu.memref_slice %arg8[%run_scoped3A_162, %dma_wait3A_188] : memref<2x128xi32, #tpu.memory_space<vmem>> -> memref<1x128xi32, #tpu.memory_space<vmem>>
          %dma_wait3A_190 = tpu.memref_squeeze %dma_wait3A_189 : memref<1x128xi32, #tpu.memory_space<vmem>> -> memref<128xi32, #tpu.memory_space<vmem>>
          %dma_wait3A_191 = arith.constant 0 : i32
          %dma_wait3A_192 = tpu.memref_slice %arg5[%add3A_158, %run_scoped3A_161, %dma_wait3A_191] : memref<2528x1x128xi32, #tpu.memory_space<hbm>> -> memref<1x1x128xi32, #tpu.memory_space<hbm>>
          %dma_wait3A_193 = tpu.memref_squeeze %dma_wait3A_192 : memref<1x1x128xi32, #tpu.memory_space<hbm>> -> memref<128xi32, #tpu.memory_space<hbm>>
          %dma_wait3A_194 = arith.constant 0 : i32
          %dma_wait3A_195 = tpu.memref_slice %arg8[%run_scoped3A_162, %dma_wait3A_194] : memref<2x128xi32, #tpu.memory_space<vmem>> -> memref<1x128xi32, #tpu.memory_space<vmem>>
          %dma_wait3A_196 = tpu.memref_squeeze %dma_wait3A_195 : memref<1x128xi32, #tpu.memory_space<vmem>> -> memref<128xi32, #tpu.memory_space<vmem>>
          %dma_wait3A_197 = arith.constant 0 : i32
          %dma_wait3A_198 = tpu.memref_slice %arg5[%add3A_158, %run_scoped3A_161, %dma_wait3A_197] : memref<2528x1x128xi32, #tpu.memory_space<hbm>> -> memref<1x1x128xi32, #tpu.memory_space<hbm>>
          %dma_wait3A_199 = tpu.memref_squeeze %dma_wait3A_198 : memref<1x1x128xi32, #tpu.memory_space<hbm>> -> memref<128xi32, #tpu.memory_space<hbm>>
          tpu.wait_dma2 semaphore(%run_scoped3A_175 : memref<!tpu.dma_semaphore, #tpu.memory_space<semaphore_mem>>) src(%dma_wait3A_199 : memref<128xi32, #tpu.memory_space<hbm>>) dst(%dma_wait3A_196 : memref<128xi32, #tpu.memory_space<vmem>>)
          tpu.yield
        }) : () -> ()
        %dma_start3A_163 = arith.constant 0 : i32
        %dma_start3A_164 = arith.constant 0 : i32
        %dma_start3A_165 = arith.constant 0 : i32
        %dma_start3A_166 = arith.constant 0 : i32
        %dma_start3A_167 = tpu.memref_slice %arg9[%dma_start3A_164, %dma_start3A_165, %dma_start3A_166] : memref<2x128x128xf32, #tpu.memory_space<vmem>> -> memref<1x128x128xf32, #tpu.memory_space<vmem>>
        %dma_start3A_168 = tpu.memref_squeeze %dma_start3A_167 : memref<1x128x128xf32, #tpu.memory_space<vmem>> -> memref<128x128xf32, #tpu.memory_space<vmem>>
        %dma_start3A_169 = arith.constant 0 : i32
        %dma_start3A_170 = tpu.memref_slice %arg7[%dma_start3A_163, %dma_start3A_169] : memref<2x128xi32, #tpu.memory_space<vmem>> -> memref<1x128xi32, #tpu.memory_space<vmem>>
        %dma_start3A_171 = tpu.memref_squeeze %dma_start3A_170 : memref<1x128xi32, #tpu.memory_space<vmem>> -> memref<128xi32, #tpu.memory_space<vmem>>
        %dma_start3A_172 = arith.constant 0 : i32
        %dma_start3A_173 = arith.constant 0 : i32
        %dma_start3A_174 = tpu.memref_slice %arg2[%dma_start3A_172, %dma_start3A_173] : memref<10000x128xf32, #tpu.memory_space<hbm>> -> memref<10000x128xf32, #tpu.memory_space<hbm>>
        tpu.enqueue_indirect_dma source(%dma_start3A_174 : memref<10000x128xf32, #tpu.memory_space<hbm>>) target(%dma_start3A_168 : memref<128x128xf32, #tpu.memory_space<vmem>>) offsets(%dma_start3A_171 : memref<128xi32, #tpu.memory_space<vmem>>) semaphore(%arg11 : memref<!tpu.dma_semaphore, #tpu.memory_space<semaphore_mem>>)
      } else {
      }
      %dma_wait3A_144 = arith.constant 1 : i32
      %dma_wait3A_145 = arith.constant 0 : i32
      %dma_wait3A_146 = arith.constant 0 : i32
      %dma_wait3A_147 = tpu.memref_slice %arg9[%dma_wait3A_144, %dma_wait3A_145, %dma_wait3A_146] : memref<2x128x128xf32, #tpu.memory_space<vmem>> -> memref<1x128x128xf32, #tpu.memory_space<vmem>>
      %dma_wait3A_148 = tpu.memref_squeeze %dma_wait3A_147 : memref<1x128x128xf32, #tpu.memory_space<vmem>> -> memref<128x128xf32, #tpu.memory_space<vmem>>
      %dma_wait3A_149 = arith.constant 0 : i32
      %dma_wait3A_150 = arith.constant 0 : i32
      %dma_wait3A_151 = tpu.memref_slice %arg9[%dma_wait3A_144, %dma_wait3A_149, %dma_wait3A_150] : memref<2x128x128xf32, #tpu.memory_space<vmem>> -> memref<1x128x128xf32, #tpu.memory_space<vmem>>
      %dma_wait3A_152 = tpu.memref_squeeze %dma_wait3A_151 : memref<1x128x128xf32, #tpu.memory_space<vmem>> -> memref<128x128xf32, #tpu.memory_space<vmem>>
      tpu.wait_dma2 semaphore(%arg12 : memref<!tpu.dma_semaphore, #tpu.memory_space<semaphore_mem>>) src(%arg3 : memref<128x128xf32, #tpu.memory_space<hbm>>) dst(%dma_wait3A_152 : memref<128x128xf32, #tpu.memory_space<vmem>>)
      %run_scoped3A_153 = arith.constant 1 : i32
      %run_scoped3A_154 = arith.constant 1 : i32
      "tpu.region"() ({
        %run_scoped3A_156 = tpu.sem_alloc : memref<!tpu.dma_semaphore, #tpu.memory_space<semaphore_mem>>
        %dma_start3A_157 = arith.constant 0 : i32
        %dma_start3A_158 = arith.constant 0 : i32
        %dma_start3A_159 = tpu.memref_slice %arg9[%run_scoped3A_153, %dma_start3A_157, %dma_start3A_158] : memref<2x128x128xf32, #tpu.memory_space<vmem>> -> memref<1x128x128xf32, #tpu.memory_space<vmem>>
        %dma_start3A_160 = tpu.memref_squeeze %dma_start3A_159 : memref<1x128x128xf32, #tpu.memory_space<vmem>> -> memref<128x128xf32, #tpu.memory_space<vmem>>
        %dma_start3A_161 = arith.constant 0 : i32
        %dma_start3A_162 = tpu.memref_slice %arg8[%run_scoped3A_154, %dma_start3A_161] : memref<2x128xi32, #tpu.memory_space<vmem>> -> memref<1x128xi32, #tpu.memory_space<vmem>>
        %dma_start3A_163 = tpu.memref_squeeze %dma_start3A_162 : memref<1x128xi32, #tpu.memory_space<vmem>> -> memref<128xi32, #tpu.memory_space<vmem>>
        %dma_start3A_164 = arith.constant 0 : i32
        %dma_start3A_165 = arith.constant 0 : i32
        %dma_start3A_166 = tpu.memref_slice %arg10[%dma_start3A_164, %dma_start3A_165] : memref<10112x128xf32, #tpu.memory_space<vmem_shared>> -> memref<10112x128xf32, #tpu.memory_space<vmem_shared>>
        tpu.enqueue_indirect_dma source(%dma_start3A_160 : memref<128x128xf32, #tpu.memory_space<vmem>>) target(%dma_start3A_166 : memref<10112x128xf32, #tpu.memory_space<vmem_shared>>) offsets(%dma_start3A_163 : memref<128xi32, #tpu.memory_space<vmem>>) semaphore(%run_scoped3A_156 : memref<!tpu.dma_semaphore, #tpu.memory_space<semaphore_mem>>) {add = true}
        %dma_wait3A_167 = arith.constant 0 : i32
        %dma_wait3A_168 = arith.constant 0 : i32
        %dma_wait3A_169 = tpu.memref_slice %arg9[%run_scoped3A_153, %dma_wait3A_167, %dma_wait3A_168] : memref<2x128x128xf32, #tpu.memory_space<vmem>> -> memref<1x128x128xf32, #tpu.memory_space<vmem>>
        %dma_wait3A_170 = tpu.memref_squeeze %dma_wait3A_169 : memref<1x128x128xf32, #tpu.memory_space<vmem>> -> memref<128x128xf32, #tpu.memory_space<vmem>>
        %dma_wait3A_171 = arith.constant 0 : i32
        %dma_wait3A_172 = tpu.memref_slice %arg8[%run_scoped3A_154, %dma_wait3A_171] : memref<2x128xi32, #tpu.memory_space<vmem>> -> memref<1x128xi32, #tpu.memory_space<vmem>>
        %dma_wait3A_173 = tpu.memref_squeeze %dma_wait3A_172 : memref<1x128xi32, #tpu.memory_space<vmem>> -> memref<128xi32, #tpu.memory_space<vmem>>
        %dma_wait3A_174 = arith.constant 0 : i32
        %dma_wait3A_175 = arith.constant 0 : i32
        %dma_wait3A_176 = tpu.memref_slice %arg10[%dma_wait3A_174, %dma_wait3A_175] : memref<10112x128xf32, #tpu.memory_space<vmem_shared>> -> memref<10112x128xf32, #tpu.memory_space<vmem_shared>>
        tpu.wait_indirect_dma semaphore(%run_scoped3A_156 : memref<!tpu.dma_semaphore, #tpu.memory_space<semaphore_mem>>) src(%dma_wait3A_170 : memref<128x128xf32, #tpu.memory_space<vmem>>) dst(%dma_wait3A_176 : memref<10112x128xf32, #tpu.memory_space<vmem_shared>>)
        tpu.yield
      }) : () -> ()
      %while3A_155 = arith.constant 0 : i32
      scf.yield %while3A_155 : i32
    }
    %barrier3A_78 = arith.constant 0 : index
    tpu.barrier barrier_id(%barrier3A_78)
    %mul3A_79 = arith.constant 624 : i32
    %mul3A_80 = arith.muli %arg1, %mul3A_79 : i32
    %add3A_81 = arith.constant 0 : i32
    %add3A_82 = arith.addi %mul3A_80, %add3A_81 : i32
    %run_scoped3A_83 = arith.constant 0 : i32
    "tpu.region"() ({
      %run_scoped3A_113 = tpu.sem_alloc : memref<!tpu.dma_semaphore, #tpu.memory_space<semaphore_mem>>
      %dma_start3A_114 = arith.constant 0 : i32
      %dma_start3A_115 = arith.constant 0 : i32
      %dma_start3A_116 = tpu.memref_slice %arg9[%run_scoped3A_83, %dma_start3A_114, %dma_start3A_115] : memref<2x128x128xf32, #tpu.memory_space<vmem>> -> memref<1x128x128xf32, #tpu.memory_space<vmem>>
      %dma_start3A_117 = tpu.memref_squeeze %dma_start3A_116 : memref<1x128x128xf32, #tpu.memory_space<vmem>> -> memref<128x128xf32, #tpu.memory_space<vmem>>
      %dma_start3A_118 = arith.constant 0 : i32
      %dma_start3A_119 = arith.constant 0 : i32
      %dma_start3A_120 = tpu.memref_slice %dma_start3A_117[%dma_start3A_118, %dma_start3A_119] : memref<128x128xf32, #tpu.memory_space<vmem>> -> memref<128x128xf32, #tpu.memory_space<vmem>>
      %dma_start3A_121 = arith.constant 0 : i32
      %dma_start3A_122 = tpu.memref_slice %arg10[%add3A_82, %dma_start3A_121] : memref<10112x128xf32, #tpu.memory_space<vmem_shared>> -> memref<128x128xf32, #tpu.memory_space<vmem_shared>>
      %dma_start3A_123 = arith.constant 0 : i32
      %dma_start3A_124 = arith.constant 0 : i32
      %dma_start3A_125 = tpu.memref_slice %arg9[%run_scoped3A_83, %dma_start3A_123, %dma_start3A_124] : memref<2x128x128xf32, #tpu.memory_space<vmem>> -> memref<1x128x128xf32, #tpu.memory_space<vmem>>
      %dma_start3A_126 = tpu.memref_squeeze %dma_start3A_125 : memref<1x128x128xf32, #tpu.memory_space<vmem>> -> memref<128x128xf32, #tpu.memory_space<vmem>>
      %dma_start3A_127 = arith.constant 0 : i32
      %dma_start3A_128 = arith.constant 0 : i32
      %dma_start3A_129 = tpu.memref_slice %dma_start3A_126[%dma_start3A_127, %dma_start3A_128] : memref<128x128xf32, #tpu.memory_space<vmem>> -> memref<128x128xf32, #tpu.memory_space<vmem>>
      %dma_start3A_130 = arith.constant 0 : i32
      %dma_start3A_131 = tpu.memref_slice %arg10[%add3A_82, %dma_start3A_130] : memref<10112x128xf32, #tpu.memory_space<vmem_shared>> -> memref<128x128xf32, #tpu.memory_space<vmem_shared>>
      tpu.enqueue_dma source(%dma_start3A_131 : memref<128x128xf32, #tpu.memory_space<vmem_shared>>) target(%dma_start3A_129 : memref<128x128xf32, #tpu.memory_space<vmem>>) target_semaphore(%run_scoped3A_113 : memref<!tpu.dma_semaphore, #tpu.memory_space<semaphore_mem>>)
      %dma_wait3A = arith.constant 0 : i32
      %dma_wait3A_132 = arith.constant 0 : i32
      %dma_wait3A_133 = tpu.memref_slice %arg9[%run_scoped3A_83, %dma_wait3A, %dma_wait3A_132] : memref<2x128x128xf32, #tpu.memory_space<vmem>> -> memref<1x128x128xf32, #tpu.memory_space<vmem>>
      %dma_wait3A_134 = tpu.memref_squeeze %dma_wait3A_133 : memref<1x128x128xf32, #tpu.memory_space<vmem>> -> memref<128x128xf32, #tpu.memory_space<vmem>>
      %dma_wait3A_135 = arith.constant 0 : i32
      %dma_wait3A_136 = arith.constant 0 : i32
      %dma_wait3A_137 = tpu.memref_slice %dma_wait3A_134[%dma_wait3A_135, %dma_wait3A_136] : memref<128x128xf32, #tpu.memory_space<vmem>> -> memref<128x128xf32, #tpu.memory_space<vmem>>
      %dma_wait3A_138 = arith.constant 0 : i32
      %dma_wait3A_139 = tpu.memref_slice %arg10[%add3A_82, %dma_wait3A_138] : memref<10112x128xf32, #tpu.memory_space<vmem_shared>> -> memref<128x128xf32, #tpu.memory_space<vmem_shared>>
      %dma_wait3A_140 = arith.constant 0 : i32
      %dma_wait3A_141 = arith.constant 0 : i32
      %dma_wait3A_142 = tpu.memref_slice %arg9[%run_scoped3A_83, %dma_wait3A_140, %dma_wait3A_141] : memref<2x128x128xf32, #tpu.memory_space<vmem>> -> memref<1x128x128xf32, #tpu.memory_space<vmem>>
      %dma_wait3A_143 = tpu.memref_squeeze %dma_wait3A_142 : memref<1x128x128xf32, #tpu.memory_space<vmem>> -> memref<128x128xf32, #tpu.memory_space<vmem>>
      %dma_wait3A_144 = arith.constant 0 : i32
      %dma_wait3A_145 = arith.constant 0 : i32
      %dma_wait3A_146 = tpu.memref_slice %dma_wait3A_143[%dma_wait3A_144, %dma_wait3A_145] : memref<128x128xf32, #tpu.memory_space<vmem>> -> memref<128x128xf32, #tpu.memory_space<vmem>>
      %dma_wait3A_147 = arith.constant 0 : i32
      %dma_wait3A_148 = tpu.memref_slice %arg10[%add3A_82, %dma_wait3A_147] : memref<10112x128xf32, #tpu.memory_space<vmem_shared>> -> memref<128x128xf32, #tpu.memory_space<vmem_shared>>
      tpu.wait_dma2 semaphore(%run_scoped3A_113 : memref<!tpu.dma_semaphore, #tpu.memory_space<semaphore_mem>>) src(%dma_wait3A_148 : memref<128x128xf32, #tpu.memory_space<vmem_shared>>) dst(%dma_wait3A_146 : memref<128x128xf32, #tpu.memory_space<vmem>>)
      tpu.yield
    }) : () -> ()
    %run_scoped3A_84 = arith.constant 0 : i32
    "tpu.region"() ({
      %run_scoped3A_113 = tpu.sem_alloc : memref<!tpu.dma_semaphore, #tpu.memory_space<semaphore_mem>>
      %dma_start3A_114 = arith.constant 0 : i32
      %dma_start3A_115 = arith.constant 0 : i32
      %dma_start3A_116 = tpu.memref_slice %arg9[%run_scoped3A_84, %dma_start3A_114, %dma_start3A_115] : memref<2x128x128xf32, #tpu.memory_space<vmem>> -> memref<1x128x128xf32, #tpu.memory_space<vmem>>
      %dma_start3A_117 = tpu.memref_squeeze %dma_start3A_116 : memref<1x128x128xf32, #tpu.memory_space<vmem>> -> memref<128x128xf32, #tpu.memory_space<vmem>>
      %dma_start3A_118 = arith.constant 0 : i32
      %dma_start3A_119 = arith.constant 0 : i32
      %dma_start3A_120 = tpu.memref_slice %dma_start3A_117[%dma_start3A_118, %dma_start3A_119] : memref<128x128xf32, #tpu.memory_space<vmem>> -> memref<128x128xf32, #tpu.memory_space<vmem>>
      %dma_start3A_121 = arith.constant 0 : i32
      %dma_start3A_122 = arith.constant 0 : i32
      %dma_start3A_123 = tpu.memref_slice %arg6[%arg0, %dma_start3A_121, %dma_start3A_122] : memref<2x10000x128xf32, #tpu.memory_space<hbm>> -> memref<1x10000x128xf32, #tpu.memory_space<hbm>>
      %dma_start3A_124 = tpu.memref_squeeze %dma_start3A_123 : memref<1x10000x128xf32, #tpu.memory_space<hbm>> -> memref<10000x128xf32, #tpu.memory_space<hbm>>
      %dma_start3A_125 = arith.constant 0 : i32
      %dma_start3A_126 = tpu.memref_slice %dma_start3A_124[%add3A_82, %dma_start3A_125] : memref<10000x128xf32, #tpu.memory_space<hbm>> -> memref<128x128xf32, #tpu.memory_space<hbm>>
      %dma_start3A_127 = arith.constant 0 : i32
      %dma_start3A_128 = arith.constant 0 : i32
      %dma_start3A_129 = tpu.memref_slice %arg6[%arg0, %dma_start3A_127, %dma_start3A_128] : memref<2x10000x128xf32, #tpu.memory_space<hbm>> -> memref<1x10000x128xf32, #tpu.memory_space<hbm>>
      %dma_start3A_130 = tpu.memref_squeeze %dma_start3A_129 : memref<1x10000x128xf32, #tpu.memory_space<hbm>> -> memref<10000x128xf32, #tpu.memory_space<hbm>>
      %dma_start3A_131 = arith.constant 0 : i32
      %dma_start3A_132 = tpu.memref_slice %dma_start3A_130[%add3A_82, %dma_start3A_131] : memref<10000x128xf32, #tpu.memory_space<hbm>> -> memref<128x128xf32, #tpu.memory_space<hbm>>
      %dma_start3A_133 = arith.constant 0 : i32
      %dma_start3A_134 = arith.constant 0 : i32
      %dma_start3A_135 = tpu.memref_slice %arg9[%run_scoped3A_84, %dma_start3A_133, %dma_start3A_134] : memref<2x128x128xf32, #tpu.memory_space<vmem>> -> memref<1x128x128xf32, #tpu.memory_space<vmem>>
      %dma_start3A_136 = tpu.memref_squeeze %dma_start3A_135 : memref<1x128x128xf32, #tpu.memory_space<vmem>> -> memref<128x128xf32, #tpu.memory_space<vmem>>
      %dma_start3A_137 = arith.constant 0 : i32
      %dma_start3A_138 = arith.constant 0 : i32
      %dma_start3A_139 = tpu.memref_slice %dma_start3A_136[%dma_start3A_137, %dma_start3A_138] : memref<128x128xf32, #tpu.memory_space<vmem>> -> memref<128x128xf32, #tpu.memory_space<vmem>>
      tpu.enqueue_dma source(%dma_start3A_139 : memref<128x128xf32, #tpu.memory_space<vmem>>) target(%dma_start3A_132 : memref<128x128xf32, #tpu.memory_space<hbm>>) target_semaphore(%run_scoped3A_113 : memref<!tpu.dma_semaphore, #tpu.memory_space<semaphore_mem>>)
      %dma_wait3A = arith.constant 0 : i32
      %dma_wait3A_140 = arith.constant 0 : i32
      %dma_wait3A_141 = tpu.memref_slice %arg9[%run_scoped3A_84, %dma_wait3A, %dma_wait3A_140] : memref<2x128x128xf32, #tpu.memory_space<vmem>> -> memref<1x128x128xf32, #tpu.memory_space<vmem>>
      %dma_wait3A_142 = tpu.memref_squeeze %dma_wait3A_141 : memref<1x128x128xf32, #tpu.memory_space<vmem>> -> memref<128x128xf32, #tpu.memory_space<vmem>>
      %dma_wait3A_143 = arith.constant 0 : i32
      %dma_wait3A_144 = arith.constant 0 : i32
      %dma_wait3A_145 = tpu.memref_slice %dma_wait3A_142[%dma_wait3A_143, %dma_wait3A_144] : memref<128x128xf32, #tpu.memory_space<vmem>> -> memref<128x128xf32, #tpu.memory_space<vmem>>
      %dma_wait3A_146 = arith.constant 0 : i32
      %dma_wait3A_147 = arith.constant 0 : i32
      %dma_wait3A_148 = tpu.memref_slice %arg6[%arg0, %dma_wait3A_146, %dma_wait3A_147] : memref<2x10000x128xf32, #tpu.memory_space<hbm>> -> memref<1x10000x128xf32, #tpu.memory_space<hbm>>
      %dma_wait3A_149 = tpu.memref_squeeze %dma_wait3A_148 : memref<1x10000x128xf32, #tpu.memory_space<hbm>> -> memref<10000x128xf32, #tpu.memory_space<hbm>>
      %dma_wait3A_150 = arith.constant 0 : i32
      %dma_wait3A_151 = tpu.memref_slice %dma_wait3A_149[%add3A_82, %dma_wait3A_150] : memref<10000x128xf32, #tpu.memory_space<hbm>> -> memref<128x128xf32, #tpu.memory_space<hbm>>
      %dma_wait3A_152 = arith.constant 0 : i32
      %dma_wait3A_153 = arith.constant 0 : i32
      %dma_wait3A_154 = tpu.memref_slice %arg6[%arg0, %dma_wait3A_152, %dma_wait3A_153] : memref<2x10000x128xf32, #tpu.memory_space<hbm>> -> memref<1x10000x128xf32, #tpu.memory_space<hbm>>
      %dma_wait3A_155 = tpu.memref_squeeze %dma_wait3A_154 : memref<1x10000x128xf32, #tpu.memory_space<hbm>> -> memref<10000x128xf32, #tpu.memory_space<hbm>>
      %dma_wait3A_156 = arith.constant 0 : i32
      %dma_wait3A_157 = tpu.memref_slice %dma_wait3A_155[%add3A_82, %dma_wait3A_156] : memref<10000x128xf32, #tpu.memory_space<hbm>> -> memref<128x128xf32, #tpu.memory_space<hbm>>
      %dma_wait3A_158 = arith.constant 0 : i32
      %dma_wait3A_159 = arith.constant 0 : i32
      %dma_wait3A_160 = tpu.memref_slice %arg9[%run_scoped3A_84, %dma_wait3A_158, %dma_wait3A_159] : memref<2x128x128xf32, #tpu.memory_space<vmem>> -> memref<1x128x128xf32, #tpu.memory_space<vmem>>
      %dma_wait3A_161 = tpu.memref_squeeze %dma_wait3A_160 : memref<1x128x128xf32, #tpu.memory_space<vmem>> -> memref<128x128xf32, #tpu.memory_space<vmem>>
      %dma_wait3A_162 = arith.constant 0 : i32
      %dma_wait3A_163 = arith.constant 0 : i32
      %dma_wait3A_164 = tpu.memref_slice %dma_wait3A_161[%dma_wait3A_162, %dma_wait3A_163] : memref<128x128xf32, #tpu.memory_space<vmem>> -> memref<128x128xf32, #tpu.memory_space<vmem>>
      tpu.wait_dma2 semaphore(%run_scoped3A_113 : memref<!tpu.dma_semaphore, #tpu.memory_space<semaphore_mem>>) src(%dma_wait3A_164 : memref<128x128xf32, #tpu.memory_space<vmem>>) dst(%dma_wait3A_157 : memref<128x128xf32, #tpu.memory_space<hbm>>)
      tpu.yield
    }) : () -> ()
    %mul3A_85 = arith.constant 624 : i32
    %mul3A_86 = arith.muli %arg1, %mul3A_85 : i32
    %add3A_87 = arith.constant 128 : i32
    %add3A_88 = arith.addi %mul3A_86, %add3A_87 : i32
    %run_scoped3A_89 = arith.constant 0 : i32
    "tpu.region"() ({
      %run_scoped3A_113 = tpu.sem_alloc : memref<!tpu.dma_semaphore, #tpu.memory_space<semaphore_mem>>
      %dma_start3A_114 = arith.constant 0 : i32
      %dma_start3A_115 = arith.constant 0 : i32
      %dma_start3A_116 = tpu.memref_slice %arg9[%run_scoped3A_89, %dma_start3A_114, %dma_start3A_115] : memref<2x128x128xf32, #tpu.memory_space<vmem>> -> memref<1x128x128xf32, #tpu.memory_space<vmem>>
      %dma_start3A_117 = tpu.memref_squeeze %dma_start3A_116 : memref<1x128x128xf32, #tpu.memory_space<vmem>> -> memref<128x128xf32, #tpu.memory_space<vmem>>
      %dma_start3A_118 = arith.constant 0 : i32
      %dma_start3A_119 = arith.constant 0 : i32
      %dma_start3A_120 = tpu.memref_slice %dma_start3A_117[%dma_start3A_118, %dma_start3A_119] : memref<128x128xf32, #tpu.memory_space<vmem>> -> memref<128x128xf32, #tpu.memory_space<vmem>>
      %dma_start3A_121 = arith.constant 0 : i32
      %dma_start3A_122 = tpu.memref_slice %arg10[%add3A_88, %dma_start3A_121] : memref<10112x128xf32, #tpu.memory_space<vmem_shared>> -> memref<128x128xf32, #tpu.memory_space<vmem_shared>>
      %dma_start3A_123 = arith.constant 0 : i32
      %dma_start3A_124 = arith.constant 0 : i32
      %dma_start3A_125 = tpu.memref_slice %arg9[%run_scoped3A_89, %dma_start3A_123, %dma_start3A_124] : memref<2x128x128xf32, #tpu.memory_space<vmem>> -> memref<1x128x128xf32, #tpu.memory_space<vmem>>
      %dma_start3A_126 = tpu.memref_squeeze %dma_start3A_125 : memref<1x128x128xf32, #tpu.memory_space<vmem>> -> memref<128x128xf32, #tpu.memory_space<vmem>>
      %dma_start3A_127 = arith.constant 0 : i32
      %dma_start3A_128 = arith.constant 0 : i32
      %dma_start3A_129 = tpu.memref_slice %dma_start3A_126[%dma_start3A_127, %dma_start3A_128] : memref<128x128xf32, #tpu.memory_space<vmem>> -> memref<128x128xf32, #tpu.memory_space<vmem>>
      %dma_start3A_130 = arith.constant 0 : i32
      %dma_start3A_131 = tpu.memref_slice %arg10[%add3A_88, %dma_start3A_130] : memref<10112x128xf32, #tpu.memory_space<vmem_shared>> -> memref<128x128xf32, #tpu.memory_space<vmem_shared>>
      tpu.enqueue_dma source(%dma_start3A_131 : memref<128x128xf32, #tpu.memory_space<vmem_shared>>) target(%dma_start3A_129 : memref<128x128xf32, #tpu.memory_space<vmem>>) target_semaphore(%run_scoped3A_113 : memref<!tpu.dma_semaphore, #tpu.memory_space<semaphore_mem>>)
      %dma_wait3A = arith.constant 0 : i32
      %dma_wait3A_132 = arith.constant 0 : i32
      %dma_wait3A_133 = tpu.memref_slice %arg9[%run_scoped3A_89, %dma_wait3A, %dma_wait3A_132] : memref<2x128x128xf32, #tpu.memory_space<vmem>> -> memref<1x128x128xf32, #tpu.memory_space<vmem>>
      %dma_wait3A_134 = tpu.memref_squeeze %dma_wait3A_133 : memref<1x128x128xf32, #tpu.memory_space<vmem>> -> memref<128x128xf32, #tpu.memory_space<vmem>>
      %dma_wait3A_135 = arith.constant 0 : i32
      %dma_wait3A_136 = arith.constant 0 : i32
      %dma_wait3A_137 = tpu.memref_slice %dma_wait3A_134[%dma_wait3A_135, %dma_wait3A_136] : memref<128x128xf32, #tpu.memory_space<vmem>> -> memref<128x128xf32, #tpu.memory_space<vmem>>
      %dma_wait3A_138 = arith.constant 0 : i32
      %dma_wait3A_139 = tpu.memref_slice %arg10[%add3A_88, %dma_wait3A_138] : memref<10112x128xf32, #tpu.memory_space<vmem_shared>> -> memref<128x128xf32, #tpu.memory_space<vmem_shared>>
      %dma_wait3A_140 = arith.constant 0 : i32
      %dma_wait3A_141 = arith.constant 0 : i32
      %dma_wait3A_142 = tpu.memref_slice %arg9[%run_scoped3A_89, %dma_wait3A_140, %dma_wait3A_141] : memref<2x128x128xf32, #tpu.memory_space<vmem>> -> memref<1x128x128xf32, #tpu.memory_space<vmem>>
      %dma_wait3A_143 = tpu.memref_squeeze %dma_wait3A_142 : memref<1x128x128xf32, #tpu.memory_space<vmem>> -> memref<128x128xf32, #tpu.memory_space<vmem>>
      %dma_wait3A_144 = arith.constant 0 : i32
      %dma_wait3A_145 = arith.constant 0 : i32
      %dma_wait3A_146 = tpu.memref_slice %dma_wait3A_143[%dma_wait3A_144, %dma_wait3A_145] : memref<128x128xf32, #tpu.memory_space<vmem>> -> memref<128x128xf32, #tpu.memory_space<vmem>>
      %dma_wait3A_147 = arith.constant 0 : i32
      %dma_wait3A_148 = tpu.memref_slice %arg10[%add3A_88, %dma_wait3A_147] : memref<10112x128xf32, #tpu.memory_space<vmem_shared>> -> memref<128x128xf32, #tpu.memory_space<vmem_shared>>
      tpu.wait_dma2 semaphore(%run_scoped3A_113 : memref<!tpu.dma_semaphore, #tpu.memory_space<semaphore_mem>>) src(%dma_wait3A_148 : memref<128x128xf32, #tpu.memory_space<vmem_shared>>) dst(%dma_wait3A_146 : memref<128x128xf32, #tpu.memory_space<vmem>>)
      tpu.yield
    }) : () -> ()
    %run_scoped3A_90 = arith.constant 0 : i32
    "tpu.region"() ({
      %run_scoped3A_113 = tpu.sem_alloc : memref<!tpu.dma_semaphore, #tpu.memory_space<semaphore_mem>>
      %dma_start3A_114 = arith.constant 0 : i32
      %dma_start3A_115 = arith.constant 0 : i32
      %dma_start3A_116 = tpu.memref_slice %arg9[%run_scoped3A_90, %dma_start3A_114, %dma_start3A_115] : memref<2x128x128xf32, #tpu.memory_space<vmem>> -> memref<1x128x128xf32, #tpu.memory_space<vmem>>
      %dma_start3A_117 = tpu.memref_squeeze %dma_start3A_116 : memref<1x128x128xf32, #tpu.memory_space<vmem>> -> memref<128x128xf32, #tpu.memory_space<vmem>>
      %dma_start3A_118 = arith.constant 0 : i32
      %dma_start3A_119 = arith.constant 0 : i32
      %dma_start3A_120 = tpu.memref_slice %dma_start3A_117[%dma_start3A_118, %dma_start3A_119] : memref<128x128xf32, #tpu.memory_space<vmem>> -> memref<128x128xf32, #tpu.memory_space<vmem>>
      %dma_start3A_121 = arith.constant 0 : i32
      %dma_start3A_122 = arith.constant 0 : i32
      %dma_start3A_123 = tpu.memref_slice %arg6[%arg0, %dma_start3A_121, %dma_start3A_122] : memref<2x10000x128xf32, #tpu.memory_space<hbm>> -> memref<1x10000x128xf32, #tpu.memory_space<hbm>>
      %dma_start3A_124 = tpu.memref_squeeze %dma_start3A_123 : memref<1x10000x128xf32, #tpu.memory_space<hbm>> -> memref<10000x128xf32, #tpu.memory_space<hbm>>
      %dma_start3A_125 = arith.constant 0 : i32
      %dma_start3A_126 = tpu.memref_slice %dma_start3A_124[%add3A_88, %dma_start3A_125] : memref<10000x128xf32, #tpu.memory_space<hbm>> -> memref<128x128xf32, #tpu.memory_space<hbm>>
      %dma_start3A_127 = arith.constant 0 : i32
      %dma_start3A_128 = arith.constant 0 : i32
      %dma_start3A_129 = tpu.memref_slice %arg6[%arg0, %dma_start3A_127, %dma_start3A_128] : memref<2x10000x128xf32, #tpu.memory_space<hbm>> -> memref<1x10000x128xf32, #tpu.memory_space<hbm>>
      %dma_start3A_130 = tpu.memref_squeeze %dma_start3A_129 : memref<1x10000x128xf32, #tpu.memory_space<hbm>> -> memref<10000x128xf32, #tpu.memory_space<hbm>>
      %dma_start3A_131 = arith.constant 0 : i32
      %dma_start3A_132 = tpu.memref_slice %dma_start3A_130[%add3A_88, %dma_start3A_131] : memref<10000x128xf32, #tpu.memory_space<hbm>> -> memref<128x128xf32, #tpu.memory_space<hbm>>
      %dma_start3A_133 = arith.constant 0 : i32
      %dma_start3A_134 = arith.constant 0 : i32
      %dma_start3A_135 = tpu.memref_slice %arg9[%run_scoped3A_90, %dma_start3A_133, %dma_start3A_134] : memref<2x128x128xf32, #tpu.memory_space<vmem>> -> memref<1x128x128xf32, #tpu.memory_space<vmem>>
      %dma_start3A_136 = tpu.memref_squeeze %dma_start3A_135 : memref<1x128x128xf32, #tpu.memory_space<vmem>> -> memref<128x128xf32, #tpu.memory_space<vmem>>
      %dma_start3A_137 = arith.constant 0 : i32
      %dma_start3A_138 = arith.constant 0 : i32
      %dma_start3A_139 = tpu.memref_slice %dma_start3A_136[%dma_start3A_137, %dma_start3A_138] : memref<128x128xf32, #tpu.memory_space<vmem>> -> memref<128x128xf32, #tpu.memory_space<vmem>>
      tpu.enqueue_dma source(%dma_start3A_139 : memref<128x128xf32, #tpu.memory_space<vmem>>) target(%dma_start3A_132 : memref<128x128xf32, #tpu.memory_space<hbm>>) target_semaphore(%run_scoped3A_113 : memref<!tpu.dma_semaphore, #tpu.memory_space<semaphore_mem>>)
      %dma_wait3A = arith.constant 0 : i32
      %dma_wait3A_140 = arith.constant 0 : i32
      %dma_wait3A_141 = tpu.memref_slice %arg9[%run_scoped3A_90, %dma_wait3A, %dma_wait3A_140] : memref<2x128x128xf32, #tpu.memory_space<vmem>> -> memref<1x128x128xf32, #tpu.memory_space<vmem>>
      %dma_wait3A_142 = tpu.memref_squeeze %dma_wait3A_141 : memref<1x128x128xf32, #tpu.memory_space<vmem>> -> memref<128x128xf32, #tpu.memory_space<vmem>>
      %dma_wait3A_143 = arith.constant 0 : i32
      %dma_wait3A_144 = arith.constant 0 : i32
      %dma_wait3A_145 = tpu.memref_slice %dma_wait3A_142[%dma_wait3A_143, %dma_wait3A_144] : memref<128x128xf32, #tpu.memory_space<vmem>> -> memref<128x128xf32, #tpu.memory_space<vmem>>
      %dma_wait3A_146 = arith.constant 0 : i32
      %dma_wait3A_147 = arith.constant 0 : i32
      %dma_wait3A_148 = tpu.memref_slice %arg6[%arg0, %dma_wait3A_146, %dma_wait3A_147] : memref<2x10000x128xf32, #tpu.memory_space<hbm>> -> memref<1x10000x128xf32, #tpu.memory_space<hbm>>
      %dma_wait3A_149 = tpu.memref_squeeze %dma_wait3A_148 : memref<1x10000x128xf32, #tpu.memory_space<hbm>> -> memref<10000x128xf32, #tpu.memory_space<hbm>>
      %dma_wait3A_150 = arith.constant 0 : i32
      %dma_wait3A_151 = tpu.memref_slice %dma_wait3A_149[%add3A_88, %dma_wait3A_150] : memref<10000x128xf32, #tpu.memory_space<hbm>> -> memref<128x128xf32, #tpu.memory_space<hbm>>
      %dma_wait3A_152 = arith.constant 0 : i32
      %dma_wait3A_153 = arith.constant 0 : i32
      %dma_wait3A_154 = tpu.memref_slice %arg6[%arg0, %dma_wait3A_152, %dma_wait3A_153] : memref<2x10000x128xf32, #tpu.memory_space<hbm>> -> memref<1x10000x128xf32, #tpu.memory_space<hbm>>
      %dma_wait3A_155 = tpu.memref_squeeze %dma_wait3A_154 : memref<1x10000x128xf32, #tpu.memory_space<hbm>> -> memref<10000x128xf32, #tpu.memory_space<hbm>>
      %dma_wait3A_156 = arith.constant 0 : i32
      %dma_wait3A_157 = tpu.memref_slice %dma_wait3A_155[%add3A_88, %dma_wait3A_156] : memref<10000x128xf32, #tpu.memory_space<hbm>> -> memref<128x128xf32, #tpu.memory_space<hbm>>
      %dma_wait3A_158 = arith.constant 0 : i32
      %dma_wait3A_159 = arith.constant 0 : i32
      %dma_wait3A_160 = tpu.memref_slice %arg9[%run_scoped3A_90, %dma_wait3A_158, %dma_wait3A_159] : memref<2x128x128xf32, #tpu.memory_space<vmem>> -> memref<1x128x128xf32, #tpu.memory_space<vmem>>
      %dma_wait3A_161 = tpu.memref_squeeze %dma_wait3A_160 : memref<1x128x128xf32, #tpu.memory_space<vmem>> -> memref<128x128xf32, #tpu.memory_space<vmem>>
      %dma_wait3A_162 = arith.constant 0 : i32
      %dma_wait3A_163 = arith.constant 0 : i32
      %dma_wait3A_164 = tpu.memref_slice %dma_wait3A_161[%dma_wait3A_162, %dma_wait3A_163] : memref<128x128xf32, #tpu.memory_space<vmem>> -> memref<128x128xf32, #tpu.memory_space<vmem>>
      tpu.wait_dma2 semaphore(%run_scoped3A_113 : memref<!tpu.dma_semaphore, #tpu.memory_space<semaphore_mem>>) src(%dma_wait3A_164 : memref<128x128xf32, #tpu.memory_space<vmem>>) dst(%dma_wait3A_157 : memref<128x128xf32, #tpu.memory_space<hbm>>)
      tpu.yield
    }) : () -> ()
    %mul3A_91 = arith.constant 624 : i32
    %mul3A_92 = arith.muli %arg1, %mul3A_91 : i32
    %add3A_93 = arith.constant 256 : i32
    %add3A_94 = arith.addi %mul3A_92, %add3A_93 : i32
    %run_scoped3A_95 = arith.constant 0 : i32
    "tpu.region"() ({
      %run_scoped3A_113 = tpu.sem_alloc : memref<!tpu.dma_semaphore, #tpu.memory_space<semaphore_mem>>
      %dma_start3A_114 = arith.constant 0 : i32
      %dma_start3A_115 = arith.constant 0 : i32
      %dma_start3A_116 = tpu.memref_slice %arg9[%run_scoped3A_95, %dma_start3A_114, %dma_start3A_115] : memref<2x128x128xf32, #tpu.memory_space<vmem>> -> memref<1x128x128xf32, #tpu.memory_space<vmem>>
      %dma_start3A_117 = tpu.memref_squeeze %dma_start3A_116 : memref<1x128x128xf32, #tpu.memory_space<vmem>> -> memref<128x128xf32, #tpu.memory_space<vmem>>
      %dma_start3A_118 = arith.constant 0 : i32
      %dma_start3A_119 = arith.constant 0 : i32
      %dma_start3A_120 = tpu.memref_slice %dma_start3A_117[%dma_start3A_118, %dma_start3A_119] : memref<128x128xf32, #tpu.memory_space<vmem>> -> memref<128x128xf32, #tpu.memory_space<vmem>>
      %dma_start3A_121 = arith.constant 0 : i32
      %dma_start3A_122 = tpu.memref_slice %arg10[%add3A_94, %dma_start3A_121] : memref<10112x128xf32, #tpu.memory_space<vmem_shared>> -> memref<128x128xf32, #tpu.memory_space<vmem_shared>>
      %dma_start3A_123 = arith.constant 0 : i32
      %dma_start3A_124 = arith.constant 0 : i32
      %dma_start3A_125 = tpu.memref_slice %arg9[%run_scoped3A_95, %dma_start3A_123, %dma_start3A_124] : memref<2x128x128xf32, #tpu.memory_space<vmem>> -> memref<1x128x128xf32, #tpu.memory_space<vmem>>
      %dma_start3A_126 = tpu.memref_squeeze %dma_start3A_125 : memref<1x128x128xf32, #tpu.memory_space<vmem>> -> memref<128x128xf32, #tpu.memory_space<vmem>>
      %dma_start3A_127 = arith.constant 0 : i32
      %dma_start3A_128 = arith.constant 0 : i32
      %dma_start3A_129 = tpu.memref_slice %dma_start3A_126[%dma_start3A_127, %dma_start3A_128] : memref<128x128xf32, #tpu.memory_space<vmem>> -> memref<128x128xf32, #tpu.memory_space<vmem>>
      %dma_start3A_130 = arith.constant 0 : i32
      %dma_start3A_131 = tpu.memref_slice %arg10[%add3A_94, %dma_start3A_130] : memref<10112x128xf32, #tpu.memory_space<vmem_shared>> -> memref<128x128xf32, #tpu.memory_space<vmem_shared>>
      tpu.enqueue_dma source(%dma_start3A_131 : memref<128x128xf32, #tpu.memory_space<vmem_shared>>) target(%dma_start3A_129 : memref<128x128xf32, #tpu.memory_space<vmem>>) target_semaphore(%run_scoped3A_113 : memref<!tpu.dma_semaphore, #tpu.memory_space<semaphore_mem>>)
      %dma_wait3A = arith.constant 0 : i32
      %dma_wait3A_132 = arith.constant 0 : i32
      %dma_wait3A_133 = tpu.memref_slice %arg9[%run_scoped3A_95, %dma_wait3A, %dma_wait3A_132] : memref<2x128x128xf32, #tpu.memory_space<vmem>> -> memref<1x128x128xf32, #tpu.memory_space<vmem>>
      %dma_wait3A_134 = tpu.memref_squeeze %dma_wait3A_133 : memref<1x128x128xf32, #tpu.memory_space<vmem>> -> memref<128x128xf32, #tpu.memory_space<vmem>>
      %dma_wait3A_135 = arith.constant 0 : i32
      %dma_wait3A_136 = arith.constant 0 : i32
      %dma_wait3A_137 = tpu.memref_slice %dma_wait3A_134[%dma_wait3A_135, %dma_wait3A_136] : memref<128x128xf32, #tpu.memory_space<vmem>> -> memref<128x128xf32, #tpu.memory_space<vmem>>
      %dma_wait3A_138 = arith.constant 0 : i32
      %dma_wait3A_139 = tpu.memref_slice %arg10[%add3A_94, %dma_wait3A_138] : memref<10112x128xf32, #tpu.memory_space<vmem_shared>> -> memref<128x128xf32, #tpu.memory_space<vmem_shared>>
      %dma_wait3A_140 = arith.constant 0 : i32
      %dma_wait3A_141 = arith.constant 0 : i32
      %dma_wait3A_142 = tpu.memref_slice %arg9[%run_scoped3A_95, %dma_wait3A_140, %dma_wait3A_141] : memref<2x128x128xf32, #tpu.memory_space<vmem>> -> memref<1x128x128xf32, #tpu.memory_space<vmem>>
      %dma_wait3A_143 = tpu.memref_squeeze %dma_wait3A_142 : memref<1x128x128xf32, #tpu.memory_space<vmem>> -> memref<128x128xf32, #tpu.memory_space<vmem>>
      %dma_wait3A_144 = arith.constant 0 : i32
      %dma_wait3A_145 = arith.constant 0 : i32
      %dma_wait3A_146 = tpu.memref_slice %dma_wait3A_143[%dma_wait3A_144, %dma_wait3A_145] : memref<128x128xf32, #tpu.memory_space<vmem>> -> memref<128x128xf32, #tpu.memory_space<vmem>>
      %dma_wait3A_147 = arith.constant 0 : i32
      %dma_wait3A_148 = tpu.memref_slice %arg10[%add3A_94, %dma_wait3A_147] : memref<10112x128xf32, #tpu.memory_space<vmem_shared>> -> memref<128x128xf32, #tpu.memory_space<vmem_shared>>
      tpu.wait_dma2 semaphore(%run_scoped3A_113 : memref<!tpu.dma_semaphore, #tpu.memory_space<semaphore_mem>>) src(%dma_wait3A_148 : memref<128x128xf32, #tpu.memory_space<vmem_shared>>) dst(%dma_wait3A_146 : memref<128x128xf32, #tpu.memory_space<vmem>>)
      tpu.yield
    }) : () -> ()
    %run_scoped3A_96 = arith.constant 0 : i32
    "tpu.region"() ({
      %run_scoped3A_113 = tpu.sem_alloc : memref<!tpu.dma_semaphore, #tpu.memory_space<semaphore_mem>>
      %dma_start3A_114 = arith.constant 0 : i32
      %dma_start3A_115 = arith.constant 0 : i32
      %dma_start3A_116 = tpu.memref_slice %arg9[%run_scoped3A_96, %dma_start3A_114, %dma_start3A_115] : memref<2x128x128xf32, #tpu.memory_space<vmem>> -> memref<1x128x128xf32, #tpu.memory_space<vmem>>
      %dma_start3A_117 = tpu.memref_squeeze %dma_start3A_116 : memref<1x128x128xf32, #tpu.memory_space<vmem>> -> memref<128x128xf32, #tpu.memory_space<vmem>>
      %dma_start3A_118 = arith.constant 0 : i32
      %dma_start3A_119 = arith.constant 0 : i32
      %dma_start3A_120 = tpu.memref_slice %dma_start3A_117[%dma_start3A_118, %dma_start3A_119] : memref<128x128xf32, #tpu.memory_space<vmem>> -> memref<128x128xf32, #tpu.memory_space<vmem>>
      %dma_start3A_121 = arith.constant 0 : i32
      %dma_start3A_122 = arith.constant 0 : i32
      %dma_start3A_123 = tpu.memref_slice %arg6[%arg0, %dma_start3A_121, %dma_start3A_122] : memref<2x10000x128xf32, #tpu.memory_space<hbm>> -> memref<1x10000x128xf32, #tpu.memory_space<hbm>>
      %dma_start3A_124 = tpu.memref_squeeze %dma_start3A_123 : memref<1x10000x128xf32, #tpu.memory_space<hbm>> -> memref<10000x128xf32, #tpu.memory_space<hbm>>
      %dma_start3A_125 = arith.constant 0 : i32
      %dma_start3A_126 = tpu.memref_slice %dma_start3A_124[%add3A_94, %dma_start3A_125] : memref<10000x128xf32, #tpu.memory_space<hbm>> -> memref<128x128xf32, #tpu.memory_space<hbm>>
      %dma_start3A_127 = arith.constant 0 : i32
      %dma_start3A_128 = arith.constant 0 : i32
      %dma_start3A_129 = tpu.memref_slice %arg6[%arg0, %dma_start3A_127, %dma_start3A_128] : memref<2x10000x128xf32, #tpu.memory_space<hbm>> -> memref<1x10000x128xf32, #tpu.memory_space<hbm>>
      %dma_start3A_130 = tpu.memref_squeeze %dma_start3A_129 : memref<1x10000x128xf32, #tpu.memory_space<hbm>> -> memref<10000x128xf32, #tpu.memory_space<hbm>>
      %dma_start3A_131 = arith.constant 0 : i32
      %dma_start3A_132 = tpu.memref_slice %dma_start3A_130[%add3A_94, %dma_start3A_131] : memref<10000x128xf32, #tpu.memory_space<hbm>> -> memref<128x128xf32, #tpu.memory_space<hbm>>
      %dma_start3A_133 = arith.constant 0 : i32
      %dma_start3A_134 = arith.constant 0 : i32
      %dma_start3A_135 = tpu.memref_slice %arg9[%run_scoped3A_96, %dma_start3A_133, %dma_start3A_134] : memref<2x128x128xf32, #tpu.memory_space<vmem>> -> memref<1x128x128xf32, #tpu.memory_space<vmem>>
      %dma_start3A_136 = tpu.memref_squeeze %dma_start3A_135 : memref<1x128x128xf32, #tpu.memory_space<vmem>> -> memref<128x128xf32, #tpu.memory_space<vmem>>
      %dma_start3A_137 = arith.constant 0 : i32
      %dma_start3A_138 = arith.constant 0 : i32
      %dma_start3A_139 = tpu.memref_slice %dma_start3A_136[%dma_start3A_137, %dma_start3A_138] : memref<128x128xf32, #tpu.memory_space<vmem>> -> memref<128x128xf32, #tpu.memory_space<vmem>>
      tpu.enqueue_dma source(%dma_start3A_139 : memref<128x128xf32, #tpu.memory_space<vmem>>) target(%dma_start3A_132 : memref<128x128xf32, #tpu.memory_space<hbm>>) target_semaphore(%run_scoped3A_113 : memref<!tpu.dma_semaphore, #tpu.memory_space<semaphore_mem>>)
      %dma_wait3A = arith.constant 0 : i32
      %dma_wait3A_140 = arith.constant 0 : i32
      %dma_wait3A_141 = tpu.memref_slice %arg9[%run_scoped3A_96, %dma_wait3A, %dma_wait3A_140] : memref<2x128x128xf32, #tpu.memory_space<vmem>> -> memref<1x128x128xf32, #tpu.memory_space<vmem>>
      %dma_wait3A_142 = tpu.memref_squeeze %dma_wait3A_141 : memref<1x128x128xf32, #tpu.memory_space<vmem>> -> memref<128x128xf32, #tpu.memory_space<vmem>>
      %dma_wait3A_143 = arith.constant 0 : i32
      %dma_wait3A_144 = arith.constant 0 : i32
      %dma_wait3A_145 = tpu.memref_slice %dma_wait3A_142[%dma_wait3A_143, %dma_wait3A_144] : memref<128x128xf32, #tpu.memory_space<vmem>> -> memref<128x128xf32, #tpu.memory_space<vmem>>
      %dma_wait3A_146 = arith.constant 0 : i32
      %dma_wait3A_147 = arith.constant 0 : i32
      %dma_wait3A_148 = tpu.memref_slice %arg6[%arg0, %dma_wait3A_146, %dma_wait3A_147] : memref<2x10000x128xf32, #tpu.memory_space<hbm>> -> memref<1x10000x128xf32, #tpu.memory_space<hbm>>
      %dma_wait3A_149 = tpu.memref_squeeze %dma_wait3A_148 : memref<1x10000x128xf32, #tpu.memory_space<hbm>> -> memref<10000x128xf32, #tpu.memory_space<hbm>>
      %dma_wait3A_150 = arith.constant 0 : i32
      %dma_wait3A_151 = tpu.memref_slice %dma_wait3A_149[%add3A_94, %dma_wait3A_150] : memref<10000x128xf32, #tpu.memory_space<hbm>> -> memref<128x128xf32, #tpu.memory_space<hbm>>
      %dma_wait3A_152 = arith.constant 0 : i32
      %dma_wait3A_153 = arith.constant 0 : i32
      %dma_wait3A_154 = tpu.memref_slice %arg6[%arg0, %dma_wait3A_152, %dma_wait3A_153] : memref<2x10000x128xf32, #tpu.memory_space<hbm>> -> memref<1x10000x128xf32, #tpu.memory_space<hbm>>
      %dma_wait3A_155 = tpu.memref_squeeze %dma_wait3A_154 : memref<1x10000x128xf32, #tpu.memory_space<hbm>> -> memref<10000x128xf32, #tpu.memory_space<hbm>>
      %dma_wait3A_156 = arith.constant 0 : i32
      %dma_wait3A_157 = tpu.memref_slice %dma_wait3A_155[%add3A_94, %dma_wait3A_156] : memref<10000x128xf32, #tpu.memory_space<hbm>> -> memref<128x128xf32, #tpu.memory_space<hbm>>
      %dma_wait3A_158 = arith.constant 0 : i32
      %dma_wait3A_159 = arith.constant 0 : i32
      %dma_wait3A_160 = tpu.memref_slice %arg9[%run_scoped3A_96, %dma_wait3A_158, %dma_wait3A_159] : memref<2x128x128xf32, #tpu.memory_space<vmem>> -> memref<1x128x128xf32, #tpu.memory_space<vmem>>
      %dma_wait3A_161 = tpu.memref_squeeze %dma_wait3A_160 : memref<1x128x128xf32, #tpu.memory_space<vmem>> -> memref<128x128xf32, #tpu.memory_space<vmem>>
      %dma_wait3A_162 = arith.constant 0 : i32
      %dma_wait3A_163 = arith.constant 0 : i32
      %dma_wait3A_164 = tpu.memref_slice %dma_wait3A_161[%dma_wait3A_162, %dma_wait3A_163] : memref<128x128xf32, #tpu.memory_space<vmem>> -> memref<128x128xf32, #tpu.memory_space<vmem>>
      tpu.wait_dma2 semaphore(%run_scoped3A_113 : memref<!tpu.dma_semaphore, #tpu.memory_space<semaphore_mem>>) src(%dma_wait3A_164 : memref<128x128xf32, #tpu.memory_space<vmem>>) dst(%dma_wait3A_157 : memref<128x128xf32, #tpu.memory_space<hbm>>)
      tpu.yield
    }) : () -> ()
    %mul3A_97 = arith.constant 624 : i32
    %mul3A_98 = arith.muli %arg1, %mul3A_97 : i32
    %add3A_99 = arith.constant 384 : i32
    %add3A_100 = arith.addi %mul3A_98, %add3A_99 : i32
    %run_scoped3A_101 = arith.constant 0 : i32
    "tpu.region"() ({
      %run_scoped3A_113 = tpu.sem_alloc : memref<!tpu.dma_semaphore, #tpu.memory_space<semaphore_mem>>
      %dma_start3A_114 = arith.constant 0 : i32
      %dma_start3A_115 = arith.constant 0 : i32
      %dma_start3A_116 = tpu.memref_slice %arg9[%run_scoped3A_101, %dma_start3A_114, %dma_start3A_115] : memref<2x128x128xf32, #tpu.memory_space<vmem>> -> memref<1x128x128xf32, #tpu.memory_space<vmem>>
      %dma_start3A_117 = tpu.memref_squeeze %dma_start3A_116 : memref<1x128x128xf32, #tpu.memory_space<vmem>> -> memref<128x128xf32, #tpu.memory_space<vmem>>
      %dma_start3A_118 = arith.constant 0 : i32
      %dma_start3A_119 = arith.constant 0 : i32
      %dma_start3A_120 = tpu.memref_slice %dma_start3A_117[%dma_start3A_118, %dma_start3A_119] : memref<128x128xf32, #tpu.memory_space<vmem>> -> memref<128x128xf32, #tpu.memory_space<vmem>>
      %dma_start3A_121 = arith.constant 0 : i32
      %dma_start3A_122 = tpu.memref_slice %arg10[%add3A_100, %dma_start3A_121] : memref<10112x128xf32, #tpu.memory_space<vmem_shared>> -> memref<128x128xf32, #tpu.memory_space<vmem_shared>>
      %dma_start3A_123 = arith.constant 0 : i32
      %dma_start3A_124 = arith.constant 0 : i32
      %dma_start3A_125 = tpu.memref_slice %arg9[%run_scoped3A_101, %dma_start3A_123, %dma_start3A_124] : memref<2x128x128xf32, #tpu.memory_space<vmem>> -> memref<1x128x128xf32, #tpu.memory_space<vmem>>
      %dma_start3A_126 = tpu.memref_squeeze %dma_start3A_125 : memref<1x128x128xf32, #tpu.memory_space<vmem>> -> memref<128x128xf32, #tpu.memory_space<vmem>>
      %dma_start3A_127 = arith.constant 0 : i32
      %dma_start3A_128 = arith.constant 0 : i32
      %dma_start3A_129 = tpu.memref_slice %dma_start3A_126[%dma_start3A_127, %dma_start3A_128] : memref<128x128xf32, #tpu.memory_space<vmem>> -> memref<128x128xf32, #tpu.memory_space<vmem>>
      %dma_start3A_130 = arith.constant 0 : i32
      %dma_start3A_131 = tpu.memref_slice %arg10[%add3A_100, %dma_start3A_130] : memref<10112x128xf32, #tpu.memory_space<vmem_shared>> -> memref<128x128xf32, #tpu.memory_space<vmem_shared>>
      tpu.enqueue_dma source(%dma_start3A_131 : memref<128x128xf32, #tpu.memory_space<vmem_shared>>) target(%dma_start3A_129 : memref<128x128xf32, #tpu.memory_space<vmem>>) target_semaphore(%run_scoped3A_113 : memref<!tpu.dma_semaphore, #tpu.memory_space<semaphore_mem>>)
      %dma_wait3A = arith.constant 0 : i32
      %dma_wait3A_132 = arith.constant 0 : i32
      %dma_wait3A_133 = tpu.memref_slice %arg9[%run_scoped3A_101, %dma_wait3A, %dma_wait3A_132] : memref<2x128x128xf32, #tpu.memory_space<vmem>> -> memref<1x128x128xf32, #tpu.memory_space<vmem>>
      %dma_wait3A_134 = tpu.memref_squeeze %dma_wait3A_133 : memref<1x128x128xf32, #tpu.memory_space<vmem>> -> memref<128x128xf32, #tpu.memory_space<vmem>>
      %dma_wait3A_135 = arith.constant 0 : i32
      %dma_wait3A_136 = arith.constant 0 : i32
      %dma_wait3A_137 = tpu.memref_slice %dma_wait3A_134[%dma_wait3A_135, %dma_wait3A_136] : memref<128x128xf32, #tpu.memory_space<vmem>> -> memref<128x128xf32, #tpu.memory_space<vmem>>
      %dma_wait3A_138 = arith.constant 0 : i32
      %dma_wait3A_139 = tpu.memref_slice %arg10[%add3A_100, %dma_wait3A_138] : memref<10112x128xf32, #tpu.memory_space<vmem_shared>> -> memref<128x128xf32, #tpu.memory_space<vmem_shared>>
      %dma_wait3A_140 = arith.constant 0 : i32
      %dma_wait3A_141 = arith.constant 0 : i32
      %dma_wait3A_142 = tpu.memref_slice %arg9[%run_scoped3A_101, %dma_wait3A_140, %dma_wait3A_141] : memref<2x128x128xf32, #tpu.memory_space<vmem>> -> memref<1x128x128xf32, #tpu.memory_space<vmem>>
      %dma_wait3A_143 = tpu.memref_squeeze %dma_wait3A_142 : memref<1x128x128xf32, #tpu.memory_space<vmem>> -> memref<128x128xf32, #tpu.memory_space<vmem>>
      %dma_wait3A_144 = arith.constant 0 : i32
      %dma_wait3A_145 = arith.constant 0 : i32
      %dma_wait3A_146 = tpu.memref_slice %dma_wait3A_143[%dma_wait3A_144, %dma_wait3A_145] : memref<128x128xf32, #tpu.memory_space<vmem>> -> memref<128x128xf32, #tpu.memory_space<vmem>>
      %dma_wait3A_147 = arith.constant 0 : i32
      %dma_wait3A_148 = tpu.memref_slice %arg10[%add3A_100, %dma_wait3A_147] : memref<10112x128xf32, #tpu.memory_space<vmem_shared>> -> memref<128x128xf32, #tpu.memory_space<vmem_shared>>
      tpu.wait_dma2 semaphore(%run_scoped3A_113 : memref<!tpu.dma_semaphore, #tpu.memory_space<semaphore_mem>>) src(%dma_wait3A_148 : memref<128x128xf32, #tpu.memory_space<vmem_shared>>) dst(%dma_wait3A_146 : memref<128x128xf32, #tpu.memory_space<vmem>>)
      tpu.yield
    }) : () -> ()
    %run_scoped3A_102 = arith.constant 0 : i32
    "tpu.region"() ({
      %run_scoped3A_113 = tpu.sem_alloc : memref<!tpu.dma_semaphore, #tpu.memory_space<semaphore_mem>>
      %dma_start3A_114 = arith.constant 0 : i32
      %dma_start3A_115 = arith.constant 0 : i32
      %dma_start3A_116 = tpu.memref_slice %arg9[%run_scoped3A_102, %dma_start3A_114, %dma_start3A_115] : memref<2x128x128xf32, #tpu.memory_space<vmem>> -> memref<1x128x128xf32, #tpu.memory_space<vmem>>
      %dma_start3A_117 = tpu.memref_squeeze %dma_start3A_116 : memref<1x128x128xf32, #tpu.memory_space<vmem>> -> memref<128x128xf32, #tpu.memory_space<vmem>>
      %dma_start3A_118 = arith.constant 0 : i32
      %dma_start3A_119 = arith.constant 0 : i32
      %dma_start3A_120 = tpu.memref_slice %dma_start3A_117[%dma_start3A_118, %dma_start3A_119] : memref<128x128xf32, #tpu.memory_space<vmem>> -> memref<128x128xf32, #tpu.memory_space<vmem>>
      %dma_start3A_121 = arith.constant 0 : i32
      %dma_start3A_122 = arith.constant 0 : i32
      %dma_start3A_123 = tpu.memref_slice %arg6[%arg0, %dma_start3A_121, %dma_start3A_122] : memref<2x10000x128xf32, #tpu.memory_space<hbm>> -> memref<1x10000x128xf32, #tpu.memory_space<hbm>>
      %dma_start3A_124 = tpu.memref_squeeze %dma_start3A_123 : memref<1x10000x128xf32, #tpu.memory_space<hbm>> -> memref<10000x128xf32, #tpu.memory_space<hbm>>
      %dma_start3A_125 = arith.constant 0 : i32
      %dma_start3A_126 = tpu.memref_slice %dma_start3A_124[%add3A_100, %dma_start3A_125] : memref<10000x128xf32, #tpu.memory_space<hbm>> -> memref<128x128xf32, #tpu.memory_space<hbm>>
      %dma_start3A_127 = arith.constant 0 : i32
      %dma_start3A_128 = arith.constant 0 : i32
      %dma_start3A_129 = tpu.memref_slice %arg6[%arg0, %dma_start3A_127, %dma_start3A_128] : memref<2x10000x128xf32, #tpu.memory_space<hbm>> -> memref<1x10000x128xf32, #tpu.memory_space<hbm>>
      %dma_start3A_130 = tpu.memref_squeeze %dma_start3A_129 : memref<1x10000x128xf32, #tpu.memory_space<hbm>> -> memref<10000x128xf32, #tpu.memory_space<hbm>>
      %dma_start3A_131 = arith.constant 0 : i32
      %dma_start3A_132 = tpu.memref_slice %dma_start3A_130[%add3A_100, %dma_start3A_131] : memref<10000x128xf32, #tpu.memory_space<hbm>> -> memref<128x128xf32, #tpu.memory_space<hbm>>
      %dma_start3A_133 = arith.constant 0 : i32
      %dma_start3A_134 = arith.constant 0 : i32
      %dma_start3A_135 = tpu.memref_slice %arg9[%run_scoped3A_102, %dma_start3A_133, %dma_start3A_134] : memref<2x128x128xf32, #tpu.memory_space<vmem>> -> memref<1x128x128xf32, #tpu.memory_space<vmem>>
      %dma_start3A_136 = tpu.memref_squeeze %dma_start3A_135 : memref<1x128x128xf32, #tpu.memory_space<vmem>> -> memref<128x128xf32, #tpu.memory_space<vmem>>
      %dma_start3A_137 = arith.constant 0 : i32
      %dma_start3A_138 = arith.constant 0 : i32
      %dma_start3A_139 = tpu.memref_slice %dma_start3A_136[%dma_start3A_137, %dma_start3A_138] : memref<128x128xf32, #tpu.memory_space<vmem>> -> memref<128x128xf32, #tpu.memory_space<vmem>>
      tpu.enqueue_dma source(%dma_start3A_139 : memref<128x128xf32, #tpu.memory_space<vmem>>) target(%dma_start3A_132 : memref<128x128xf32, #tpu.memory_space<hbm>>) target_semaphore(%run_scoped3A_113 : memref<!tpu.dma_semaphore, #tpu.memory_space<semaphore_mem>>)
      %dma_wait3A = arith.constant 0 : i32
      %dma_wait3A_140 = arith.constant 0 : i32
      %dma_wait3A_141 = tpu.memref_slice %arg9[%run_scoped3A_102, %dma_wait3A, %dma_wait3A_140] : memref<2x128x128xf32, #tpu.memory_space<vmem>> -> memref<1x128x128xf32, #tpu.memory_space<vmem>>
      %dma_wait3A_142 = tpu.memref_squeeze %dma_wait3A_141 : memref<1x128x128xf32, #tpu.memory_space<vmem>> -> memref<128x128xf32, #tpu.memory_space<vmem>>
      %dma_wait3A_143 = arith.constant 0 : i32
      %dma_wait3A_144 = arith.constant 0 : i32
      %dma_wait3A_145 = tpu.memref_slice %dma_wait3A_142[%dma_wait3A_143, %dma_wait3A_144] : memref<128x128xf32, #tpu.memory_space<vmem>> -> memref<128x128xf32, #tpu.memory_space<vmem>>
      %dma_wait3A_146 = arith.constant 0 : i32
      %dma_wait3A_147 = arith.constant 0 : i32
      %dma_wait3A_148 = tpu.memref_slice %arg6[%arg0, %dma_wait3A_146, %dma_wait3A_147] : memref<2x10000x128xf32, #tpu.memory_space<hbm>> -> memref<1x10000x128xf32, #tpu.memory_space<hbm>>
      %dma_wait3A_149 = tpu.memref_squeeze %dma_wait3A_148 : memref<1x10000x128xf32, #tpu.memory_space<hbm>> -> memref<10000x128xf32, #tpu.memory_space<hbm>>
      %dma_wait3A_150 = arith.constant 0 : i32
      %dma_wait3A_151 = tpu.memref_slice %dma_wait3A_149[%add3A_100, %dma_wait3A_150] : memref<10000x128xf32, #tpu.memory_space<hbm>> -> memref<128x128xf32, #tpu.memory_space<hbm>>
      %dma_wait3A_152 = arith.constant 0 : i32
      %dma_wait3A_153 = arith.constant 0 : i32
      %dma_wait3A_154 = tpu.memref_slice %arg6[%arg0, %dma_wait3A_152, %dma_wait3A_153] : memref<2x10000x128xf32, #tpu.memory_space<hbm>> -> memref<1x10000x128xf32, #tpu.memory_space<hbm>>
      %dma_wait3A_155 = tpu.memref_squeeze %dma_wait3A_154 : memref<1x10000x128xf32, #tpu.memory_space<hbm>> -> memref<10000x128xf32, #tpu.memory_space<hbm>>
      %dma_wait3A_156 = arith.constant 0 : i32
      %dma_wait3A_157 = tpu.memref_slice %dma_wait3A_155[%add3A_100, %dma_wait3A_156] : memref<10000x128xf32, #tpu.memory_space<hbm>> -> memref<128x128xf32, #tpu.memory_space<hbm>>
      %dma_wait3A_158 = arith.constant 0 : i32
      %dma_wait3A_159 = arith.constant 0 : i32
      %dma_wait3A_160 = tpu.memref_slice %arg9[%run_scoped3A_102, %dma_wait3A_158, %dma_wait3A_159] : memref<2x128x128xf32, #tpu.memory_space<vmem>> -> memref<1x128x128xf32, #tpu.memory_space<vmem>>
      %dma_wait3A_161 = tpu.memref_squeeze %dma_wait3A_160 : memref<1x128x128xf32, #tpu.memory_space<vmem>> -> memref<128x128xf32, #tpu.memory_space<vmem>>
      %dma_wait3A_162 = arith.constant 0 : i32
      %dma_wait3A_163 = arith.constant 0 : i32
      %dma_wait3A_164 = tpu.memref_slice %dma_wait3A_161[%dma_wait3A_162, %dma_wait3A_163] : memref<128x128xf32, #tpu.memory_space<vmem>> -> memref<128x128xf32, #tpu.memory_space<vmem>>
      tpu.wait_dma2 semaphore(%run_scoped3A_113 : memref<!tpu.dma_semaphore, #tpu.memory_space<semaphore_mem>>) src(%dma_wait3A_164 : memref<128x128xf32, #tpu.memory_space<vmem>>) dst(%dma_wait3A_157 : memref<128x128xf32, #tpu.memory_space<hbm>>)
      tpu.yield
    }) : () -> ()
    %mul3A_103 = arith.constant 624 : i32
    %mul3A_104 = arith.muli %arg1, %mul3A_103 : i32
    %add3A_105 = arith.constant 512 : i32
    %add3A_106 = arith.addi %mul3A_104, %add3A_105 : i32
    %run_scoped3A_107 = arith.constant 0 : i32
    "tpu.region"() ({
      %run_scoped3A_113 = tpu.sem_alloc : memref<!tpu.dma_semaphore, #tpu.memory_space<semaphore_mem>>
      %dma_start3A_114 = arith.constant 0 : i32
      %dma_start3A_115 = arith.constant 0 : i32
      %dma_start3A_116 = tpu.memref_slice %arg9[%run_scoped3A_107, %dma_start3A_114, %dma_start3A_115] : memref<2x128x128xf32, #tpu.memory_space<vmem>> -> memref<1x128x128xf32, #tpu.memory_space<vmem>>
      %dma_start3A_117 = tpu.memref_squeeze %dma_start3A_116 : memref<1x128x128xf32, #tpu.memory_space<vmem>> -> memref<128x128xf32, #tpu.memory_space<vmem>>
      %dma_start3A_118 = arith.constant 0 : i32
      %dma_start3A_119 = arith.constant 0 : i32
      %dma_start3A_120 = tpu.memref_slice %dma_start3A_117[%dma_start3A_118, %dma_start3A_119] : memref<128x128xf32, #tpu.memory_space<vmem>> -> memref<112x128xf32, #tpu.memory_space<vmem>>
      %dma_start3A_121 = arith.constant 0 : i32
      %dma_start3A_122 = tpu.memref_slice %arg10[%add3A_106, %dma_start3A_121] : memref<10112x128xf32, #tpu.memory_space<vmem_shared>> -> memref<112x128xf32, #tpu.memory_space<vmem_shared>>
      %dma_start3A_123 = arith.constant 0 : i32
      %dma_start3A_124 = arith.constant 0 : i32
      %dma_start3A_125 = tpu.memref_slice %arg9[%run_scoped3A_107, %dma_start3A_123, %dma_start3A_124] : memref<2x128x128xf32, #tpu.memory_space<vmem>> -> memref<1x128x128xf32, #tpu.memory_space<vmem>>
      %dma_start3A_126 = tpu.memref_squeeze %dma_start3A_125 : memref<1x128x128xf32, #tpu.memory_space<vmem>> -> memref<128x128xf32, #tpu.memory_space<vmem>>
      %dma_start3A_127 = arith.constant 0 : i32
      %dma_start3A_128 = arith.constant 0 : i32
      %dma_start3A_129 = tpu.memref_slice %dma_start3A_126[%dma_start3A_127, %dma_start3A_128] : memref<128x128xf32, #tpu.memory_space<vmem>> -> memref<112x128xf32, #tpu.memory_space<vmem>>
      %dma_start3A_130 = arith.constant 0 : i32
      %dma_start3A_131 = tpu.memref_slice %arg10[%add3A_106, %dma_start3A_130] : memref<10112x128xf32, #tpu.memory_space<vmem_shared>> -> memref<112x128xf32, #tpu.memory_space<vmem_shared>>
      tpu.enqueue_dma source(%dma_start3A_131 : memref<112x128xf32, #tpu.memory_space<vmem_shared>>) target(%dma_start3A_129 : memref<112x128xf32, #tpu.memory_space<vmem>>) target_semaphore(%run_scoped3A_113 : memref<!tpu.dma_semaphore, #tpu.memory_space<semaphore_mem>>)
      %dma_wait3A = arith.constant 0 : i32
      %dma_wait3A_132 = arith.constant 0 : i32
      %dma_wait3A_133 = tpu.memref_slice %arg9[%run_scoped3A_107, %dma_wait3A, %dma_wait3A_132] : memref<2x128x128xf32, #tpu.memory_space<vmem>> -> memref<1x128x128xf32, #tpu.memory_space<vmem>>
      %dma_wait3A_134 = tpu.memref_squeeze %dma_wait3A_133 : memref<1x128x128xf32, #tpu.memory_space<vmem>> -> memref<128x128xf32, #tpu.memory_space<vmem>>
      %dma_wait3A_135 = arith.constant 0 : i32
      %dma_wait3A_136 = arith.constant 0 : i32
      %dma_wait3A_137 = tpu.memref_slice %dma_wait3A_134[%dma_wait3A_135, %dma_wait3A_136] : memref<128x128xf32, #tpu.memory_space<vmem>> -> memref<112x128xf32, #tpu.memory_space<vmem>>
      %dma_wait3A_138 = arith.constant 0 : i32
      %dma_wait3A_139 = tpu.memref_slice %arg10[%add3A_106, %dma_wait3A_138] : memref<10112x128xf32, #tpu.memory_space<vmem_shared>> -> memref<112x128xf32, #tpu.memory_space<vmem_shared>>
      %dma_wait3A_140 = arith.constant 0 : i32
      %dma_wait3A_141 = arith.constant 0 : i32
      %dma_wait3A_142 = tpu.memref_slice %arg9[%run_scoped3A_107, %dma_wait3A_140, %dma_wait3A_141] : memref<2x128x128xf32, #tpu.memory_space<vmem>> -> memref<1x128x128xf32, #tpu.memory_space<vmem>>
      %dma_wait3A_143 = tpu.memref_squeeze %dma_wait3A_142 : memref<1x128x128xf32, #tpu.memory_space<vmem>> -> memref<128x128xf32, #tpu.memory_space<vmem>>
      %dma_wait3A_144 = arith.constant 0 : i32
      %dma_wait3A_145 = arith.constant 0 : i32
      %dma_wait3A_146 = tpu.memref_slice %dma_wait3A_143[%dma_wait3A_144, %dma_wait3A_145] : memref<128x128xf32, #tpu.memory_space<vmem>> -> memref<112x128xf32, #tpu.memory_space<vmem>>
      %dma_wait3A_147 = arith.constant 0 : i32
      %dma_wait3A_148 = tpu.memref_slice %arg10[%add3A_106, %dma_wait3A_147] : memref<10112x128xf32, #tpu.memory_space<vmem_shared>> -> memref<112x128xf32, #tpu.memory_space<vmem_shared>>
      tpu.wait_dma2 semaphore(%run_scoped3A_113 : memref<!tpu.dma_semaphore, #tpu.memory_space<semaphore_mem>>) src(%dma_wait3A_148 : memref<112x128xf32, #tpu.memory_space<vmem_shared>>) dst(%dma_wait3A_146 : memref<112x128xf32, #tpu.memory_space<vmem>>)
      tpu.yield
    }) : () -> ()
    %run_scoped3A_108 = arith.constant 0 : i32
    "tpu.region"() ({
      %run_scoped3A_113 = tpu.sem_alloc : memref<!tpu.dma_semaphore, #tpu.memory_space<semaphore_mem>>
      %dma_start3A_114 = arith.constant 0 : i32
      %dma_start3A_115 = arith.constant 0 : i32
      %dma_start3A_116 = tpu.memref_slice %arg9[%run_scoped3A_108, %dma_start3A_114, %dma_start3A_115] : memref<2x128x128xf32, #tpu.memory_space<vmem>> -> memref<1x128x128xf32, #tpu.memory_space<vmem>>
      %dma_start3A_117 = tpu.memref_squeeze %dma_start3A_116 : memref<1x128x128xf32, #tpu.memory_space<vmem>> -> memref<128x128xf32, #tpu.memory_space<vmem>>
      %dma_start3A_118 = arith.constant 0 : i32
      %dma_start3A_119 = arith.constant 0 : i32
      %dma_start3A_120 = tpu.memref_slice %dma_start3A_117[%dma_start3A_118, %dma_start3A_119] : memref<128x128xf32, #tpu.memory_space<vmem>> -> memref<112x128xf32, #tpu.memory_space<vmem>>
      %dma_start3A_121 = arith.constant 0 : i32
      %dma_start3A_122 = arith.constant 0 : i32
      %dma_start3A_123 = tpu.memref_slice %arg6[%arg0, %dma_start3A_121, %dma_start3A_122] : memref<2x10000x128xf32, #tpu.memory_space<hbm>> -> memref<1x10000x128xf32, #tpu.memory_space<hbm>>
      %dma_start3A_124 = tpu.memref_squeeze %dma_start3A_123 : memref<1x10000x128xf32, #tpu.memory_space<hbm>> -> memref<10000x128xf32, #tpu.memory_space<hbm>>
      %dma_start3A_125 = arith.constant 0 : i32
      %dma_start3A_126 = tpu.memref_slice %dma_start3A_124[%add3A_106, %dma_start3A_125] : memref<10000x128xf32, #tpu.memory_space<hbm>> -> memref<112x128xf32, #tpu.memory_space<hbm>>
      %dma_start3A_127 = arith.constant 0 : i32
      %dma_start3A_128 = arith.constant 0 : i32
      %dma_start3A_129 = tpu.memref_slice %arg6[%arg0, %dma_start3A_127, %dma_start3A_128] : memref<2x10000x128xf32, #tpu.memory_space<hbm>> -> memref<1x10000x128xf32, #tpu.memory_space<hbm>>
      %dma_start3A_130 = tpu.memref_squeeze %dma_start3A_129 : memref<1x10000x128xf32, #tpu.memory_space<hbm>> -> memref<10000x128xf32, #tpu.memory_space<hbm>>
      %dma_start3A_131 = arith.constant 0 : i32
      %dma_start3A_132 = tpu.memref_slice %dma_start3A_130[%add3A_106, %dma_start3A_131] : memref<10000x128xf32, #tpu.memory_space<hbm>> -> memref<112x128xf32, #tpu.memory_space<hbm>>
      %dma_start3A_133 = arith.constant 0 : i32
      %dma_start3A_134 = arith.constant 0 : i32
      %dma_start3A_135 = tpu.memref_slice %arg9[%run_scoped3A_108, %dma_start3A_133, %dma_start3A_134] : memref<2x128x128xf32, #tpu.memory_space<vmem>> -> memref<1x128x128xf32, #tpu.memory_space<vmem>>
      %dma_start3A_136 = tpu.memref_squeeze %dma_start3A_135 : memref<1x128x128xf32, #tpu.memory_space<vmem>> -> memref<128x128xf32, #tpu.memory_space<vmem>>
      %dma_start3A_137 = arith.constant 0 : i32
      %dma_start3A_138 = arith.constant 0 : i32
      %dma_start3A_139 = tpu.memref_slice %dma_start3A_136[%dma_start3A_137, %dma_start3A_138] : memref<128x128xf32, #tpu.memory_space<vmem>> -> memref<112x128xf32, #tpu.memory_space<vmem>>
      tpu.enqueue_dma source(%dma_start3A_139 : memref<112x128xf32, #tpu.memory_space<vmem>>) target(%dma_start3A_132 : memref<112x128xf32, #tpu.memory_space<hbm>>) target_semaphore(%run_scoped3A_113 : memref<!tpu.dma_semaphore, #tpu.memory_space<semaphore_mem>>)
      %dma_wait3A = arith.constant 0 : i32
      %dma_wait3A_140 = arith.constant 0 : i32
      %dma_wait3A_141 = tpu.memref_slice %arg9[%run_scoped3A_108, %dma_wait3A, %dma_wait3A_140] : memref<2x128x128xf32, #tpu.memory_space<vmem>> -> memref<1x128x128xf32, #tpu.memory_space<vmem>>
      %dma_wait3A_142 = tpu.memref_squeeze %dma_wait3A_141 : memref<1x128x128xf32, #tpu.memory_space<vmem>> -> memref<128x128xf32, #tpu.memory_space<vmem>>
      %dma_wait3A_143 = arith.constant 0 : i32
      %dma_wait3A_144 = arith.constant 0 : i32
      %dma_wait3A_145 = tpu.memref_slice %dma_wait3A_142[%dma_wait3A_143, %dma_wait3A_144] : memref<128x128xf32, #tpu.memory_space<vmem>> -> memref<112x128xf32, #tpu.memory_space<vmem>>
      %dma_wait3A_146 = arith.constant 0 : i32
      %dma_wait3A_147 = arith.constant 0 : i32
      %dma_wait3A_148 = tpu.memref_slice %arg6[%arg0, %dma_wait3A_146, %dma_wait3A_147] : memref<2x10000x128xf32, #tpu.memory_space<hbm>> -> memref<1x10000x128xf32, #tpu.memory_space<hbm>>
      %dma_wait3A_149 = tpu.memref_squeeze %dma_wait3A_148 : memref<1x10000x128xf32, #tpu.memory_space<hbm>> -> memref<10000x128xf32, #tpu.memory_space<hbm>>
      %dma_wait3A_150 = arith.constant 0 : i32
      %dma_wait3A_151 = tpu.memref_slice %dma_wait3A_149[%add3A_106, %dma_wait3A_150] : memref<10000x128xf32, #tpu.memory_space<hbm>> -> memref<112x128xf32, #tpu.memory_space<hbm>>
      %dma_wait3A_152 = arith.constant 0 : i32
      %dma_wait3A_153 = arith.constant 0 : i32
      %dma_wait3A_154 = tpu.memref_slice %arg6[%arg0, %dma_wait3A_152, %dma_wait3A_153] : memref<2x10000x128xf32, #tpu.memory_space<hbm>> -> memref<1x10000x128xf32, #tpu.memory_space<hbm>>
      %dma_wait3A_155 = tpu.memref_squeeze %dma_wait3A_154 : memref<1x10000x128xf32, #tpu.memory_space<hbm>> -> memref<10000x128xf32, #tpu.memory_space<hbm>>
      %dma_wait3A_156 = arith.constant 0 : i32
      %dma_wait3A_157 = tpu.memref_slice %dma_wait3A_155[%add3A_106, %dma_wait3A_156] : memref<10000x128xf32, #tpu.memory_space<hbm>> -> memref<112x128xf32, #tpu.memory_space<hbm>>
      %dma_wait3A_158 = arith.constant 0 : i32
      %dma_wait3A_159 = arith.constant 0 : i32
      %dma_wait3A_160 = tpu.memref_slice %arg9[%run_scoped3A_108, %dma_wait3A_158, %dma_wait3A_159] : memref<2x128x128xf32, #tpu.memory_space<vmem>> -> memref<1x128x128xf32, #tpu.memory_space<vmem>>
      %dma_wait3A_161 = tpu.memref_squeeze %dma_wait3A_160 : memref<1x128x128xf32, #tpu.memory_space<vmem>> -> memref<128x128xf32, #tpu.memory_space<vmem>>
      %dma_wait3A_162 = arith.constant 0 : i32
      %dma_wait3A_163 = arith.constant 0 : i32
      %dma_wait3A_164 = tpu.memref_slice %dma_wait3A_161[%dma_wait3A_162, %dma_wait3A_163] : memref<128x128xf32, #tpu.memory_space<vmem>> -> memref<112x128xf32, #tpu.memory_space<vmem>>
      tpu.wait_dma2 semaphore(%run_scoped3A_113 : memref<!tpu.dma_semaphore, #tpu.memory_space<semaphore_mem>>) src(%dma_wait3A_164 : memref<112x128xf32, #tpu.memory_space<vmem>>) dst(%dma_wait3A_157 : memref<112x128xf32, #tpu.memory_space<hbm>>)
      tpu.yield
    }) : () -> ()
    %eq3A_109 = arith.constant 15 : i32
    %eq3A_110 = arith.cmpi eq, %arg1, %eq3A_109 : i32
    %convert_element_type3A = arith.extui %eq3A_110 : i1 to i32
    %cond3A = arith.constant 0 : i32
    %cond3A_111 = arith.constant 0 : i32
    %cond3A_112 = arith.cmpi ne, %convert_element_type3A, %cond3A_111 : i32
    scf.if %cond3A_112 {
      "tpu.region"() ({
        %run_scoped3A_113 = tpu.sem_alloc : memref<!tpu.dma_semaphore, #tpu.memory_space<semaphore_mem>>
        %dma_start3A_114 = arith.constant 0 : i32
        %dma_start3A_115 = arith.constant 0 : i32
        %dma_start3A_116 = tpu.memref_slice %arg9[%cond3A, %dma_start3A_114, %dma_start3A_115] : memref<2x128x128xf32, #tpu.memory_space<vmem>> -> memref<1x128x128xf32, #tpu.memory_space<vmem>>
        %dma_start3A_117 = tpu.memref_squeeze %dma_start3A_116 : memref<1x128x128xf32, #tpu.memory_space<vmem>> -> memref<128x128xf32, #tpu.memory_space<vmem>>
        %dma_start3A_118 = arith.constant 0 : i32
        %dma_start3A_119 = arith.constant 0 : i32
        %dma_start3A_120 = tpu.memref_slice %dma_start3A_117[%dma_start3A_118, %dma_start3A_119] : memref<128x128xf32, #tpu.memory_space<vmem>> -> memref<16x128xf32, #tpu.memory_space<vmem>>
        %dma_start3A_121 = arith.constant 9984 : i32
        %dma_start3A_122 = arith.constant 0 : i32
        %dma_start3A_123 = tpu.memref_slice %arg10[%dma_start3A_121, %dma_start3A_122] : memref<10112x128xf32, #tpu.memory_space<vmem_shared>> -> memref<16x128xf32, #tpu.memory_space<vmem_shared>>
        %dma_start3A_124 = arith.constant 0 : i32
        %dma_start3A_125 = arith.constant 0 : i32
        %dma_start3A_126 = tpu.memref_slice %arg9[%cond3A, %dma_start3A_124, %dma_start3A_125] : memref<2x128x128xf32, #tpu.memory_space<vmem>> -> memref<1x128x128xf32, #tpu.memory_space<vmem>>
        %dma_start3A_127 = tpu.memref_squeeze %dma_start3A_126 : memref<1x128x128xf32, #tpu.memory_space<vmem>> -> memref<128x128xf32, #tpu.memory_space<vmem>>
        %dma_start3A_128 = arith.constant 0 : i32
        %dma_start3A_129 = arith.constant 0 : i32
        %dma_start3A_130 = tpu.memref_slice %dma_start3A_127[%dma_start3A_128, %dma_start3A_129] : memref<128x128xf32, #tpu.memory_space<vmem>> -> memref<16x128xf32, #tpu.memory_space<vmem>>
        %dma_start3A_131 = arith.constant 9984 : i32
        %dma_start3A_132 = arith.constant 0 : i32
        %dma_start3A_133 = tpu.memref_slice %arg10[%dma_start3A_131, %dma_start3A_132] : memref<10112x128xf32, #tpu.memory_space<vmem_shared>> -> memref<16x128xf32, #tpu.memory_space<vmem_shared>>
        tpu.enqueue_dma source(%dma_start3A_133 : memref<16x128xf32, #tpu.memory_space<vmem_shared>>) target(%dma_start3A_130 : memref<16x128xf32, #tpu.memory_space<vmem>>) target_semaphore(%run_scoped3A_113 : memref<!tpu.dma_semaphore, #tpu.memory_space<semaphore_mem>>)
        %dma_wait3A = arith.constant 0 : i32
        %dma_wait3A_134 = arith.constant 0 : i32
        %dma_wait3A_135 = tpu.memref_slice %arg9[%cond3A, %dma_wait3A, %dma_wait3A_134] : memref<2x128x128xf32, #tpu.memory_space<vmem>> -> memref<1x128x128xf32, #tpu.memory_space<vmem>>
        %dma_wait3A_136 = tpu.memref_squeeze %dma_wait3A_135 : memref<1x128x128xf32, #tpu.memory_space<vmem>> -> memref<128x128xf32, #tpu.memory_space<vmem>>
        %dma_wait3A_137 = arith.constant 0 : i32
        %dma_wait3A_138 = arith.constant 0 : i32
        %dma_wait3A_139 = tpu.memref_slice %dma_wait3A_136[%dma_wait3A_137, %dma_wait3A_138] : memref<128x128xf32, #tpu.memory_space<vmem>> -> memref<16x128xf32, #tpu.memory_space<vmem>>
        %dma_wait3A_140 = arith.constant 9984 : i32
        %dma_wait3A_141 = arith.constant 0 : i32
        %dma_wait3A_142 = tpu.memref_slice %arg10[%dma_wait3A_140, %dma_wait3A_141] : memref<10112x128xf32, #tpu.memory_space<vmem_shared>> -> memref<16x128xf32, #tpu.memory_space<vmem_shared>>
        %dma_wait3A_143 = arith.constant 0 : i32
        %dma_wait3A_144 = arith.constant 0 : i32
        %dma_wait3A_145 = tpu.memref_slice %arg9[%cond3A, %dma_wait3A_143, %dma_wait3A_144] : memref<2x128x128xf32, #tpu.memory_space<vmem>> -> memref<1x128x128xf32, #tpu.memory_space<vmem>>
        %dma_wait3A_146 = tpu.memref_squeeze %dma_wait3A_145 : memref<1x128x128xf32, #tpu.memory_space<vmem>> -> memref<128x128xf32, #tpu.memory_space<vmem>>
        %dma_wait3A_147 = arith.constant 0 : i32
        %dma_wait3A_148 = arith.constant 0 : i32
        %dma_wait3A_149 = tpu.memref_slice %dma_wait3A_146[%dma_wait3A_147, %dma_wait3A_148] : memref<128x128xf32, #tpu.memory_space<vmem>> -> memref<16x128xf32, #tpu.memory_space<vmem>>
        %dma_wait3A_150 = arith.constant 9984 : i32
        %dma_wait3A_151 = arith.constant 0 : i32
        %dma_wait3A_152 = tpu.memref_slice %arg10[%dma_wait3A_150, %dma_wait3A_151] : memref<10112x128xf32, #tpu.memory_space<vmem_shared>> -> memref<16x128xf32, #tpu.memory_space<vmem_shared>>
        tpu.wait_dma2 semaphore(%run_scoped3A_113 : memref<!tpu.dma_semaphore, #tpu.memory_space<semaphore_mem>>) src(%dma_wait3A_152 : memref<16x128xf32, #tpu.memory_space<vmem_shared>>) dst(%dma_wait3A_149 : memref<16x128xf32, #tpu.memory_space<vmem>>)
        tpu.yield
      }) : () -> ()
      "tpu.region"() ({
        %run_scoped3A_113 = tpu.sem_alloc : memref<!tpu.dma_semaphore, #tpu.memory_space<semaphore_mem>>
        %dma_start3A_114 = arith.constant 0 : i32
        %dma_start3A_115 = arith.constant 0 : i32
        %dma_start3A_116 = tpu.memref_slice %arg9[%cond3A, %dma_start3A_114, %dma_start3A_115] : memref<2x128x128xf32, #tpu.memory_space<vmem>> -> memref<1x128x128xf32, #tpu.memory_space<vmem>>
        %dma_start3A_117 = tpu.memref_squeeze %dma_start3A_116 : memref<1x128x128xf32, #tpu.memory_space<vmem>> -> memref<128x128xf32, #tpu.memory_space<vmem>>
        %dma_start3A_118 = arith.constant 0 : i32
        %dma_start3A_119 = arith.constant 0 : i32
        %dma_start3A_120 = tpu.memref_slice %dma_start3A_117[%dma_start3A_118, %dma_start3A_119] : memref<128x128xf32, #tpu.memory_space<vmem>> -> memref<16x128xf32, #tpu.memory_space<vmem>>
        %dma_start3A_121 = arith.constant 0 : i32
        %dma_start3A_122 = arith.constant 0 : i32
        %dma_start3A_123 = tpu.memref_slice %arg6[%arg0, %dma_start3A_121, %dma_start3A_122] : memref<2x10000x128xf32, #tpu.memory_space<hbm>> -> memref<1x10000x128xf32, #tpu.memory_space<hbm>>
        %dma_start3A_124 = tpu.memref_squeeze %dma_start3A_123 : memref<1x10000x128xf32, #tpu.memory_space<hbm>> -> memref<10000x128xf32, #tpu.memory_space<hbm>>
        %dma_start3A_125 = arith.constant 9984 : i32
        %dma_start3A_126 = arith.constant 0 : i32
        %dma_start3A_127 = tpu.memref_slice %dma_start3A_124[%dma_start3A_125, %dma_start3A_126] : memref<10000x128xf32, #tpu.memory_space<hbm>> -> memref<16x128xf32, #tpu.memory_space<hbm>>
        %dma_start3A_128 = arith.constant 0 : i32
        %dma_start3A_129 = arith.constant 0 : i32
        %dma_start3A_130 = tpu.memref_slice %arg6[%arg0, %dma_start3A_128, %dma_start3A_129] : memref<2x10000x128xf32, #tpu.memory_space<hbm>> -> memref<1x10000x128xf32, #tpu.memory_space<hbm>>
        %dma_start3A_131 = tpu.memref_squeeze %dma_start3A_130 : memref<1x10000x128xf32, #tpu.memory_space<hbm>> -> memref<10000x128xf32, #tpu.memory_space<hbm>>
        %dma_start3A_132 = arith.constant 9984 : i32
        %dma_start3A_133 = arith.constant 0 : i32
        %dma_start3A_134 = tpu.memref_slice %dma_start3A_131[%dma_start3A_132, %dma_start3A_133] : memref<10000x128xf32, #tpu.memory_space<hbm>> -> memref<16x128xf32, #tpu.memory_space<hbm>>
        %dma_start3A_135 = arith.constant 0 : i32
        %dma_start3A_136 = arith.constant 0 : i32
        %dma_start3A_137 = tpu.memref_slice %arg9[%cond3A, %dma_start3A_135, %dma_start3A_136] : memref<2x128x128xf32, #tpu.memory_space<vmem>> -> memref<1x128x128xf32, #tpu.memory_space<vmem>>
        %dma_start3A_138 = tpu.memref_squeeze %dma_start3A_137 : memref<1x128x128xf32, #tpu.memory_space<vmem>> -> memref<128x128xf32, #tpu.memory_space<vmem>>
        %dma_start3A_139 = arith.constant 0 : i32
        %dma_start3A_140 = arith.constant 0 : i32
        %dma_start3A_141 = tpu.memref_slice %dma_start3A_138[%dma_start3A_139, %dma_start3A_140] : memref<128x128xf32, #tpu.memory_space<vmem>> -> memref<16x128xf32, #tpu.memory_space<vmem>>
        tpu.enqueue_dma source(%dma_start3A_141 : memref<16x128xf32, #tpu.memory_space<vmem>>) target(%dma_start3A_134 : memref<16x128xf32, #tpu.memory_space<hbm>>) target_semaphore(%run_scoped3A_113 : memref<!tpu.dma_semaphore, #tpu.memory_space<semaphore_mem>>)
        %dma_wait3A = arith.constant 0 : i32
        %dma_wait3A_142 = arith.constant 0 : i32
        %dma_wait3A_143 = tpu.memref_slice %arg9[%cond3A, %dma_wait3A, %dma_wait3A_142] : memref<2x128x128xf32, #tpu.memory_space<vmem>> -> memref<1x128x128xf32, #tpu.memory_space<vmem>>
        %dma_wait3A_144 = tpu.memref_squeeze %dma_wait3A_143 : memref<1x128x128xf32, #tpu.memory_space<vmem>> -> memref<128x128xf32, #tpu.memory_space<vmem>>
        %dma_wait3A_145 = arith.constant 0 : i32
        %dma_wait3A_146 = arith.constant 0 : i32
        %dma_wait3A_147 = tpu.memref_slice %dma_wait3A_144[%dma_wait3A_145, %dma_wait3A_146] : memref<128x128xf32, #tpu.memory_space<vmem>> -> memref<16x128xf32, #tpu.memory_space<vmem>>
        %dma_wait3A_148 = arith.constant 0 : i32
        %dma_wait3A_149 = arith.constant 0 : i32
        %dma_wait3A_150 = tpu.memref_slice %arg6[%arg0, %dma_wait3A_148, %dma_wait3A_149] : memref<2x10000x128xf32, #tpu.memory_space<hbm>> -> memref<1x10000x128xf32, #tpu.memory_space<hbm>>
        %dma_wait3A_151 = tpu.memref_squeeze %dma_wait3A_150 : memref<1x10000x128xf32, #tpu.memory_space<hbm>> -> memref<10000x128xf32, #tpu.memory_space<hbm>>
        %dma_wait3A_152 = arith.constant 9984 : i32
        %dma_wait3A_153 = arith.constant 0 : i32
        %dma_wait3A_154 = tpu.memref_slice %dma_wait3A_151[%dma_wait3A_152, %dma_wait3A_153] : memref<10000x128xf32, #tpu.memory_space<hbm>> -> memref<16x128xf32, #tpu.memory_space<hbm>>
        %dma_wait3A_155 = arith.constant 0 : i32
        %dma_wait3A_156 = arith.constant 0 : i32
        %dma_wait3A_157 = tpu.memref_slice %arg6[%arg0, %dma_wait3A_155, %dma_wait3A_156] : memref<2x10000x128xf32, #tpu.memory_space<hbm>> -> memref<1x10000x128xf32, #tpu.memory_space<hbm>>
        %dma_wait3A_158 = tpu.memref_squeeze %dma_wait3A_157 : memref<1x10000x128xf32, #tpu.memory_space<hbm>> -> memref<10000x128xf32, #tpu.memory_space<hbm>>
        %dma_wait3A_159 = arith.constant 9984 : i32
        %dma_wait3A_160 = arith.constant 0 : i32
        %dma_wait3A_161 = tpu.memref_slice %dma_wait3A_158[%dma_wait3A_159, %dma_wait3A_160] : memref<10000x128xf32, #tpu.memory_space<hbm>> -> memref<16x128xf32, #tpu.memory_space<hbm>>
        %dma_wait3A_162 = arith.constant 0 : i32
        %dma_wait3A_163 = arith.constant 0 : i32
        %dma_wait3A_164 = tpu.memref_slice %arg9[%cond3A, %dma_wait3A_162, %dma_wait3A_163] : memref<2x128x128xf32, #tpu.memory_space<vmem>> -> memref<1x128x128xf32, #tpu.memory_space<vmem>>
        %dma_wait3A_165 = tpu.memref_squeeze %dma_wait3A_164 : memref<1x128x128xf32, #tpu.memory_space<vmem>> -> memref<128x128xf32, #tpu.memory_space<vmem>>
        %dma_wait3A_166 = arith.constant 0 : i32
        %dma_wait3A_167 = arith.constant 0 : i32
        %dma_wait3A_168 = tpu.memref_slice %dma_wait3A_165[%dma_wait3A_166, %dma_wait3A_167] : memref<128x128xf32, #tpu.memory_space<vmem>> -> memref<16x128xf32, #tpu.memory_space<vmem>>
        tpu.wait_dma2 semaphore(%run_scoped3A_113 : memref<!tpu.dma_semaphore, #tpu.memory_space<semaphore_mem>>) src(%dma_wait3A_168 : memref<16x128xf32, #tpu.memory_space<vmem>>) dst(%dma_wait3A_161 : memref<16x128xf32, #tpu.memory_space<hbm>>)
        tpu.yield
      }) : () -> ()
    } else {
    }
    return
  }
}

#map = affine_map<(d0, d1) -> (0, 0)>
#map1 = affine_map<(d0, d1) -> (0, 0, 0)>
module attributes {stable_mosaic.version = 14 : i64} {
  func.func @hist(%arg0: i32, %arg1: i32, %arg2: memref<128x128xf32, #tpu.memory_space<hbm>>, %arg3: memref<128x128xf32, #tpu.memory_space<hbm>>, %arg4: memref<2528x1x128xi32, #tpu.memory_space<hbm>>, %arg5: memref<2x10000x128xf32, #tpu.memory_space<hbm>>, %arg6: memref<79x1x128xi32, #tpu.memory_space<vmem>>, %arg7: memref<128x128xf32, #tpu.memory_space<vmem>>, %arg8: memref<10112x128xf32, #tpu.memory_space<vmem_shared>>, %arg9: memref<!tpu.dma_semaphore, #tpu.memory_space<semaphore_mem>>, %arg10: memref<!tpu.dma_semaphore, #tpu.memory_space<semaphore_mem>>) attributes {dimension_semantics = [#tpu.dimension_semantics<core_parallel>, #tpu.dimension_semantics<subcore_parallel>], iteration_bounds = array<i64: 2, 16>, scalar_prefetch = 0 : i64, scratch_operands = 5 : i64, tpu.core_type = #tpu.core_type<sc_vector_subcore>, window_params = [{transform_indices = #map}, {transform_indices = #map}, {transform_indices = #map1}, {transform_indices = #map1}]} {
    %mul3A = arith.constant 2 : i32
    %mul3A_0 = arith.muli %arg1, %mul3A : i32
    %add3A = arith.addi %mul3A_0, %arg0 : i32
    %mul3A_1 = arith.constant 79 : i32
    %mul3A_2 = arith.muli %add3A, %mul3A_1 : i32
    %dma_start3A = arith.constant 0 : i32
    %dma_start3A_3 = arith.constant 0 : i32
    %dma_start3A_4 = tpu.memref_slice %arg4[%mul3A_2, %dma_start3A, %dma_start3A_3] : memref<2528x1x128xi32, #tpu.memory_space<hbm>> -> memref<79x1x128xi32, #tpu.memory_space<hbm>>
    %dma_start3A_5 = arith.constant 0 : i32
    %dma_start3A_6 = arith.constant 0 : i32
    %dma_start3A_7 = tpu.memref_slice %arg4[%mul3A_2, %dma_start3A_5, %dma_start3A_6] : memref<2528x1x128xi32, #tpu.memory_space<hbm>> -> memref<79x1x128xi32, #tpu.memory_space<hbm>>
    tpu.enqueue_dma source(%dma_start3A_7 : memref<79x1x128xi32, #tpu.memory_space<hbm>>) target(%arg6 : memref<79x1x128xi32, #tpu.memory_space<vmem>>) target_semaphore(%arg10 : memref<!tpu.dma_semaphore, #tpu.memory_space<semaphore_mem>>)
    "tpu.region"() ({
      %run_scoped3A = tpu.sem_alloc : memref<!tpu.dma_semaphore, #tpu.memory_space<semaphore_mem>>
      tpu.enqueue_dma source(%arg2 : memref<128x128xf32, #tpu.memory_space<hbm>>) target(%arg7 : memref<128x128xf32, #tpu.memory_space<vmem>>) target_semaphore(%run_scoped3A : memref<!tpu.dma_semaphore, #tpu.memory_space<semaphore_mem>>)
      tpu.wait_dma2 semaphore(%run_scoped3A : memref<!tpu.dma_semaphore, #tpu.memory_space<semaphore_mem>>) src(%arg2 : memref<128x128xf32, #tpu.memory_space<hbm>>) dst(%arg7 : memref<128x128xf32, #tpu.memory_space<vmem>>)
      tpu.yield
    }) : () -> ()
    %mul3A_8 = arith.constant 632 : i32
    %mul3A_9 = arith.muli %arg1, %mul3A_8 : i32
    %add3A_10 = arith.constant 0 : i32
    %add3A_11 = arith.addi %mul3A_9, %add3A_10 : i32
    "tpu.region"() ({
      %run_scoped3A = tpu.sem_alloc : memref<!tpu.dma_semaphore, #tpu.memory_space<semaphore_mem>>
      %dma_start3A_62 = arith.constant 0 : i32
      %dma_start3A_63 = arith.constant 0 : i32
      %dma_start3A_64 = tpu.memref_slice %arg7[%dma_start3A_62, %dma_start3A_63] : memref<128x128xf32, #tpu.memory_space<vmem>> -> memref<128x128xf32, #tpu.memory_space<vmem>>
      %dma_start3A_65 = arith.constant 0 : i32
      %dma_start3A_66 = tpu.memref_slice %arg8[%add3A_11, %dma_start3A_65] : memref<10112x128xf32, #tpu.memory_space<vmem_shared>> -> memref<128x128xf32, #tpu.memory_space<vmem_shared>>
      %dma_start3A_67 = arith.constant 0 : i32
      %dma_start3A_68 = tpu.memref_slice %arg8[%add3A_11, %dma_start3A_67] : memref<10112x128xf32, #tpu.memory_space<vmem_shared>> -> memref<128x128xf32, #tpu.memory_space<vmem_shared>>
      %dma_start3A_69 = arith.constant 0 : i32
      %dma_start3A_70 = arith.constant 0 : i32
      %dma_start3A_71 = tpu.memref_slice %arg7[%dma_start3A_69, %dma_start3A_70] : memref<128x128xf32, #tpu.memory_space<vmem>> -> memref<128x128xf32, #tpu.memory_space<vmem>>
      tpu.enqueue_dma source(%dma_start3A_71 : memref<128x128xf32, #tpu.memory_space<vmem>>) target(%dma_start3A_68 : memref<128x128xf32, #tpu.memory_space<vmem_shared>>) target_semaphore(%run_scoped3A : memref<!tpu.dma_semaphore, #tpu.memory_space<semaphore_mem>>)
      %dma_wait3A_72 = arith.constant 0 : i32
      %dma_wait3A_73 = arith.constant 0 : i32
      %dma_wait3A_74 = tpu.memref_slice %arg7[%dma_wait3A_72, %dma_wait3A_73] : memref<128x128xf32, #tpu.memory_space<vmem>> -> memref<128x128xf32, #tpu.memory_space<vmem>>
      %dma_wait3A_75 = arith.constant 0 : i32
      %dma_wait3A_76 = tpu.memref_slice %arg8[%add3A_11, %dma_wait3A_75] : memref<10112x128xf32, #tpu.memory_space<vmem_shared>> -> memref<128x128xf32, #tpu.memory_space<vmem_shared>>
      %dma_wait3A_77 = arith.constant 0 : i32
      %dma_wait3A_78 = tpu.memref_slice %arg8[%add3A_11, %dma_wait3A_77] : memref<10112x128xf32, #tpu.memory_space<vmem_shared>> -> memref<128x128xf32, #tpu.memory_space<vmem_shared>>
      %dma_wait3A_79 = arith.constant 0 : i32
      %dma_wait3A_80 = arith.constant 0 : i32
      %dma_wait3A_81 = tpu.memref_slice %arg7[%dma_wait3A_79, %dma_wait3A_80] : memref<128x128xf32, #tpu.memory_space<vmem>> -> memref<128x128xf32, #tpu.memory_space<vmem>>
      tpu.wait_dma2 semaphore(%run_scoped3A : memref<!tpu.dma_semaphore, #tpu.memory_space<semaphore_mem>>) src(%dma_wait3A_81 : memref<128x128xf32, #tpu.memory_space<vmem>>) dst(%dma_wait3A_78 : memref<128x128xf32, #tpu.memory_space<vmem_shared>>)
      tpu.yield
    }) : () -> ()
    %mul3A_12 = arith.constant 632 : i32
    %mul3A_13 = arith.muli %arg1, %mul3A_12 : i32
    %add3A_14 = arith.constant 128 : i32
    %add3A_15 = arith.addi %mul3A_13, %add3A_14 : i32
    "tpu.region"() ({
      %run_scoped3A = tpu.sem_alloc : memref<!tpu.dma_semaphore, #tpu.memory_space<semaphore_mem>>
      %dma_start3A_62 = arith.constant 0 : i32
      %dma_start3A_63 = arith.constant 0 : i32
      %dma_start3A_64 = tpu.memref_slice %arg7[%dma_start3A_62, %dma_start3A_63] : memref<128x128xf32, #tpu.memory_space<vmem>> -> memref<128x128xf32, #tpu.memory_space<vmem>>
      %dma_start3A_65 = arith.constant 0 : i32
      %dma_start3A_66 = tpu.memref_slice %arg8[%add3A_15, %dma_start3A_65] : memref<10112x128xf32, #tpu.memory_space<vmem_shared>> -> memref<128x128xf32, #tpu.memory_space<vmem_shared>>
      %dma_start3A_67 = arith.constant 0 : i32
      %dma_start3A_68 = tpu.memref_slice %arg8[%add3A_15, %dma_start3A_67] : memref<10112x128xf32, #tpu.memory_space<vmem_shared>> -> memref<128x128xf32, #tpu.memory_space<vmem_shared>>
      %dma_start3A_69 = arith.constant 0 : i32
      %dma_start3A_70 = arith.constant 0 : i32
      %dma_start3A_71 = tpu.memref_slice %arg7[%dma_start3A_69, %dma_start3A_70] : memref<128x128xf32, #tpu.memory_space<vmem>> -> memref<128x128xf32, #tpu.memory_space<vmem>>
      tpu.enqueue_dma source(%dma_start3A_71 : memref<128x128xf32, #tpu.memory_space<vmem>>) target(%dma_start3A_68 : memref<128x128xf32, #tpu.memory_space<vmem_shared>>) target_semaphore(%run_scoped3A : memref<!tpu.dma_semaphore, #tpu.memory_space<semaphore_mem>>)
      %dma_wait3A_72 = arith.constant 0 : i32
      %dma_wait3A_73 = arith.constant 0 : i32
      %dma_wait3A_74 = tpu.memref_slice %arg7[%dma_wait3A_72, %dma_wait3A_73] : memref<128x128xf32, #tpu.memory_space<vmem>> -> memref<128x128xf32, #tpu.memory_space<vmem>>
      %dma_wait3A_75 = arith.constant 0 : i32
      %dma_wait3A_76 = tpu.memref_slice %arg8[%add3A_15, %dma_wait3A_75] : memref<10112x128xf32, #tpu.memory_space<vmem_shared>> -> memref<128x128xf32, #tpu.memory_space<vmem_shared>>
      %dma_wait3A_77 = arith.constant 0 : i32
      %dma_wait3A_78 = tpu.memref_slice %arg8[%add3A_15, %dma_wait3A_77] : memref<10112x128xf32, #tpu.memory_space<vmem_shared>> -> memref<128x128xf32, #tpu.memory_space<vmem_shared>>
      %dma_wait3A_79 = arith.constant 0 : i32
      %dma_wait3A_80 = arith.constant 0 : i32
      %dma_wait3A_81 = tpu.memref_slice %arg7[%dma_wait3A_79, %dma_wait3A_80] : memref<128x128xf32, #tpu.memory_space<vmem>> -> memref<128x128xf32, #tpu.memory_space<vmem>>
      tpu.wait_dma2 semaphore(%run_scoped3A : memref<!tpu.dma_semaphore, #tpu.memory_space<semaphore_mem>>) src(%dma_wait3A_81 : memref<128x128xf32, #tpu.memory_space<vmem>>) dst(%dma_wait3A_78 : memref<128x128xf32, #tpu.memory_space<vmem_shared>>)
      tpu.yield
    }) : () -> ()
    %mul3A_16 = arith.constant 632 : i32
    %mul3A_17 = arith.muli %arg1, %mul3A_16 : i32
    %add3A_18 = arith.constant 256 : i32
    %add3A_19 = arith.addi %mul3A_17, %add3A_18 : i32
    "tpu.region"() ({
      %run_scoped3A = tpu.sem_alloc : memref<!tpu.dma_semaphore, #tpu.memory_space<semaphore_mem>>
      %dma_start3A_62 = arith.constant 0 : i32
      %dma_start3A_63 = arith.constant 0 : i32
      %dma_start3A_64 = tpu.memref_slice %arg7[%dma_start3A_62, %dma_start3A_63] : memref<128x128xf32, #tpu.memory_space<vmem>> -> memref<128x128xf32, #tpu.memory_space<vmem>>
      %dma_start3A_65 = arith.constant 0 : i32
      %dma_start3A_66 = tpu.memref_slice %arg8[%add3A_19, %dma_start3A_65] : memref<10112x128xf32, #tpu.memory_space<vmem_shared>> -> memref<128x128xf32, #tpu.memory_space<vmem_shared>>
      %dma_start3A_67 = arith.constant 0 : i32
      %dma_start3A_68 = tpu.memref_slice %arg8[%add3A_19, %dma_start3A_67] : memref<10112x128xf32, #tpu.memory_space<vmem_shared>> -> memref<128x128xf32, #tpu.memory_space<vmem_shared>>
      %dma_start3A_69 = arith.constant 0 : i32
      %dma_start3A_70 = arith.constant 0 : i32
      %dma_start3A_71 = tpu.memref_slice %arg7[%dma_start3A_69, %dma_start3A_70] : memref<128x128xf32, #tpu.memory_space<vmem>> -> memref<128x128xf32, #tpu.memory_space<vmem>>
      tpu.enqueue_dma source(%dma_start3A_71 : memref<128x128xf32, #tpu.memory_space<vmem>>) target(%dma_start3A_68 : memref<128x128xf32, #tpu.memory_space<vmem_shared>>) target_semaphore(%run_scoped3A : memref<!tpu.dma_semaphore, #tpu.memory_space<semaphore_mem>>)
      %dma_wait3A_72 = arith.constant 0 : i32
      %dma_wait3A_73 = arith.constant 0 : i32
      %dma_wait3A_74 = tpu.memref_slice %arg7[%dma_wait3A_72, %dma_wait3A_73] : memref<128x128xf32, #tpu.memory_space<vmem>> -> memref<128x128xf32, #tpu.memory_space<vmem>>
      %dma_wait3A_75 = arith.constant 0 : i32
      %dma_wait3A_76 = tpu.memref_slice %arg8[%add3A_19, %dma_wait3A_75] : memref<10112x128xf32, #tpu.memory_space<vmem_shared>> -> memref<128x128xf32, #tpu.memory_space<vmem_shared>>
      %dma_wait3A_77 = arith.constant 0 : i32
      %dma_wait3A_78 = tpu.memref_slice %arg8[%add3A_19, %dma_wait3A_77] : memref<10112x128xf32, #tpu.memory_space<vmem_shared>> -> memref<128x128xf32, #tpu.memory_space<vmem_shared>>
      %dma_wait3A_79 = arith.constant 0 : i32
      %dma_wait3A_80 = arith.constant 0 : i32
      %dma_wait3A_81 = tpu.memref_slice %arg7[%dma_wait3A_79, %dma_wait3A_80] : memref<128x128xf32, #tpu.memory_space<vmem>> -> memref<128x128xf32, #tpu.memory_space<vmem>>
      tpu.wait_dma2 semaphore(%run_scoped3A : memref<!tpu.dma_semaphore, #tpu.memory_space<semaphore_mem>>) src(%dma_wait3A_81 : memref<128x128xf32, #tpu.memory_space<vmem>>) dst(%dma_wait3A_78 : memref<128x128xf32, #tpu.memory_space<vmem_shared>>)
      tpu.yield
    }) : () -> ()
    %mul3A_20 = arith.constant 632 : i32
    %mul3A_21 = arith.muli %arg1, %mul3A_20 : i32
    %add3A_22 = arith.constant 384 : i32
    %add3A_23 = arith.addi %mul3A_21, %add3A_22 : i32
    "tpu.region"() ({
      %run_scoped3A = tpu.sem_alloc : memref<!tpu.dma_semaphore, #tpu.memory_space<semaphore_mem>>
      %dma_start3A_62 = arith.constant 0 : i32
      %dma_start3A_63 = arith.constant 0 : i32
      %dma_start3A_64 = tpu.memref_slice %arg7[%dma_start3A_62, %dma_start3A_63] : memref<128x128xf32, #tpu.memory_space<vmem>> -> memref<128x128xf32, #tpu.memory_space<vmem>>
      %dma_start3A_65 = arith.constant 0 : i32
      %dma_start3A_66 = tpu.memref_slice %arg8[%add3A_23, %dma_start3A_65] : memref<10112x128xf32, #tpu.memory_space<vmem_shared>> -> memref<128x128xf32, #tpu.memory_space<vmem_shared>>
      %dma_start3A_67 = arith.constant 0 : i32
      %dma_start3A_68 = tpu.memref_slice %arg8[%add3A_23, %dma_start3A_67] : memref<10112x128xf32, #tpu.memory_space<vmem_shared>> -> memref<128x128xf32, #tpu.memory_space<vmem_shared>>
      %dma_start3A_69 = arith.constant 0 : i32
      %dma_start3A_70 = arith.constant 0 : i32
      %dma_start3A_71 = tpu.memref_slice %arg7[%dma_start3A_69, %dma_start3A_70] : memref<128x128xf32, #tpu.memory_space<vmem>> -> memref<128x128xf32, #tpu.memory_space<vmem>>
      tpu.enqueue_dma source(%dma_start3A_71 : memref<128x128xf32, #tpu.memory_space<vmem>>) target(%dma_start3A_68 : memref<128x128xf32, #tpu.memory_space<vmem_shared>>) target_semaphore(%run_scoped3A : memref<!tpu.dma_semaphore, #tpu.memory_space<semaphore_mem>>)
      %dma_wait3A_72 = arith.constant 0 : i32
      %dma_wait3A_73 = arith.constant 0 : i32
      %dma_wait3A_74 = tpu.memref_slice %arg7[%dma_wait3A_72, %dma_wait3A_73] : memref<128x128xf32, #tpu.memory_space<vmem>> -> memref<128x128xf32, #tpu.memory_space<vmem>>
      %dma_wait3A_75 = arith.constant 0 : i32
      %dma_wait3A_76 = tpu.memref_slice %arg8[%add3A_23, %dma_wait3A_75] : memref<10112x128xf32, #tpu.memory_space<vmem_shared>> -> memref<128x128xf32, #tpu.memory_space<vmem_shared>>
      %dma_wait3A_77 = arith.constant 0 : i32
      %dma_wait3A_78 = tpu.memref_slice %arg8[%add3A_23, %dma_wait3A_77] : memref<10112x128xf32, #tpu.memory_space<vmem_shared>> -> memref<128x128xf32, #tpu.memory_space<vmem_shared>>
      %dma_wait3A_79 = arith.constant 0 : i32
      %dma_wait3A_80 = arith.constant 0 : i32
      %dma_wait3A_81 = tpu.memref_slice %arg7[%dma_wait3A_79, %dma_wait3A_80] : memref<128x128xf32, #tpu.memory_space<vmem>> -> memref<128x128xf32, #tpu.memory_space<vmem>>
      tpu.wait_dma2 semaphore(%run_scoped3A : memref<!tpu.dma_semaphore, #tpu.memory_space<semaphore_mem>>) src(%dma_wait3A_81 : memref<128x128xf32, #tpu.memory_space<vmem>>) dst(%dma_wait3A_78 : memref<128x128xf32, #tpu.memory_space<vmem_shared>>)
      tpu.yield
    }) : () -> ()
    %mul3A_24 = arith.constant 632 : i32
    %mul3A_25 = arith.muli %arg1, %mul3A_24 : i32
    %add3A_26 = arith.constant 512 : i32
    %add3A_27 = arith.addi %mul3A_25, %add3A_26 : i32
    "tpu.region"() ({
      %run_scoped3A = tpu.sem_alloc : memref<!tpu.dma_semaphore, #tpu.memory_space<semaphore_mem>>
      %dma_start3A_62 = arith.constant 0 : i32
      %dma_start3A_63 = arith.constant 0 : i32
      %dma_start3A_64 = tpu.memref_slice %arg7[%dma_start3A_62, %dma_start3A_63] : memref<128x128xf32, #tpu.memory_space<vmem>> -> memref<120x128xf32, #tpu.memory_space<vmem>>
      %dma_start3A_65 = arith.constant 0 : i32
      %dma_start3A_66 = tpu.memref_slice %arg8[%add3A_27, %dma_start3A_65] : memref<10112x128xf32, #tpu.memory_space<vmem_shared>> -> memref<120x128xf32, #tpu.memory_space<vmem_shared>>
      %dma_start3A_67 = arith.constant 0 : i32
      %dma_start3A_68 = tpu.memref_slice %arg8[%add3A_27, %dma_start3A_67] : memref<10112x128xf32, #tpu.memory_space<vmem_shared>> -> memref<120x128xf32, #tpu.memory_space<vmem_shared>>
      %dma_start3A_69 = arith.constant 0 : i32
      %dma_start3A_70 = arith.constant 0 : i32
      %dma_start3A_71 = tpu.memref_slice %arg7[%dma_start3A_69, %dma_start3A_70] : memref<128x128xf32, #tpu.memory_space<vmem>> -> memref<120x128xf32, #tpu.memory_space<vmem>>
      tpu.enqueue_dma source(%dma_start3A_71 : memref<120x128xf32, #tpu.memory_space<vmem>>) target(%dma_start3A_68 : memref<120x128xf32, #tpu.memory_space<vmem_shared>>) target_semaphore(%run_scoped3A : memref<!tpu.dma_semaphore, #tpu.memory_space<semaphore_mem>>)
      %dma_wait3A_72 = arith.constant 0 : i32
      %dma_wait3A_73 = arith.constant 0 : i32
      %dma_wait3A_74 = tpu.memref_slice %arg7[%dma_wait3A_72, %dma_wait3A_73] : memref<128x128xf32, #tpu.memory_space<vmem>> -> memref<120x128xf32, #tpu.memory_space<vmem>>
      %dma_wait3A_75 = arith.constant 0 : i32
      %dma_wait3A_76 = tpu.memref_slice %arg8[%add3A_27, %dma_wait3A_75] : memref<10112x128xf32, #tpu.memory_space<vmem_shared>> -> memref<120x128xf32, #tpu.memory_space<vmem_shared>>
      %dma_wait3A_77 = arith.constant 0 : i32
      %dma_wait3A_78 = tpu.memref_slice %arg8[%add3A_27, %dma_wait3A_77] : memref<10112x128xf32, #tpu.memory_space<vmem_shared>> -> memref<120x128xf32, #tpu.memory_space<vmem_shared>>
      %dma_wait3A_79 = arith.constant 0 : i32
      %dma_wait3A_80 = arith.constant 0 : i32
      %dma_wait3A_81 = tpu.memref_slice %arg7[%dma_wait3A_79, %dma_wait3A_80] : memref<128x128xf32, #tpu.memory_space<vmem>> -> memref<120x128xf32, #tpu.memory_space<vmem>>
      tpu.wait_dma2 semaphore(%run_scoped3A : memref<!tpu.dma_semaphore, #tpu.memory_space<semaphore_mem>>) src(%dma_wait3A_81 : memref<120x128xf32, #tpu.memory_space<vmem>>) dst(%dma_wait3A_78 : memref<120x128xf32, #tpu.memory_space<vmem_shared>>)
      tpu.yield
    }) : () -> ()
    "tpu.region"() ({
      %run_scoped3A = tpu.sem_alloc : memref<!tpu.dma_semaphore, #tpu.memory_space<semaphore_mem>>
      tpu.enqueue_dma source(%arg3 : memref<128x128xf32, #tpu.memory_space<hbm>>) target(%arg7 : memref<128x128xf32, #tpu.memory_space<vmem>>) target_semaphore(%run_scoped3A : memref<!tpu.dma_semaphore, #tpu.memory_space<semaphore_mem>>)
      tpu.wait_dma2 semaphore(%run_scoped3A : memref<!tpu.dma_semaphore, #tpu.memory_space<semaphore_mem>>) src(%arg3 : memref<128x128xf32, #tpu.memory_space<hbm>>) dst(%arg7 : memref<128x128xf32, #tpu.memory_space<vmem>>)
      tpu.yield
    }) : () -> ()
    %dma_wait3A = arith.constant 0 : i32
    %dma_wait3A_28 = arith.constant 0 : i32
    %dma_wait3A_29 = tpu.memref_slice %arg4[%mul3A_2, %dma_wait3A, %dma_wait3A_28] : memref<2528x1x128xi32, #tpu.memory_space<hbm>> -> memref<79x1x128xi32, #tpu.memory_space<hbm>>
    %dma_wait3A_30 = arith.constant 0 : i32
    %dma_wait3A_31 = arith.constant 0 : i32
    %dma_wait3A_32 = tpu.memref_slice %arg4[%mul3A_2, %dma_wait3A_30, %dma_wait3A_31] : memref<2528x1x128xi32, #tpu.memory_space<hbm>> -> memref<79x1x128xi32, #tpu.memory_space<hbm>>
    tpu.wait_dma2 semaphore(%arg10 : memref<!tpu.dma_semaphore, #tpu.memory_space<semaphore_mem>>) src(%dma_wait3A_32 : memref<79x1x128xi32, #tpu.memory_space<hbm>>) dst(%arg6 : memref<79x1x128xi32, #tpu.memory_space<vmem>>)
    %barrier3A = arith.constant 0 : index
    tpu.barrier barrier_id(%barrier3A)
    %scan3A = arith.constant 0 : i32
    %scan3A_33 = arith.constant 0 : i32
    %scan3A_34 = arith.constant 79 : i32
    %scan3A_35 = arith.addi %scan3A_33, %scan3A_34 : i32
    %scan3A_36 = arith.constant 1 : i32
    %scan3A_37 = scf.for %scan3A_62 = %scan3A_33 to %scan3A_35 step %scan3A_36 iter_args(%scan3A_63 = %scan3A) -> (i32)  : i32 {
      %dma_start3A_64 = arith.constant 0 : i32
      %dma_start3A_65 = arith.constant 0 : i32
      %dma_start3A_66 = tpu.memref_slice %arg6[%scan3A_62, %dma_start3A_64, %dma_start3A_65] : memref<79x1x128xi32, #tpu.memory_space<vmem>> -> memref<1x1x128xi32, #tpu.memory_space<vmem>>
      %dma_start3A_67 = tpu.memref_squeeze %dma_start3A_66 : memref<1x1x128xi32, #tpu.memory_space<vmem>> -> memref<128xi32, #tpu.memory_space<vmem>>
      %dma_start3A_68 = arith.constant 0 : i32
      %dma_start3A_69 = arith.constant 0 : i32
      %dma_start3A_70 = tpu.memref_slice %arg8[%dma_start3A_68, %dma_start3A_69] : memref<10112x128xf32, #tpu.memory_space<vmem_shared>> -> memref<10112x128xf32, #tpu.memory_space<vmem_shared>>
      tpu.enqueue_indirect_dma source(%arg7 : memref<128x128xf32, #tpu.memory_space<vmem>>) target(%dma_start3A_70 : memref<10112x128xf32, #tpu.memory_space<vmem_shared>>) offsets(%dma_start3A_67 : memref<128xi32, #tpu.memory_space<vmem>>) semaphore(%arg9 : memref<!tpu.dma_semaphore, #tpu.memory_space<semaphore_mem>>) {add = true}
      %ge3A = arith.constant 4 : i32
      %ge3A_71 = arith.cmpi sge, %scan3A_62, %ge3A : i32
      %convert_element_type3A_72 = arith.extui %ge3A_71 : i1 to i32
      %cond3A_73 = arith.constant 0 : i32
      %cond3A_74 = arith.cmpi ne, %convert_element_type3A_72, %cond3A_73 : i32
      scf.if %cond3A_74 {
        tpu.wait_dma2 semaphore(%arg9 : memref<!tpu.dma_semaphore, #tpu.memory_space<semaphore_mem>>) src(%arg2 : memref<128x128xf32, #tpu.memory_space<hbm>>) dst(%arg7 : memref<128x128xf32, #tpu.memory_space<vmem>>)
      } else {
      }
      %scan3A_75 = arith.constant 0 : i32
      scf.yield %scan3A_75 : i32
    }
    %scan3A_38 = arith.constant 79 : i32
    tpu.wait_dma2 semaphore(%arg9 : memref<!tpu.dma_semaphore, #tpu.memory_space<semaphore_mem>>) src(%arg2 : memref<128x128xf32, #tpu.memory_space<hbm>>) dst(%arg7 : memref<128x128xf32, #tpu.memory_space<vmem>>)
    tpu.wait_dma2 semaphore(%arg9 : memref<!tpu.dma_semaphore, #tpu.memory_space<semaphore_mem>>) src(%arg2 : memref<128x128xf32, #tpu.memory_space<hbm>>) dst(%arg7 : memref<128x128xf32, #tpu.memory_space<vmem>>)
    tpu.wait_dma2 semaphore(%arg9 : memref<!tpu.dma_semaphore, #tpu.memory_space<semaphore_mem>>) src(%arg2 : memref<128x128xf32, #tpu.memory_space<hbm>>) dst(%arg7 : memref<128x128xf32, #tpu.memory_space<vmem>>)
    tpu.wait_dma2 semaphore(%arg9 : memref<!tpu.dma_semaphore, #tpu.memory_space<semaphore_mem>>) src(%arg2 : memref<128x128xf32, #tpu.memory_space<hbm>>) dst(%arg7 : memref<128x128xf32, #tpu.memory_space<vmem>>)
    %barrier3A_39 = arith.constant 0 : index
    tpu.barrier barrier_id(%barrier3A_39)
    %mul3A_40 = arith.constant 624 : i32
    %mul3A_41 = arith.muli %arg1, %mul3A_40 : i32
    %add3A_42 = arith.constant 0 : i32
    %add3A_43 = arith.addi %mul3A_41, %add3A_42 : i32
    "tpu.region"() ({
      %run_scoped3A = tpu.sem_alloc : memref<!tpu.dma_semaphore, #tpu.memory_space<semaphore_mem>>
      %dma_start3A_62 = arith.constant 0 : i32
      %dma_start3A_63 = arith.constant 0 : i32
      %dma_start3A_64 = tpu.memref_slice %arg7[%dma_start3A_62, %dma_start3A_63] : memref<128x128xf32, #tpu.memory_space<vmem>> -> memref<128x128xf32, #tpu.memory_space<vmem>>
      %dma_start3A_65 = arith.constant 0 : i32
      %dma_start3A_66 = tpu.memref_slice %arg8[%add3A_43, %dma_start3A_65] : memref<10112x128xf32, #tpu.memory_space<vmem_shared>> -> memref<128x128xf32, #tpu.memory_space<vmem_shared>>
      %dma_start3A_67 = arith.constant 0 : i32
      %dma_start3A_68 = arith.constant 0 : i32
      %dma_start3A_69 = tpu.memref_slice %arg7[%dma_start3A_67, %dma_start3A_68] : memref<128x128xf32, #tpu.memory_space<vmem>> -> memref<128x128xf32, #tpu.memory_space<vmem>>
      %dma_start3A_70 = arith.constant 0 : i32
      %dma_start3A_71 = tpu.memref_slice %arg8[%add3A_43, %dma_start3A_70] : memref<10112x128xf32, #tpu.memory_space<vmem_shared>> -> memref<128x128xf32, #tpu.memory_space<vmem_shared>>
      tpu.enqueue_dma source(%dma_start3A_71 : memref<128x128xf32, #tpu.memory_space<vmem_shared>>) target(%dma_start3A_69 : memref<128x128xf32, #tpu.memory_space<vmem>>) target_semaphore(%run_scoped3A : memref<!tpu.dma_semaphore, #tpu.memory_space<semaphore_mem>>)
      %dma_wait3A_72 = arith.constant 0 : i32
      %dma_wait3A_73 = arith.constant 0 : i32
      %dma_wait3A_74 = tpu.memref_slice %arg7[%dma_wait3A_72, %dma_wait3A_73] : memref<128x128xf32, #tpu.memory_space<vmem>> -> memref<128x128xf32, #tpu.memory_space<vmem>>
      %dma_wait3A_75 = arith.constant 0 : i32
      %dma_wait3A_76 = tpu.memref_slice %arg8[%add3A_43, %dma_wait3A_75] : memref<10112x128xf32, #tpu.memory_space<vmem_shared>> -> memref<128x128xf32, #tpu.memory_space<vmem_shared>>
      %dma_wait3A_77 = arith.constant 0 : i32
      %dma_wait3A_78 = arith.constant 0 : i32
      %dma_wait3A_79 = tpu.memref_slice %arg7[%dma_wait3A_77, %dma_wait3A_78] : memref<128x128xf32, #tpu.memory_space<vmem>> -> memref<128x128xf32, #tpu.memory_space<vmem>>
      %dma_wait3A_80 = arith.constant 0 : i32
      %dma_wait3A_81 = tpu.memref_slice %arg8[%add3A_43, %dma_wait3A_80] : memref<10112x128xf32, #tpu.memory_space<vmem_shared>> -> memref<128x128xf32, #tpu.memory_space<vmem_shared>>
      tpu.wait_dma2 semaphore(%run_scoped3A : memref<!tpu.dma_semaphore, #tpu.memory_space<semaphore_mem>>) src(%dma_wait3A_81 : memref<128x128xf32, #tpu.memory_space<vmem_shared>>) dst(%dma_wait3A_79 : memref<128x128xf32, #tpu.memory_space<vmem>>)
      tpu.yield
    }) : () -> ()
    "tpu.region"() ({
      %run_scoped3A = tpu.sem_alloc : memref<!tpu.dma_semaphore, #tpu.memory_space<semaphore_mem>>
      %dma_start3A_62 = arith.constant 0 : i32
      %dma_start3A_63 = arith.constant 0 : i32
      %dma_start3A_64 = tpu.memref_slice %arg7[%dma_start3A_62, %dma_start3A_63] : memref<128x128xf32, #tpu.memory_space<vmem>> -> memref<128x128xf32, #tpu.memory_space<vmem>>
      %dma_start3A_65 = arith.constant 0 : i32
      %dma_start3A_66 = arith.constant 0 : i32
      %dma_start3A_67 = tpu.memref_slice %arg5[%arg0, %dma_start3A_65, %dma_start3A_66] : memref<2x10000x128xf32, #tpu.memory_space<hbm>> -> memref<1x10000x128xf32, #tpu.memory_space<hbm>>
      %dma_start3A_68 = tpu.memref_squeeze %dma_start3A_67 : memref<1x10000x128xf32, #tpu.memory_space<hbm>> -> memref<10000x128xf32, #tpu.memory_space<hbm>>
      %dma_start3A_69 = arith.constant 0 : i32
      %dma_start3A_70 = tpu.memref_slice %dma_start3A_68[%add3A_43, %dma_start3A_69] : memref<10000x128xf32, #tpu.memory_space<hbm>> -> memref<128x128xf32, #tpu.memory_space<hbm>>
      %dma_start3A_71 = arith.constant 0 : i32
      %dma_start3A_72 = arith.constant 0 : i32
      %dma_start3A_73 = tpu.memref_slice %arg5[%arg0, %dma_start3A_71, %dma_start3A_72] : memref<2x10000x128xf32, #tpu.memory_space<hbm>> -> memref<1x10000x128xf32, #tpu.memory_space<hbm>>
      %dma_start3A_74 = tpu.memref_squeeze %dma_start3A_73 : memref<1x10000x128xf32, #tpu.memory_space<hbm>> -> memref<10000x128xf32, #tpu.memory_space<hbm>>
      %dma_start3A_75 = arith.constant 0 : i32
      %dma_start3A_76 = tpu.memref_slice %dma_start3A_74[%add3A_43, %dma_start3A_75] : memref<10000x128xf32, #tpu.memory_space<hbm>> -> memref<128x128xf32, #tpu.memory_space<hbm>>
      %dma_start3A_77 = arith.constant 0 : i32
      %dma_start3A_78 = arith.constant 0 : i32
      %dma_start3A_79 = tpu.memref_slice %arg7[%dma_start3A_77, %dma_start3A_78] : memref<128x128xf32, #tpu.memory_space<vmem>> -> memref<128x128xf32, #tpu.memory_space<vmem>>
      tpu.enqueue_dma source(%dma_start3A_79 : memref<128x128xf32, #tpu.memory_space<vmem>>) target(%dma_start3A_76 : memref<128x128xf32, #tpu.memory_space<hbm>>) target_semaphore(%run_scoped3A : memref<!tpu.dma_semaphore, #tpu.memory_space<semaphore_mem>>)
      %dma_wait3A_80 = arith.constant 0 : i32
      %dma_wait3A_81 = arith.constant 0 : i32
      %dma_wait3A_82 = tpu.memref_slice %arg7[%dma_wait3A_80, %dma_wait3A_81] : memref<128x128xf32, #tpu.memory_space<vmem>> -> memref<128x128xf32, #tpu.memory_space<vmem>>
      %dma_wait3A_83 = arith.constant 0 : i32
      %dma_wait3A_84 = arith.constant 0 : i32
      %dma_wait3A_85 = tpu.memref_slice %arg5[%arg0, %dma_wait3A_83, %dma_wait3A_84] : memref<2x10000x128xf32, #tpu.memory_space<hbm>> -> memref<1x10000x128xf32, #tpu.memory_space<hbm>>
      %dma_wait3A_86 = tpu.memref_squeeze %dma_wait3A_85 : memref<1x10000x128xf32, #tpu.memory_space<hbm>> -> memref<10000x128xf32, #tpu.memory_space<hbm>>
      %dma_wait3A_87 = arith.constant 0 : i32
      %dma_wait3A_88 = tpu.memref_slice %dma_wait3A_86[%add3A_43, %dma_wait3A_87] : memref<10000x128xf32, #tpu.memory_space<hbm>> -> memref<128x128xf32, #tpu.memory_space<hbm>>
      %dma_wait3A_89 = arith.constant 0 : i32
      %dma_wait3A_90 = arith.constant 0 : i32
      %dma_wait3A_91 = tpu.memref_slice %arg5[%arg0, %dma_wait3A_89, %dma_wait3A_90] : memref<2x10000x128xf32, #tpu.memory_space<hbm>> -> memref<1x10000x128xf32, #tpu.memory_space<hbm>>
      %dma_wait3A_92 = tpu.memref_squeeze %dma_wait3A_91 : memref<1x10000x128xf32, #tpu.memory_space<hbm>> -> memref<10000x128xf32, #tpu.memory_space<hbm>>
      %dma_wait3A_93 = arith.constant 0 : i32
      %dma_wait3A_94 = tpu.memref_slice %dma_wait3A_92[%add3A_43, %dma_wait3A_93] : memref<10000x128xf32, #tpu.memory_space<hbm>> -> memref<128x128xf32, #tpu.memory_space<hbm>>
      %dma_wait3A_95 = arith.constant 0 : i32
      %dma_wait3A_96 = arith.constant 0 : i32
      %dma_wait3A_97 = tpu.memref_slice %arg7[%dma_wait3A_95, %dma_wait3A_96] : memref<128x128xf32, #tpu.memory_space<vmem>> -> memref<128x128xf32, #tpu.memory_space<vmem>>
      tpu.wait_dma2 semaphore(%run_scoped3A : memref<!tpu.dma_semaphore, #tpu.memory_space<semaphore_mem>>) src(%dma_wait3A_97 : memref<128x128xf32, #tpu.memory_space<vmem>>) dst(%dma_wait3A_94 : memref<128x128xf32, #tpu.memory_space<hbm>>)
      tpu.yield
    }) : () -> ()
    %mul3A_44 = arith.constant 624 : i32
    %mul3A_45 = arith.muli %arg1, %mul3A_44 : i32
    %add3A_46 = arith.constant 128 : i32
    %add3A_47 = arith.addi %mul3A_45, %add3A_46 : i32
    "tpu.region"() ({
      %run_scoped3A = tpu.sem_alloc : memref<!tpu.dma_semaphore, #tpu.memory_space<semaphore_mem>>
      %dma_start3A_62 = arith.constant 0 : i32
      %dma_start3A_63 = arith.constant 0 : i32
      %dma_start3A_64 = tpu.memref_slice %arg7[%dma_start3A_62, %dma_start3A_63] : memref<128x128xf32, #tpu.memory_space<vmem>> -> memref<128x128xf32, #tpu.memory_space<vmem>>
      %dma_start3A_65 = arith.constant 0 : i32
      %dma_start3A_66 = tpu.memref_slice %arg8[%add3A_47, %dma_start3A_65] : memref<10112x128xf32, #tpu.memory_space<vmem_shared>> -> memref<128x128xf32, #tpu.memory_space<vmem_shared>>
      %dma_start3A_67 = arith.constant 0 : i32
      %dma_start3A_68 = arith.constant 0 : i32
      %dma_start3A_69 = tpu.memref_slice %arg7[%dma_start3A_67, %dma_start3A_68] : memref<128x128xf32, #tpu.memory_space<vmem>> -> memref<128x128xf32, #tpu.memory_space<vmem>>
      %dma_start3A_70 = arith.constant 0 : i32
      %dma_start3A_71 = tpu.memref_slice %arg8[%add3A_47, %dma_start3A_70] : memref<10112x128xf32, #tpu.memory_space<vmem_shared>> -> memref<128x128xf32, #tpu.memory_space<vmem_shared>>
      tpu.enqueue_dma source(%dma_start3A_71 : memref<128x128xf32, #tpu.memory_space<vmem_shared>>) target(%dma_start3A_69 : memref<128x128xf32, #tpu.memory_space<vmem>>) target_semaphore(%run_scoped3A : memref<!tpu.dma_semaphore, #tpu.memory_space<semaphore_mem>>)
      %dma_wait3A_72 = arith.constant 0 : i32
      %dma_wait3A_73 = arith.constant 0 : i32
      %dma_wait3A_74 = tpu.memref_slice %arg7[%dma_wait3A_72, %dma_wait3A_73] : memref<128x128xf32, #tpu.memory_space<vmem>> -> memref<128x128xf32, #tpu.memory_space<vmem>>
      %dma_wait3A_75 = arith.constant 0 : i32
      %dma_wait3A_76 = tpu.memref_slice %arg8[%add3A_47, %dma_wait3A_75] : memref<10112x128xf32, #tpu.memory_space<vmem_shared>> -> memref<128x128xf32, #tpu.memory_space<vmem_shared>>
      %dma_wait3A_77 = arith.constant 0 : i32
      %dma_wait3A_78 = arith.constant 0 : i32
      %dma_wait3A_79 = tpu.memref_slice %arg7[%dma_wait3A_77, %dma_wait3A_78] : memref<128x128xf32, #tpu.memory_space<vmem>> -> memref<128x128xf32, #tpu.memory_space<vmem>>
      %dma_wait3A_80 = arith.constant 0 : i32
      %dma_wait3A_81 = tpu.memref_slice %arg8[%add3A_47, %dma_wait3A_80] : memref<10112x128xf32, #tpu.memory_space<vmem_shared>> -> memref<128x128xf32, #tpu.memory_space<vmem_shared>>
      tpu.wait_dma2 semaphore(%run_scoped3A : memref<!tpu.dma_semaphore, #tpu.memory_space<semaphore_mem>>) src(%dma_wait3A_81 : memref<128x128xf32, #tpu.memory_space<vmem_shared>>) dst(%dma_wait3A_79 : memref<128x128xf32, #tpu.memory_space<vmem>>)
      tpu.yield
    }) : () -> ()
    "tpu.region"() ({
      %run_scoped3A = tpu.sem_alloc : memref<!tpu.dma_semaphore, #tpu.memory_space<semaphore_mem>>
      %dma_start3A_62 = arith.constant 0 : i32
      %dma_start3A_63 = arith.constant 0 : i32
      %dma_start3A_64 = tpu.memref_slice %arg7[%dma_start3A_62, %dma_start3A_63] : memref<128x128xf32, #tpu.memory_space<vmem>> -> memref<128x128xf32, #tpu.memory_space<vmem>>
      %dma_start3A_65 = arith.constant 0 : i32
      %dma_start3A_66 = arith.constant 0 : i32
      %dma_start3A_67 = tpu.memref_slice %arg5[%arg0, %dma_start3A_65, %dma_start3A_66] : memref<2x10000x128xf32, #tpu.memory_space<hbm>> -> memref<1x10000x128xf32, #tpu.memory_space<hbm>>
      %dma_start3A_68 = tpu.memref_squeeze %dma_start3A_67 : memref<1x10000x128xf32, #tpu.memory_space<hbm>> -> memref<10000x128xf32, #tpu.memory_space<hbm>>
      %dma_start3A_69 = arith.constant 0 : i32
      %dma_start3A_70 = tpu.memref_slice %dma_start3A_68[%add3A_47, %dma_start3A_69] : memref<10000x128xf32, #tpu.memory_space<hbm>> -> memref<128x128xf32, #tpu.memory_space<hbm>>
      %dma_start3A_71 = arith.constant 0 : i32
      %dma_start3A_72 = arith.constant 0 : i32
      %dma_start3A_73 = tpu.memref_slice %arg5[%arg0, %dma_start3A_71, %dma_start3A_72] : memref<2x10000x128xf32, #tpu.memory_space<hbm>> -> memref<1x10000x128xf32, #tpu.memory_space<hbm>>
      %dma_start3A_74 = tpu.memref_squeeze %dma_start3A_73 : memref<1x10000x128xf32, #tpu.memory_space<hbm>> -> memref<10000x128xf32, #tpu.memory_space<hbm>>
      %dma_start3A_75 = arith.constant 0 : i32
      %dma_start3A_76 = tpu.memref_slice %dma_start3A_74[%add3A_47, %dma_start3A_75] : memref<10000x128xf32, #tpu.memory_space<hbm>> -> memref<128x128xf32, #tpu.memory_space<hbm>>
      %dma_start3A_77 = arith.constant 0 : i32
      %dma_start3A_78 = arith.constant 0 : i32
      %dma_start3A_79 = tpu.memref_slice %arg7[%dma_start3A_77, %dma_start3A_78] : memref<128x128xf32, #tpu.memory_space<vmem>> -> memref<128x128xf32, #tpu.memory_space<vmem>>
      tpu.enqueue_dma source(%dma_start3A_79 : memref<128x128xf32, #tpu.memory_space<vmem>>) target(%dma_start3A_76 : memref<128x128xf32, #tpu.memory_space<hbm>>) target_semaphore(%run_scoped3A : memref<!tpu.dma_semaphore, #tpu.memory_space<semaphore_mem>>)
      %dma_wait3A_80 = arith.constant 0 : i32
      %dma_wait3A_81 = arith.constant 0 : i32
      %dma_wait3A_82 = tpu.memref_slice %arg7[%dma_wait3A_80, %dma_wait3A_81] : memref<128x128xf32, #tpu.memory_space<vmem>> -> memref<128x128xf32, #tpu.memory_space<vmem>>
      %dma_wait3A_83 = arith.constant 0 : i32
      %dma_wait3A_84 = arith.constant 0 : i32
      %dma_wait3A_85 = tpu.memref_slice %arg5[%arg0, %dma_wait3A_83, %dma_wait3A_84] : memref<2x10000x128xf32, #tpu.memory_space<hbm>> -> memref<1x10000x128xf32, #tpu.memory_space<hbm>>
      %dma_wait3A_86 = tpu.memref_squeeze %dma_wait3A_85 : memref<1x10000x128xf32, #tpu.memory_space<hbm>> -> memref<10000x128xf32, #tpu.memory_space<hbm>>
      %dma_wait3A_87 = arith.constant 0 : i32
      %dma_wait3A_88 = tpu.memref_slice %dma_wait3A_86[%add3A_47, %dma_wait3A_87] : memref<10000x128xf32, #tpu.memory_space<hbm>> -> memref<128x128xf32, #tpu.memory_space<hbm>>
      %dma_wait3A_89 = arith.constant 0 : i32
      %dma_wait3A_90 = arith.constant 0 : i32
      %dma_wait3A_91 = tpu.memref_slice %arg5[%arg0, %dma_wait3A_89, %dma_wait3A_90] : memref<2x10000x128xf32, #tpu.memory_space<hbm>> -> memref<1x10000x128xf32, #tpu.memory_space<hbm>>
      %dma_wait3A_92 = tpu.memref_squeeze %dma_wait3A_91 : memref<1x10000x128xf32, #tpu.memory_space<hbm>> -> memref<10000x128xf32, #tpu.memory_space<hbm>>
      %dma_wait3A_93 = arith.constant 0 : i32
      %dma_wait3A_94 = tpu.memref_slice %dma_wait3A_92[%add3A_47, %dma_wait3A_93] : memref<10000x128xf32, #tpu.memory_space<hbm>> -> memref<128x128xf32, #tpu.memory_space<hbm>>
      %dma_wait3A_95 = arith.constant 0 : i32
      %dma_wait3A_96 = arith.constant 0 : i32
      %dma_wait3A_97 = tpu.memref_slice %arg7[%dma_wait3A_95, %dma_wait3A_96] : memref<128x128xf32, #tpu.memory_space<vmem>> -> memref<128x128xf32, #tpu.memory_space<vmem>>
      tpu.wait_dma2 semaphore(%run_scoped3A : memref<!tpu.dma_semaphore, #tpu.memory_space<semaphore_mem>>) src(%dma_wait3A_97 : memref<128x128xf32, #tpu.memory_space<vmem>>) dst(%dma_wait3A_94 : memref<128x128xf32, #tpu.memory_space<hbm>>)
      tpu.yield
    }) : () -> ()
    %mul3A_48 = arith.constant 624 : i32
    %mul3A_49 = arith.muli %arg1, %mul3A_48 : i32
    %add3A_50 = arith.constant 256 : i32
    %add3A_51 = arith.addi %mul3A_49, %add3A_50 : i32
    "tpu.region"() ({
      %run_scoped3A = tpu.sem_alloc : memref<!tpu.dma_semaphore, #tpu.memory_space<semaphore_mem>>
      %dma_start3A_62 = arith.constant 0 : i32
      %dma_start3A_63 = arith.constant 0 : i32
      %dma_start3A_64 = tpu.memref_slice %arg7[%dma_start3A_62, %dma_start3A_63] : memref<128x128xf32, #tpu.memory_space<vmem>> -> memref<128x128xf32, #tpu.memory_space<vmem>>
      %dma_start3A_65 = arith.constant 0 : i32
      %dma_start3A_66 = tpu.memref_slice %arg8[%add3A_51, %dma_start3A_65] : memref<10112x128xf32, #tpu.memory_space<vmem_shared>> -> memref<128x128xf32, #tpu.memory_space<vmem_shared>>
      %dma_start3A_67 = arith.constant 0 : i32
      %dma_start3A_68 = arith.constant 0 : i32
      %dma_start3A_69 = tpu.memref_slice %arg7[%dma_start3A_67, %dma_start3A_68] : memref<128x128xf32, #tpu.memory_space<vmem>> -> memref<128x128xf32, #tpu.memory_space<vmem>>
      %dma_start3A_70 = arith.constant 0 : i32
      %dma_start3A_71 = tpu.memref_slice %arg8[%add3A_51, %dma_start3A_70] : memref<10112x128xf32, #tpu.memory_space<vmem_shared>> -> memref<128x128xf32, #tpu.memory_space<vmem_shared>>
      tpu.enqueue_dma source(%dma_start3A_71 : memref<128x128xf32, #tpu.memory_space<vmem_shared>>) target(%dma_start3A_69 : memref<128x128xf32, #tpu.memory_space<vmem>>) target_semaphore(%run_scoped3A : memref<!tpu.dma_semaphore, #tpu.memory_space<semaphore_mem>>)
      %dma_wait3A_72 = arith.constant 0 : i32
      %dma_wait3A_73 = arith.constant 0 : i32
      %dma_wait3A_74 = tpu.memref_slice %arg7[%dma_wait3A_72, %dma_wait3A_73] : memref<128x128xf32, #tpu.memory_space<vmem>> -> memref<128x128xf32, #tpu.memory_space<vmem>>
      %dma_wait3A_75 = arith.constant 0 : i32
      %dma_wait3A_76 = tpu.memref_slice %arg8[%add3A_51, %dma_wait3A_75] : memref<10112x128xf32, #tpu.memory_space<vmem_shared>> -> memref<128x128xf32, #tpu.memory_space<vmem_shared>>
      %dma_wait3A_77 = arith.constant 0 : i32
      %dma_wait3A_78 = arith.constant 0 : i32
      %dma_wait3A_79 = tpu.memref_slice %arg7[%dma_wait3A_77, %dma_wait3A_78] : memref<128x128xf32, #tpu.memory_space<vmem>> -> memref<128x128xf32, #tpu.memory_space<vmem>>
      %dma_wait3A_80 = arith.constant 0 : i32
      %dma_wait3A_81 = tpu.memref_slice %arg8[%add3A_51, %dma_wait3A_80] : memref<10112x128xf32, #tpu.memory_space<vmem_shared>> -> memref<128x128xf32, #tpu.memory_space<vmem_shared>>
      tpu.wait_dma2 semaphore(%run_scoped3A : memref<!tpu.dma_semaphore, #tpu.memory_space<semaphore_mem>>) src(%dma_wait3A_81 : memref<128x128xf32, #tpu.memory_space<vmem_shared>>) dst(%dma_wait3A_79 : memref<128x128xf32, #tpu.memory_space<vmem>>)
      tpu.yield
    }) : () -> ()
    "tpu.region"() ({
      %run_scoped3A = tpu.sem_alloc : memref<!tpu.dma_semaphore, #tpu.memory_space<semaphore_mem>>
      %dma_start3A_62 = arith.constant 0 : i32
      %dma_start3A_63 = arith.constant 0 : i32
      %dma_start3A_64 = tpu.memref_slice %arg7[%dma_start3A_62, %dma_start3A_63] : memref<128x128xf32, #tpu.memory_space<vmem>> -> memref<128x128xf32, #tpu.memory_space<vmem>>
      %dma_start3A_65 = arith.constant 0 : i32
      %dma_start3A_66 = arith.constant 0 : i32
      %dma_start3A_67 = tpu.memref_slice %arg5[%arg0, %dma_start3A_65, %dma_start3A_66] : memref<2x10000x128xf32, #tpu.memory_space<hbm>> -> memref<1x10000x128xf32, #tpu.memory_space<hbm>>
      %dma_start3A_68 = tpu.memref_squeeze %dma_start3A_67 : memref<1x10000x128xf32, #tpu.memory_space<hbm>> -> memref<10000x128xf32, #tpu.memory_space<hbm>>
      %dma_start3A_69 = arith.constant 0 : i32
      %dma_start3A_70 = tpu.memref_slice %dma_start3A_68[%add3A_51, %dma_start3A_69] : memref<10000x128xf32, #tpu.memory_space<hbm>> -> memref<128x128xf32, #tpu.memory_space<hbm>>
      %dma_start3A_71 = arith.constant 0 : i32
      %dma_start3A_72 = arith.constant 0 : i32
      %dma_start3A_73 = tpu.memref_slice %arg5[%arg0, %dma_start3A_71, %dma_start3A_72] : memref<2x10000x128xf32, #tpu.memory_space<hbm>> -> memref<1x10000x128xf32, #tpu.memory_space<hbm>>
      %dma_start3A_74 = tpu.memref_squeeze %dma_start3A_73 : memref<1x10000x128xf32, #tpu.memory_space<hbm>> -> memref<10000x128xf32, #tpu.memory_space<hbm>>
      %dma_start3A_75 = arith.constant 0 : i32
      %dma_start3A_76 = tpu.memref_slice %dma_start3A_74[%add3A_51, %dma_start3A_75] : memref<10000x128xf32, #tpu.memory_space<hbm>> -> memref<128x128xf32, #tpu.memory_space<hbm>>
      %dma_start3A_77 = arith.constant 0 : i32
      %dma_start3A_78 = arith.constant 0 : i32
      %dma_start3A_79 = tpu.memref_slice %arg7[%dma_start3A_77, %dma_start3A_78] : memref<128x128xf32, #tpu.memory_space<vmem>> -> memref<128x128xf32, #tpu.memory_space<vmem>>
      tpu.enqueue_dma source(%dma_start3A_79 : memref<128x128xf32, #tpu.memory_space<vmem>>) target(%dma_start3A_76 : memref<128x128xf32, #tpu.memory_space<hbm>>) target_semaphore(%run_scoped3A : memref<!tpu.dma_semaphore, #tpu.memory_space<semaphore_mem>>)
      %dma_wait3A_80 = arith.constant 0 : i32
      %dma_wait3A_81 = arith.constant 0 : i32
      %dma_wait3A_82 = tpu.memref_slice %arg7[%dma_wait3A_80, %dma_wait3A_81] : memref<128x128xf32, #tpu.memory_space<vmem>> -> memref<128x128xf32, #tpu.memory_space<vmem>>
      %dma_wait3A_83 = arith.constant 0 : i32
      %dma_wait3A_84 = arith.constant 0 : i32
      %dma_wait3A_85 = tpu.memref_slice %arg5[%arg0, %dma_wait3A_83, %dma_wait3A_84] : memref<2x10000x128xf32, #tpu.memory_space<hbm>> -> memref<1x10000x128xf32, #tpu.memory_space<hbm>>
      %dma_wait3A_86 = tpu.memref_squeeze %dma_wait3A_85 : memref<1x10000x128xf32, #tpu.memory_space<hbm>> -> memref<10000x128xf32, #tpu.memory_space<hbm>>
      %dma_wait3A_87 = arith.constant 0 : i32
      %dma_wait3A_88 = tpu.memref_slice %dma_wait3A_86[%add3A_51, %dma_wait3A_87] : memref<10000x128xf32, #tpu.memory_space<hbm>> -> memref<128x128xf32, #tpu.memory_space<hbm>>
      %dma_wait3A_89 = arith.constant 0 : i32
      %dma_wait3A_90 = arith.constant 0 : i32
      %dma_wait3A_91 = tpu.memref_slice %arg5[%arg0, %dma_wait3A_89, %dma_wait3A_90] : memref<2x10000x128xf32, #tpu.memory_space<hbm>> -> memref<1x10000x128xf32, #tpu.memory_space<hbm>>
      %dma_wait3A_92 = tpu.memref_squeeze %dma_wait3A_91 : memref<1x10000x128xf32, #tpu.memory_space<hbm>> -> memref<10000x128xf32, #tpu.memory_space<hbm>>
      %dma_wait3A_93 = arith.constant 0 : i32
      %dma_wait3A_94 = tpu.memref_slice %dma_wait3A_92[%add3A_51, %dma_wait3A_93] : memref<10000x128xf32, #tpu.memory_space<hbm>> -> memref<128x128xf32, #tpu.memory_space<hbm>>
      %dma_wait3A_95 = arith.constant 0 : i32
      %dma_wait3A_96 = arith.constant 0 : i32
      %dma_wait3A_97 = tpu.memref_slice %arg7[%dma_wait3A_95, %dma_wait3A_96] : memref<128x128xf32, #tpu.memory_space<vmem>> -> memref<128x128xf32, #tpu.memory_space<vmem>>
      tpu.wait_dma2 semaphore(%run_scoped3A : memref<!tpu.dma_semaphore, #tpu.memory_space<semaphore_mem>>) src(%dma_wait3A_97 : memref<128x128xf32, #tpu.memory_space<vmem>>) dst(%dma_wait3A_94 : memref<128x128xf32, #tpu.memory_space<hbm>>)
      tpu.yield
    }) : () -> ()
    %mul3A_52 = arith.constant 624 : i32
    %mul3A_53 = arith.muli %arg1, %mul3A_52 : i32
    %add3A_54 = arith.constant 384 : i32
    %add3A_55 = arith.addi %mul3A_53, %add3A_54 : i32
    "tpu.region"() ({
      %run_scoped3A = tpu.sem_alloc : memref<!tpu.dma_semaphore, #tpu.memory_space<semaphore_mem>>
      %dma_start3A_62 = arith.constant 0 : i32
      %dma_start3A_63 = arith.constant 0 : i32
      %dma_start3A_64 = tpu.memref_slice %arg7[%dma_start3A_62, %dma_start3A_63] : memref<128x128xf32, #tpu.memory_space<vmem>> -> memref<128x128xf32, #tpu.memory_space<vmem>>
      %dma_start3A_65 = arith.constant 0 : i32
      %dma_start3A_66 = tpu.memref_slice %arg8[%add3A_55, %dma_start3A_65] : memref<10112x128xf32, #tpu.memory_space<vmem_shared>> -> memref<128x128xf32, #tpu.memory_space<vmem_shared>>
      %dma_start3A_67 = arith.constant 0 : i32
      %dma_start3A_68 = arith.constant 0 : i32
      %dma_start3A_69 = tpu.memref_slice %arg7[%dma_start3A_67, %dma_start3A_68] : memref<128x128xf32, #tpu.memory_space<vmem>> -> memref<128x128xf32, #tpu.memory_space<vmem>>
      %dma_start3A_70 = arith.constant 0 : i32
      %dma_start3A_71 = tpu.memref_slice %arg8[%add3A_55, %dma_start3A_70] : memref<10112x128xf32, #tpu.memory_space<vmem_shared>> -> memref<128x128xf32, #tpu.memory_space<vmem_shared>>
      tpu.enqueue_dma source(%dma_start3A_71 : memref<128x128xf32, #tpu.memory_space<vmem_shared>>) target(%dma_start3A_69 : memref<128x128xf32, #tpu.memory_space<vmem>>) target_semaphore(%run_scoped3A : memref<!tpu.dma_semaphore, #tpu.memory_space<semaphore_mem>>)
      %dma_wait3A_72 = arith.constant 0 : i32
      %dma_wait3A_73 = arith.constant 0 : i32
      %dma_wait3A_74 = tpu.memref_slice %arg7[%dma_wait3A_72, %dma_wait3A_73] : memref<128x128xf32, #tpu.memory_space<vmem>> -> memref<128x128xf32, #tpu.memory_space<vmem>>
      %dma_wait3A_75 = arith.constant 0 : i32
      %dma_wait3A_76 = tpu.memref_slice %arg8[%add3A_55, %dma_wait3A_75] : memref<10112x128xf32, #tpu.memory_space<vmem_shared>> -> memref<128x128xf32, #tpu.memory_space<vmem_shared>>
      %dma_wait3A_77 = arith.constant 0 : i32
      %dma_wait3A_78 = arith.constant 0 : i32
      %dma_wait3A_79 = tpu.memref_slice %arg7[%dma_wait3A_77, %dma_wait3A_78] : memref<128x128xf32, #tpu.memory_space<vmem>> -> memref<128x128xf32, #tpu.memory_space<vmem>>
      %dma_wait3A_80 = arith.constant 0 : i32
      %dma_wait3A_81 = tpu.memref_slice %arg8[%add3A_55, %dma_wait3A_80] : memref<10112x128xf32, #tpu.memory_space<vmem_shared>> -> memref<128x128xf32, #tpu.memory_space<vmem_shared>>
      tpu.wait_dma2 semaphore(%run_scoped3A : memref<!tpu.dma_semaphore, #tpu.memory_space<semaphore_mem>>) src(%dma_wait3A_81 : memref<128x128xf32, #tpu.memory_space<vmem_shared>>) dst(%dma_wait3A_79 : memref<128x128xf32, #tpu.memory_space<vmem>>)
      tpu.yield
    }) : () -> ()
    "tpu.region"() ({
      %run_scoped3A = tpu.sem_alloc : memref<!tpu.dma_semaphore, #tpu.memory_space<semaphore_mem>>
      %dma_start3A_62 = arith.constant 0 : i32
      %dma_start3A_63 = arith.constant 0 : i32
      %dma_start3A_64 = tpu.memref_slice %arg7[%dma_start3A_62, %dma_start3A_63] : memref<128x128xf32, #tpu.memory_space<vmem>> -> memref<128x128xf32, #tpu.memory_space<vmem>>
      %dma_start3A_65 = arith.constant 0 : i32
      %dma_start3A_66 = arith.constant 0 : i32
      %dma_start3A_67 = tpu.memref_slice %arg5[%arg0, %dma_start3A_65, %dma_start3A_66] : memref<2x10000x128xf32, #tpu.memory_space<hbm>> -> memref<1x10000x128xf32, #tpu.memory_space<hbm>>
      %dma_start3A_68 = tpu.memref_squeeze %dma_start3A_67 : memref<1x10000x128xf32, #tpu.memory_space<hbm>> -> memref<10000x128xf32, #tpu.memory_space<hbm>>
      %dma_start3A_69 = arith.constant 0 : i32
      %dma_start3A_70 = tpu.memref_slice %dma_start3A_68[%add3A_55, %dma_start3A_69] : memref<10000x128xf32, #tpu.memory_space<hbm>> -> memref<128x128xf32, #tpu.memory_space<hbm>>
      %dma_start3A_71 = arith.constant 0 : i32
      %dma_start3A_72 = arith.constant 0 : i32
      %dma_start3A_73 = tpu.memref_slice %arg5[%arg0, %dma_start3A_71, %dma_start3A_72] : memref<2x10000x128xf32, #tpu.memory_space<hbm>> -> memref<1x10000x128xf32, #tpu.memory_space<hbm>>
      %dma_start3A_74 = tpu.memref_squeeze %dma_start3A_73 : memref<1x10000x128xf32, #tpu.memory_space<hbm>> -> memref<10000x128xf32, #tpu.memory_space<hbm>>
      %dma_start3A_75 = arith.constant 0 : i32
      %dma_start3A_76 = tpu.memref_slice %dma_start3A_74[%add3A_55, %dma_start3A_75] : memref<10000x128xf32, #tpu.memory_space<hbm>> -> memref<128x128xf32, #tpu.memory_space<hbm>>
      %dma_start3A_77 = arith.constant 0 : i32
      %dma_start3A_78 = arith.constant 0 : i32
      %dma_start3A_79 = tpu.memref_slice %arg7[%dma_start3A_77, %dma_start3A_78] : memref<128x128xf32, #tpu.memory_space<vmem>> -> memref<128x128xf32, #tpu.memory_space<vmem>>
      tpu.enqueue_dma source(%dma_start3A_79 : memref<128x128xf32, #tpu.memory_space<vmem>>) target(%dma_start3A_76 : memref<128x128xf32, #tpu.memory_space<hbm>>) target_semaphore(%run_scoped3A : memref<!tpu.dma_semaphore, #tpu.memory_space<semaphore_mem>>)
      %dma_wait3A_80 = arith.constant 0 : i32
      %dma_wait3A_81 = arith.constant 0 : i32
      %dma_wait3A_82 = tpu.memref_slice %arg7[%dma_wait3A_80, %dma_wait3A_81] : memref<128x128xf32, #tpu.memory_space<vmem>> -> memref<128x128xf32, #tpu.memory_space<vmem>>
      %dma_wait3A_83 = arith.constant 0 : i32
      %dma_wait3A_84 = arith.constant 0 : i32
      %dma_wait3A_85 = tpu.memref_slice %arg5[%arg0, %dma_wait3A_83, %dma_wait3A_84] : memref<2x10000x128xf32, #tpu.memory_space<hbm>> -> memref<1x10000x128xf32, #tpu.memory_space<hbm>>
      %dma_wait3A_86 = tpu.memref_squeeze %dma_wait3A_85 : memref<1x10000x128xf32, #tpu.memory_space<hbm>> -> memref<10000x128xf32, #tpu.memory_space<hbm>>
      %dma_wait3A_87 = arith.constant 0 : i32
      %dma_wait3A_88 = tpu.memref_slice %dma_wait3A_86[%add3A_55, %dma_wait3A_87] : memref<10000x128xf32, #tpu.memory_space<hbm>> -> memref<128x128xf32, #tpu.memory_space<hbm>>
      %dma_wait3A_89 = arith.constant 0 : i32
      %dma_wait3A_90 = arith.constant 0 : i32
      %dma_wait3A_91 = tpu.memref_slice %arg5[%arg0, %dma_wait3A_89, %dma_wait3A_90] : memref<2x10000x128xf32, #tpu.memory_space<hbm>> -> memref<1x10000x128xf32, #tpu.memory_space<hbm>>
      %dma_wait3A_92 = tpu.memref_squeeze %dma_wait3A_91 : memref<1x10000x128xf32, #tpu.memory_space<hbm>> -> memref<10000x128xf32, #tpu.memory_space<hbm>>
      %dma_wait3A_93 = arith.constant 0 : i32
      %dma_wait3A_94 = tpu.memref_slice %dma_wait3A_92[%add3A_55, %dma_wait3A_93] : memref<10000x128xf32, #tpu.memory_space<hbm>> -> memref<128x128xf32, #tpu.memory_space<hbm>>
      %dma_wait3A_95 = arith.constant 0 : i32
      %dma_wait3A_96 = arith.constant 0 : i32
      %dma_wait3A_97 = tpu.memref_slice %arg7[%dma_wait3A_95, %dma_wait3A_96] : memref<128x128xf32, #tpu.memory_space<vmem>> -> memref<128x128xf32, #tpu.memory_space<vmem>>
      tpu.wait_dma2 semaphore(%run_scoped3A : memref<!tpu.dma_semaphore, #tpu.memory_space<semaphore_mem>>) src(%dma_wait3A_97 : memref<128x128xf32, #tpu.memory_space<vmem>>) dst(%dma_wait3A_94 : memref<128x128xf32, #tpu.memory_space<hbm>>)
      tpu.yield
    }) : () -> ()
    %mul3A_56 = arith.constant 624 : i32
    %mul3A_57 = arith.muli %arg1, %mul3A_56 : i32
    %add3A_58 = arith.constant 512 : i32
    %add3A_59 = arith.addi %mul3A_57, %add3A_58 : i32
    "tpu.region"() ({
      %run_scoped3A = tpu.sem_alloc : memref<!tpu.dma_semaphore, #tpu.memory_space<semaphore_mem>>
      %dma_start3A_62 = arith.constant 0 : i32
      %dma_start3A_63 = arith.constant 0 : i32
      %dma_start3A_64 = tpu.memref_slice %arg7[%dma_start3A_62, %dma_start3A_63] : memref<128x128xf32, #tpu.memory_space<vmem>> -> memref<112x128xf32, #tpu.memory_space<vmem>>
      %dma_start3A_65 = arith.constant 0 : i32
      %dma_start3A_66 = tpu.memref_slice %arg8[%add3A_59, %dma_start3A_65] : memref<10112x128xf32, #tpu.memory_space<vmem_shared>> -> memref<112x128xf32, #tpu.memory_space<vmem_shared>>
      %dma_start3A_67 = arith.constant 0 : i32
      %dma_start3A_68 = arith.constant 0 : i32
      %dma_start3A_69 = tpu.memref_slice %arg7[%dma_start3A_67, %dma_start3A_68] : memref<128x128xf32, #tpu.memory_space<vmem>> -> memref<112x128xf32, #tpu.memory_space<vmem>>
      %dma_start3A_70 = arith.constant 0 : i32
      %dma_start3A_71 = tpu.memref_slice %arg8[%add3A_59, %dma_start3A_70] : memref<10112x128xf32, #tpu.memory_space<vmem_shared>> -> memref<112x128xf32, #tpu.memory_space<vmem_shared>>
      tpu.enqueue_dma source(%dma_start3A_71 : memref<112x128xf32, #tpu.memory_space<vmem_shared>>) target(%dma_start3A_69 : memref<112x128xf32, #tpu.memory_space<vmem>>) target_semaphore(%run_scoped3A : memref<!tpu.dma_semaphore, #tpu.memory_space<semaphore_mem>>)
      %dma_wait3A_72 = arith.constant 0 : i32
      %dma_wait3A_73 = arith.constant 0 : i32
      %dma_wait3A_74 = tpu.memref_slice %arg7[%dma_wait3A_72, %dma_wait3A_73] : memref<128x128xf32, #tpu.memory_space<vmem>> -> memref<112x128xf32, #tpu.memory_space<vmem>>
      %dma_wait3A_75 = arith.constant 0 : i32
      %dma_wait3A_76 = tpu.memref_slice %arg8[%add3A_59, %dma_wait3A_75] : memref<10112x128xf32, #tpu.memory_space<vmem_shared>> -> memref<112x128xf32, #tpu.memory_space<vmem_shared>>
      %dma_wait3A_77 = arith.constant 0 : i32
      %dma_wait3A_78 = arith.constant 0 : i32
      %dma_wait3A_79 = tpu.memref_slice %arg7[%dma_wait3A_77, %dma_wait3A_78] : memref<128x128xf32, #tpu.memory_space<vmem>> -> memref<112x128xf32, #tpu.memory_space<vmem>>
      %dma_wait3A_80 = arith.constant 0 : i32
      %dma_wait3A_81 = tpu.memref_slice %arg8[%add3A_59, %dma_wait3A_80] : memref<10112x128xf32, #tpu.memory_space<vmem_shared>> -> memref<112x128xf32, #tpu.memory_space<vmem_shared>>
      tpu.wait_dma2 semaphore(%run_scoped3A : memref<!tpu.dma_semaphore, #tpu.memory_space<semaphore_mem>>) src(%dma_wait3A_81 : memref<112x128xf32, #tpu.memory_space<vmem_shared>>) dst(%dma_wait3A_79 : memref<112x128xf32, #tpu.memory_space<vmem>>)
      tpu.yield
    }) : () -> ()
    "tpu.region"() ({
      %run_scoped3A = tpu.sem_alloc : memref<!tpu.dma_semaphore, #tpu.memory_space<semaphore_mem>>
      %dma_start3A_62 = arith.constant 0 : i32
      %dma_start3A_63 = arith.constant 0 : i32
      %dma_start3A_64 = tpu.memref_slice %arg7[%dma_start3A_62, %dma_start3A_63] : memref<128x128xf32, #tpu.memory_space<vmem>> -> memref<112x128xf32, #tpu.memory_space<vmem>>
      %dma_start3A_65 = arith.constant 0 : i32
      %dma_start3A_66 = arith.constant 0 : i32
      %dma_start3A_67 = tpu.memref_slice %arg5[%arg0, %dma_start3A_65, %dma_start3A_66] : memref<2x10000x128xf32, #tpu.memory_space<hbm>> -> memref<1x10000x128xf32, #tpu.memory_space<hbm>>
      %dma_start3A_68 = tpu.memref_squeeze %dma_start3A_67 : memref<1x10000x128xf32, #tpu.memory_space<hbm>> -> memref<10000x128xf32, #tpu.memory_space<hbm>>
      %dma_start3A_69 = arith.constant 0 : i32
      %dma_start3A_70 = tpu.memref_slice %dma_start3A_68[%add3A_59, %dma_start3A_69] : memref<10000x128xf32, #tpu.memory_space<hbm>> -> memref<112x128xf32, #tpu.memory_space<hbm>>
      %dma_start3A_71 = arith.constant 0 : i32
      %dma_start3A_72 = arith.constant 0 : i32
      %dma_start3A_73 = tpu.memref_slice %arg5[%arg0, %dma_start3A_71, %dma_start3A_72] : memref<2x10000x128xf32, #tpu.memory_space<hbm>> -> memref<1x10000x128xf32, #tpu.memory_space<hbm>>
      %dma_start3A_74 = tpu.memref_squeeze %dma_start3A_73 : memref<1x10000x128xf32, #tpu.memory_space<hbm>> -> memref<10000x128xf32, #tpu.memory_space<hbm>>
      %dma_start3A_75 = arith.constant 0 : i32
      %dma_start3A_76 = tpu.memref_slice %dma_start3A_74[%add3A_59, %dma_start3A_75] : memref<10000x128xf32, #tpu.memory_space<hbm>> -> memref<112x128xf32, #tpu.memory_space<hbm>>
      %dma_start3A_77 = arith.constant 0 : i32
      %dma_start3A_78 = arith.constant 0 : i32
      %dma_start3A_79 = tpu.memref_slice %arg7[%dma_start3A_77, %dma_start3A_78] : memref<128x128xf32, #tpu.memory_space<vmem>> -> memref<112x128xf32, #tpu.memory_space<vmem>>
      tpu.enqueue_dma source(%dma_start3A_79 : memref<112x128xf32, #tpu.memory_space<vmem>>) target(%dma_start3A_76 : memref<112x128xf32, #tpu.memory_space<hbm>>) target_semaphore(%run_scoped3A : memref<!tpu.dma_semaphore, #tpu.memory_space<semaphore_mem>>)
      %dma_wait3A_80 = arith.constant 0 : i32
      %dma_wait3A_81 = arith.constant 0 : i32
      %dma_wait3A_82 = tpu.memref_slice %arg7[%dma_wait3A_80, %dma_wait3A_81] : memref<128x128xf32, #tpu.memory_space<vmem>> -> memref<112x128xf32, #tpu.memory_space<vmem>>
      %dma_wait3A_83 = arith.constant 0 : i32
      %dma_wait3A_84 = arith.constant 0 : i32
      %dma_wait3A_85 = tpu.memref_slice %arg5[%arg0, %dma_wait3A_83, %dma_wait3A_84] : memref<2x10000x128xf32, #tpu.memory_space<hbm>> -> memref<1x10000x128xf32, #tpu.memory_space<hbm>>
      %dma_wait3A_86 = tpu.memref_squeeze %dma_wait3A_85 : memref<1x10000x128xf32, #tpu.memory_space<hbm>> -> memref<10000x128xf32, #tpu.memory_space<hbm>>
      %dma_wait3A_87 = arith.constant 0 : i32
      %dma_wait3A_88 = tpu.memref_slice %dma_wait3A_86[%add3A_59, %dma_wait3A_87] : memref<10000x128xf32, #tpu.memory_space<hbm>> -> memref<112x128xf32, #tpu.memory_space<hbm>>
      %dma_wait3A_89 = arith.constant 0 : i32
      %dma_wait3A_90 = arith.constant 0 : i32
      %dma_wait3A_91 = tpu.memref_slice %arg5[%arg0, %dma_wait3A_89, %dma_wait3A_90] : memref<2x10000x128xf32, #tpu.memory_space<hbm>> -> memref<1x10000x128xf32, #tpu.memory_space<hbm>>
      %dma_wait3A_92 = tpu.memref_squeeze %dma_wait3A_91 : memref<1x10000x128xf32, #tpu.memory_space<hbm>> -> memref<10000x128xf32, #tpu.memory_space<hbm>>
      %dma_wait3A_93 = arith.constant 0 : i32
      %dma_wait3A_94 = tpu.memref_slice %dma_wait3A_92[%add3A_59, %dma_wait3A_93] : memref<10000x128xf32, #tpu.memory_space<hbm>> -> memref<112x128xf32, #tpu.memory_space<hbm>>
      %dma_wait3A_95 = arith.constant 0 : i32
      %dma_wait3A_96 = arith.constant 0 : i32
      %dma_wait3A_97 = tpu.memref_slice %arg7[%dma_wait3A_95, %dma_wait3A_96] : memref<128x128xf32, #tpu.memory_space<vmem>> -> memref<112x128xf32, #tpu.memory_space<vmem>>
      tpu.wait_dma2 semaphore(%run_scoped3A : memref<!tpu.dma_semaphore, #tpu.memory_space<semaphore_mem>>) src(%dma_wait3A_97 : memref<112x128xf32, #tpu.memory_space<vmem>>) dst(%dma_wait3A_94 : memref<112x128xf32, #tpu.memory_space<hbm>>)
      tpu.yield
    }) : () -> ()
    %eq3A = arith.constant 15 : i32
    %eq3A_60 = arith.cmpi eq, %arg1, %eq3A : i32
    %convert_element_type3A = arith.extui %eq3A_60 : i1 to i32
    %cond3A = arith.constant 0 : i32
    %cond3A_61 = arith.cmpi ne, %convert_element_type3A, %cond3A : i32
    scf.if %cond3A_61 {
      "tpu.region"() ({
        %run_scoped3A = tpu.sem_alloc : memref<!tpu.dma_semaphore, #tpu.memory_space<semaphore_mem>>
        %dma_start3A_62 = arith.constant 0 : i32
        %dma_start3A_63 = arith.constant 0 : i32
        %dma_start3A_64 = tpu.memref_slice %arg7[%dma_start3A_62, %dma_start3A_63] : memref<128x128xf32, #tpu.memory_space<vmem>> -> memref<16x128xf32, #tpu.memory_space<vmem>>
        %dma_start3A_65 = arith.constant 9984 : i32
        %dma_start3A_66 = arith.constant 0 : i32
        %dma_start3A_67 = tpu.memref_slice %arg8[%dma_start3A_65, %dma_start3A_66] : memref<10112x128xf32, #tpu.memory_space<vmem_shared>> -> memref<16x128xf32, #tpu.memory_space<vmem_shared>>
        %dma_start3A_68 = arith.constant 0 : i32
        %dma_start3A_69 = arith.constant 0 : i32
        %dma_start3A_70 = tpu.memref_slice %arg7[%dma_start3A_68, %dma_start3A_69] : memref<128x128xf32, #tpu.memory_space<vmem>> -> memref<16x128xf32, #tpu.memory_space<vmem>>
        %dma_start3A_71 = arith.constant 9984 : i32
        %dma_start3A_72 = arith.constant 0 : i32
        %dma_start3A_73 = tpu.memref_slice %arg8[%dma_start3A_71, %dma_start3A_72] : memref<10112x128xf32, #tpu.memory_space<vmem_shared>> -> memref<16x128xf32, #tpu.memory_space<vmem_shared>>
        tpu.enqueue_dma source(%dma_start3A_73 : memref<16x128xf32, #tpu.memory_space<vmem_shared>>) target(%dma_start3A_70 : memref<16x128xf32, #tpu.memory_space<vmem>>) target_semaphore(%run_scoped3A : memref<!tpu.dma_semaphore, #tpu.memory_space<semaphore_mem>>)
        %dma_wait3A_74 = arith.constant 0 : i32
        %dma_wait3A_75 = arith.constant 0 : i32
        %dma_wait3A_76 = tpu.memref_slice %arg7[%dma_wait3A_74, %dma_wait3A_75] : memref<128x128xf32, #tpu.memory_space<vmem>> -> memref<16x128xf32, #tpu.memory_space<vmem>>
        %dma_wait3A_77 = arith.constant 9984 : i32
        %dma_wait3A_78 = arith.constant 0 : i32
        %dma_wait3A_79 = tpu.memref_slice %arg8[%dma_wait3A_77, %dma_wait3A_78] : memref<10112x128xf32, #tpu.memory_space<vmem_shared>> -> memref<16x128xf32, #tpu.memory_space<vmem_shared>>
        %dma_wait3A_80 = arith.constant 0 : i32
        %dma_wait3A_81 = arith.constant 0 : i32
        %dma_wait3A_82 = tpu.memref_slice %arg7[%dma_wait3A_80, %dma_wait3A_81] : memref<128x128xf32, #tpu.memory_space<vmem>> -> memref<16x128xf32, #tpu.memory_space<vmem>>
        %dma_wait3A_83 = arith.constant 9984 : i32
        %dma_wait3A_84 = arith.constant 0 : i32
        %dma_wait3A_85 = tpu.memref_slice %arg8[%dma_wait3A_83, %dma_wait3A_84] : memref<10112x128xf32, #tpu.memory_space<vmem_shared>> -> memref<16x128xf32, #tpu.memory_space<vmem_shared>>
        tpu.wait_dma2 semaphore(%run_scoped3A : memref<!tpu.dma_semaphore, #tpu.memory_space<semaphore_mem>>) src(%dma_wait3A_85 : memref<16x128xf32, #tpu.memory_space<vmem_shared>>) dst(%dma_wait3A_82 : memref<16x128xf32, #tpu.memory_space<vmem>>)
        tpu.yield
      }) : () -> ()
      "tpu.region"() ({
        %run_scoped3A = tpu.sem_alloc : memref<!tpu.dma_semaphore, #tpu.memory_space<semaphore_mem>>
        %dma_start3A_62 = arith.constant 0 : i32
        %dma_start3A_63 = arith.constant 0 : i32
        %dma_start3A_64 = tpu.memref_slice %arg7[%dma_start3A_62, %dma_start3A_63] : memref<128x128xf32, #tpu.memory_space<vmem>> -> memref<16x128xf32, #tpu.memory_space<vmem>>
        %dma_start3A_65 = arith.constant 0 : i32
        %dma_start3A_66 = arith.constant 0 : i32
        %dma_start3A_67 = tpu.memref_slice %arg5[%arg0, %dma_start3A_65, %dma_start3A_66] : memref<2x10000x128xf32, #tpu.memory_space<hbm>> -> memref<1x10000x128xf32, #tpu.memory_space<hbm>>
        %dma_start3A_68 = tpu.memref_squeeze %dma_start3A_67 : memref<1x10000x128xf32, #tpu.memory_space<hbm>> -> memref<10000x128xf32, #tpu.memory_space<hbm>>
        %dma_start3A_69 = arith.constant 9984 : i32
        %dma_start3A_70 = arith.constant 0 : i32
        %dma_start3A_71 = tpu.memref_slice %dma_start3A_68[%dma_start3A_69, %dma_start3A_70] : memref<10000x128xf32, #tpu.memory_space<hbm>> -> memref<16x128xf32, #tpu.memory_space<hbm>>
        %dma_start3A_72 = arith.constant 0 : i32
        %dma_start3A_73 = arith.constant 0 : i32
        %dma_start3A_74 = tpu.memref_slice %arg5[%arg0, %dma_start3A_72, %dma_start3A_73] : memref<2x10000x128xf32, #tpu.memory_space<hbm>> -> memref<1x10000x128xf32, #tpu.memory_space<hbm>>
        %dma_start3A_75 = tpu.memref_squeeze %dma_start3A_74 : memref<1x10000x128xf32, #tpu.memory_space<hbm>> -> memref<10000x128xf32, #tpu.memory_space<hbm>>
        %dma_start3A_76 = arith.constant 9984 : i32
        %dma_start3A_77 = arith.constant 0 : i32
        %dma_start3A_78 = tpu.memref_slice %dma_start3A_75[%dma_start3A_76, %dma_start3A_77] : memref<10000x128xf32, #tpu.memory_space<hbm>> -> memref<16x128xf32, #tpu.memory_space<hbm>>
        %dma_start3A_79 = arith.constant 0 : i32
        %dma_start3A_80 = arith.constant 0 : i32
        %dma_start3A_81 = tpu.memref_slice %arg7[%dma_start3A_79, %dma_start3A_80] : memref<128x128xf32, #tpu.memory_space<vmem>> -> memref<16x128xf32, #tpu.memory_space<vmem>>
        tpu.enqueue_dma source(%dma_start3A_81 : memref<16x128xf32, #tpu.memory_space<vmem>>) target(%dma_start3A_78 : memref<16x128xf32, #tpu.memory_space<hbm>>) target_semaphore(%run_scoped3A : memref<!tpu.dma_semaphore, #tpu.memory_space<semaphore_mem>>)
        %dma_wait3A_82 = arith.constant 0 : i32
        %dma_wait3A_83 = arith.constant 0 : i32
        %dma_wait3A_84 = tpu.memref_slice %arg7[%dma_wait3A_82, %dma_wait3A_83] : memref<128x128xf32, #tpu.memory_space<vmem>> -> memref<16x128xf32, #tpu.memory_space<vmem>>
        %dma_wait3A_85 = arith.constant 0 : i32
        %dma_wait3A_86 = arith.constant 0 : i32
        %dma_wait3A_87 = tpu.memref_slice %arg5[%arg0, %dma_wait3A_85, %dma_wait3A_86] : memref<2x10000x128xf32, #tpu.memory_space<hbm>> -> memref<1x10000x128xf32, #tpu.memory_space<hbm>>
        %dma_wait3A_88 = tpu.memref_squeeze %dma_wait3A_87 : memref<1x10000x128xf32, #tpu.memory_space<hbm>> -> memref<10000x128xf32, #tpu.memory_space<hbm>>
        %dma_wait3A_89 = arith.constant 9984 : i32
        %dma_wait3A_90 = arith.constant 0 : i32
        %dma_wait3A_91 = tpu.memref_slice %dma_wait3A_88[%dma_wait3A_89, %dma_wait3A_90] : memref<10000x128xf32, #tpu.memory_space<hbm>> -> memref<16x128xf32, #tpu.memory_space<hbm>>
        %dma_wait3A_92 = arith.constant 0 : i32
        %dma_wait3A_93 = arith.constant 0 : i32
        %dma_wait3A_94 = tpu.memref_slice %arg5[%arg0, %dma_wait3A_92, %dma_wait3A_93] : memref<2x10000x128xf32, #tpu.memory_space<hbm>> -> memref<1x10000x128xf32, #tpu.memory_space<hbm>>
        %dma_wait3A_95 = tpu.memref_squeeze %dma_wait3A_94 : memref<1x10000x128xf32, #tpu.memory_space<hbm>> -> memref<10000x128xf32, #tpu.memory_space<hbm>>
        %dma_wait3A_96 = arith.constant 9984 : i32
        %dma_wait3A_97 = arith.constant 0 : i32
        %dma_wait3A_98 = tpu.memref_slice %dma_wait3A_95[%dma_wait3A_96, %dma_wait3A_97] : memref<10000x128xf32, #tpu.memory_space<hbm>> -> memref<16x128xf32, #tpu.memory_space<hbm>>
        %dma_wait3A_99 = arith.constant 0 : i32
        %dma_wait3A_100 = arith.constant 0 : i32
        %dma_wait3A_101 = tpu.memref_slice %arg7[%dma_wait3A_99, %dma_wait3A_100] : memref<128x128xf32, #tpu.memory_space<vmem>> -> memref<16x128xf32, #tpu.memory_space<vmem>>
        tpu.wait_dma2 semaphore(%run_scoped3A : memref<!tpu.dma_semaphore, #tpu.memory_space<semaphore_mem>>) src(%dma_wait3A_101 : memref<16x128xf32, #tpu.memory_space<vmem>>) dst(%dma_wait3A_98 : memref<16x128xf32, #tpu.memory_space<hbm>>)
        tpu.yield
      }) : () -> ()
    } else {
    }
    return
  }
}

#map = affine_map<(d0, d1) -> (0, 0)>
#map1 = affine_map<(d0, d1) -> (0, 0, 0)>
module attributes {stable_mosaic.version = 14 : i64} {
  func.func @agg(%arg0: i32, %arg1: i32, %arg2: memref<10000x128xf32, #tpu.memory_space<hbm>>, %arg3: memref<128x128xf32, #tpu.memory_space<hbm>>, %arg4: memref<2528x1x128xi32, #tpu.memory_space<hbm>>, %arg5: memref<2528x1x128xi32, #tpu.memory_space<hbm>>, %arg6: memref<2x10000x128xf32, #tpu.memory_space<hbm>>, %arg7: memref<2x128xi32, #tpu.memory_space<vmem>>, %arg8: memref<2x128xi32, #tpu.memory_space<vmem>>, %arg9: memref<2x128x128xf32, #tpu.memory_space<vmem>>, %arg10: memref<10112x128xf32, #tpu.memory_space<vmem_shared>>, %arg11: memref<!tpu.dma_semaphore, #tpu.memory_space<semaphore_mem>>, %arg12: memref<!tpu.dma_semaphore, #tpu.memory_space<semaphore_mem>>) attributes {dimension_semantics = [#tpu.dimension_semantics<core_parallel>, #tpu.dimension_semantics<subcore_parallel>], iteration_bounds = array<i64: 2, 16>, scalar_prefetch = 0 : i64, scratch_operands = 6 : i64, tpu.core_type = #tpu.core_type<sc_vector_subcore>, window_params = [{transform_indices = #map}, {transform_indices = #map}, {transform_indices = #map1}, {transform_indices = #map1}, {transform_indices = #map1}]} {
    %eq3A = arith.constant 0 : i32
    %eq3A_0 = arith.cmpi eq, %arg0, %eq3A : i32
    %jit3A = arith.constant 102 : i32
    %jit3A_1 = arith.constant 56 : i32
    %select_n3A = arith.select %eq3A_0, %jit3A, %jit3A_1 : i32
    %eq3A_2 = arith.constant 0 : i32
    %eq3A_3 = arith.cmpi eq, %arg0, %eq3A_2 : i32
    %mul3A = arith.constant 102 : i32
    %mul3A_4 = arith.muli %arg1, %mul3A : i32
    %mul3A_5 = arith.constant 56 : i32
    %mul3A_6 = arith.muli %arg1, %mul3A_5 : i32
    %add3A = arith.constant 1632 : i32
    %add3A_7 = arith.addi %add3A, %mul3A_6 : i32
    %select_n3A_8 = arith.select %eq3A_3, %mul3A_4, %add3A_7 : i32
    %run_scoped3A = arith.constant 0 : i32
    "tpu.region"() ({
      %run_scoped3A_113 = tpu.sem_alloc : memref<!tpu.dma_semaphore, #tpu.memory_space<semaphore_mem>>
      %dma_start3A_114 = arith.constant 0 : i32
      %dma_start3A_115 = arith.constant 0 : i32
      %dma_start3A_116 = tpu.memref_slice %arg9[%run_scoped3A, %dma_start3A_114, %dma_start3A_115] : memref<2x128x128xf32, #tpu.memory_space<vmem>> -> memref<1x128x128xf32, #tpu.memory_space<vmem>>
      %dma_start3A_117 = tpu.memref_squeeze %dma_start3A_116 : memref<1x128x128xf32, #tpu.memory_space<vmem>> -> memref<128x128xf32, #tpu.memory_space<vmem>>
      %dma_start3A_118 = arith.constant 0 : i32
      %dma_start3A_119 = arith.constant 0 : i32
      %dma_start3A_120 = tpu.memref_slice %arg9[%run_scoped3A, %dma_start3A_118, %dma_start3A_119] : memref<2x128x128xf32, #tpu.memory_space<vmem>> -> memref<1x128x128xf32, #tpu.memory_space<vmem>>
      %dma_start3A_121 = tpu.memref_squeeze %dma_start3A_120 : memref<1x128x128xf32, #tpu.memory_space<vmem>> -> memref<128x128xf32, #tpu.memory_space<vmem>>
      tpu.enqueue_dma source(%arg3 : memref<128x128xf32, #tpu.memory_space<hbm>>) target(%dma_start3A_121 : memref<128x128xf32, #tpu.memory_space<vmem>>) target_semaphore(%run_scoped3A_113 : memref<!tpu.dma_semaphore, #tpu.memory_space<semaphore_mem>>)
      %dma_wait3A = arith.constant 0 : i32
      %dma_wait3A_122 = arith.constant 0 : i32
      %dma_wait3A_123 = tpu.memref_slice %arg9[%run_scoped3A, %dma_wait3A, %dma_wait3A_122] : memref<2x128x128xf32, #tpu.memory_space<vmem>> -> memref<1x128x128xf32, #tpu.memory_space<vmem>>
      %dma_wait3A_124 = tpu.memref_squeeze %dma_wait3A_123 : memref<1x128x128xf32, #tpu.memory_space<vmem>> -> memref<128x128xf32, #tpu.memory_space<vmem>>
      %dma_wait3A_125 = arith.constant 0 : i32
      %dma_wait3A_126 = arith.constant 0 : i32
      %dma_wait3A_127 = tpu.memref_slice %arg9[%run_scoped3A, %dma_wait3A_125, %dma_wait3A_126] : memref<2x128x128xf32, #tpu.memory_space<vmem>> -> memref<1x128x128xf32, #tpu.memory_space<vmem>>
      %dma_wait3A_128 = tpu.memref_squeeze %dma_wait3A_127 : memref<1x128x128xf32, #tpu.memory_space<vmem>> -> memref<128x128xf32, #tpu.memory_space<vmem>>
      tpu.wait_dma2 semaphore(%run_scoped3A_113 : memref<!tpu.dma_semaphore, #tpu.memory_space<semaphore_mem>>) src(%arg3 : memref<128x128xf32, #tpu.memory_space<hbm>>) dst(%dma_wait3A_128 : memref<128x128xf32, #tpu.memory_space<vmem>>)
      tpu.yield
    }) : () -> ()
    %mul3A_9 = arith.constant 632 : i32
    %mul3A_10 = arith.muli %arg1, %mul3A_9 : i32
    %add3A_11 = arith.constant 0 : i32
    %add3A_12 = arith.addi %mul3A_10, %add3A_11 : i32
    %run_scoped3A_13 = arith.constant 0 : i32
    "tpu.region"() ({
      %run_scoped3A_113 = tpu.sem_alloc : memref<!tpu.dma_semaphore, #tpu.memory_space<semaphore_mem>>
      %dma_start3A_114 = arith.constant 0 : i32
      %dma_start3A_115 = arith.constant 0 : i32
      %dma_start3A_116 = tpu.memref_slice %arg9[%run_scoped3A_13, %dma_start3A_114, %dma_start3A_115] : memref<2x128x128xf32, #tpu.memory_space<vmem>> -> memref<1x128x128xf32, #tpu.memory_space<vmem>>
      %dma_start3A_117 = tpu.memref_squeeze %dma_start3A_116 : memref<1x128x128xf32, #tpu.memory_space<vmem>> -> memref<128x128xf32, #tpu.memory_space<vmem>>
      %dma_start3A_118 = arith.constant 0 : i32
      %dma_start3A_119 = arith.constant 0 : i32
      %dma_start3A_120 = tpu.memref_slice %dma_start3A_117[%dma_start3A_118, %dma_start3A_119] : memref<128x128xf32, #tpu.memory_space<vmem>> -> memref<128x128xf32, #tpu.memory_space<vmem>>
      %dma_start3A_121 = arith.constant 0 : i32
      %dma_start3A_122 = tpu.memref_slice %arg10[%add3A_12, %dma_start3A_121] : memref<10112x128xf32, #tpu.memory_space<vmem_shared>> -> memref<128x128xf32, #tpu.memory_space<vmem_shared>>
      %dma_start3A_123 = arith.constant 0 : i32
      %dma_start3A_124 = tpu.memref_slice %arg10[%add3A_12, %dma_start3A_123] : memref<10112x128xf32, #tpu.memory_space<vmem_shared>> -> memref<128x128xf32, #tpu.memory_space<vmem_shared>>
      %dma_start3A_125 = arith.constant 0 : i32
      %dma_start3A_126 = arith.constant 0 : i32
      %dma_start3A_127 = tpu.memref_slice %arg9[%run_scoped3A_13, %dma_start3A_125, %dma_start3A_126] : memref<2x128x128xf32, #tpu.memory_space<vmem>> -> memref<1x128x128xf32, #tpu.memory_space<vmem>>
      %dma_start3A_128 = tpu.memref_squeeze %dma_start3A_127 : memref<1x128x128xf32, #tpu.memory_space<vmem>> -> memref<128x128xf32, #tpu.memory_space<vmem>>
      %dma_start3A_129 = arith.constant 0 : i32
      %dma_start3A_130 = arith.constant 0 : i32
      %dma_start3A_131 = tpu.memref_slice %dma_start3A_128[%dma_start3A_129, %dma_start3A_130] : memref<128x128xf32, #tpu.memory_space<vmem>> -> memref<128x128xf32, #tpu.memory_space<vmem>>
      tpu.enqueue_dma source(%dma_start3A_131 : memref<128x128xf32, #tpu.memory_space<vmem>>) target(%dma_start3A_124 : memref<128x128xf32, #tpu.memory_space<vmem_shared>>) target_semaphore(%run_scoped3A_113 : memref<!tpu.dma_semaphore, #tpu.memory_space<semaphore_mem>>)
      %dma_wait3A = arith.constant 0 : i32
      %dma_wait3A_132 = arith.constant 0 : i32
      %dma_wait3A_133 = tpu.memref_slice %arg9[%run_scoped3A_13, %dma_wait3A, %dma_wait3A_132] : memref<2x128x128xf32, #tpu.memory_space<vmem>> -> memref<1x128x128xf32, #tpu.memory_space<vmem>>
      %dma_wait3A_134 = tpu.memref_squeeze %dma_wait3A_133 : memref<1x128x128xf32, #tpu.memory_space<vmem>> -> memref<128x128xf32, #tpu.memory_space<vmem>>
      %dma_wait3A_135 = arith.constant 0 : i32
      %dma_wait3A_136 = arith.constant 0 : i32
      %dma_wait3A_137 = tpu.memref_slice %dma_wait3A_134[%dma_wait3A_135, %dma_wait3A_136] : memref<128x128xf32, #tpu.memory_space<vmem>> -> memref<128x128xf32, #tpu.memory_space<vmem>>
      %dma_wait3A_138 = arith.constant 0 : i32
      %dma_wait3A_139 = tpu.memref_slice %arg10[%add3A_12, %dma_wait3A_138] : memref<10112x128xf32, #tpu.memory_space<vmem_shared>> -> memref<128x128xf32, #tpu.memory_space<vmem_shared>>
      %dma_wait3A_140 = arith.constant 0 : i32
      %dma_wait3A_141 = tpu.memref_slice %arg10[%add3A_12, %dma_wait3A_140] : memref<10112x128xf32, #tpu.memory_space<vmem_shared>> -> memref<128x128xf32, #tpu.memory_space<vmem_shared>>
      %dma_wait3A_142 = arith.constant 0 : i32
      %dma_wait3A_143 = arith.constant 0 : i32
      %dma_wait3A_144 = tpu.memref_slice %arg9[%run_scoped3A_13, %dma_wait3A_142, %dma_wait3A_143] : memref<2x128x128xf32, #tpu.memory_space<vmem>> -> memref<1x128x128xf32, #tpu.memory_space<vmem>>
      %dma_wait3A_145 = tpu.memref_squeeze %dma_wait3A_144 : memref<1x128x128xf32, #tpu.memory_space<vmem>> -> memref<128x128xf32, #tpu.memory_space<vmem>>
      %dma_wait3A_146 = arith.constant 0 : i32
      %dma_wait3A_147 = arith.constant 0 : i32
      %dma_wait3A_148 = tpu.memref_slice %dma_wait3A_145[%dma_wait3A_146, %dma_wait3A_147] : memref<128x128xf32, #tpu.memory_space<vmem>> -> memref<128x128xf32, #tpu.memory_space<vmem>>
      tpu.wait_dma2 semaphore(%run_scoped3A_113 : memref<!tpu.dma_semaphore, #tpu.memory_space<semaphore_mem>>) src(%dma_wait3A_148 : memref<128x128xf32, #tpu.memory_space<vmem>>) dst(%dma_wait3A_141 : memref<128x128xf32, #tpu.memory_space<vmem_shared>>)
      tpu.yield
    }) : () -> ()
    %mul3A_14 = arith.constant 632 : i32
    %mul3A_15 = arith.muli %arg1, %mul3A_14 : i32
    %add3A_16 = arith.constant 128 : i32
    %add3A_17 = arith.addi %mul3A_15, %add3A_16 : i32
    %run_scoped3A_18 = arith.constant 0 : i32
    "tpu.region"() ({
      %run_scoped3A_113 = tpu.sem_alloc : memref<!tpu.dma_semaphore, #tpu.memory_space<semaphore_mem>>
      %dma_start3A_114 = arith.constant 0 : i32
      %dma_start3A_115 = arith.constant 0 : i32
      %dma_start3A_116 = tpu.memref_slice %arg9[%run_scoped3A_18, %dma_start3A_114, %dma_start3A_115] : memref<2x128x128xf32, #tpu.memory_space<vmem>> -> memref<1x128x128xf32, #tpu.memory_space<vmem>>
      %dma_start3A_117 = tpu.memref_squeeze %dma_start3A_116 : memref<1x128x128xf32, #tpu.memory_space<vmem>> -> memref<128x128xf32, #tpu.memory_space<vmem>>
      %dma_start3A_118 = arith.constant 0 : i32
      %dma_start3A_119 = arith.constant 0 : i32
      %dma_start3A_120 = tpu.memref_slice %dma_start3A_117[%dma_start3A_118, %dma_start3A_119] : memref<128x128xf32, #tpu.memory_space<vmem>> -> memref<128x128xf32, #tpu.memory_space<vmem>>
      %dma_start3A_121 = arith.constant 0 : i32
      %dma_start3A_122 = tpu.memref_slice %arg10[%add3A_17, %dma_start3A_121] : memref<10112x128xf32, #tpu.memory_space<vmem_shared>> -> memref<128x128xf32, #tpu.memory_space<vmem_shared>>
      %dma_start3A_123 = arith.constant 0 : i32
      %dma_start3A_124 = tpu.memref_slice %arg10[%add3A_17, %dma_start3A_123] : memref<10112x128xf32, #tpu.memory_space<vmem_shared>> -> memref<128x128xf32, #tpu.memory_space<vmem_shared>>
      %dma_start3A_125 = arith.constant 0 : i32
      %dma_start3A_126 = arith.constant 0 : i32
      %dma_start3A_127 = tpu.memref_slice %arg9[%run_scoped3A_18, %dma_start3A_125, %dma_start3A_126] : memref<2x128x128xf32, #tpu.memory_space<vmem>> -> memref<1x128x128xf32, #tpu.memory_space<vmem>>
      %dma_start3A_128 = tpu.memref_squeeze %dma_start3A_127 : memref<1x128x128xf32, #tpu.memory_space<vmem>> -> memref<128x128xf32, #tpu.memory_space<vmem>>
      %dma_start3A_129 = arith.constant 0 : i32
      %dma_start3A_130 = arith.constant 0 : i32
      %dma_start3A_131 = tpu.memref_slice %dma_start3A_128[%dma_start3A_129, %dma_start3A_130] : memref<128x128xf32, #tpu.memory_space<vmem>> -> memref<128x128xf32, #tpu.memory_space<vmem>>
      tpu.enqueue_dma source(%dma_start3A_131 : memref<128x128xf32, #tpu.memory_space<vmem>>) target(%dma_start3A_124 : memref<128x128xf32, #tpu.memory_space<vmem_shared>>) target_semaphore(%run_scoped3A_113 : memref<!tpu.dma_semaphore, #tpu.memory_space<semaphore_mem>>)
      %dma_wait3A = arith.constant 0 : i32
      %dma_wait3A_132 = arith.constant 0 : i32
      %dma_wait3A_133 = tpu.memref_slice %arg9[%run_scoped3A_18, %dma_wait3A, %dma_wait3A_132] : memref<2x128x128xf32, #tpu.memory_space<vmem>> -> memref<1x128x128xf32, #tpu.memory_space<vmem>>
      %dma_wait3A_134 = tpu.memref_squeeze %dma_wait3A_133 : memref<1x128x128xf32, #tpu.memory_space<vmem>> -> memref<128x128xf32, #tpu.memory_space<vmem>>
      %dma_wait3A_135 = arith.constant 0 : i32
      %dma_wait3A_136 = arith.constant 0 : i32
      %dma_wait3A_137 = tpu.memref_slice %dma_wait3A_134[%dma_wait3A_135, %dma_wait3A_136] : memref<128x128xf32, #tpu.memory_space<vmem>> -> memref<128x128xf32, #tpu.memory_space<vmem>>
      %dma_wait3A_138 = arith.constant 0 : i32
      %dma_wait3A_139 = tpu.memref_slice %arg10[%add3A_17, %dma_wait3A_138] : memref<10112x128xf32, #tpu.memory_space<vmem_shared>> -> memref<128x128xf32, #tpu.memory_space<vmem_shared>>
      %dma_wait3A_140 = arith.constant 0 : i32
      %dma_wait3A_141 = tpu.memref_slice %arg10[%add3A_17, %dma_wait3A_140] : memref<10112x128xf32, #tpu.memory_space<vmem_shared>> -> memref<128x128xf32, #tpu.memory_space<vmem_shared>>
      %dma_wait3A_142 = arith.constant 0 : i32
      %dma_wait3A_143 = arith.constant 0 : i32
      %dma_wait3A_144 = tpu.memref_slice %arg9[%run_scoped3A_18, %dma_wait3A_142, %dma_wait3A_143] : memref<2x128x128xf32, #tpu.memory_space<vmem>> -> memref<1x128x128xf32, #tpu.memory_space<vmem>>
      %dma_wait3A_145 = tpu.memref_squeeze %dma_wait3A_144 : memref<1x128x128xf32, #tpu.memory_space<vmem>> -> memref<128x128xf32, #tpu.memory_space<vmem>>
      %dma_wait3A_146 = arith.constant 0 : i32
      %dma_wait3A_147 = arith.constant 0 : i32
      %dma_wait3A_148 = tpu.memref_slice %dma_wait3A_145[%dma_wait3A_146, %dma_wait3A_147] : memref<128x128xf32, #tpu.memory_space<vmem>> -> memref<128x128xf32, #tpu.memory_space<vmem>>
      tpu.wait_dma2 semaphore(%run_scoped3A_113 : memref<!tpu.dma_semaphore, #tpu.memory_space<semaphore_mem>>) src(%dma_wait3A_148 : memref<128x128xf32, #tpu.memory_space<vmem>>) dst(%dma_wait3A_141 : memref<128x128xf32, #tpu.memory_space<vmem_shared>>)
      tpu.yield
    }) : () -> ()
    %mul3A_19 = arith.constant 632 : i32
    %mul3A_20 = arith.muli %arg1, %mul3A_19 : i32
    %add3A_21 = arith.constant 256 : i32
    %add3A_22 = arith.addi %mul3A_20, %add3A_21 : i32
    %run_scoped3A_23 = arith.constant 0 : i32
    "tpu.region"() ({
      %run_scoped3A_113 = tpu.sem_alloc : memref<!tpu.dma_semaphore, #tpu.memory_space<semaphore_mem>>
      %dma_start3A_114 = arith.constant 0 : i32
      %dma_start3A_115 = arith.constant 0 : i32
      %dma_start3A_116 = tpu.memref_slice %arg9[%run_scoped3A_23, %dma_start3A_114, %dma_start3A_115] : memref<2x128x128xf32, #tpu.memory_space<vmem>> -> memref<1x128x128xf32, #tpu.memory_space<vmem>>
      %dma_start3A_117 = tpu.memref_squeeze %dma_start3A_116 : memref<1x128x128xf32, #tpu.memory_space<vmem>> -> memref<128x128xf32, #tpu.memory_space<vmem>>
      %dma_start3A_118 = arith.constant 0 : i32
      %dma_start3A_119 = arith.constant 0 : i32
      %dma_start3A_120 = tpu.memref_slice %dma_start3A_117[%dma_start3A_118, %dma_start3A_119] : memref<128x128xf32, #tpu.memory_space<vmem>> -> memref<128x128xf32, #tpu.memory_space<vmem>>
      %dma_start3A_121 = arith.constant 0 : i32
      %dma_start3A_122 = tpu.memref_slice %arg10[%add3A_22, %dma_start3A_121] : memref<10112x128xf32, #tpu.memory_space<vmem_shared>> -> memref<128x128xf32, #tpu.memory_space<vmem_shared>>
      %dma_start3A_123 = arith.constant 0 : i32
      %dma_start3A_124 = tpu.memref_slice %arg10[%add3A_22, %dma_start3A_123] : memref<10112x128xf32, #tpu.memory_space<vmem_shared>> -> memref<128x128xf32, #tpu.memory_space<vmem_shared>>
      %dma_start3A_125 = arith.constant 0 : i32
      %dma_start3A_126 = arith.constant 0 : i32
      %dma_start3A_127 = tpu.memref_slice %arg9[%run_scoped3A_23, %dma_start3A_125, %dma_start3A_126] : memref<2x128x128xf32, #tpu.memory_space<vmem>> -> memref<1x128x128xf32, #tpu.memory_space<vmem>>
      %dma_start3A_128 = tpu.memref_squeeze %dma_start3A_127 : memref<1x128x128xf32, #tpu.memory_space<vmem>> -> memref<128x128xf32, #tpu.memory_space<vmem>>
      %dma_start3A_129 = arith.constant 0 : i32
      %dma_start3A_130 = arith.constant 0 : i32
      %dma_start3A_131 = tpu.memref_slice %dma_start3A_128[%dma_start3A_129, %dma_start3A_130] : memref<128x128xf32, #tpu.memory_space<vmem>> -> memref<128x128xf32, #tpu.memory_space<vmem>>
      tpu.enqueue_dma source(%dma_start3A_131 : memref<128x128xf32, #tpu.memory_space<vmem>>) target(%dma_start3A_124 : memref<128x128xf32, #tpu.memory_space<vmem_shared>>) target_semaphore(%run_scoped3A_113 : memref<!tpu.dma_semaphore, #tpu.memory_space<semaphore_mem>>)
      %dma_wait3A = arith.constant 0 : i32
      %dma_wait3A_132 = arith.constant 0 : i32
      %dma_wait3A_133 = tpu.memref_slice %arg9[%run_scoped3A_23, %dma_wait3A, %dma_wait3A_132] : memref<2x128x128xf32, #tpu.memory_space<vmem>> -> memref<1x128x128xf32, #tpu.memory_space<vmem>>
      %dma_wait3A_134 = tpu.memref_squeeze %dma_wait3A_133 : memref<1x128x128xf32, #tpu.memory_space<vmem>> -> memref<128x128xf32, #tpu.memory_space<vmem>>
      %dma_wait3A_135 = arith.constant 0 : i32
      %dma_wait3A_136 = arith.constant 0 : i32
      %dma_wait3A_137 = tpu.memref_slice %dma_wait3A_134[%dma_wait3A_135, %dma_wait3A_136] : memref<128x128xf32, #tpu.memory_space<vmem>> -> memref<128x128xf32, #tpu.memory_space<vmem>>
      %dma_wait3A_138 = arith.constant 0 : i32
      %dma_wait3A_139 = tpu.memref_slice %arg10[%add3A_22, %dma_wait3A_138] : memref<10112x128xf32, #tpu.memory_space<vmem_shared>> -> memref<128x128xf32, #tpu.memory_space<vmem_shared>>
      %dma_wait3A_140 = arith.constant 0 : i32
      %dma_wait3A_141 = tpu.memref_slice %arg10[%add3A_22, %dma_wait3A_140] : memref<10112x128xf32, #tpu.memory_space<vmem_shared>> -> memref<128x128xf32, #tpu.memory_space<vmem_shared>>
      %dma_wait3A_142 = arith.constant 0 : i32
      %dma_wait3A_143 = arith.constant 0 : i32
      %dma_wait3A_144 = tpu.memref_slice %arg9[%run_scoped3A_23, %dma_wait3A_142, %dma_wait3A_143] : memref<2x128x128xf32, #tpu.memory_space<vmem>> -> memref<1x128x128xf32, #tpu.memory_space<vmem>>
      %dma_wait3A_145 = tpu.memref_squeeze %dma_wait3A_144 : memref<1x128x128xf32, #tpu.memory_space<vmem>> -> memref<128x128xf32, #tpu.memory_space<vmem>>
      %dma_wait3A_146 = arith.constant 0 : i32
      %dma_wait3A_147 = arith.constant 0 : i32
      %dma_wait3A_148 = tpu.memref_slice %dma_wait3A_145[%dma_wait3A_146, %dma_wait3A_147] : memref<128x128xf32, #tpu.memory_space<vmem>> -> memref<128x128xf32, #tpu.memory_space<vmem>>
      tpu.wait_dma2 semaphore(%run_scoped3A_113 : memref<!tpu.dma_semaphore, #tpu.memory_space<semaphore_mem>>) src(%dma_wait3A_148 : memref<128x128xf32, #tpu.memory_space<vmem>>) dst(%dma_wait3A_141 : memref<128x128xf32, #tpu.memory_space<vmem_shared>>)
      tpu.yield
    }) : () -> ()
    %mul3A_24 = arith.constant 632 : i32
    %mul3A_25 = arith.muli %arg1, %mul3A_24 : i32
    %add3A_26 = arith.constant 384 : i32
    %add3A_27 = arith.addi %mul3A_25, %add3A_26 : i32
    %run_scoped3A_28 = arith.constant 0 : i32
    "tpu.region"() ({
      %run_scoped3A_113 = tpu.sem_alloc : memref<!tpu.dma_semaphore, #tpu.memory_space<semaphore_mem>>
      %dma_start3A_114 = arith.constant 0 : i32
      %dma_start3A_115 = arith.constant 0 : i32
      %dma_start3A_116 = tpu.memref_slice %arg9[%run_scoped3A_28, %dma_start3A_114, %dma_start3A_115] : memref<2x128x128xf32, #tpu.memory_space<vmem>> -> memref<1x128x128xf32, #tpu.memory_space<vmem>>
      %dma_start3A_117 = tpu.memref_squeeze %dma_start3A_116 : memref<1x128x128xf32, #tpu.memory_space<vmem>> -> memref<128x128xf32, #tpu.memory_space<vmem>>
      %dma_start3A_118 = arith.constant 0 : i32
      %dma_start3A_119 = arith.constant 0 : i32
      %dma_start3A_120 = tpu.memref_slice %dma_start3A_117[%dma_start3A_118, %dma_start3A_119] : memref<128x128xf32, #tpu.memory_space<vmem>> -> memref<128x128xf32, #tpu.memory_space<vmem>>
      %dma_start3A_121 = arith.constant 0 : i32
      %dma_start3A_122 = tpu.memref_slice %arg10[%add3A_27, %dma_start3A_121] : memref<10112x128xf32, #tpu.memory_space<vmem_shared>> -> memref<128x128xf32, #tpu.memory_space<vmem_shared>>
      %dma_start3A_123 = arith.constant 0 : i32
      %dma_start3A_124 = tpu.memref_slice %arg10[%add3A_27, %dma_start3A_123] : memref<10112x128xf32, #tpu.memory_space<vmem_shared>> -> memref<128x128xf32, #tpu.memory_space<vmem_shared>>
      %dma_start3A_125 = arith.constant 0 : i32
      %dma_start3A_126 = arith.constant 0 : i32
      %dma_start3A_127 = tpu.memref_slice %arg9[%run_scoped3A_28, %dma_start3A_125, %dma_start3A_126] : memref<2x128x128xf32, #tpu.memory_space<vmem>> -> memref<1x128x128xf32, #tpu.memory_space<vmem>>
      %dma_start3A_128 = tpu.memref_squeeze %dma_start3A_127 : memref<1x128x128xf32, #tpu.memory_space<vmem>> -> memref<128x128xf32, #tpu.memory_space<vmem>>
      %dma_start3A_129 = arith.constant 0 : i32
      %dma_start3A_130 = arith.constant 0 : i32
      %dma_start3A_131 = tpu.memref_slice %dma_start3A_128[%dma_start3A_129, %dma_start3A_130] : memref<128x128xf32, #tpu.memory_space<vmem>> -> memref<128x128xf32, #tpu.memory_space<vmem>>
      tpu.enqueue_dma source(%dma_start3A_131 : memref<128x128xf32, #tpu.memory_space<vmem>>) target(%dma_start3A_124 : memref<128x128xf32, #tpu.memory_space<vmem_shared>>) target_semaphore(%run_scoped3A_113 : memref<!tpu.dma_semaphore, #tpu.memory_space<semaphore_mem>>)
      %dma_wait3A = arith.constant 0 : i32
      %dma_wait3A_132 = arith.constant 0 : i32
      %dma_wait3A_133 = tpu.memref_slice %arg9[%run_scoped3A_28, %dma_wait3A, %dma_wait3A_132] : memref<2x128x128xf32, #tpu.memory_space<vmem>> -> memref<1x128x128xf32, #tpu.memory_space<vmem>>
      %dma_wait3A_134 = tpu.memref_squeeze %dma_wait3A_133 : memref<1x128x128xf32, #tpu.memory_space<vmem>> -> memref<128x128xf32, #tpu.memory_space<vmem>>
      %dma_wait3A_135 = arith.constant 0 : i32
      %dma_wait3A_136 = arith.constant 0 : i32
      %dma_wait3A_137 = tpu.memref_slice %dma_wait3A_134[%dma_wait3A_135, %dma_wait3A_136] : memref<128x128xf32, #tpu.memory_space<vmem>> -> memref<128x128xf32, #tpu.memory_space<vmem>>
      %dma_wait3A_138 = arith.constant 0 : i32
      %dma_wait3A_139 = tpu.memref_slice %arg10[%add3A_27, %dma_wait3A_138] : memref<10112x128xf32, #tpu.memory_space<vmem_shared>> -> memref<128x128xf32, #tpu.memory_space<vmem_shared>>
      %dma_wait3A_140 = arith.constant 0 : i32
      %dma_wait3A_141 = tpu.memref_slice %arg10[%add3A_27, %dma_wait3A_140] : memref<10112x128xf32, #tpu.memory_space<vmem_shared>> -> memref<128x128xf32, #tpu.memory_space<vmem_shared>>
      %dma_wait3A_142 = arith.constant 0 : i32
      %dma_wait3A_143 = arith.constant 0 : i32
      %dma_wait3A_144 = tpu.memref_slice %arg9[%run_scoped3A_28, %dma_wait3A_142, %dma_wait3A_143] : memref<2x128x128xf32, #tpu.memory_space<vmem>> -> memref<1x128x128xf32, #tpu.memory_space<vmem>>
      %dma_wait3A_145 = tpu.memref_squeeze %dma_wait3A_144 : memref<1x128x128xf32, #tpu.memory_space<vmem>> -> memref<128x128xf32, #tpu.memory_space<vmem>>
      %dma_wait3A_146 = arith.constant 0 : i32
      %dma_wait3A_147 = arith.constant 0 : i32
      %dma_wait3A_148 = tpu.memref_slice %dma_wait3A_145[%dma_wait3A_146, %dma_wait3A_147] : memref<128x128xf32, #tpu.memory_space<vmem>> -> memref<128x128xf32, #tpu.memory_space<vmem>>
      tpu.wait_dma2 semaphore(%run_scoped3A_113 : memref<!tpu.dma_semaphore, #tpu.memory_space<semaphore_mem>>) src(%dma_wait3A_148 : memref<128x128xf32, #tpu.memory_space<vmem>>) dst(%dma_wait3A_141 : memref<128x128xf32, #tpu.memory_space<vmem_shared>>)
      tpu.yield
    }) : () -> ()
    %mul3A_29 = arith.constant 632 : i32
    %mul3A_30 = arith.muli %arg1, %mul3A_29 : i32
    %add3A_31 = arith.constant 512 : i32
    %add3A_32 = arith.addi %mul3A_30, %add3A_31 : i32
    %run_scoped3A_33 = arith.constant 0 : i32
    "tpu.region"() ({
      %run_scoped3A_113 = tpu.sem_alloc : memref<!tpu.dma_semaphore, #tpu.memory_space<semaphore_mem>>
      %dma_start3A_114 = arith.constant 0 : i32
      %dma_start3A_115 = arith.constant 0 : i32
      %dma_start3A_116 = tpu.memref_slice %arg9[%run_scoped3A_33, %dma_start3A_114, %dma_start3A_115] : memref<2x128x128xf32, #tpu.memory_space<vmem>> -> memref<1x128x128xf32, #tpu.memory_space<vmem>>
      %dma_start3A_117 = tpu.memref_squeeze %dma_start3A_116 : memref<1x128x128xf32, #tpu.memory_space<vmem>> -> memref<128x128xf32, #tpu.memory_space<vmem>>
      %dma_start3A_118 = arith.constant 0 : i32
      %dma_start3A_119 = arith.constant 0 : i32
      %dma_start3A_120 = tpu.memref_slice %dma_start3A_117[%dma_start3A_118, %dma_start3A_119] : memref<128x128xf32, #tpu.memory_space<vmem>> -> memref<120x128xf32, #tpu.memory_space<vmem>>
      %dma_start3A_121 = arith.constant 0 : i32
      %dma_start3A_122 = tpu.memref_slice %arg10[%add3A_32, %dma_start3A_121] : memref<10112x128xf32, #tpu.memory_space<vmem_shared>> -> memref<120x128xf32, #tpu.memory_space<vmem_shared>>
      %dma_start3A_123 = arith.constant 0 : i32
      %dma_start3A_124 = tpu.memref_slice %arg10[%add3A_32, %dma_start3A_123] : memref<10112x128xf32, #tpu.memory_space<vmem_shared>> -> memref<120x128xf32, #tpu.memory_space<vmem_shared>>
      %dma_start3A_125 = arith.constant 0 : i32
      %dma_start3A_126 = arith.constant 0 : i32
      %dma_start3A_127 = tpu.memref_slice %arg9[%run_scoped3A_33, %dma_start3A_125, %dma_start3A_126] : memref<2x128x128xf32, #tpu.memory_space<vmem>> -> memref<1x128x128xf32, #tpu.memory_space<vmem>>
      %dma_start3A_128 = tpu.memref_squeeze %dma_start3A_127 : memref<1x128x128xf32, #tpu.memory_space<vmem>> -> memref<128x128xf32, #tpu.memory_space<vmem>>
      %dma_start3A_129 = arith.constant 0 : i32
      %dma_start3A_130 = arith.constant 0 : i32
      %dma_start3A_131 = tpu.memref_slice %dma_start3A_128[%dma_start3A_129, %dma_start3A_130] : memref<128x128xf32, #tpu.memory_space<vmem>> -> memref<120x128xf32, #tpu.memory_space<vmem>>
      tpu.enqueue_dma source(%dma_start3A_131 : memref<120x128xf32, #tpu.memory_space<vmem>>) target(%dma_start3A_124 : memref<120x128xf32, #tpu.memory_space<vmem_shared>>) target_semaphore(%run_scoped3A_113 : memref<!tpu.dma_semaphore, #tpu.memory_space<semaphore_mem>>)
      %dma_wait3A = arith.constant 0 : i32
      %dma_wait3A_132 = arith.constant 0 : i32
      %dma_wait3A_133 = tpu.memref_slice %arg9[%run_scoped3A_33, %dma_wait3A, %dma_wait3A_132] : memref<2x128x128xf32, #tpu.memory_space<vmem>> -> memref<1x128x128xf32, #tpu.memory_space<vmem>>
      %dma_wait3A_134 = tpu.memref_squeeze %dma_wait3A_133 : memref<1x128x128xf32, #tpu.memory_space<vmem>> -> memref<128x128xf32, #tpu.memory_space<vmem>>
      %dma_wait3A_135 = arith.constant 0 : i32
      %dma_wait3A_136 = arith.constant 0 : i32
      %dma_wait3A_137 = tpu.memref_slice %dma_wait3A_134[%dma_wait3A_135, %dma_wait3A_136] : memref<128x128xf32, #tpu.memory_space<vmem>> -> memref<120x128xf32, #tpu.memory_space<vmem>>
      %dma_wait3A_138 = arith.constant 0 : i32
      %dma_wait3A_139 = tpu.memref_slice %arg10[%add3A_32, %dma_wait3A_138] : memref<10112x128xf32, #tpu.memory_space<vmem_shared>> -> memref<120x128xf32, #tpu.memory_space<vmem_shared>>
      %dma_wait3A_140 = arith.constant 0 : i32
      %dma_wait3A_141 = tpu.memref_slice %arg10[%add3A_32, %dma_wait3A_140] : memref<10112x128xf32, #tpu.memory_space<vmem_shared>> -> memref<120x128xf32, #tpu.memory_space<vmem_shared>>
      %dma_wait3A_142 = arith.constant 0 : i32
      %dma_wait3A_143 = arith.constant 0 : i32
      %dma_wait3A_144 = tpu.memref_slice %arg9[%run_scoped3A_33, %dma_wait3A_142, %dma_wait3A_143] : memref<2x128x128xf32, #tpu.memory_space<vmem>> -> memref<1x128x128xf32, #tpu.memory_space<vmem>>
      %dma_wait3A_145 = tpu.memref_squeeze %dma_wait3A_144 : memref<1x128x128xf32, #tpu.memory_space<vmem>> -> memref<128x128xf32, #tpu.memory_space<vmem>>
      %dma_wait3A_146 = arith.constant 0 : i32
      %dma_wait3A_147 = arith.constant 0 : i32
      %dma_wait3A_148 = tpu.memref_slice %dma_wait3A_145[%dma_wait3A_146, %dma_wait3A_147] : memref<128x128xf32, #tpu.memory_space<vmem>> -> memref<120x128xf32, #tpu.memory_space<vmem>>
      tpu.wait_dma2 semaphore(%run_scoped3A_113 : memref<!tpu.dma_semaphore, #tpu.memory_space<semaphore_mem>>) src(%dma_wait3A_148 : memref<120x128xf32, #tpu.memory_space<vmem>>) dst(%dma_wait3A_141 : memref<120x128xf32, #tpu.memory_space<vmem_shared>>)
      tpu.yield
    }) : () -> ()
    %barrier3A = arith.constant 0 : index
    tpu.barrier barrier_id(%barrier3A)
    %run_scoped3A_34 = arith.constant 0 : i32
    %run_scoped3A_35 = arith.constant 0 : i32
    "tpu.region"() ({
      %run_scoped3A_113 = tpu.sem_alloc : memref<!tpu.dma_semaphore, #tpu.memory_space<semaphore_mem>>
      %dma_start3A_114 = arith.constant 0 : i32
      %dma_start3A_115 = tpu.memref_slice %arg7[%run_scoped3A_35, %dma_start3A_114] : memref<2x128xi32, #tpu.memory_space<vmem>> -> memref<1x128xi32, #tpu.memory_space<vmem>>
      %dma_start3A_116 = tpu.memref_squeeze %dma_start3A_115 : memref<1x128xi32, #tpu.memory_space<vmem>> -> memref<128xi32, #tpu.memory_space<vmem>>
      %dma_start3A_117 = arith.constant 0 : i32
      %dma_start3A_118 = tpu.memref_slice %arg4[%select_n3A_8, %run_scoped3A_34, %dma_start3A_117] : memref<2528x1x128xi32, #tpu.memory_space<hbm>> -> memref<1x1x128xi32, #tpu.memory_space<hbm>>
      %dma_start3A_119 = tpu.memref_squeeze %dma_start3A_118 : memref<1x1x128xi32, #tpu.memory_space<hbm>> -> memref<128xi32, #tpu.memory_space<hbm>>
      %dma_start3A_120 = arith.constant 0 : i32
      %dma_start3A_121 = tpu.memref_slice %arg7[%run_scoped3A_35, %dma_start3A_120] : memref<2x128xi32, #tpu.memory_space<vmem>> -> memref<1x128xi32, #tpu.memory_space<vmem>>
      %dma_start3A_122 = tpu.memref_squeeze %dma_start3A_121 : memref<1x128xi32, #tpu.memory_space<vmem>> -> memref<128xi32, #tpu.memory_space<vmem>>
      %dma_start3A_123 = arith.constant 0 : i32
      %dma_start3A_124 = tpu.memref_slice %arg4[%select_n3A_8, %run_scoped3A_34, %dma_start3A_123] : memref<2528x1x128xi32, #tpu.memory_space<hbm>> -> memref<1x1x128xi32, #tpu.memory_space<hbm>>
      %dma_start3A_125 = tpu.memref_squeeze %dma_start3A_124 : memref<1x1x128xi32, #tpu.memory_space<hbm>> -> memref<128xi32, #tpu.memory_space<hbm>>
      tpu.enqueue_dma source(%dma_start3A_125 : memref<128xi32, #tpu.memory_space<hbm>>) target(%dma_start3A_122 : memref<128xi32, #tpu.memory_space<vmem>>) target_semaphore(%run_scoped3A_113 : memref<!tpu.dma_semaphore, #tpu.memory_space<semaphore_mem>>)
      %dma_wait3A = arith.constant 0 : i32
      %dma_wait3A_126 = tpu.memref_slice %arg7[%run_scoped3A_35, %dma_wait3A] : memref<2x128xi32, #tpu.memory_space<vmem>> -> memref<1x128xi32, #tpu.memory_space<vmem>>
      %dma_wait3A_127 = tpu.memref_squeeze %dma_wait3A_126 : memref<1x128xi32, #tpu.memory_space<vmem>> -> memref<128xi32, #tpu.memory_space<vmem>>
      %dma_wait3A_128 = arith.constant 0 : i32
      %dma_wait3A_129 = tpu.memref_slice %arg4[%select_n3A_8, %run_scoped3A_34, %dma_wait3A_128] : memref<2528x1x128xi32, #tpu.memory_space<hbm>> -> memref<1x1x128xi32, #tpu.memory_space<hbm>>
      %dma_wait3A_130 = tpu.memref_squeeze %dma_wait3A_129 : memref<1x1x128xi32, #tpu.memory_space<hbm>> -> memref<128xi32, #tpu.memory_space<hbm>>
      %dma_wait3A_131 = arith.constant 0 : i32
      %dma_wait3A_132 = tpu.memref_slice %arg7[%run_scoped3A_35, %dma_wait3A_131] : memref<2x128xi32, #tpu.memory_space<vmem>> -> memref<1x128xi32, #tpu.memory_space<vmem>>
      %dma_wait3A_133 = tpu.memref_squeeze %dma_wait3A_132 : memref<1x128xi32, #tpu.memory_space<vmem>> -> memref<128xi32, #tpu.memory_space<vmem>>
      %dma_wait3A_134 = arith.constant 0 : i32
      %dma_wait3A_135 = tpu.memref_slice %arg4[%select_n3A_8, %run_scoped3A_34, %dma_wait3A_134] : memref<2528x1x128xi32, #tpu.memory_space<hbm>> -> memref<1x1x128xi32, #tpu.memory_space<hbm>>
      %dma_wait3A_136 = tpu.memref_squeeze %dma_wait3A_135 : memref<1x1x128xi32, #tpu.memory_space<hbm>> -> memref<128xi32, #tpu.memory_space<hbm>>
      tpu.wait_dma2 semaphore(%run_scoped3A_113 : memref<!tpu.dma_semaphore, #tpu.memory_space<semaphore_mem>>) src(%dma_wait3A_136 : memref<128xi32, #tpu.memory_space<hbm>>) dst(%dma_wait3A_133 : memref<128xi32, #tpu.memory_space<vmem>>)
      tpu.yield
    }) : () -> ()
    %run_scoped3A_36 = arith.constant 0 : i32
    %run_scoped3A_37 = arith.constant 0 : i32
    "tpu.region"() ({
      %run_scoped3A_113 = tpu.sem_alloc : memref<!tpu.dma_semaphore, #tpu.memory_space<semaphore_mem>>
      %dma_start3A_114 = arith.constant 0 : i32
      %dma_start3A_115 = tpu.memref_slice %arg8[%run_scoped3A_37, %dma_start3A_114] : memref<2x128xi32, #tpu.memory_space<vmem>> -> memref<1x128xi32, #tpu.memory_space<vmem>>
      %dma_start3A_116 = tpu.memref_squeeze %dma_start3A_115 : memref<1x128xi32, #tpu.memory_space<vmem>> -> memref<128xi32, #tpu.memory_space<vmem>>
      %dma_start3A_117 = arith.constant 0 : i32
      %dma_start3A_118 = tpu.memref_slice %arg5[%select_n3A_8, %run_scoped3A_36, %dma_start3A_117] : memref<2528x1x128xi32, #tpu.memory_space<hbm>> -> memref<1x1x128xi32, #tpu.memory_space<hbm>>
      %dma_start3A_119 = tpu.memref_squeeze %dma_start3A_118 : memref<1x1x128xi32, #tpu.memory_space<hbm>> -> memref<128xi32, #tpu.memory_space<hbm>>
      %dma_start3A_120 = arith.constant 0 : i32
      %dma_start3A_121 = tpu.memref_slice %arg8[%run_scoped3A_37, %dma_start3A_120] : memref<2x128xi32, #tpu.memory_space<vmem>> -> memref<1x128xi32, #tpu.memory_space<vmem>>
      %dma_start3A_122 = tpu.memref_squeeze %dma_start3A_121 : memref<1x128xi32, #tpu.memory_space<vmem>> -> memref<128xi32, #tpu.memory_space<vmem>>
      %dma_start3A_123 = arith.constant 0 : i32
      %dma_start3A_124 = tpu.memref_slice %arg5[%select_n3A_8, %run_scoped3A_36, %dma_start3A_123] : memref<2528x1x128xi32, #tpu.memory_space<hbm>> -> memref<1x1x128xi32, #tpu.memory_space<hbm>>
      %dma_start3A_125 = tpu.memref_squeeze %dma_start3A_124 : memref<1x1x128xi32, #tpu.memory_space<hbm>> -> memref<128xi32, #tpu.memory_space<hbm>>
      tpu.enqueue_dma source(%dma_start3A_125 : memref<128xi32, #tpu.memory_space<hbm>>) target(%dma_start3A_122 : memref<128xi32, #tpu.memory_space<vmem>>) target_semaphore(%run_scoped3A_113 : memref<!tpu.dma_semaphore, #tpu.memory_space<semaphore_mem>>)
      %dma_wait3A = arith.constant 0 : i32
      %dma_wait3A_126 = tpu.memref_slice %arg8[%run_scoped3A_37, %dma_wait3A] : memref<2x128xi32, #tpu.memory_space<vmem>> -> memref<1x128xi32, #tpu.memory_space<vmem>>
      %dma_wait3A_127 = tpu.memref_squeeze %dma_wait3A_126 : memref<1x128xi32, #tpu.memory_space<vmem>> -> memref<128xi32, #tpu.memory_space<vmem>>
      %dma_wait3A_128 = arith.constant 0 : i32
      %dma_wait3A_129 = tpu.memref_slice %arg5[%select_n3A_8, %run_scoped3A_36, %dma_wait3A_128] : memref<2528x1x128xi32, #tpu.memory_space<hbm>> -> memref<1x1x128xi32, #tpu.memory_space<hbm>>
      %dma_wait3A_130 = tpu.memref_squeeze %dma_wait3A_129 : memref<1x1x128xi32, #tpu.memory_space<hbm>> -> memref<128xi32, #tpu.memory_space<hbm>>
      %dma_wait3A_131 = arith.constant 0 : i32
      %dma_wait3A_132 = tpu.memref_slice %arg8[%run_scoped3A_37, %dma_wait3A_131] : memref<2x128xi32, #tpu.memory_space<vmem>> -> memref<1x128xi32, #tpu.memory_space<vmem>>
      %dma_wait3A_133 = tpu.memref_squeeze %dma_wait3A_132 : memref<1x128xi32, #tpu.memory_space<vmem>> -> memref<128xi32, #tpu.memory_space<vmem>>
      %dma_wait3A_134 = arith.constant 0 : i32
      %dma_wait3A_135 = tpu.memref_slice %arg5[%select_n3A_8, %run_scoped3A_36, %dma_wait3A_134] : memref<2528x1x128xi32, #tpu.memory_space<hbm>> -> memref<1x1x128xi32, #tpu.memory_space<hbm>>
      %dma_wait3A_136 = tpu.memref_squeeze %dma_wait3A_135 : memref<1x1x128xi32, #tpu.memory_space<hbm>> -> memref<128xi32, #tpu.memory_space<hbm>>
      tpu.wait_dma2 semaphore(%run_scoped3A_113 : memref<!tpu.dma_semaphore, #tpu.memory_space<semaphore_mem>>) src(%dma_wait3A_136 : memref<128xi32, #tpu.memory_space<hbm>>) dst(%dma_wait3A_133 : memref<128xi32, #tpu.memory_space<vmem>>)
      tpu.yield
    }) : () -> ()
    %dma_start3A = arith.constant 0 : i32
    %dma_start3A_38 = arith.constant 0 : i32
    %dma_start3A_39 = arith.constant 0 : i32
    %dma_start3A_40 = arith.constant 0 : i32
    %dma_start3A_41 = tpu.memref_slice %arg9[%dma_start3A_38, %dma_start3A_39, %dma_start3A_40] : memref<2x128x128xf32, #tpu.memory_space<vmem>> -> memref<1x128x128xf32, #tpu.memory_space<vmem>>
    %dma_start3A_42 = tpu.memref_squeeze %dma_start3A_41 : memref<1x128x128xf32, #tpu.memory_space<vmem>> -> memref<128x128xf32, #tpu.memory_space<vmem>>
    %dma_start3A_43 = arith.constant 0 : i32
    %dma_start3A_44 = tpu.memref_slice %arg7[%dma_start3A, %dma_start3A_43] : memref<2x128xi32, #tpu.memory_space<vmem>> -> memref<1x128xi32, #tpu.memory_space<vmem>>
    %dma_start3A_45 = tpu.memref_squeeze %dma_start3A_44 : memref<1x128xi32, #tpu.memory_space<vmem>> -> memref<128xi32, #tpu.memory_space<vmem>>
    %dma_start3A_46 = arith.constant 0 : i32
    %dma_start3A_47 = arith.constant 0 : i32
    %dma_start3A_48 = tpu.memref_slice %arg2[%dma_start3A_46, %dma_start3A_47] : memref<10000x128xf32, #tpu.memory_space<hbm>> -> memref<10000x128xf32, #tpu.memory_space<hbm>>
    tpu.enqueue_indirect_dma source(%dma_start3A_48 : memref<10000x128xf32, #tpu.memory_space<hbm>>) target(%dma_start3A_42 : memref<128x128xf32, #tpu.memory_space<vmem>>) offsets(%dma_start3A_45 : memref<128xi32, #tpu.memory_space<vmem>>) semaphore(%arg11 : memref<!tpu.dma_semaphore, #tpu.memory_space<semaphore_mem>>)
    %jit3A_49 = arith.constant 2 : i32
    %div3A = arith.divsi %select_n3A, %jit3A_49 : i32
    %sign3A = arith.constant 0 : i32
    %sign3A_50 = arith.cmpi sgt, %select_n3A, %sign3A : i32
    %sign3A_51 = arith.extui %sign3A_50 : i1 to i32
    %sign3A_52 = arith.constant 0 : i32
    %sign3A_53 = arith.cmpi slt, %select_n3A, %sign3A_52 : i32
    %sign3A_54 = arith.extui %sign3A_53 : i1 to i32
    %sign3A_55 = arith.subi %sign3A_51, %sign3A_54 : i32
    %sign3A_56 = arith.constant 0 : i32
    %sign3A_57 = arith.cmpi sgt, %jit3A_49, %sign3A_56 : i32
    %sign3A_58 = arith.extui %sign3A_57 : i1 to i32
    %sign3A_59 = arith.constant 0 : i32
    %sign3A_60 = arith.cmpi slt, %jit3A_49, %sign3A_59 : i32
    %sign3A_61 = arith.extui %sign3A_60 : i1 to i32
    %sign3A_62 = arith.subi %sign3A_58, %sign3A_61 : i32
    %ne3A = arith.cmpi ne, %sign3A_55, %sign3A_62 : i32
    %rem3A = arith.remsi %select_n3A, %jit3A_49 : i32
    %ne3A_63 = arith.constant 0 : i32
    %ne3A_64 = arith.cmpi ne, %rem3A, %ne3A_63 : i32
    %and3A = arith.andi %ne3A, %ne3A_64 : i1
    %sub3A = arith.constant 1 : i32
    %sub3A_65 = arith.subi %div3A, %sub3A : i32
    %select_n3A_66 = arith.select %and3A, %sub3A_65, %div3A : i32
    %while3A = arith.constant 0 : i32
    %while3A_67 = arith.constant 0 : i32
    %while3A_68 = arith.subi %select_n3A_66, %while3A : i32
    %while3A_69 = arith.addi %while3A, %while3A_68 : i32
    %while3A_70 = arith.constant 1 : i32
    %while3A_71 = arith.divsi %while3A_68, %while3A_70 : i32
    %while3A_72 = arith.muli %while3A_71, %while3A_70 : i32
    %while3A_73 = arith.addi %while3A, %while3A_72 : i32
    %while3A_74 = arith.constant 1 : i32
    %while3A_75 = scf.for %while3A_113 = %while3A to %while3A_73 step %while3A_74 iter_args(%while3A_114 = %while3A_67) -> (i32)  : i32 {
      %mul3A_115 = arith.constant 2 : i32
      %mul3A_116 = arith.muli %mul3A_115, %while3A_113 : i32
      %add3A_117 = arith.constant 0 : i32
      %add3A_118 = arith.addi %mul3A_116, %add3A_117 : i32
      %add3A_119 = arith.constant 1 : i32
      %add3A_120 = arith.addi %add3A_118, %add3A_119 : i32
      %lt3A = arith.cmpi slt, %add3A_120, %select_n3A : i32
      %convert_element_type3A_121 = arith.extui %lt3A : i1 to i32
      %cond3A_122 = arith.constant 0 : i32
      %cond3A_123 = arith.cmpi ne, %convert_element_type3A_121, %cond3A_122 : i32
      scf.if %cond3A_123 {
        %add3A_156 = arith.addi %select_n3A_8, %add3A_118 : i32
        %add3A_157 = arith.constant 1 : i32
        %add3A_158 = arith.addi %add3A_156, %add3A_157 : i32
        %run_scoped3A_159 = arith.constant 0 : i32
        %run_scoped3A_160 = arith.constant 1 : i32
        "tpu.region"() ({
          %run_scoped3A_175 = tpu.sem_alloc : memref<!tpu.dma_semaphore, #tpu.memory_space<semaphore_mem>>
          %dma_start3A_176 = arith.constant 0 : i32
          %dma_start3A_177 = tpu.memref_slice %arg7[%run_scoped3A_160, %dma_start3A_176] : memref<2x128xi32, #tpu.memory_space<vmem>> -> memref<1x128xi32, #tpu.memory_space<vmem>>
          %dma_start3A_178 = tpu.memref_squeeze %dma_start3A_177 : memref<1x128xi32, #tpu.memory_space<vmem>> -> memref<128xi32, #tpu.memory_space<vmem>>
          %dma_start3A_179 = arith.constant 0 : i32
          %dma_start3A_180 = tpu.memref_slice %arg4[%add3A_158, %run_scoped3A_159, %dma_start3A_179] : memref<2528x1x128xi32, #tpu.memory_space<hbm>> -> memref<1x1x128xi32, #tpu.memory_space<hbm>>
          %dma_start3A_181 = tpu.memref_squeeze %dma_start3A_180 : memref<1x1x128xi32, #tpu.memory_space<hbm>> -> memref<128xi32, #tpu.memory_space<hbm>>
          %dma_start3A_182 = arith.constant 0 : i32
          %dma_start3A_183 = tpu.memref_slice %arg7[%run_scoped3A_160, %dma_start3A_182] : memref<2x128xi32, #tpu.memory_space<vmem>> -> memref<1x128xi32, #tpu.memory_space<vmem>>
          %dma_start3A_184 = tpu.memref_squeeze %dma_start3A_183 : memref<1x128xi32, #tpu.memory_space<vmem>> -> memref<128xi32, #tpu.memory_space<vmem>>
          %dma_start3A_185 = arith.constant 0 : i32
          %dma_start3A_186 = tpu.memref_slice %arg4[%add3A_158, %run_scoped3A_159, %dma_start3A_185] : memref<2528x1x128xi32, #tpu.memory_space<hbm>> -> memref<1x1x128xi32, #tpu.memory_space<hbm>>
          %dma_start3A_187 = tpu.memref_squeeze %dma_start3A_186 : memref<1x1x128xi32, #tpu.memory_space<hbm>> -> memref<128xi32, #tpu.memory_space<hbm>>
          tpu.enqueue_dma source(%dma_start3A_187 : memref<128xi32, #tpu.memory_space<hbm>>) target(%dma_start3A_184 : memref<128xi32, #tpu.memory_space<vmem>>) target_semaphore(%run_scoped3A_175 : memref<!tpu.dma_semaphore, #tpu.memory_space<semaphore_mem>>)
          %dma_wait3A_188 = arith.constant 0 : i32
          %dma_wait3A_189 = tpu.memref_slice %arg7[%run_scoped3A_160, %dma_wait3A_188] : memref<2x128xi32, #tpu.memory_space<vmem>> -> memref<1x128xi32, #tpu.memory_space<vmem>>
          %dma_wait3A_190 = tpu.memref_squeeze %dma_wait3A_189 : memref<1x128xi32, #tpu.memory_space<vmem>> -> memref<128xi32, #tpu.memory_space<vmem>>
          %dma_wait3A_191 = arith.constant 0 : i32
          %dma_wait3A_192 = tpu.memref_slice %arg4[%add3A_158, %run_scoped3A_159, %dma_wait3A_191] : memref<2528x1x128xi32, #tpu.memory_space<hbm>> -> memref<1x1x128xi32, #tpu.memory_space<hbm>>
          %dma_wait3A_193 = tpu.memref_squeeze %dma_wait3A_192 : memref<1x1x128xi32, #tpu.memory_space<hbm>> -> memref<128xi32, #tpu.memory_space<hbm>>
          %dma_wait3A_194 = arith.constant 0 : i32
          %dma_wait3A_195 = tpu.memref_slice %arg7[%run_scoped3A_160, %dma_wait3A_194] : memref<2x128xi32, #tpu.memory_space<vmem>> -> memref<1x128xi32, #tpu.memory_space<vmem>>
          %dma_wait3A_196 = tpu.memref_squeeze %dma_wait3A_195 : memref<1x128xi32, #tpu.memory_space<vmem>> -> memref<128xi32, #tpu.memory_space<vmem>>
          %dma_wait3A_197 = arith.constant 0 : i32
          %dma_wait3A_198 = tpu.memref_slice %arg4[%add3A_158, %run_scoped3A_159, %dma_wait3A_197] : memref<2528x1x128xi32, #tpu.memory_space<hbm>> -> memref<1x1x128xi32, #tpu.memory_space<hbm>>
          %dma_wait3A_199 = tpu.memref_squeeze %dma_wait3A_198 : memref<1x1x128xi32, #tpu.memory_space<hbm>> -> memref<128xi32, #tpu.memory_space<hbm>>
          tpu.wait_dma2 semaphore(%run_scoped3A_175 : memref<!tpu.dma_semaphore, #tpu.memory_space<semaphore_mem>>) src(%dma_wait3A_199 : memref<128xi32, #tpu.memory_space<hbm>>) dst(%dma_wait3A_196 : memref<128xi32, #tpu.memory_space<vmem>>)
          tpu.yield
        }) : () -> ()
        %run_scoped3A_161 = arith.constant 0 : i32
        %run_scoped3A_162 = arith.constant 1 : i32
        "tpu.region"() ({
          %run_scoped3A_175 = tpu.sem_alloc : memref<!tpu.dma_semaphore, #tpu.memory_space<semaphore_mem>>
          %dma_start3A_176 = arith.constant 0 : i32
          %dma_start3A_177 = tpu.memref_slice %arg8[%run_scoped3A_162, %dma_start3A_176] : memref<2x128xi32, #tpu.memory_space<vmem>> -> memref<1x128xi32, #tpu.memory_space<vmem>>
          %dma_start3A_178 = tpu.memref_squeeze %dma_start3A_177 : memref<1x128xi32, #tpu.memory_space<vmem>> -> memref<128xi32, #tpu.memory_space<vmem>>
          %dma_start3A_179 = arith.constant 0 : i32
          %dma_start3A_180 = tpu.memref_slice %arg5[%add3A_158, %run_scoped3A_161, %dma_start3A_179] : memref<2528x1x128xi32, #tpu.memory_space<hbm>> -> memref<1x1x128xi32, #tpu.memory_space<hbm>>
          %dma_start3A_181 = tpu.memref_squeeze %dma_start3A_180 : memref<1x1x128xi32, #tpu.memory_space<hbm>> -> memref<128xi32, #tpu.memory_space<hbm>>
          %dma_start3A_182 = arith.constant 0 : i32
          %dma_start3A_183 = tpu.memref_slice %arg8[%run_scoped3A_162, %dma_start3A_182] : memref<2x128xi32, #tpu.memory_space<vmem>> -> memref<1x128xi32, #tpu.memory_space<vmem>>
          %dma_start3A_184 = tpu.memref_squeeze %dma_start3A_183 : memref<1x128xi32, #tpu.memory_space<vmem>> -> memref<128xi32, #tpu.memory_space<vmem>>
          %dma_start3A_185 = arith.constant 0 : i32
          %dma_start3A_186 = tpu.memref_slice %arg5[%add3A_158, %run_scoped3A_161, %dma_start3A_185] : memref<2528x1x128xi32, #tpu.memory_space<hbm>> -> memref<1x1x128xi32, #tpu.memory_space<hbm>>
          %dma_start3A_187 = tpu.memref_squeeze %dma_start3A_186 : memref<1x1x128xi32, #tpu.memory_space<hbm>> -> memref<128xi32, #tpu.memory_space<hbm>>
          tpu.enqueue_dma source(%dma_start3A_187 : memref<128xi32, #tpu.memory_space<hbm>>) target(%dma_start3A_184 : memref<128xi32, #tpu.memory_space<vmem>>) target_semaphore(%run_scoped3A_175 : memref<!tpu.dma_semaphore, #tpu.memory_space<semaphore_mem>>)
          %dma_wait3A_188 = arith.constant 0 : i32
          %dma_wait3A_189 = tpu.memref_slice %arg8[%run_scoped3A_162, %dma_wait3A_188] : memref<2x128xi32, #tpu.memory_space<vmem>> -> memref<1x128xi32, #tpu.memory_space<vmem>>
          %dma_wait3A_190 = tpu.memref_squeeze %dma_wait3A_189 : memref<1x128xi32, #tpu.memory_space<vmem>> -> memref<128xi32, #tpu.memory_space<vmem>>
          %dma_wait3A_191 = arith.constant 0 : i32
          %dma_wait3A_192 = tpu.memref_slice %arg5[%add3A_158, %run_scoped3A_161, %dma_wait3A_191] : memref<2528x1x128xi32, #tpu.memory_space<hbm>> -> memref<1x1x128xi32, #tpu.memory_space<hbm>>
          %dma_wait3A_193 = tpu.memref_squeeze %dma_wait3A_192 : memref<1x1x128xi32, #tpu.memory_space<hbm>> -> memref<128xi32, #tpu.memory_space<hbm>>
          %dma_wait3A_194 = arith.constant 0 : i32
          %dma_wait3A_195 = tpu.memref_slice %arg8[%run_scoped3A_162, %dma_wait3A_194] : memref<2x128xi32, #tpu.memory_space<vmem>> -> memref<1x128xi32, #tpu.memory_space<vmem>>
          %dma_wait3A_196 = tpu.memref_squeeze %dma_wait3A_195 : memref<1x128xi32, #tpu.memory_space<vmem>> -> memref<128xi32, #tpu.memory_space<vmem>>
          %dma_wait3A_197 = arith.constant 0 : i32
          %dma_wait3A_198 = tpu.memref_slice %arg5[%add3A_158, %run_scoped3A_161, %dma_wait3A_197] : memref<2528x1x128xi32, #tpu.memory_space<hbm>> -> memref<1x1x128xi32, #tpu.memory_space<hbm>>
          %dma_wait3A_199 = tpu.memref_squeeze %dma_wait3A_198 : memref<1x1x128xi32, #tpu.memory_space<hbm>> -> memref<128xi32, #tpu.memory_space<hbm>>
          tpu.wait_dma2 semaphore(%run_scoped3A_175 : memref<!tpu.dma_semaphore, #tpu.memory_space<semaphore_mem>>) src(%dma_wait3A_199 : memref<128xi32, #tpu.memory_space<hbm>>) dst(%dma_wait3A_196 : memref<128xi32, #tpu.memory_space<vmem>>)
          tpu.yield
        }) : () -> ()
        %dma_start3A_163 = arith.constant 1 : i32
        %dma_start3A_164 = arith.constant 1 : i32
        %dma_start3A_165 = arith.constant 0 : i32
        %dma_start3A_166 = arith.constant 0 : i32
        %dma_start3A_167 = tpu.memref_slice %arg9[%dma_start3A_164, %dma_start3A_165, %dma_start3A_166] : memref<2x128x128xf32, #tpu.memory_space<vmem>> -> memref<1x128x128xf32, #tpu.memory_space<vmem>>
        %dma_start3A_168 = tpu.memref_squeeze %dma_start3A_167 : memref<1x128x128xf32, #tpu.memory_space<vmem>> -> memref<128x128xf32, #tpu.memory_space<vmem>>
        %dma_start3A_169 = arith.constant 0 : i32
        %dma_start3A_170 = tpu.memref_slice %arg7[%dma_start3A_163, %dma_start3A_169] : memref<2x128xi32, #tpu.memory_space<vmem>> -> memref<1x128xi32, #tpu.memory_space<vmem>>
        %dma_start3A_171 = tpu.memref_squeeze %dma_start3A_170 : memref<1x128xi32, #tpu.memory_space<vmem>> -> memref<128xi32, #tpu.memory_space<vmem>>
        %dma_start3A_172 = arith.constant 0 : i32
        %dma_start3A_173 = arith.constant 0 : i32
        %dma_start3A_174 = tpu.memref_slice %arg2[%dma_start3A_172, %dma_start3A_173] : memref<10000x128xf32, #tpu.memory_space<hbm>> -> memref<10000x128xf32, #tpu.memory_space<hbm>>
        tpu.enqueue_indirect_dma source(%dma_start3A_174 : memref<10000x128xf32, #tpu.memory_space<hbm>>) target(%dma_start3A_168 : memref<128x128xf32, #tpu.memory_space<vmem>>) offsets(%dma_start3A_171 : memref<128xi32, #tpu.memory_space<vmem>>) semaphore(%arg12 : memref<!tpu.dma_semaphore, #tpu.memory_space<semaphore_mem>>)
      } else {
      }
      %dma_wait3A = arith.constant 0 : i32
      %dma_wait3A_124 = arith.constant 0 : i32
      %dma_wait3A_125 = arith.constant 0 : i32
      %dma_wait3A_126 = tpu.memref_slice %arg9[%dma_wait3A, %dma_wait3A_124, %dma_wait3A_125] : memref<2x128x128xf32, #tpu.memory_space<vmem>> -> memref<1x128x128xf32, #tpu.memory_space<vmem>>
      %dma_wait3A_127 = tpu.memref_squeeze %dma_wait3A_126 : memref<1x128x128xf32, #tpu.memory_space<vmem>> -> memref<128x128xf32, #tpu.memory_space<vmem>>
      %dma_wait3A_128 = arith.constant 0 : i32
      %dma_wait3A_129 = arith.constant 0 : i32
      %dma_wait3A_130 = tpu.memref_slice %arg9[%dma_wait3A, %dma_wait3A_128, %dma_wait3A_129] : memref<2x128x128xf32, #tpu.memory_space<vmem>> -> memref<1x128x128xf32, #tpu.memory_space<vmem>>
      %dma_wait3A_131 = tpu.memref_squeeze %dma_wait3A_130 : memref<1x128x128xf32, #tpu.memory_space<vmem>> -> memref<128x128xf32, #tpu.memory_space<vmem>>
      tpu.wait_dma2 semaphore(%arg11 : memref<!tpu.dma_semaphore, #tpu.memory_space<semaphore_mem>>) src(%arg3 : memref<128x128xf32, #tpu.memory_space<hbm>>) dst(%dma_wait3A_131 : memref<128x128xf32, #tpu.memory_space<vmem>>)
      %run_scoped3A_132 = arith.constant 0 : i32
      %run_scoped3A_133 = arith.constant 0 : i32
      "tpu.region"() ({
        %run_scoped3A_156 = tpu.sem_alloc : memref<!tpu.dma_semaphore, #tpu.memory_space<semaphore_mem>>
        %dma_start3A_157 = arith.constant 0 : i32
        %dma_start3A_158 = arith.constant 0 : i32
        %dma_start3A_159 = tpu.memref_slice %arg9[%run_scoped3A_132, %dma_start3A_157, %dma_start3A_158] : memref<2x128x128xf32, #tpu.memory_space<vmem>> -> memref<1x128x128xf32, #tpu.memory_space<vmem>>
        %dma_start3A_160 = tpu.memref_squeeze %dma_start3A_159 : memref<1x128x128xf32, #tpu.memory_space<vmem>> -> memref<128x128xf32, #tpu.memory_space<vmem>>
        %dma_start3A_161 = arith.constant 0 : i32
        %dma_start3A_162 = tpu.memref_slice %arg8[%run_scoped3A_133, %dma_start3A_161] : memref<2x128xi32, #tpu.memory_space<vmem>> -> memref<1x128xi32, #tpu.memory_space<vmem>>
        %dma_start3A_163 = tpu.memref_squeeze %dma_start3A_162 : memref<1x128xi32, #tpu.memory_space<vmem>> -> memref<128xi32, #tpu.memory_space<vmem>>
        %dma_start3A_164 = arith.constant 0 : i32
        %dma_start3A_165 = arith.constant 0 : i32
        %dma_start3A_166 = tpu.memref_slice %arg10[%dma_start3A_164, %dma_start3A_165] : memref<10112x128xf32, #tpu.memory_space<vmem_shared>> -> memref<10112x128xf32, #tpu.memory_space<vmem_shared>>
        tpu.enqueue_indirect_dma source(%dma_start3A_160 : memref<128x128xf32, #tpu.memory_space<vmem>>) target(%dma_start3A_166 : memref<10112x128xf32, #tpu.memory_space<vmem_shared>>) offsets(%dma_start3A_163 : memref<128xi32, #tpu.memory_space<vmem>>) semaphore(%run_scoped3A_156 : memref<!tpu.dma_semaphore, #tpu.memory_space<semaphore_mem>>) {add = true}
        %dma_wait3A_167 = arith.constant 0 : i32
        %dma_wait3A_168 = arith.constant 0 : i32
        %dma_wait3A_169 = tpu.memref_slice %arg9[%run_scoped3A_132, %dma_wait3A_167, %dma_wait3A_168] : memref<2x128x128xf32, #tpu.memory_space<vmem>> -> memref<1x128x128xf32, #tpu.memory_space<vmem>>
        %dma_wait3A_170 = tpu.memref_squeeze %dma_wait3A_169 : memref<1x128x128xf32, #tpu.memory_space<vmem>> -> memref<128x128xf32, #tpu.memory_space<vmem>>
        %dma_wait3A_171 = arith.constant 0 : i32
        %dma_wait3A_172 = tpu.memref_slice %arg8[%run_scoped3A_133, %dma_wait3A_171] : memref<2x128xi32, #tpu.memory_space<vmem>> -> memref<1x128xi32, #tpu.memory_space<vmem>>
        %dma_wait3A_173 = tpu.memref_squeeze %dma_wait3A_172 : memref<1x128xi32, #tpu.memory_space<vmem>> -> memref<128xi32, #tpu.memory_space<vmem>>
        %dma_wait3A_174 = arith.constant 0 : i32
        %dma_wait3A_175 = arith.constant 0 : i32
        %dma_wait3A_176 = tpu.memref_slice %arg10[%dma_wait3A_174, %dma_wait3A_175] : memref<10112x128xf32, #tpu.memory_space<vmem_shared>> -> memref<10112x128xf32, #tpu.memory_space<vmem_shared>>
        tpu.wait_indirect_dma semaphore(%run_scoped3A_156 : memref<!tpu.dma_semaphore, #tpu.memory_space<semaphore_mem>>) src(%dma_wait3A_170 : memref<128x128xf32, #tpu.memory_space<vmem>>) dst(%dma_wait3A_176 : memref<10112x128xf32, #tpu.memory_space<vmem_shared>>)
        tpu.yield
      }) : () -> ()
      %mul3A_134 = arith.constant 2 : i32
      %mul3A_135 = arith.muli %mul3A_134, %while3A_113 : i32
      %add3A_136 = arith.constant 1 : i32
      %add3A_137 = arith.addi %mul3A_135, %add3A_136 : i32
      %add3A_138 = arith.constant 1 : i32
      %add3A_139 = arith.addi %add3A_137, %add3A_138 : i32
      %lt3A_140 = arith.cmpi slt, %add3A_139, %select_n3A : i32
      %convert_element_type3A_141 = arith.extui %lt3A_140 : i1 to i32
      %cond3A_142 = arith.constant 0 : i32
      %cond3A_143 = arith.cmpi ne, %convert_element_type3A_141, %cond3A_142 : i32
      scf.if %cond3A_143 {
        %add3A_156 = arith.addi %select_n3A_8, %add3A_137 : i32
        %add3A_157 = arith.constant 1 : i32
        %add3A_158 = arith.addi %add3A_156, %add3A_157 : i32
        %run_scoped3A_159 = arith.constant 0 : i32
        %run_scoped3A_160 = arith.constant 0 : i32
        "tpu.region"() ({
          %run_scoped3A_175 = tpu.sem_alloc : memref<!tpu.dma_semaphore, #tpu.memory_space<semaphore_mem>>
          %dma_start3A_176 = arith.constant 0 : i32
          %dma_start3A_177 = tpu.memref_slice %arg7[%run_scoped3A_160, %dma_start3A_176] : memref<2x128xi32, #tpu.memory_space<vmem>> -> memref<1x128xi32, #tpu.memory_space<vmem>>
          %dma_start3A_178 = tpu.memref_squeeze %dma_start3A_177 : memref<1x128xi32, #tpu.memory_space<vmem>> -> memref<128xi32, #tpu.memory_space<vmem>>
          %dma_start3A_179 = arith.constant 0 : i32
          %dma_start3A_180 = tpu.memref_slice %arg4[%add3A_158, %run_scoped3A_159, %dma_start3A_179] : memref<2528x1x128xi32, #tpu.memory_space<hbm>> -> memref<1x1x128xi32, #tpu.memory_space<hbm>>
          %dma_start3A_181 = tpu.memref_squeeze %dma_start3A_180 : memref<1x1x128xi32, #tpu.memory_space<hbm>> -> memref<128xi32, #tpu.memory_space<hbm>>
          %dma_start3A_182 = arith.constant 0 : i32
          %dma_start3A_183 = tpu.memref_slice %arg7[%run_scoped3A_160, %dma_start3A_182] : memref<2x128xi32, #tpu.memory_space<vmem>> -> memref<1x128xi32, #tpu.memory_space<vmem>>
          %dma_start3A_184 = tpu.memref_squeeze %dma_start3A_183 : memref<1x128xi32, #tpu.memory_space<vmem>> -> memref<128xi32, #tpu.memory_space<vmem>>
          %dma_start3A_185 = arith.constant 0 : i32
          %dma_start3A_186 = tpu.memref_slice %arg4[%add3A_158, %run_scoped3A_159, %dma_start3A_185] : memref<2528x1x128xi32, #tpu.memory_space<hbm>> -> memref<1x1x128xi32, #tpu.memory_space<hbm>>
          %dma_start3A_187 = tpu.memref_squeeze %dma_start3A_186 : memref<1x1x128xi32, #tpu.memory_space<hbm>> -> memref<128xi32, #tpu.memory_space<hbm>>
          tpu.enqueue_dma source(%dma_start3A_187 : memref<128xi32, #tpu.memory_space<hbm>>) target(%dma_start3A_184 : memref<128xi32, #tpu.memory_space<vmem>>) target_semaphore(%run_scoped3A_175 : memref<!tpu.dma_semaphore, #tpu.memory_space<semaphore_mem>>)
          %dma_wait3A_188 = arith.constant 0 : i32
          %dma_wait3A_189 = tpu.memref_slice %arg7[%run_scoped3A_160, %dma_wait3A_188] : memref<2x128xi32, #tpu.memory_space<vmem>> -> memref<1x128xi32, #tpu.memory_space<vmem>>
          %dma_wait3A_190 = tpu.memref_squeeze %dma_wait3A_189 : memref<1x128xi32, #tpu.memory_space<vmem>> -> memref<128xi32, #tpu.memory_space<vmem>>
          %dma_wait3A_191 = arith.constant 0 : i32
          %dma_wait3A_192 = tpu.memref_slice %arg4[%add3A_158, %run_scoped3A_159, %dma_wait3A_191] : memref<2528x1x128xi32, #tpu.memory_space<hbm>> -> memref<1x1x128xi32, #tpu.memory_space<hbm>>
          %dma_wait3A_193 = tpu.memref_squeeze %dma_wait3A_192 : memref<1x1x128xi32, #tpu.memory_space<hbm>> -> memref<128xi32, #tpu.memory_space<hbm>>
          %dma_wait3A_194 = arith.constant 0 : i32
          %dma_wait3A_195 = tpu.memref_slice %arg7[%run_scoped3A_160, %dma_wait3A_194] : memref<2x128xi32, #tpu.memory_space<vmem>> -> memref<1x128xi32, #tpu.memory_space<vmem>>
          %dma_wait3A_196 = tpu.memref_squeeze %dma_wait3A_195 : memref<1x128xi32, #tpu.memory_space<vmem>> -> memref<128xi32, #tpu.memory_space<vmem>>
          %dma_wait3A_197 = arith.constant 0 : i32
          %dma_wait3A_198 = tpu.memref_slice %arg4[%add3A_158, %run_scoped3A_159, %dma_wait3A_197] : memref<2528x1x128xi32, #tpu.memory_space<hbm>> -> memref<1x1x128xi32, #tpu.memory_space<hbm>>
          %dma_wait3A_199 = tpu.memref_squeeze %dma_wait3A_198 : memref<1x1x128xi32, #tpu.memory_space<hbm>> -> memref<128xi32, #tpu.memory_space<hbm>>
          tpu.wait_dma2 semaphore(%run_scoped3A_175 : memref<!tpu.dma_semaphore, #tpu.memory_space<semaphore_mem>>) src(%dma_wait3A_199 : memref<128xi32, #tpu.memory_space<hbm>>) dst(%dma_wait3A_196 : memref<128xi32, #tpu.memory_space<vmem>>)
          tpu.yield
        }) : () -> ()
        %run_scoped3A_161 = arith.constant 0 : i32
        %run_scoped3A_162 = arith.constant 0 : i32
        "tpu.region"() ({
          %run_scoped3A_175 = tpu.sem_alloc : memref<!tpu.dma_semaphore, #tpu.memory_space<semaphore_mem>>
          %dma_start3A_176 = arith.constant 0 : i32
          %dma_start3A_177 = tpu.memref_slice %arg8[%run_scoped3A_162, %dma_start3A_176] : memref<2x128xi32, #tpu.memory_space<vmem>> -> memref<1x128xi32, #tpu.memory_space<vmem>>
          %dma_start3A_178 = tpu.memref_squeeze %dma_start3A_177 : memref<1x128xi32, #tpu.memory_space<vmem>> -> memref<128xi32, #tpu.memory_space<vmem>>
          %dma_start3A_179 = arith.constant 0 : i32
          %dma_start3A_180 = tpu.memref_slice %arg5[%add3A_158, %run_scoped3A_161, %dma_start3A_179] : memref<2528x1x128xi32, #tpu.memory_space<hbm>> -> memref<1x1x128xi32, #tpu.memory_space<hbm>>
          %dma_start3A_181 = tpu.memref_squeeze %dma_start3A_180 : memref<1x1x128xi32, #tpu.memory_space<hbm>> -> memref<128xi32, #tpu.memory_space<hbm>>
          %dma_start3A_182 = arith.constant 0 : i32
          %dma_start3A_183 = tpu.memref_slice %arg8[%run_scoped3A_162, %dma_start3A_182] : memref<2x128xi32, #tpu.memory_space<vmem>> -> memref<1x128xi32, #tpu.memory_space<vmem>>
          %dma_start3A_184 = tpu.memref_squeeze %dma_start3A_183 : memref<1x128xi32, #tpu.memory_space<vmem>> -> memref<128xi32, #tpu.memory_space<vmem>>
          %dma_start3A_185 = arith.constant 0 : i32
          %dma_start3A_186 = tpu.memref_slice %arg5[%add3A_158, %run_scoped3A_161, %dma_start3A_185] : memref<2528x1x128xi32, #tpu.memory_space<hbm>> -> memref<1x1x128xi32, #tpu.memory_space<hbm>>
          %dma_start3A_187 = tpu.memref_squeeze %dma_start3A_186 : memref<1x1x128xi32, #tpu.memory_space<hbm>> -> memref<128xi32, #tpu.memory_space<hbm>>
          tpu.enqueue_dma source(%dma_start3A_187 : memref<128xi32, #tpu.memory_space<hbm>>) target(%dma_start3A_184 : memref<128xi32, #tpu.memory_space<vmem>>) target_semaphore(%run_scoped3A_175 : memref<!tpu.dma_semaphore, #tpu.memory_space<semaphore_mem>>)
          %dma_wait3A_188 = arith.constant 0 : i32
          %dma_wait3A_189 = tpu.memref_slice %arg8[%run_scoped3A_162, %dma_wait3A_188] : memref<2x128xi32, #tpu.memory_space<vmem>> -> memref<1x128xi32, #tpu.memory_space<vmem>>
          %dma_wait3A_190 = tpu.memref_squeeze %dma_wait3A_189 : memref<1x128xi32, #tpu.memory_space<vmem>> -> memref<128xi32, #tpu.memory_space<vmem>>
          %dma_wait3A_191 = arith.constant 0 : i32
          %dma_wait3A_192 = tpu.memref_slice %arg5[%add3A_158, %run_scoped3A_161, %dma_wait3A_191] : memref<2528x1x128xi32, #tpu.memory_space<hbm>> -> memref<1x1x128xi32, #tpu.memory_space<hbm>>
          %dma_wait3A_193 = tpu.memref_squeeze %dma_wait3A_192 : memref<1x1x128xi32, #tpu.memory_space<hbm>> -> memref<128xi32, #tpu.memory_space<hbm>>
          %dma_wait3A_194 = arith.constant 0 : i32
          %dma_wait3A_195 = tpu.memref_slice %arg8[%run_scoped3A_162, %dma_wait3A_194] : memref<2x128xi32, #tpu.memory_space<vmem>> -> memref<1x128xi32, #tpu.memory_space<vmem>>
          %dma_wait3A_196 = tpu.memref_squeeze %dma_wait3A_195 : memref<1x128xi32, #tpu.memory_space<vmem>> -> memref<128xi32, #tpu.memory_space<vmem>>
          %dma_wait3A_197 = arith.constant 0 : i32
          %dma_wait3A_198 = tpu.memref_slice %arg5[%add3A_158, %run_scoped3A_161, %dma_wait3A_197] : memref<2528x1x128xi32, #tpu.memory_space<hbm>> -> memref<1x1x128xi32, #tpu.memory_space<hbm>>
          %dma_wait3A_199 = tpu.memref_squeeze %dma_wait3A_198 : memref<1x1x128xi32, #tpu.memory_space<hbm>> -> memref<128xi32, #tpu.memory_space<hbm>>
          tpu.wait_dma2 semaphore(%run_scoped3A_175 : memref<!tpu.dma_semaphore, #tpu.memory_space<semaphore_mem>>) src(%dma_wait3A_199 : memref<128xi32, #tpu.memory_space<hbm>>) dst(%dma_wait3A_196 : memref<128xi32, #tpu.memory_space<vmem>>)
          tpu.yield
        }) : () -> ()
        %dma_start3A_163 = arith.constant 0 : i32
        %dma_start3A_164 = arith.constant 0 : i32
        %dma_start3A_165 = arith.constant 0 : i32
        %dma_start3A_166 = arith.constant 0 : i32
        %dma_start3A_167 = tpu.memref_slice %arg9[%dma_start3A_164, %dma_start3A_165, %dma_start3A_166] : memref<2x128x128xf32, #tpu.memory_space<vmem>> -> memref<1x128x128xf32, #tpu.memory_space<vmem>>
        %dma_start3A_168 = tpu.memref_squeeze %dma_start3A_167 : memref<1x128x128xf32, #tpu.memory_space<vmem>> -> memref<128x128xf32, #tpu.memory_space<vmem>>
        %dma_start3A_169 = arith.constant 0 : i32
        %dma_start3A_170 = tpu.memref_slice %arg7[%dma_start3A_163, %dma_start3A_169] : memref<2x128xi32, #tpu.memory_space<vmem>> -> memref<1x128xi32, #tpu.memory_space<vmem>>
        %dma_start3A_171 = tpu.memref_squeeze %dma_start3A_170 : memref<1x128xi32, #tpu.memory_space<vmem>> -> memref<128xi32, #tpu.memory_space<vmem>>
        %dma_start3A_172 = arith.constant 0 : i32
        %dma_start3A_173 = arith.constant 0 : i32
        %dma_start3A_174 = tpu.memref_slice %arg2[%dma_start3A_172, %dma_start3A_173] : memref<10000x128xf32, #tpu.memory_space<hbm>> -> memref<10000x128xf32, #tpu.memory_space<hbm>>
        tpu.enqueue_indirect_dma source(%dma_start3A_174 : memref<10000x128xf32, #tpu.memory_space<hbm>>) target(%dma_start3A_168 : memref<128x128xf32, #tpu.memory_space<vmem>>) offsets(%dma_start3A_171 : memref<128xi32, #tpu.memory_space<vmem>>) semaphore(%arg11 : memref<!tpu.dma_semaphore, #tpu.memory_space<semaphore_mem>>)
      } else {
      }
      %dma_wait3A_144 = arith.constant 1 : i32
      %dma_wait3A_145 = arith.constant 0 : i32
      %dma_wait3A_146 = arith.constant 0 : i32
      %dma_wait3A_147 = tpu.memref_slice %arg9[%dma_wait3A_144, %dma_wait3A_145, %dma_wait3A_146] : memref<2x128x128xf32, #tpu.memory_space<vmem>> -> memref<1x128x128xf32, #tpu.memory_space<vmem>>
      %dma_wait3A_148 = tpu.memref_squeeze %dma_wait3A_147 : memref<1x128x128xf32, #tpu.memory_space<vmem>> -> memref<128x128xf32, #tpu.memory_space<vmem>>
      %dma_wait3A_149 = arith.constant 0 : i32
      %dma_wait3A_150 = arith.constant 0 : i32
      %dma_wait3A_151 = tpu.memref_slice %arg9[%dma_wait3A_144, %dma_wait3A_149, %dma_wait3A_150] : memref<2x128x128xf32, #tpu.memory_space<vmem>> -> memref<1x128x128xf32, #tpu.memory_space<vmem>>
      %dma_wait3A_152 = tpu.memref_squeeze %dma_wait3A_151 : memref<1x128x128xf32, #tpu.memory_space<vmem>> -> memref<128x128xf32, #tpu.memory_space<vmem>>
      tpu.wait_dma2 semaphore(%arg12 : memref<!tpu.dma_semaphore, #tpu.memory_space<semaphore_mem>>) src(%arg3 : memref<128x128xf32, #tpu.memory_space<hbm>>) dst(%dma_wait3A_152 : memref<128x128xf32, #tpu.memory_space<vmem>>)
      %run_scoped3A_153 = arith.constant 1 : i32
      %run_scoped3A_154 = arith.constant 1 : i32
      "tpu.region"() ({
        %run_scoped3A_156 = tpu.sem_alloc : memref<!tpu.dma_semaphore, #tpu.memory_space<semaphore_mem>>
        %dma_start3A_157 = arith.constant 0 : i32
        %dma_start3A_158 = arith.constant 0 : i32
        %dma_start3A_159 = tpu.memref_slice %arg9[%run_scoped3A_153, %dma_start3A_157, %dma_start3A_158] : memref<2x128x128xf32, #tpu.memory_space<vmem>> -> memref<1x128x128xf32, #tpu.memory_space<vmem>>
        %dma_start3A_160 = tpu.memref_squeeze %dma_start3A_159 : memref<1x128x128xf32, #tpu.memory_space<vmem>> -> memref<128x128xf32, #tpu.memory_space<vmem>>
        %dma_start3A_161 = arith.constant 0 : i32
        %dma_start3A_162 = tpu.memref_slice %arg8[%run_scoped3A_154, %dma_start3A_161] : memref<2x128xi32, #tpu.memory_space<vmem>> -> memref<1x128xi32, #tpu.memory_space<vmem>>
        %dma_start3A_163 = tpu.memref_squeeze %dma_start3A_162 : memref<1x128xi32, #tpu.memory_space<vmem>> -> memref<128xi32, #tpu.memory_space<vmem>>
        %dma_start3A_164 = arith.constant 0 : i32
        %dma_start3A_165 = arith.constant 0 : i32
        %dma_start3A_166 = tpu.memref_slice %arg10[%dma_start3A_164, %dma_start3A_165] : memref<10112x128xf32, #tpu.memory_space<vmem_shared>> -> memref<10112x128xf32, #tpu.memory_space<vmem_shared>>
        tpu.enqueue_indirect_dma source(%dma_start3A_160 : memref<128x128xf32, #tpu.memory_space<vmem>>) target(%dma_start3A_166 : memref<10112x128xf32, #tpu.memory_space<vmem_shared>>) offsets(%dma_start3A_163 : memref<128xi32, #tpu.memory_space<vmem>>) semaphore(%run_scoped3A_156 : memref<!tpu.dma_semaphore, #tpu.memory_space<semaphore_mem>>) {add = true}
        %dma_wait3A_167 = arith.constant 0 : i32
        %dma_wait3A_168 = arith.constant 0 : i32
        %dma_wait3A_169 = tpu.memref_slice %arg9[%run_scoped3A_153, %dma_wait3A_167, %dma_wait3A_168] : memref<2x128x128xf32, #tpu.memory_space<vmem>> -> memref<1x128x128xf32, #tpu.memory_space<vmem>>
        %dma_wait3A_170 = tpu.memref_squeeze %dma_wait3A_169 : memref<1x128x128xf32, #tpu.memory_space<vmem>> -> memref<128x128xf32, #tpu.memory_space<vmem>>
        %dma_wait3A_171 = arith.constant 0 : i32
        %dma_wait3A_172 = tpu.memref_slice %arg8[%run_scoped3A_154, %dma_wait3A_171] : memref<2x128xi32, #tpu.memory_space<vmem>> -> memref<1x128xi32, #tpu.memory_space<vmem>>
        %dma_wait3A_173 = tpu.memref_squeeze %dma_wait3A_172 : memref<1x128xi32, #tpu.memory_space<vmem>> -> memref<128xi32, #tpu.memory_space<vmem>>
        %dma_wait3A_174 = arith.constant 0 : i32
        %dma_wait3A_175 = arith.constant 0 : i32
        %dma_wait3A_176 = tpu.memref_slice %arg10[%dma_wait3A_174, %dma_wait3A_175] : memref<10112x128xf32, #tpu.memory_space<vmem_shared>> -> memref<10112x128xf32, #tpu.memory_space<vmem_shared>>
        tpu.wait_indirect_dma semaphore(%run_scoped3A_156 : memref<!tpu.dma_semaphore, #tpu.memory_space<semaphore_mem>>) src(%dma_wait3A_170 : memref<128x128xf32, #tpu.memory_space<vmem>>) dst(%dma_wait3A_176 : memref<10112x128xf32, #tpu.memory_space<vmem_shared>>)
        tpu.yield
      }) : () -> ()
      %while3A_155 = arith.constant 0 : i32
      scf.yield %while3A_155 : i32
    }
    %while3A_76 = arith.constant 1 : i32
    %while3A_77 = scf.for %while3A_113 = %while3A_73 to %while3A_69 step %while3A_76 iter_args(%while3A_114 = %while3A_75) -> (i32)  : i32 {
      %mul3A_115 = arith.constant 2 : i32
      %mul3A_116 = arith.muli %mul3A_115, %while3A_113 : i32
      %add3A_117 = arith.constant 0 : i32
      %add3A_118 = arith.addi %mul3A_116, %add3A_117 : i32
      %add3A_119 = arith.constant 1 : i32
      %add3A_120 = arith.addi %add3A_118, %add3A_119 : i32
      %lt3A = arith.cmpi slt, %add3A_120, %select_n3A : i32
      %convert_element_type3A_121 = arith.extui %lt3A : i1 to i32
      %cond3A_122 = arith.constant 0 : i32
      %cond3A_123 = arith.cmpi ne, %convert_element_type3A_121, %cond3A_122 : i32
      scf.if %cond3A_123 {
        %add3A_156 = arith.addi %select_n3A_8, %add3A_118 : i32
        %add3A_157 = arith.constant 1 : i32
        %add3A_158 = arith.addi %add3A_156, %add3A_157 : i32
        %run_scoped3A_159 = arith.constant 0 : i32
        %run_scoped3A_160 = arith.constant 1 : i32
        "tpu.region"() ({
          %run_scoped3A_175 = tpu.sem_alloc : memref<!tpu.dma_semaphore, #tpu.memory_space<semaphore_mem>>
          %dma_start3A_176 = arith.constant 0 : i32
          %dma_start3A_177 = tpu.memref_slice %arg7[%run_scoped3A_160, %dma_start3A_176] : memref<2x128xi32, #tpu.memory_space<vmem>> -> memref<1x128xi32, #tpu.memory_space<vmem>>
          %dma_start3A_178 = tpu.memref_squeeze %dma_start3A_177 : memref<1x128xi32, #tpu.memory_space<vmem>> -> memref<128xi32, #tpu.memory_space<vmem>>
          %dma_start3A_179 = arith.constant 0 : i32
          %dma_start3A_180 = tpu.memref_slice %arg4[%add3A_158, %run_scoped3A_159, %dma_start3A_179] : memref<2528x1x128xi32, #tpu.memory_space<hbm>> -> memref<1x1x128xi32, #tpu.memory_space<hbm>>
          %dma_start3A_181 = tpu.memref_squeeze %dma_start3A_180 : memref<1x1x128xi32, #tpu.memory_space<hbm>> -> memref<128xi32, #tpu.memory_space<hbm>>
          %dma_start3A_182 = arith.constant 0 : i32
          %dma_start3A_183 = tpu.memref_slice %arg7[%run_scoped3A_160, %dma_start3A_182] : memref<2x128xi32, #tpu.memory_space<vmem>> -> memref<1x128xi32, #tpu.memory_space<vmem>>
          %dma_start3A_184 = tpu.memref_squeeze %dma_start3A_183 : memref<1x128xi32, #tpu.memory_space<vmem>> -> memref<128xi32, #tpu.memory_space<vmem>>
          %dma_start3A_185 = arith.constant 0 : i32
          %dma_start3A_186 = tpu.memref_slice %arg4[%add3A_158, %run_scoped3A_159, %dma_start3A_185] : memref<2528x1x128xi32, #tpu.memory_space<hbm>> -> memref<1x1x128xi32, #tpu.memory_space<hbm>>
          %dma_start3A_187 = tpu.memref_squeeze %dma_start3A_186 : memref<1x1x128xi32, #tpu.memory_space<hbm>> -> memref<128xi32, #tpu.memory_space<hbm>>
          tpu.enqueue_dma source(%dma_start3A_187 : memref<128xi32, #tpu.memory_space<hbm>>) target(%dma_start3A_184 : memref<128xi32, #tpu.memory_space<vmem>>) target_semaphore(%run_scoped3A_175 : memref<!tpu.dma_semaphore, #tpu.memory_space<semaphore_mem>>)
          %dma_wait3A_188 = arith.constant 0 : i32
          %dma_wait3A_189 = tpu.memref_slice %arg7[%run_scoped3A_160, %dma_wait3A_188] : memref<2x128xi32, #tpu.memory_space<vmem>> -> memref<1x128xi32, #tpu.memory_space<vmem>>
          %dma_wait3A_190 = tpu.memref_squeeze %dma_wait3A_189 : memref<1x128xi32, #tpu.memory_space<vmem>> -> memref<128xi32, #tpu.memory_space<vmem>>
          %dma_wait3A_191 = arith.constant 0 : i32
          %dma_wait3A_192 = tpu.memref_slice %arg4[%add3A_158, %run_scoped3A_159, %dma_wait3A_191] : memref<2528x1x128xi32, #tpu.memory_space<hbm>> -> memref<1x1x128xi32, #tpu.memory_space<hbm>>
          %dma_wait3A_193 = tpu.memref_squeeze %dma_wait3A_192 : memref<1x1x128xi32, #tpu.memory_space<hbm>> -> memref<128xi32, #tpu.memory_space<hbm>>
          %dma_wait3A_194 = arith.constant 0 : i32
          %dma_wait3A_195 = tpu.memref_slice %arg7[%run_scoped3A_160, %dma_wait3A_194] : memref<2x128xi32, #tpu.memory_space<vmem>> -> memref<1x128xi32, #tpu.memory_space<vmem>>
          %dma_wait3A_196 = tpu.memref_squeeze %dma_wait3A_195 : memref<1x128xi32, #tpu.memory_space<vmem>> -> memref<128xi32, #tpu.memory_space<vmem>>
          %dma_wait3A_197 = arith.constant 0 : i32
          %dma_wait3A_198 = tpu.memref_slice %arg4[%add3A_158, %run_scoped3A_159, %dma_wait3A_197] : memref<2528x1x128xi32, #tpu.memory_space<hbm>> -> memref<1x1x128xi32, #tpu.memory_space<hbm>>
          %dma_wait3A_199 = tpu.memref_squeeze %dma_wait3A_198 : memref<1x1x128xi32, #tpu.memory_space<hbm>> -> memref<128xi32, #tpu.memory_space<hbm>>
          tpu.wait_dma2 semaphore(%run_scoped3A_175 : memref<!tpu.dma_semaphore, #tpu.memory_space<semaphore_mem>>) src(%dma_wait3A_199 : memref<128xi32, #tpu.memory_space<hbm>>) dst(%dma_wait3A_196 : memref<128xi32, #tpu.memory_space<vmem>>)
          tpu.yield
        }) : () -> ()
        %run_scoped3A_161 = arith.constant 0 : i32
        %run_scoped3A_162 = arith.constant 1 : i32
        "tpu.region"() ({
          %run_scoped3A_175 = tpu.sem_alloc : memref<!tpu.dma_semaphore, #tpu.memory_space<semaphore_mem>>
          %dma_start3A_176 = arith.constant 0 : i32
          %dma_start3A_177 = tpu.memref_slice %arg8[%run_scoped3A_162, %dma_start3A_176] : memref<2x128xi32, #tpu.memory_space<vmem>> -> memref<1x128xi32, #tpu.memory_space<vmem>>
          %dma_start3A_178 = tpu.memref_squeeze %dma_start3A_177 : memref<1x128xi32, #tpu.memory_space<vmem>> -> memref<128xi32, #tpu.memory_space<vmem>>
          %dma_start3A_179 = arith.constant 0 : i32
          %dma_start3A_180 = tpu.memref_slice %arg5[%add3A_158, %run_scoped3A_161, %dma_start3A_179] : memref<2528x1x128xi32, #tpu.memory_space<hbm>> -> memref<1x1x128xi32, #tpu.memory_space<hbm>>
          %dma_start3A_181 = tpu.memref_squeeze %dma_start3A_180 : memref<1x1x128xi32, #tpu.memory_space<hbm>> -> memref<128xi32, #tpu.memory_space<hbm>>
          %dma_start3A_182 = arith.constant 0 : i32
          %dma_start3A_183 = tpu.memref_slice %arg8[%run_scoped3A_162, %dma_start3A_182] : memref<2x128xi32, #tpu.memory_space<vmem>> -> memref<1x128xi32, #tpu.memory_space<vmem>>
          %dma_start3A_184 = tpu.memref_squeeze %dma_start3A_183 : memref<1x128xi32, #tpu.memory_space<vmem>> -> memref<128xi32, #tpu.memory_space<vmem>>
          %dma_start3A_185 = arith.constant 0 : i32
          %dma_start3A_186 = tpu.memref_slice %arg5[%add3A_158, %run_scoped3A_161, %dma_start3A_185] : memref<2528x1x128xi32, #tpu.memory_space<hbm>> -> memref<1x1x128xi32, #tpu.memory_space<hbm>>
          %dma_start3A_187 = tpu.memref_squeeze %dma_start3A_186 : memref<1x1x128xi32, #tpu.memory_space<hbm>> -> memref<128xi32, #tpu.memory_space<hbm>>
          tpu.enqueue_dma source(%dma_start3A_187 : memref<128xi32, #tpu.memory_space<hbm>>) target(%dma_start3A_184 : memref<128xi32, #tpu.memory_space<vmem>>) target_semaphore(%run_scoped3A_175 : memref<!tpu.dma_semaphore, #tpu.memory_space<semaphore_mem>>)
          %dma_wait3A_188 = arith.constant 0 : i32
          %dma_wait3A_189 = tpu.memref_slice %arg8[%run_scoped3A_162, %dma_wait3A_188] : memref<2x128xi32, #tpu.memory_space<vmem>> -> memref<1x128xi32, #tpu.memory_space<vmem>>
          %dma_wait3A_190 = tpu.memref_squeeze %dma_wait3A_189 : memref<1x128xi32, #tpu.memory_space<vmem>> -> memref<128xi32, #tpu.memory_space<vmem>>
          %dma_wait3A_191 = arith.constant 0 : i32
          %dma_wait3A_192 = tpu.memref_slice %arg5[%add3A_158, %run_scoped3A_161, %dma_wait3A_191] : memref<2528x1x128xi32, #tpu.memory_space<hbm>> -> memref<1x1x128xi32, #tpu.memory_space<hbm>>
          %dma_wait3A_193 = tpu.memref_squeeze %dma_wait3A_192 : memref<1x1x128xi32, #tpu.memory_space<hbm>> -> memref<128xi32, #tpu.memory_space<hbm>>
          %dma_wait3A_194 = arith.constant 0 : i32
          %dma_wait3A_195 = tpu.memref_slice %arg8[%run_scoped3A_162, %dma_wait3A_194] : memref<2x128xi32, #tpu.memory_space<vmem>> -> memref<1x128xi32, #tpu.memory_space<vmem>>
          %dma_wait3A_196 = tpu.memref_squeeze %dma_wait3A_195 : memref<1x128xi32, #tpu.memory_space<vmem>> -> memref<128xi32, #tpu.memory_space<vmem>>
          %dma_wait3A_197 = arith.constant 0 : i32
          %dma_wait3A_198 = tpu.memref_slice %arg5[%add3A_158, %run_scoped3A_161, %dma_wait3A_197] : memref<2528x1x128xi32, #tpu.memory_space<hbm>> -> memref<1x1x128xi32, #tpu.memory_space<hbm>>
          %dma_wait3A_199 = tpu.memref_squeeze %dma_wait3A_198 : memref<1x1x128xi32, #tpu.memory_space<hbm>> -> memref<128xi32, #tpu.memory_space<hbm>>
          tpu.wait_dma2 semaphore(%run_scoped3A_175 : memref<!tpu.dma_semaphore, #tpu.memory_space<semaphore_mem>>) src(%dma_wait3A_199 : memref<128xi32, #tpu.memory_space<hbm>>) dst(%dma_wait3A_196 : memref<128xi32, #tpu.memory_space<vmem>>)
          tpu.yield
        }) : () -> ()
        %dma_start3A_163 = arith.constant 1 : i32
        %dma_start3A_164 = arith.constant 1 : i32
        %dma_start3A_165 = arith.constant 0 : i32
        %dma_start3A_166 = arith.constant 0 : i32
        %dma_start3A_167 = tpu.memref_slice %arg9[%dma_start3A_164, %dma_start3A_165, %dma_start3A_166] : memref<2x128x128xf32, #tpu.memory_space<vmem>> -> memref<1x128x128xf32, #tpu.memory_space<vmem>>
        %dma_start3A_168 = tpu.memref_squeeze %dma_start3A_167 : memref<1x128x128xf32, #tpu.memory_space<vmem>> -> memref<128x128xf32, #tpu.memory_space<vmem>>
        %dma_start3A_169 = arith.constant 0 : i32
        %dma_start3A_170 = tpu.memref_slice %arg7[%dma_start3A_163, %dma_start3A_169] : memref<2x128xi32, #tpu.memory_space<vmem>> -> memref<1x128xi32, #tpu.memory_space<vmem>>
        %dma_start3A_171 = tpu.memref_squeeze %dma_start3A_170 : memref<1x128xi32, #tpu.memory_space<vmem>> -> memref<128xi32, #tpu.memory_space<vmem>>
        %dma_start3A_172 = arith.constant 0 : i32
        %dma_start3A_173 = arith.constant 0 : i32
        %dma_start3A_174 = tpu.memref_slice %arg2[%dma_start3A_172, %dma_start3A_173] : memref<10000x128xf32, #tpu.memory_space<hbm>> -> memref<10000x128xf32, #tpu.memory_space<hbm>>
        tpu.enqueue_indirect_dma source(%dma_start3A_174 : memref<10000x128xf32, #tpu.memory_space<hbm>>) target(%dma_start3A_168 : memref<128x128xf32, #tpu.memory_space<vmem>>) offsets(%dma_start3A_171 : memref<128xi32, #tpu.memory_space<vmem>>) semaphore(%arg12 : memref<!tpu.dma_semaphore, #tpu.memory_space<semaphore_mem>>)
      } else {
      }
      %dma_wait3A = arith.constant 0 : i32
      %dma_wait3A_124 = arith.constant 0 : i32
      %dma_wait3A_125 = arith.constant 0 : i32
      %dma_wait3A_126 = tpu.memref_slice %arg9[%dma_wait3A, %dma_wait3A_124, %dma_wait3A_125] : memref<2x128x128xf32, #tpu.memory_space<vmem>> -> memref<1x128x128xf32, #tpu.memory_space<vmem>>
      %dma_wait3A_127 = tpu.memref_squeeze %dma_wait3A_126 : memref<1x128x128xf32, #tpu.memory_space<vmem>> -> memref<128x128xf32, #tpu.memory_space<vmem>>
      %dma_wait3A_128 = arith.constant 0 : i32
      %dma_wait3A_129 = arith.constant 0 : i32
      %dma_wait3A_130 = tpu.memref_slice %arg9[%dma_wait3A, %dma_wait3A_128, %dma_wait3A_129] : memref<2x128x128xf32, #tpu.memory_space<vmem>> -> memref<1x128x128xf32, #tpu.memory_space<vmem>>
      %dma_wait3A_131 = tpu.memref_squeeze %dma_wait3A_130 : memref<1x128x128xf32, #tpu.memory_space<vmem>> -> memref<128x128xf32, #tpu.memory_space<vmem>>
      tpu.wait_dma2 semaphore(%arg11 : memref<!tpu.dma_semaphore, #tpu.memory_space<semaphore_mem>>) src(%arg3 : memref<128x128xf32, #tpu.memory_space<hbm>>) dst(%dma_wait3A_131 : memref<128x128xf32, #tpu.memory_space<vmem>>)
      %run_scoped3A_132 = arith.constant 0 : i32
      %run_scoped3A_133 = arith.constant 0 : i32
      "tpu.region"() ({
        %run_scoped3A_156 = tpu.sem_alloc : memref<!tpu.dma_semaphore, #tpu.memory_space<semaphore_mem>>
        %dma_start3A_157 = arith.constant 0 : i32
        %dma_start3A_158 = arith.constant 0 : i32
        %dma_start3A_159 = tpu.memref_slice %arg9[%run_scoped3A_132, %dma_start3A_157, %dma_start3A_158] : memref<2x128x128xf32, #tpu.memory_space<vmem>> -> memref<1x128x128xf32, #tpu.memory_space<vmem>>
        %dma_start3A_160 = tpu.memref_squeeze %dma_start3A_159 : memref<1x128x128xf32, #tpu.memory_space<vmem>> -> memref<128x128xf32, #tpu.memory_space<vmem>>
        %dma_start3A_161 = arith.constant 0 : i32
        %dma_start3A_162 = tpu.memref_slice %arg8[%run_scoped3A_133, %dma_start3A_161] : memref<2x128xi32, #tpu.memory_space<vmem>> -> memref<1x128xi32, #tpu.memory_space<vmem>>
        %dma_start3A_163 = tpu.memref_squeeze %dma_start3A_162 : memref<1x128xi32, #tpu.memory_space<vmem>> -> memref<128xi32, #tpu.memory_space<vmem>>
        %dma_start3A_164 = arith.constant 0 : i32
        %dma_start3A_165 = arith.constant 0 : i32
        %dma_start3A_166 = tpu.memref_slice %arg10[%dma_start3A_164, %dma_start3A_165] : memref<10112x128xf32, #tpu.memory_space<vmem_shared>> -> memref<10112x128xf32, #tpu.memory_space<vmem_shared>>
        tpu.enqueue_indirect_dma source(%dma_start3A_160 : memref<128x128xf32, #tpu.memory_space<vmem>>) target(%dma_start3A_166 : memref<10112x128xf32, #tpu.memory_space<vmem_shared>>) offsets(%dma_start3A_163 : memref<128xi32, #tpu.memory_space<vmem>>) semaphore(%run_scoped3A_156 : memref<!tpu.dma_semaphore, #tpu.memory_space<semaphore_mem>>) {add = true}
        %dma_wait3A_167 = arith.constant 0 : i32
        %dma_wait3A_168 = arith.constant 0 : i32
        %dma_wait3A_169 = tpu.memref_slice %arg9[%run_scoped3A_132, %dma_wait3A_167, %dma_wait3A_168] : memref<2x128x128xf32, #tpu.memory_space<vmem>> -> memref<1x128x128xf32, #tpu.memory_space<vmem>>
        %dma_wait3A_170 = tpu.memref_squeeze %dma_wait3A_169 : memref<1x128x128xf32, #tpu.memory_space<vmem>> -> memref<128x128xf32, #tpu.memory_space<vmem>>
        %dma_wait3A_171 = arith.constant 0 : i32
        %dma_wait3A_172 = tpu.memref_slice %arg8[%run_scoped3A_133, %dma_wait3A_171] : memref<2x128xi32, #tpu.memory_space<vmem>> -> memref<1x128xi32, #tpu.memory_space<vmem>>
        %dma_wait3A_173 = tpu.memref_squeeze %dma_wait3A_172 : memref<1x128xi32, #tpu.memory_space<vmem>> -> memref<128xi32, #tpu.memory_space<vmem>>
        %dma_wait3A_174 = arith.constant 0 : i32
        %dma_wait3A_175 = arith.constant 0 : i32
        %dma_wait3A_176 = tpu.memref_slice %arg10[%dma_wait3A_174, %dma_wait3A_175] : memref<10112x128xf32, #tpu.memory_space<vmem_shared>> -> memref<10112x128xf32, #tpu.memory_space<vmem_shared>>
        tpu.wait_indirect_dma semaphore(%run_scoped3A_156 : memref<!tpu.dma_semaphore, #tpu.memory_space<semaphore_mem>>) src(%dma_wait3A_170 : memref<128x128xf32, #tpu.memory_space<vmem>>) dst(%dma_wait3A_176 : memref<10112x128xf32, #tpu.memory_space<vmem_shared>>)
        tpu.yield
      }) : () -> ()
      %mul3A_134 = arith.constant 2 : i32
      %mul3A_135 = arith.muli %mul3A_134, %while3A_113 : i32
      %add3A_136 = arith.constant 1 : i32
      %add3A_137 = arith.addi %mul3A_135, %add3A_136 : i32
      %add3A_138 = arith.constant 1 : i32
      %add3A_139 = arith.addi %add3A_137, %add3A_138 : i32
      %lt3A_140 = arith.cmpi slt, %add3A_139, %select_n3A : i32
      %convert_element_type3A_141 = arith.extui %lt3A_140 : i1 to i32
      %cond3A_142 = arith.constant 0 : i32
      %cond3A_143 = arith.cmpi ne, %convert_element_type3A_141, %cond3A_142 : i32
      scf.if %cond3A_143 {
        %add3A_156 = arith.addi %select_n3A_8, %add3A_137 : i32
        %add3A_157 = arith.constant 1 : i32
        %add3A_158 = arith.addi %add3A_156, %add3A_157 : i32
        %run_scoped3A_159 = arith.constant 0 : i32
        %run_scoped3A_160 = arith.constant 0 : i32
        "tpu.region"() ({
          %run_scoped3A_175 = tpu.sem_alloc : memref<!tpu.dma_semaphore, #tpu.memory_space<semaphore_mem>>
          %dma_start3A_176 = arith.constant 0 : i32
          %dma_start3A_177 = tpu.memref_slice %arg7[%run_scoped3A_160, %dma_start3A_176] : memref<2x128xi32, #tpu.memory_space<vmem>> -> memref<1x128xi32, #tpu.memory_space<vmem>>
          %dma_start3A_178 = tpu.memref_squeeze %dma_start3A_177 : memref<1x128xi32, #tpu.memory_space<vmem>> -> memref<128xi32, #tpu.memory_space<vmem>>
          %dma_start3A_179 = arith.constant 0 : i32
          %dma_start3A_180 = tpu.memref_slice %arg4[%add3A_158, %run_scoped3A_159, %dma_start3A_179] : memref<2528x1x128xi32, #tpu.memory_space<hbm>> -> memref<1x1x128xi32, #tpu.memory_space<hbm>>
          %dma_start3A_181 = tpu.memref_squeeze %dma_start3A_180 : memref<1x1x128xi32, #tpu.memory_space<hbm>> -> memref<128xi32, #tpu.memory_space<hbm>>
          %dma_start3A_182 = arith.constant 0 : i32
          %dma_start3A_183 = tpu.memref_slice %arg7[%run_scoped3A_160, %dma_start3A_182] : memref<2x128xi32, #tpu.memory_space<vmem>> -> memref<1x128xi32, #tpu.memory_space<vmem>>
          %dma_start3A_184 = tpu.memref_squeeze %dma_start3A_183 : memref<1x128xi32, #tpu.memory_space<vmem>> -> memref<128xi32, #tpu.memory_space<vmem>>
          %dma_start3A_185 = arith.constant 0 : i32
          %dma_start3A_186 = tpu.memref_slice %arg4[%add3A_158, %run_scoped3A_159, %dma_start3A_185] : memref<2528x1x128xi32, #tpu.memory_space<hbm>> -> memref<1x1x128xi32, #tpu.memory_space<hbm>>
          %dma_start3A_187 = tpu.memref_squeeze %dma_start3A_186 : memref<1x1x128xi32, #tpu.memory_space<hbm>> -> memref<128xi32, #tpu.memory_space<hbm>>
          tpu.enqueue_dma source(%dma_start3A_187 : memref<128xi32, #tpu.memory_space<hbm>>) target(%dma_start3A_184 : memref<128xi32, #tpu.memory_space<vmem>>) target_semaphore(%run_scoped3A_175 : memref<!tpu.dma_semaphore, #tpu.memory_space<semaphore_mem>>)
          %dma_wait3A_188 = arith.constant 0 : i32
          %dma_wait3A_189 = tpu.memref_slice %arg7[%run_scoped3A_160, %dma_wait3A_188] : memref<2x128xi32, #tpu.memory_space<vmem>> -> memref<1x128xi32, #tpu.memory_space<vmem>>
          %dma_wait3A_190 = tpu.memref_squeeze %dma_wait3A_189 : memref<1x128xi32, #tpu.memory_space<vmem>> -> memref<128xi32, #tpu.memory_space<vmem>>
          %dma_wait3A_191 = arith.constant 0 : i32
          %dma_wait3A_192 = tpu.memref_slice %arg4[%add3A_158, %run_scoped3A_159, %dma_wait3A_191] : memref<2528x1x128xi32, #tpu.memory_space<hbm>> -> memref<1x1x128xi32, #tpu.memory_space<hbm>>
          %dma_wait3A_193 = tpu.memref_squeeze %dma_wait3A_192 : memref<1x1x128xi32, #tpu.memory_space<hbm>> -> memref<128xi32, #tpu.memory_space<hbm>>
          %dma_wait3A_194 = arith.constant 0 : i32
          %dma_wait3A_195 = tpu.memref_slice %arg7[%run_scoped3A_160, %dma_wait3A_194] : memref<2x128xi32, #tpu.memory_space<vmem>> -> memref<1x128xi32, #tpu.memory_space<vmem>>
          %dma_wait3A_196 = tpu.memref_squeeze %dma_wait3A_195 : memref<1x128xi32, #tpu.memory_space<vmem>> -> memref<128xi32, #tpu.memory_space<vmem>>
          %dma_wait3A_197 = arith.constant 0 : i32
          %dma_wait3A_198 = tpu.memref_slice %arg4[%add3A_158, %run_scoped3A_159, %dma_wait3A_197] : memref<2528x1x128xi32, #tpu.memory_space<hbm>> -> memref<1x1x128xi32, #tpu.memory_space<hbm>>
          %dma_wait3A_199 = tpu.memref_squeeze %dma_wait3A_198 : memref<1x1x128xi32, #tpu.memory_space<hbm>> -> memref<128xi32, #tpu.memory_space<hbm>>
          tpu.wait_dma2 semaphore(%run_scoped3A_175 : memref<!tpu.dma_semaphore, #tpu.memory_space<semaphore_mem>>) src(%dma_wait3A_199 : memref<128xi32, #tpu.memory_space<hbm>>) dst(%dma_wait3A_196 : memref<128xi32, #tpu.memory_space<vmem>>)
          tpu.yield
        }) : () -> ()
        %run_scoped3A_161 = arith.constant 0 : i32
        %run_scoped3A_162 = arith.constant 0 : i32
        "tpu.region"() ({
          %run_scoped3A_175 = tpu.sem_alloc : memref<!tpu.dma_semaphore, #tpu.memory_space<semaphore_mem>>
          %dma_start3A_176 = arith.constant 0 : i32
          %dma_start3A_177 = tpu.memref_slice %arg8[%run_scoped3A_162, %dma_start3A_176] : memref<2x128xi32, #tpu.memory_space<vmem>> -> memref<1x128xi32, #tpu.memory_space<vmem>>
          %dma_start3A_178 = tpu.memref_squeeze %dma_start3A_177 : memref<1x128xi32, #tpu.memory_space<vmem>> -> memref<128xi32, #tpu.memory_space<vmem>>
          %dma_start3A_179 = arith.constant 0 : i32
          %dma_start3A_180 = tpu.memref_slice %arg5[%add3A_158, %run_scoped3A_161, %dma_start3A_179] : memref<2528x1x128xi32, #tpu.memory_space<hbm>> -> memref<1x1x128xi32, #tpu.memory_space<hbm>>
          %dma_start3A_181 = tpu.memref_squeeze %dma_start3A_180 : memref<1x1x128xi32, #tpu.memory_space<hbm>> -> memref<128xi32, #tpu.memory_space<hbm>>
          %dma_start3A_182 = arith.constant 0 : i32
          %dma_start3A_183 = tpu.memref_slice %arg8[%run_scoped3A_162, %dma_start3A_182] : memref<2x128xi32, #tpu.memory_space<vmem>> -> memref<1x128xi32, #tpu.memory_space<vmem>>
          %dma_start3A_184 = tpu.memref_squeeze %dma_start3A_183 : memref<1x128xi32, #tpu.memory_space<vmem>> -> memref<128xi32, #tpu.memory_space<vmem>>
          %dma_start3A_185 = arith.constant 0 : i32
          %dma_start3A_186 = tpu.memref_slice %arg5[%add3A_158, %run_scoped3A_161, %dma_start3A_185] : memref<2528x1x128xi32, #tpu.memory_space<hbm>> -> memref<1x1x128xi32, #tpu.memory_space<hbm>>
          %dma_start3A_187 = tpu.memref_squeeze %dma_start3A_186 : memref<1x1x128xi32, #tpu.memory_space<hbm>> -> memref<128xi32, #tpu.memory_space<hbm>>
          tpu.enqueue_dma source(%dma_start3A_187 : memref<128xi32, #tpu.memory_space<hbm>>) target(%dma_start3A_184 : memref<128xi32, #tpu.memory_space<vmem>>) target_semaphore(%run_scoped3A_175 : memref<!tpu.dma_semaphore, #tpu.memory_space<semaphore_mem>>)
          %dma_wait3A_188 = arith.constant 0 : i32
          %dma_wait3A_189 = tpu.memref_slice %arg8[%run_scoped3A_162, %dma_wait3A_188] : memref<2x128xi32, #tpu.memory_space<vmem>> -> memref<1x128xi32, #tpu.memory_space<vmem>>
          %dma_wait3A_190 = tpu.memref_squeeze %dma_wait3A_189 : memref<1x128xi32, #tpu.memory_space<vmem>> -> memref<128xi32, #tpu.memory_space<vmem>>
          %dma_wait3A_191 = arith.constant 0 : i32
          %dma_wait3A_192 = tpu.memref_slice %arg5[%add3A_158, %run_scoped3A_161, %dma_wait3A_191] : memref<2528x1x128xi32, #tpu.memory_space<hbm>> -> memref<1x1x128xi32, #tpu.memory_space<hbm>>
          %dma_wait3A_193 = tpu.memref_squeeze %dma_wait3A_192 : memref<1x1x128xi32, #tpu.memory_space<hbm>> -> memref<128xi32, #tpu.memory_space<hbm>>
          %dma_wait3A_194 = arith.constant 0 : i32
          %dma_wait3A_195 = tpu.memref_slice %arg8[%run_scoped3A_162, %dma_wait3A_194] : memref<2x128xi32, #tpu.memory_space<vmem>> -> memref<1x128xi32, #tpu.memory_space<vmem>>
          %dma_wait3A_196 = tpu.memref_squeeze %dma_wait3A_195 : memref<1x128xi32, #tpu.memory_space<vmem>> -> memref<128xi32, #tpu.memory_space<vmem>>
          %dma_wait3A_197 = arith.constant 0 : i32
          %dma_wait3A_198 = tpu.memref_slice %arg5[%add3A_158, %run_scoped3A_161, %dma_wait3A_197] : memref<2528x1x128xi32, #tpu.memory_space<hbm>> -> memref<1x1x128xi32, #tpu.memory_space<hbm>>
          %dma_wait3A_199 = tpu.memref_squeeze %dma_wait3A_198 : memref<1x1x128xi32, #tpu.memory_space<hbm>> -> memref<128xi32, #tpu.memory_space<hbm>>
          tpu.wait_dma2 semaphore(%run_scoped3A_175 : memref<!tpu.dma_semaphore, #tpu.memory_space<semaphore_mem>>) src(%dma_wait3A_199 : memref<128xi32, #tpu.memory_space<hbm>>) dst(%dma_wait3A_196 : memref<128xi32, #tpu.memory_space<vmem>>)
          tpu.yield
        }) : () -> ()
        %dma_start3A_163 = arith.constant 0 : i32
        %dma_start3A_164 = arith.constant 0 : i32
        %dma_start3A_165 = arith.constant 0 : i32
        %dma_start3A_166 = arith.constant 0 : i32
        %dma_start3A_167 = tpu.memref_slice %arg9[%dma_start3A_164, %dma_start3A_165, %dma_start3A_166] : memref<2x128x128xf32, #tpu.memory_space<vmem>> -> memref<1x128x128xf32, #tpu.memory_space<vmem>>
        %dma_start3A_168 = tpu.memref_squeeze %dma_start3A_167 : memref<1x128x128xf32, #tpu.memory_space<vmem>> -> memref<128x128xf32, #tpu.memory_space<vmem>>
        %dma_start3A_169 = arith.constant 0 : i32
        %dma_start3A_170 = tpu.memref_slice %arg7[%dma_start3A_163, %dma_start3A_169] : memref<2x128xi32, #tpu.memory_space<vmem>> -> memref<1x128xi32, #tpu.memory_space<vmem>>
        %dma_start3A_171 = tpu.memref_squeeze %dma_start3A_170 : memref<1x128xi32, #tpu.memory_space<vmem>> -> memref<128xi32, #tpu.memory_space<vmem>>
        %dma_start3A_172 = arith.constant 0 : i32
        %dma_start3A_173 = arith.constant 0 : i32
        %dma_start3A_174 = tpu.memref_slice %arg2[%dma_start3A_172, %dma_start3A_173] : memref<10000x128xf32, #tpu.memory_space<hbm>> -> memref<10000x128xf32, #tpu.memory_space<hbm>>
        tpu.enqueue_indirect_dma source(%dma_start3A_174 : memref<10000x128xf32, #tpu.memory_space<hbm>>) target(%dma_start3A_168 : memref<128x128xf32, #tpu.memory_space<vmem>>) offsets(%dma_start3A_171 : memref<128xi32, #tpu.memory_space<vmem>>) semaphore(%arg11 : memref<!tpu.dma_semaphore, #tpu.memory_space<semaphore_mem>>)
      } else {
      }
      %dma_wait3A_144 = arith.constant 1 : i32
      %dma_wait3A_145 = arith.constant 0 : i32
      %dma_wait3A_146 = arith.constant 0 : i32
      %dma_wait3A_147 = tpu.memref_slice %arg9[%dma_wait3A_144, %dma_wait3A_145, %dma_wait3A_146] : memref<2x128x128xf32, #tpu.memory_space<vmem>> -> memref<1x128x128xf32, #tpu.memory_space<vmem>>
      %dma_wait3A_148 = tpu.memref_squeeze %dma_wait3A_147 : memref<1x128x128xf32, #tpu.memory_space<vmem>> -> memref<128x128xf32, #tpu.memory_space<vmem>>
      %dma_wait3A_149 = arith.constant 0 : i32
      %dma_wait3A_150 = arith.constant 0 : i32
      %dma_wait3A_151 = tpu.memref_slice %arg9[%dma_wait3A_144, %dma_wait3A_149, %dma_wait3A_150] : memref<2x128x128xf32, #tpu.memory_space<vmem>> -> memref<1x128x128xf32, #tpu.memory_space<vmem>>
      %dma_wait3A_152 = tpu.memref_squeeze %dma_wait3A_151 : memref<1x128x128xf32, #tpu.memory_space<vmem>> -> memref<128x128xf32, #tpu.memory_space<vmem>>
      tpu.wait_dma2 semaphore(%arg12 : memref<!tpu.dma_semaphore, #tpu.memory_space<semaphore_mem>>) src(%arg3 : memref<128x128xf32, #tpu.memory_space<hbm>>) dst(%dma_wait3A_152 : memref<128x128xf32, #tpu.memory_space<vmem>>)
      %run_scoped3A_153 = arith.constant 1 : i32
      %run_scoped3A_154 = arith.constant 1 : i32
      "tpu.region"() ({
        %run_scoped3A_156 = tpu.sem_alloc : memref<!tpu.dma_semaphore, #tpu.memory_space<semaphore_mem>>
        %dma_start3A_157 = arith.constant 0 : i32
        %dma_start3A_158 = arith.constant 0 : i32
        %dma_start3A_159 = tpu.memref_slice %arg9[%run_scoped3A_153, %dma_start3A_157, %dma_start3A_158] : memref<2x128x128xf32, #tpu.memory_space<vmem>> -> memref<1x128x128xf32, #tpu.memory_space<vmem>>
        %dma_start3A_160 = tpu.memref_squeeze %dma_start3A_159 : memref<1x128x128xf32, #tpu.memory_space<vmem>> -> memref<128x128xf32, #tpu.memory_space<vmem>>
        %dma_start3A_161 = arith.constant 0 : i32
        %dma_start3A_162 = tpu.memref_slice %arg8[%run_scoped3A_154, %dma_start3A_161] : memref<2x128xi32, #tpu.memory_space<vmem>> -> memref<1x128xi32, #tpu.memory_space<vmem>>
        %dma_start3A_163 = tpu.memref_squeeze %dma_start3A_162 : memref<1x128xi32, #tpu.memory_space<vmem>> -> memref<128xi32, #tpu.memory_space<vmem>>
        %dma_start3A_164 = arith.constant 0 : i32
        %dma_start3A_165 = arith.constant 0 : i32
        %dma_start3A_166 = tpu.memref_slice %arg10[%dma_start3A_164, %dma_start3A_165] : memref<10112x128xf32, #tpu.memory_space<vmem_shared>> -> memref<10112x128xf32, #tpu.memory_space<vmem_shared>>
        tpu.enqueue_indirect_dma source(%dma_start3A_160 : memref<128x128xf32, #tpu.memory_space<vmem>>) target(%dma_start3A_166 : memref<10112x128xf32, #tpu.memory_space<vmem_shared>>) offsets(%dma_start3A_163 : memref<128xi32, #tpu.memory_space<vmem>>) semaphore(%run_scoped3A_156 : memref<!tpu.dma_semaphore, #tpu.memory_space<semaphore_mem>>) {add = true}
        %dma_wait3A_167 = arith.constant 0 : i32
        %dma_wait3A_168 = arith.constant 0 : i32
        %dma_wait3A_169 = tpu.memref_slice %arg9[%run_scoped3A_153, %dma_wait3A_167, %dma_wait3A_168] : memref<2x128x128xf32, #tpu.memory_space<vmem>> -> memref<1x128x128xf32, #tpu.memory_space<vmem>>
        %dma_wait3A_170 = tpu.memref_squeeze %dma_wait3A_169 : memref<1x128x128xf32, #tpu.memory_space<vmem>> -> memref<128x128xf32, #tpu.memory_space<vmem>>
        %dma_wait3A_171 = arith.constant 0 : i32
        %dma_wait3A_172 = tpu.memref_slice %arg8[%run_scoped3A_154, %dma_wait3A_171] : memref<2x128xi32, #tpu.memory_space<vmem>> -> memref<1x128xi32, #tpu.memory_space<vmem>>
        %dma_wait3A_173 = tpu.memref_squeeze %dma_wait3A_172 : memref<1x128xi32, #tpu.memory_space<vmem>> -> memref<128xi32, #tpu.memory_space<vmem>>
        %dma_wait3A_174 = arith.constant 0 : i32
        %dma_wait3A_175 = arith.constant 0 : i32
        %dma_wait3A_176 = tpu.memref_slice %arg10[%dma_wait3A_174, %dma_wait3A_175] : memref<10112x128xf32, #tpu.memory_space<vmem_shared>> -> memref<10112x128xf32, #tpu.memory_space<vmem_shared>>
        tpu.wait_indirect_dma semaphore(%run_scoped3A_156 : memref<!tpu.dma_semaphore, #tpu.memory_space<semaphore_mem>>) src(%dma_wait3A_170 : memref<128x128xf32, #tpu.memory_space<vmem>>) dst(%dma_wait3A_176 : memref<10112x128xf32, #tpu.memory_space<vmem_shared>>)
        tpu.yield
      }) : () -> ()
      %while3A_155 = arith.constant 0 : i32
      scf.yield %while3A_155 : i32
    }
    %barrier3A_78 = arith.constant 0 : index
    tpu.barrier barrier_id(%barrier3A_78)
    %mul3A_79 = arith.constant 624 : i32
    %mul3A_80 = arith.muli %arg1, %mul3A_79 : i32
    %add3A_81 = arith.constant 0 : i32
    %add3A_82 = arith.addi %mul3A_80, %add3A_81 : i32
    %run_scoped3A_83 = arith.constant 0 : i32
    "tpu.region"() ({
      %run_scoped3A_113 = tpu.sem_alloc : memref<!tpu.dma_semaphore, #tpu.memory_space<semaphore_mem>>
      %dma_start3A_114 = arith.constant 0 : i32
      %dma_start3A_115 = arith.constant 0 : i32
      %dma_start3A_116 = tpu.memref_slice %arg9[%run_scoped3A_83, %dma_start3A_114, %dma_start3A_115] : memref<2x128x128xf32, #tpu.memory_space<vmem>> -> memref<1x128x128xf32, #tpu.memory_space<vmem>>
      %dma_start3A_117 = tpu.memref_squeeze %dma_start3A_116 : memref<1x128x128xf32, #tpu.memory_space<vmem>> -> memref<128x128xf32, #tpu.memory_space<vmem>>
      %dma_start3A_118 = arith.constant 0 : i32
      %dma_start3A_119 = arith.constant 0 : i32
      %dma_start3A_120 = tpu.memref_slice %dma_start3A_117[%dma_start3A_118, %dma_start3A_119] : memref<128x128xf32, #tpu.memory_space<vmem>> -> memref<128x128xf32, #tpu.memory_space<vmem>>
      %dma_start3A_121 = arith.constant 0 : i32
      %dma_start3A_122 = tpu.memref_slice %arg10[%add3A_82, %dma_start3A_121] : memref<10112x128xf32, #tpu.memory_space<vmem_shared>> -> memref<128x128xf32, #tpu.memory_space<vmem_shared>>
      %dma_start3A_123 = arith.constant 0 : i32
      %dma_start3A_124 = arith.constant 0 : i32
      %dma_start3A_125 = tpu.memref_slice %arg9[%run_scoped3A_83, %dma_start3A_123, %dma_start3A_124] : memref<2x128x128xf32, #tpu.memory_space<vmem>> -> memref<1x128x128xf32, #tpu.memory_space<vmem>>
      %dma_start3A_126 = tpu.memref_squeeze %dma_start3A_125 : memref<1x128x128xf32, #tpu.memory_space<vmem>> -> memref<128x128xf32, #tpu.memory_space<vmem>>
      %dma_start3A_127 = arith.constant 0 : i32
      %dma_start3A_128 = arith.constant 0 : i32
      %dma_start3A_129 = tpu.memref_slice %dma_start3A_126[%dma_start3A_127, %dma_start3A_128] : memref<128x128xf32, #tpu.memory_space<vmem>> -> memref<128x128xf32, #tpu.memory_space<vmem>>
      %dma_start3A_130 = arith.constant 0 : i32
      %dma_start3A_131 = tpu.memref_slice %arg10[%add3A_82, %dma_start3A_130] : memref<10112x128xf32, #tpu.memory_space<vmem_shared>> -> memref<128x128xf32, #tpu.memory_space<vmem_shared>>
      tpu.enqueue_dma source(%dma_start3A_131 : memref<128x128xf32, #tpu.memory_space<vmem_shared>>) target(%dma_start3A_129 : memref<128x128xf32, #tpu.memory_space<vmem>>) target_semaphore(%run_scoped3A_113 : memref<!tpu.dma_semaphore, #tpu.memory_space<semaphore_mem>>)
      %dma_wait3A = arith.constant 0 : i32
      %dma_wait3A_132 = arith.constant 0 : i32
      %dma_wait3A_133 = tpu.memref_slice %arg9[%run_scoped3A_83, %dma_wait3A, %dma_wait3A_132] : memref<2x128x128xf32, #tpu.memory_space<vmem>> -> memref<1x128x128xf32, #tpu.memory_space<vmem>>
      %dma_wait3A_134 = tpu.memref_squeeze %dma_wait3A_133 : memref<1x128x128xf32, #tpu.memory_space<vmem>> -> memref<128x128xf32, #tpu.memory_space<vmem>>
      %dma_wait3A_135 = arith.constant 0 : i32
      %dma_wait3A_136 = arith.constant 0 : i32
      %dma_wait3A_137 = tpu.memref_slice %dma_wait3A_134[%dma_wait3A_135, %dma_wait3A_136] : memref<128x128xf32, #tpu.memory_space<vmem>> -> memref<128x128xf32, #tpu.memory_space<vmem>>
      %dma_wait3A_138 = arith.constant 0 : i32
      %dma_wait3A_139 = tpu.memref_slice %arg10[%add3A_82, %dma_wait3A_138] : memref<10112x128xf32, #tpu.memory_space<vmem_shared>> -> memref<128x128xf32, #tpu.memory_space<vmem_shared>>
      %dma_wait3A_140 = arith.constant 0 : i32
      %dma_wait3A_141 = arith.constant 0 : i32
      %dma_wait3A_142 = tpu.memref_slice %arg9[%run_scoped3A_83, %dma_wait3A_140, %dma_wait3A_141] : memref<2x128x128xf32, #tpu.memory_space<vmem>> -> memref<1x128x128xf32, #tpu.memory_space<vmem>>
      %dma_wait3A_143 = tpu.memref_squeeze %dma_wait3A_142 : memref<1x128x128xf32, #tpu.memory_space<vmem>> -> memref<128x128xf32, #tpu.memory_space<vmem>>
      %dma_wait3A_144 = arith.constant 0 : i32
      %dma_wait3A_145 = arith.constant 0 : i32
      %dma_wait3A_146 = tpu.memref_slice %dma_wait3A_143[%dma_wait3A_144, %dma_wait3A_145] : memref<128x128xf32, #tpu.memory_space<vmem>> -> memref<128x128xf32, #tpu.memory_space<vmem>>
      %dma_wait3A_147 = arith.constant 0 : i32
      %dma_wait3A_148 = tpu.memref_slice %arg10[%add3A_82, %dma_wait3A_147] : memref<10112x128xf32, #tpu.memory_space<vmem_shared>> -> memref<128x128xf32, #tpu.memory_space<vmem_shared>>
      tpu.wait_dma2 semaphore(%run_scoped3A_113 : memref<!tpu.dma_semaphore, #tpu.memory_space<semaphore_mem>>) src(%dma_wait3A_148 : memref<128x128xf32, #tpu.memory_space<vmem_shared>>) dst(%dma_wait3A_146 : memref<128x128xf32, #tpu.memory_space<vmem>>)
      tpu.yield
    }) : () -> ()
    %run_scoped3A_84 = arith.constant 0 : i32
    "tpu.region"() ({
      %run_scoped3A_113 = tpu.sem_alloc : memref<!tpu.dma_semaphore, #tpu.memory_space<semaphore_mem>>
      %dma_start3A_114 = arith.constant 0 : i32
      %dma_start3A_115 = arith.constant 0 : i32
      %dma_start3A_116 = tpu.memref_slice %arg9[%run_scoped3A_84, %dma_start3A_114, %dma_start3A_115] : memref<2x128x128xf32, #tpu.memory_space<vmem>> -> memref<1x128x128xf32, #tpu.memory_space<vmem>>
      %dma_start3A_117 = tpu.memref_squeeze %dma_start3A_116 : memref<1x128x128xf32, #tpu.memory_space<vmem>> -> memref<128x128xf32, #tpu.memory_space<vmem>>
      %dma_start3A_118 = arith.constant 0 : i32
      %dma_start3A_119 = arith.constant 0 : i32
      %dma_start3A_120 = tpu.memref_slice %dma_start3A_117[%dma_start3A_118, %dma_start3A_119] : memref<128x128xf32, #tpu.memory_space<vmem>> -> memref<128x128xf32, #tpu.memory_space<vmem>>
      %dma_start3A_121 = arith.constant 0 : i32
      %dma_start3A_122 = arith.constant 0 : i32
      %dma_start3A_123 = tpu.memref_slice %arg6[%arg0, %dma_start3A_121, %dma_start3A_122] : memref<2x10000x128xf32, #tpu.memory_space<hbm>> -> memref<1x10000x128xf32, #tpu.memory_space<hbm>>
      %dma_start3A_124 = tpu.memref_squeeze %dma_start3A_123 : memref<1x10000x128xf32, #tpu.memory_space<hbm>> -> memref<10000x128xf32, #tpu.memory_space<hbm>>
      %dma_start3A_125 = arith.constant 0 : i32
      %dma_start3A_126 = tpu.memref_slice %dma_start3A_124[%add3A_82, %dma_start3A_125] : memref<10000x128xf32, #tpu.memory_space<hbm>> -> memref<128x128xf32, #tpu.memory_space<hbm>>
      %dma_start3A_127 = arith.constant 0 : i32
      %dma_start3A_128 = arith.constant 0 : i32
      %dma_start3A_129 = tpu.memref_slice %arg6[%arg0, %dma_start3A_127, %dma_start3A_128] : memref<2x10000x128xf32, #tpu.memory_space<hbm>> -> memref<1x10000x128xf32, #tpu.memory_space<hbm>>
      %dma_start3A_130 = tpu.memref_squeeze %dma_start3A_129 : memref<1x10000x128xf32, #tpu.memory_space<hbm>> -> memref<10000x128xf32, #tpu.memory_space<hbm>>
      %dma_start3A_131 = arith.constant 0 : i32
      %dma_start3A_132 = tpu.memref_slice %dma_start3A_130[%add3A_82, %dma_start3A_131] : memref<10000x128xf32, #tpu.memory_space<hbm>> -> memref<128x128xf32, #tpu.memory_space<hbm>>
      %dma_start3A_133 = arith.constant 0 : i32
      %dma_start3A_134 = arith.constant 0 : i32
      %dma_start3A_135 = tpu.memref_slice %arg9[%run_scoped3A_84, %dma_start3A_133, %dma_start3A_134] : memref<2x128x128xf32, #tpu.memory_space<vmem>> -> memref<1x128x128xf32, #tpu.memory_space<vmem>>
      %dma_start3A_136 = tpu.memref_squeeze %dma_start3A_135 : memref<1x128x128xf32, #tpu.memory_space<vmem>> -> memref<128x128xf32, #tpu.memory_space<vmem>>
      %dma_start3A_137 = arith.constant 0 : i32
      %dma_start3A_138 = arith.constant 0 : i32
      %dma_start3A_139 = tpu.memref_slice %dma_start3A_136[%dma_start3A_137, %dma_start3A_138] : memref<128x128xf32, #tpu.memory_space<vmem>> -> memref<128x128xf32, #tpu.memory_space<vmem>>
      tpu.enqueue_dma source(%dma_start3A_139 : memref<128x128xf32, #tpu.memory_space<vmem>>) target(%dma_start3A_132 : memref<128x128xf32, #tpu.memory_space<hbm>>) target_semaphore(%run_scoped3A_113 : memref<!tpu.dma_semaphore, #tpu.memory_space<semaphore_mem>>)
      %dma_wait3A = arith.constant 0 : i32
      %dma_wait3A_140 = arith.constant 0 : i32
      %dma_wait3A_141 = tpu.memref_slice %arg9[%run_scoped3A_84, %dma_wait3A, %dma_wait3A_140] : memref<2x128x128xf32, #tpu.memory_space<vmem>> -> memref<1x128x128xf32, #tpu.memory_space<vmem>>
      %dma_wait3A_142 = tpu.memref_squeeze %dma_wait3A_141 : memref<1x128x128xf32, #tpu.memory_space<vmem>> -> memref<128x128xf32, #tpu.memory_space<vmem>>
      %dma_wait3A_143 = arith.constant 0 : i32
      %dma_wait3A_144 = arith.constant 0 : i32
      %dma_wait3A_145 = tpu.memref_slice %dma_wait3A_142[%dma_wait3A_143, %dma_wait3A_144] : memref<128x128xf32, #tpu.memory_space<vmem>> -> memref<128x128xf32, #tpu.memory_space<vmem>>
      %dma_wait3A_146 = arith.constant 0 : i32
      %dma_wait3A_147 = arith.constant 0 : i32
      %dma_wait3A_148 = tpu.memref_slice %arg6[%arg0, %dma_wait3A_146, %dma_wait3A_147] : memref<2x10000x128xf32, #tpu.memory_space<hbm>> -> memref<1x10000x128xf32, #tpu.memory_space<hbm>>
      %dma_wait3A_149 = tpu.memref_squeeze %dma_wait3A_148 : memref<1x10000x128xf32, #tpu.memory_space<hbm>> -> memref<10000x128xf32, #tpu.memory_space<hbm>>
      %dma_wait3A_150 = arith.constant 0 : i32
      %dma_wait3A_151 = tpu.memref_slice %dma_wait3A_149[%add3A_82, %dma_wait3A_150] : memref<10000x128xf32, #tpu.memory_space<hbm>> -> memref<128x128xf32, #tpu.memory_space<hbm>>
      %dma_wait3A_152 = arith.constant 0 : i32
      %dma_wait3A_153 = arith.constant 0 : i32
      %dma_wait3A_154 = tpu.memref_slice %arg6[%arg0, %dma_wait3A_152, %dma_wait3A_153] : memref<2x10000x128xf32, #tpu.memory_space<hbm>> -> memref<1x10000x128xf32, #tpu.memory_space<hbm>>
      %dma_wait3A_155 = tpu.memref_squeeze %dma_wait3A_154 : memref<1x10000x128xf32, #tpu.memory_space<hbm>> -> memref<10000x128xf32, #tpu.memory_space<hbm>>
      %dma_wait3A_156 = arith.constant 0 : i32
      %dma_wait3A_157 = tpu.memref_slice %dma_wait3A_155[%add3A_82, %dma_wait3A_156] : memref<10000x128xf32, #tpu.memory_space<hbm>> -> memref<128x128xf32, #tpu.memory_space<hbm>>
      %dma_wait3A_158 = arith.constant 0 : i32
      %dma_wait3A_159 = arith.constant 0 : i32
      %dma_wait3A_160 = tpu.memref_slice %arg9[%run_scoped3A_84, %dma_wait3A_158, %dma_wait3A_159] : memref<2x128x128xf32, #tpu.memory_space<vmem>> -> memref<1x128x128xf32, #tpu.memory_space<vmem>>
      %dma_wait3A_161 = tpu.memref_squeeze %dma_wait3A_160 : memref<1x128x128xf32, #tpu.memory_space<vmem>> -> memref<128x128xf32, #tpu.memory_space<vmem>>
      %dma_wait3A_162 = arith.constant 0 : i32
      %dma_wait3A_163 = arith.constant 0 : i32
      %dma_wait3A_164 = tpu.memref_slice %dma_wait3A_161[%dma_wait3A_162, %dma_wait3A_163] : memref<128x128xf32, #tpu.memory_space<vmem>> -> memref<128x128xf32, #tpu.memory_space<vmem>>
      tpu.wait_dma2 semaphore(%run_scoped3A_113 : memref<!tpu.dma_semaphore, #tpu.memory_space<semaphore_mem>>) src(%dma_wait3A_164 : memref<128x128xf32, #tpu.memory_space<vmem>>) dst(%dma_wait3A_157 : memref<128x128xf32, #tpu.memory_space<hbm>>)
      tpu.yield
    }) : () -> ()
    %mul3A_85 = arith.constant 624 : i32
    %mul3A_86 = arith.muli %arg1, %mul3A_85 : i32
    %add3A_87 = arith.constant 128 : i32
    %add3A_88 = arith.addi %mul3A_86, %add3A_87 : i32
    %run_scoped3A_89 = arith.constant 0 : i32
    "tpu.region"() ({
      %run_scoped3A_113 = tpu.sem_alloc : memref<!tpu.dma_semaphore, #tpu.memory_space<semaphore_mem>>
      %dma_start3A_114 = arith.constant 0 : i32
      %dma_start3A_115 = arith.constant 0 : i32
      %dma_start3A_116 = tpu.memref_slice %arg9[%run_scoped3A_89, %dma_start3A_114, %dma_start3A_115] : memref<2x128x128xf32, #tpu.memory_space<vmem>> -> memref<1x128x128xf32, #tpu.memory_space<vmem>>
      %dma_start3A_117 = tpu.memref_squeeze %dma_start3A_116 : memref<1x128x128xf32, #tpu.memory_space<vmem>> -> memref<128x128xf32, #tpu.memory_space<vmem>>
      %dma_start3A_118 = arith.constant 0 : i32
      %dma_start3A_119 = arith.constant 0 : i32
      %dma_start3A_120 = tpu.memref_slice %dma_start3A_117[%dma_start3A_118, %dma_start3A_119] : memref<128x128xf32, #tpu.memory_space<vmem>> -> memref<128x128xf32, #tpu.memory_space<vmem>>
      %dma_start3A_121 = arith.constant 0 : i32
      %dma_start3A_122 = tpu.memref_slice %arg10[%add3A_88, %dma_start3A_121] : memref<10112x128xf32, #tpu.memory_space<vmem_shared>> -> memref<128x128xf32, #tpu.memory_space<vmem_shared>>
      %dma_start3A_123 = arith.constant 0 : i32
      %dma_start3A_124 = arith.constant 0 : i32
      %dma_start3A_125 = tpu.memref_slice %arg9[%run_scoped3A_89, %dma_start3A_123, %dma_start3A_124] : memref<2x128x128xf32, #tpu.memory_space<vmem>> -> memref<1x128x128xf32, #tpu.memory_space<vmem>>
      %dma_start3A_126 = tpu.memref_squeeze %dma_start3A_125 : memref<1x128x128xf32, #tpu.memory_space<vmem>> -> memref<128x128xf32, #tpu.memory_space<vmem>>
      %dma_start3A_127 = arith.constant 0 : i32
      %dma_start3A_128 = arith.constant 0 : i32
      %dma_start3A_129 = tpu.memref_slice %dma_start3A_126[%dma_start3A_127, %dma_start3A_128] : memref<128x128xf32, #tpu.memory_space<vmem>> -> memref<128x128xf32, #tpu.memory_space<vmem>>
      %dma_start3A_130 = arith.constant 0 : i32
      %dma_start3A_131 = tpu.memref_slice %arg10[%add3A_88, %dma_start3A_130] : memref<10112x128xf32, #tpu.memory_space<vmem_shared>> -> memref<128x128xf32, #tpu.memory_space<vmem_shared>>
      tpu.enqueue_dma source(%dma_start3A_131 : memref<128x128xf32, #tpu.memory_space<vmem_shared>>) target(%dma_start3A_129 : memref<128x128xf32, #tpu.memory_space<vmem>>) target_semaphore(%run_scoped3A_113 : memref<!tpu.dma_semaphore, #tpu.memory_space<semaphore_mem>>)
      %dma_wait3A = arith.constant 0 : i32
      %dma_wait3A_132 = arith.constant 0 : i32
      %dma_wait3A_133 = tpu.memref_slice %arg9[%run_scoped3A_89, %dma_wait3A, %dma_wait3A_132] : memref<2x128x128xf32, #tpu.memory_space<vmem>> -> memref<1x128x128xf32, #tpu.memory_space<vmem>>
      %dma_wait3A_134 = tpu.memref_squeeze %dma_wait3A_133 : memref<1x128x128xf32, #tpu.memory_space<vmem>> -> memref<128x128xf32, #tpu.memory_space<vmem>>
      %dma_wait3A_135 = arith.constant 0 : i32
      %dma_wait3A_136 = arith.constant 0 : i32
      %dma_wait3A_137 = tpu.memref_slice %dma_wait3A_134[%dma_wait3A_135, %dma_wait3A_136] : memref<128x128xf32, #tpu.memory_space<vmem>> -> memref<128x128xf32, #tpu.memory_space<vmem>>
      %dma_wait3A_138 = arith.constant 0 : i32
      %dma_wait3A_139 = tpu.memref_slice %arg10[%add3A_88, %dma_wait3A_138] : memref<10112x128xf32, #tpu.memory_space<vmem_shared>> -> memref<128x128xf32, #tpu.memory_space<vmem_shared>>
      %dma_wait3A_140 = arith.constant 0 : i32
      %dma_wait3A_141 = arith.constant 0 : i32
      %dma_wait3A_142 = tpu.memref_slice %arg9[%run_scoped3A_89, %dma_wait3A_140, %dma_wait3A_141] : memref<2x128x128xf32, #tpu.memory_space<vmem>> -> memref<1x128x128xf32, #tpu.memory_space<vmem>>
      %dma_wait3A_143 = tpu.memref_squeeze %dma_wait3A_142 : memref<1x128x128xf32, #tpu.memory_space<vmem>> -> memref<128x128xf32, #tpu.memory_space<vmem>>
      %dma_wait3A_144 = arith.constant 0 : i32
      %dma_wait3A_145 = arith.constant 0 : i32
      %dma_wait3A_146 = tpu.memref_slice %dma_wait3A_143[%dma_wait3A_144, %dma_wait3A_145] : memref<128x128xf32, #tpu.memory_space<vmem>> -> memref<128x128xf32, #tpu.memory_space<vmem>>
      %dma_wait3A_147 = arith.constant 0 : i32
      %dma_wait3A_148 = tpu.memref_slice %arg10[%add3A_88, %dma_wait3A_147] : memref<10112x128xf32, #tpu.memory_space<vmem_shared>> -> memref<128x128xf32, #tpu.memory_space<vmem_shared>>
      tpu.wait_dma2 semaphore(%run_scoped3A_113 : memref<!tpu.dma_semaphore, #tpu.memory_space<semaphore_mem>>) src(%dma_wait3A_148 : memref<128x128xf32, #tpu.memory_space<vmem_shared>>) dst(%dma_wait3A_146 : memref<128x128xf32, #tpu.memory_space<vmem>>)
      tpu.yield
    }) : () -> ()
    %run_scoped3A_90 = arith.constant 0 : i32
    "tpu.region"() ({
      %run_scoped3A_113 = tpu.sem_alloc : memref<!tpu.dma_semaphore, #tpu.memory_space<semaphore_mem>>
      %dma_start3A_114 = arith.constant 0 : i32
      %dma_start3A_115 = arith.constant 0 : i32
      %dma_start3A_116 = tpu.memref_slice %arg9[%run_scoped3A_90, %dma_start3A_114, %dma_start3A_115] : memref<2x128x128xf32, #tpu.memory_space<vmem>> -> memref<1x128x128xf32, #tpu.memory_space<vmem>>
      %dma_start3A_117 = tpu.memref_squeeze %dma_start3A_116 : memref<1x128x128xf32, #tpu.memory_space<vmem>> -> memref<128x128xf32, #tpu.memory_space<vmem>>
      %dma_start3A_118 = arith.constant 0 : i32
      %dma_start3A_119 = arith.constant 0 : i32
      %dma_start3A_120 = tpu.memref_slice %dma_start3A_117[%dma_start3A_118, %dma_start3A_119] : memref<128x128xf32, #tpu.memory_space<vmem>> -> memref<128x128xf32, #tpu.memory_space<vmem>>
      %dma_start3A_121 = arith.constant 0 : i32
      %dma_start3A_122 = arith.constant 0 : i32
      %dma_start3A_123 = tpu.memref_slice %arg6[%arg0, %dma_start3A_121, %dma_start3A_122] : memref<2x10000x128xf32, #tpu.memory_space<hbm>> -> memref<1x10000x128xf32, #tpu.memory_space<hbm>>
      %dma_start3A_124 = tpu.memref_squeeze %dma_start3A_123 : memref<1x10000x128xf32, #tpu.memory_space<hbm>> -> memref<10000x128xf32, #tpu.memory_space<hbm>>
      %dma_start3A_125 = arith.constant 0 : i32
      %dma_start3A_126 = tpu.memref_slice %dma_start3A_124[%add3A_88, %dma_start3A_125] : memref<10000x128xf32, #tpu.memory_space<hbm>> -> memref<128x128xf32, #tpu.memory_space<hbm>>
      %dma_start3A_127 = arith.constant 0 : i32
      %dma_start3A_128 = arith.constant 0 : i32
      %dma_start3A_129 = tpu.memref_slice %arg6[%arg0, %dma_start3A_127, %dma_start3A_128] : memref<2x10000x128xf32, #tpu.memory_space<hbm>> -> memref<1x10000x128xf32, #tpu.memory_space<hbm>>
      %dma_start3A_130 = tpu.memref_squeeze %dma_start3A_129 : memref<1x10000x128xf32, #tpu.memory_space<hbm>> -> memref<10000x128xf32, #tpu.memory_space<hbm>>
      %dma_start3A_131 = arith.constant 0 : i32
      %dma_start3A_132 = tpu.memref_slice %dma_start3A_130[%add3A_88, %dma_start3A_131] : memref<10000x128xf32, #tpu.memory_space<hbm>> -> memref<128x128xf32, #tpu.memory_space<hbm>>
      %dma_start3A_133 = arith.constant 0 : i32
      %dma_start3A_134 = arith.constant 0 : i32
      %dma_start3A_135 = tpu.memref_slice %arg9[%run_scoped3A_90, %dma_start3A_133, %dma_start3A_134] : memref<2x128x128xf32, #tpu.memory_space<vmem>> -> memref<1x128x128xf32, #tpu.memory_space<vmem>>
      %dma_start3A_136 = tpu.memref_squeeze %dma_start3A_135 : memref<1x128x128xf32, #tpu.memory_space<vmem>> -> memref<128x128xf32, #tpu.memory_space<vmem>>
      %dma_start3A_137 = arith.constant 0 : i32
      %dma_start3A_138 = arith.constant 0 : i32
      %dma_start3A_139 = tpu.memref_slice %dma_start3A_136[%dma_start3A_137, %dma_start3A_138] : memref<128x128xf32, #tpu.memory_space<vmem>> -> memref<128x128xf32, #tpu.memory_space<vmem>>
      tpu.enqueue_dma source(%dma_start3A_139 : memref<128x128xf32, #tpu.memory_space<vmem>>) target(%dma_start3A_132 : memref<128x128xf32, #tpu.memory_space<hbm>>) target_semaphore(%run_scoped3A_113 : memref<!tpu.dma_semaphore, #tpu.memory_space<semaphore_mem>>)
      %dma_wait3A = arith.constant 0 : i32
      %dma_wait3A_140 = arith.constant 0 : i32
      %dma_wait3A_141 = tpu.memref_slice %arg9[%run_scoped3A_90, %dma_wait3A, %dma_wait3A_140] : memref<2x128x128xf32, #tpu.memory_space<vmem>> -> memref<1x128x128xf32, #tpu.memory_space<vmem>>
      %dma_wait3A_142 = tpu.memref_squeeze %dma_wait3A_141 : memref<1x128x128xf32, #tpu.memory_space<vmem>> -> memref<128x128xf32, #tpu.memory_space<vmem>>
      %dma_wait3A_143 = arith.constant 0 : i32
      %dma_wait3A_144 = arith.constant 0 : i32
      %dma_wait3A_145 = tpu.memref_slice %dma_wait3A_142[%dma_wait3A_143, %dma_wait3A_144] : memref<128x128xf32, #tpu.memory_space<vmem>> -> memref<128x128xf32, #tpu.memory_space<vmem>>
      %dma_wait3A_146 = arith.constant 0 : i32
      %dma_wait3A_147 = arith.constant 0 : i32
      %dma_wait3A_148 = tpu.memref_slice %arg6[%arg0, %dma_wait3A_146, %dma_wait3A_147] : memref<2x10000x128xf32, #tpu.memory_space<hbm>> -> memref<1x10000x128xf32, #tpu.memory_space<hbm>>
      %dma_wait3A_149 = tpu.memref_squeeze %dma_wait3A_148 : memref<1x10000x128xf32, #tpu.memory_space<hbm>> -> memref<10000x128xf32, #tpu.memory_space<hbm>>
      %dma_wait3A_150 = arith.constant 0 : i32
      %dma_wait3A_151 = tpu.memref_slice %dma_wait3A_149[%add3A_88, %dma_wait3A_150] : memref<10000x128xf32, #tpu.memory_space<hbm>> -> memref<128x128xf32, #tpu.memory_space<hbm>>
      %dma_wait3A_152 = arith.constant 0 : i32
      %dma_wait3A_153 = arith.constant 0 : i32
      %dma_wait3A_154 = tpu.memref_slice %arg6[%arg0, %dma_wait3A_152, %dma_wait3A_153] : memref<2x10000x128xf32, #tpu.memory_space<hbm>> -> memref<1x10000x128xf32, #tpu.memory_space<hbm>>
      %dma_wait3A_155 = tpu.memref_squeeze %dma_wait3A_154 : memref<1x10000x128xf32, #tpu.memory_space<hbm>> -> memref<10000x128xf32, #tpu.memory_space<hbm>>
      %dma_wait3A_156 = arith.constant 0 : i32
      %dma_wait3A_157 = tpu.memref_slice %dma_wait3A_155[%add3A_88, %dma_wait3A_156] : memref<10000x128xf32, #tpu.memory_space<hbm>> -> memref<128x128xf32, #tpu.memory_space<hbm>>
      %dma_wait3A_158 = arith.constant 0 : i32
      %dma_wait3A_159 = arith.constant 0 : i32
      %dma_wait3A_160 = tpu.memref_slice %arg9[%run_scoped3A_90, %dma_wait3A_158, %dma_wait3A_159] : memref<2x128x128xf32, #tpu.memory_space<vmem>> -> memref<1x128x128xf32, #tpu.memory_space<vmem>>
      %dma_wait3A_161 = tpu.memref_squeeze %dma_wait3A_160 : memref<1x128x128xf32, #tpu.memory_space<vmem>> -> memref<128x128xf32, #tpu.memory_space<vmem>>
      %dma_wait3A_162 = arith.constant 0 : i32
      %dma_wait3A_163 = arith.constant 0 : i32
      %dma_wait3A_164 = tpu.memref_slice %dma_wait3A_161[%dma_wait3A_162, %dma_wait3A_163] : memref<128x128xf32, #tpu.memory_space<vmem>> -> memref<128x128xf32, #tpu.memory_space<vmem>>
      tpu.wait_dma2 semaphore(%run_scoped3A_113 : memref<!tpu.dma_semaphore, #tpu.memory_space<semaphore_mem>>) src(%dma_wait3A_164 : memref<128x128xf32, #tpu.memory_space<vmem>>) dst(%dma_wait3A_157 : memref<128x128xf32, #tpu.memory_space<hbm>>)
      tpu.yield
    }) : () -> ()
    %mul3A_91 = arith.constant 624 : i32
    %mul3A_92 = arith.muli %arg1, %mul3A_91 : i32
    %add3A_93 = arith.constant 256 : i32
    %add3A_94 = arith.addi %mul3A_92, %add3A_93 : i32
    %run_scoped3A_95 = arith.constant 0 : i32
    "tpu.region"() ({
      %run_scoped3A_113 = tpu.sem_alloc : memref<!tpu.dma_semaphore, #tpu.memory_space<semaphore_mem>>
      %dma_start3A_114 = arith.constant 0 : i32
      %dma_start3A_115 = arith.constant 0 : i32
      %dma_start3A_116 = tpu.memref_slice %arg9[%run_scoped3A_95, %dma_start3A_114, %dma_start3A_115] : memref<2x128x128xf32, #tpu.memory_space<vmem>> -> memref<1x128x128xf32, #tpu.memory_space<vmem>>
      %dma_start3A_117 = tpu.memref_squeeze %dma_start3A_116 : memref<1x128x128xf32, #tpu.memory_space<vmem>> -> memref<128x128xf32, #tpu.memory_space<vmem>>
      %dma_start3A_118 = arith.constant 0 : i32
      %dma_start3A_119 = arith.constant 0 : i32
      %dma_start3A_120 = tpu.memref_slice %dma_start3A_117[%dma_start3A_118, %dma_start3A_119] : memref<128x128xf32, #tpu.memory_space<vmem>> -> memref<128x128xf32, #tpu.memory_space<vmem>>
      %dma_start3A_121 = arith.constant 0 : i32
      %dma_start3A_122 = tpu.memref_slice %arg10[%add3A_94, %dma_start3A_121] : memref<10112x128xf32, #tpu.memory_space<vmem_shared>> -> memref<128x128xf32, #tpu.memory_space<vmem_shared>>
      %dma_start3A_123 = arith.constant 0 : i32
      %dma_start3A_124 = arith.constant 0 : i32
      %dma_start3A_125 = tpu.memref_slice %arg9[%run_scoped3A_95, %dma_start3A_123, %dma_start3A_124] : memref<2x128x128xf32, #tpu.memory_space<vmem>> -> memref<1x128x128xf32, #tpu.memory_space<vmem>>
      %dma_start3A_126 = tpu.memref_squeeze %dma_start3A_125 : memref<1x128x128xf32, #tpu.memory_space<vmem>> -> memref<128x128xf32, #tpu.memory_space<vmem>>
      %dma_start3A_127 = arith.constant 0 : i32
      %dma_start3A_128 = arith.constant 0 : i32
      %dma_start3A_129 = tpu.memref_slice %dma_start3A_126[%dma_start3A_127, %dma_start3A_128] : memref<128x128xf32, #tpu.memory_space<vmem>> -> memref<128x128xf32, #tpu.memory_space<vmem>>
      %dma_start3A_130 = arith.constant 0 : i32
      %dma_start3A_131 = tpu.memref_slice %arg10[%add3A_94, %dma_start3A_130] : memref<10112x128xf32, #tpu.memory_space<vmem_shared>> -> memref<128x128xf32, #tpu.memory_space<vmem_shared>>
      tpu.enqueue_dma source(%dma_start3A_131 : memref<128x128xf32, #tpu.memory_space<vmem_shared>>) target(%dma_start3A_129 : memref<128x128xf32, #tpu.memory_space<vmem>>) target_semaphore(%run_scoped3A_113 : memref<!tpu.dma_semaphore, #tpu.memory_space<semaphore_mem>>)
      %dma_wait3A = arith.constant 0 : i32
      %dma_wait3A_132 = arith.constant 0 : i32
      %dma_wait3A_133 = tpu.memref_slice %arg9[%run_scoped3A_95, %dma_wait3A, %dma_wait3A_132] : memref<2x128x128xf32, #tpu.memory_space<vmem>> -> memref<1x128x128xf32, #tpu.memory_space<vmem>>
      %dma_wait3A_134 = tpu.memref_squeeze %dma_wait3A_133 : memref<1x128x128xf32, #tpu.memory_space<vmem>> -> memref<128x128xf32, #tpu.memory_space<vmem>>
      %dma_wait3A_135 = arith.constant 0 : i32
      %dma_wait3A_136 = arith.constant 0 : i32
      %dma_wait3A_137 = tpu.memref_slice %dma_wait3A_134[%dma_wait3A_135, %dma_wait3A_136] : memref<128x128xf32, #tpu.memory_space<vmem>> -> memref<128x128xf32, #tpu.memory_space<vmem>>
      %dma_wait3A_138 = arith.constant 0 : i32
      %dma_wait3A_139 = tpu.memref_slice %arg10[%add3A_94, %dma_wait3A_138] : memref<10112x128xf32, #tpu.memory_space<vmem_shared>> -> memref<128x128xf32, #tpu.memory_space<vmem_shared>>
      %dma_wait3A_140 = arith.constant 0 : i32
      %dma_wait3A_141 = arith.constant 0 : i32
      %dma_wait3A_142 = tpu.memref_slice %arg9[%run_scoped3A_95, %dma_wait3A_140, %dma_wait3A_141] : memref<2x128x128xf32, #tpu.memory_space<vmem>> -> memref<1x128x128xf32, #tpu.memory_space<vmem>>
      %dma_wait3A_143 = tpu.memref_squeeze %dma_wait3A_142 : memref<1x128x128xf32, #tpu.memory_space<vmem>> -> memref<128x128xf32, #tpu.memory_space<vmem>>
      %dma_wait3A_144 = arith.constant 0 : i32
      %dma_wait3A_145 = arith.constant 0 : i32
      %dma_wait3A_146 = tpu.memref_slice %dma_wait3A_143[%dma_wait3A_144, %dma_wait3A_145] : memref<128x128xf32, #tpu.memory_space<vmem>> -> memref<128x128xf32, #tpu.memory_space<vmem>>
      %dma_wait3A_147 = arith.constant 0 : i32
      %dma_wait3A_148 = tpu.memref_slice %arg10[%add3A_94, %dma_wait3A_147] : memref<10112x128xf32, #tpu.memory_space<vmem_shared>> -> memref<128x128xf32, #tpu.memory_space<vmem_shared>>
      tpu.wait_dma2 semaphore(%run_scoped3A_113 : memref<!tpu.dma_semaphore, #tpu.memory_space<semaphore_mem>>) src(%dma_wait3A_148 : memref<128x128xf32, #tpu.memory_space<vmem_shared>>) dst(%dma_wait3A_146 : memref<128x128xf32, #tpu.memory_space<vmem>>)
      tpu.yield
    }) : () -> ()
    %run_scoped3A_96 = arith.constant 0 : i32
    "tpu.region"() ({
      %run_scoped3A_113 = tpu.sem_alloc : memref<!tpu.dma_semaphore, #tpu.memory_space<semaphore_mem>>
      %dma_start3A_114 = arith.constant 0 : i32
      %dma_start3A_115 = arith.constant 0 : i32
      %dma_start3A_116 = tpu.memref_slice %arg9[%run_scoped3A_96, %dma_start3A_114, %dma_start3A_115] : memref<2x128x128xf32, #tpu.memory_space<vmem>> -> memref<1x128x128xf32, #tpu.memory_space<vmem>>
      %dma_start3A_117 = tpu.memref_squeeze %dma_start3A_116 : memref<1x128x128xf32, #tpu.memory_space<vmem>> -> memref<128x128xf32, #tpu.memory_space<vmem>>
      %dma_start3A_118 = arith.constant 0 : i32
      %dma_start3A_119 = arith.constant 0 : i32
      %dma_start3A_120 = tpu.memref_slice %dma_start3A_117[%dma_start3A_118, %dma_start3A_119] : memref<128x128xf32, #tpu.memory_space<vmem>> -> memref<128x128xf32, #tpu.memory_space<vmem>>
      %dma_start3A_121 = arith.constant 0 : i32
      %dma_start3A_122 = arith.constant 0 : i32
      %dma_start3A_123 = tpu.memref_slice %arg6[%arg0, %dma_start3A_121, %dma_start3A_122] : memref<2x10000x128xf32, #tpu.memory_space<hbm>> -> memref<1x10000x128xf32, #tpu.memory_space<hbm>>
      %dma_start3A_124 = tpu.memref_squeeze %dma_start3A_123 : memref<1x10000x128xf32, #tpu.memory_space<hbm>> -> memref<10000x128xf32, #tpu.memory_space<hbm>>
      %dma_start3A_125 = arith.constant 0 : i32
      %dma_start3A_126 = tpu.memref_slice %dma_start3A_124[%add3A_94, %dma_start3A_125] : memref<10000x128xf32, #tpu.memory_space<hbm>> -> memref<128x128xf32, #tpu.memory_space<hbm>>
      %dma_start3A_127 = arith.constant 0 : i32
      %dma_start3A_128 = arith.constant 0 : i32
      %dma_start3A_129 = tpu.memref_slice %arg6[%arg0, %dma_start3A_127, %dma_start3A_128] : memref<2x10000x128xf32, #tpu.memory_space<hbm>> -> memref<1x10000x128xf32, #tpu.memory_space<hbm>>
      %dma_start3A_130 = tpu.memref_squeeze %dma_start3A_129 : memref<1x10000x128xf32, #tpu.memory_space<hbm>> -> memref<10000x128xf32, #tpu.memory_space<hbm>>
      %dma_start3A_131 = arith.constant 0 : i32
      %dma_start3A_132 = tpu.memref_slice %dma_start3A_130[%add3A_94, %dma_start3A_131] : memref<10000x128xf32, #tpu.memory_space<hbm>> -> memref<128x128xf32, #tpu.memory_space<hbm>>
      %dma_start3A_133 = arith.constant 0 : i32
      %dma_start3A_134 = arith.constant 0 : i32
      %dma_start3A_135 = tpu.memref_slice %arg9[%run_scoped3A_96, %dma_start3A_133, %dma_start3A_134] : memref<2x128x128xf32, #tpu.memory_space<vmem>> -> memref<1x128x128xf32, #tpu.memory_space<vmem>>
      %dma_start3A_136 = tpu.memref_squeeze %dma_start3A_135 : memref<1x128x128xf32, #tpu.memory_space<vmem>> -> memref<128x128xf32, #tpu.memory_space<vmem>>
      %dma_start3A_137 = arith.constant 0 : i32
      %dma_start3A_138 = arith.constant 0 : i32
      %dma_start3A_139 = tpu.memref_slice %dma_start3A_136[%dma_start3A_137, %dma_start3A_138] : memref<128x128xf32, #tpu.memory_space<vmem>> -> memref<128x128xf32, #tpu.memory_space<vmem>>
      tpu.enqueue_dma source(%dma_start3A_139 : memref<128x128xf32, #tpu.memory_space<vmem>>) target(%dma_start3A_132 : memref<128x128xf32, #tpu.memory_space<hbm>>) target_semaphore(%run_scoped3A_113 : memref<!tpu.dma_semaphore, #tpu.memory_space<semaphore_mem>>)
      %dma_wait3A = arith.constant 0 : i32
      %dma_wait3A_140 = arith.constant 0 : i32
      %dma_wait3A_141 = tpu.memref_slice %arg9[%run_scoped3A_96, %dma_wait3A, %dma_wait3A_140] : memref<2x128x128xf32, #tpu.memory_space<vmem>> -> memref<1x128x128xf32, #tpu.memory_space<vmem>>
      %dma_wait3A_142 = tpu.memref_squeeze %dma_wait3A_141 : memref<1x128x128xf32, #tpu.memory_space<vmem>> -> memref<128x128xf32, #tpu.memory_space<vmem>>
      %dma_wait3A_143 = arith.constant 0 : i32
      %dma_wait3A_144 = arith.constant 0 : i32
      %dma_wait3A_145 = tpu.memref_slice %dma_wait3A_142[%dma_wait3A_143, %dma_wait3A_144] : memref<128x128xf32, #tpu.memory_space<vmem>> -> memref<128x128xf32, #tpu.memory_space<vmem>>
      %dma_wait3A_146 = arith.constant 0 : i32
      %dma_wait3A_147 = arith.constant 0 : i32
      %dma_wait3A_148 = tpu.memref_slice %arg6[%arg0, %dma_wait3A_146, %dma_wait3A_147] : memref<2x10000x128xf32, #tpu.memory_space<hbm>> -> memref<1x10000x128xf32, #tpu.memory_space<hbm>>
      %dma_wait3A_149 = tpu.memref_squeeze %dma_wait3A_148 : memref<1x10000x128xf32, #tpu.memory_space<hbm>> -> memref<10000x128xf32, #tpu.memory_space<hbm>>
      %dma_wait3A_150 = arith.constant 0 : i32
      %dma_wait3A_151 = tpu.memref_slice %dma_wait3A_149[%add3A_94, %dma_wait3A_150] : memref<10000x128xf32, #tpu.memory_space<hbm>> -> memref<128x128xf32, #tpu.memory_space<hbm>>
      %dma_wait3A_152 = arith.constant 0 : i32
      %dma_wait3A_153 = arith.constant 0 : i32
      %dma_wait3A_154 = tpu.memref_slice %arg6[%arg0, %dma_wait3A_152, %dma_wait3A_153] : memref<2x10000x128xf32, #tpu.memory_space<hbm>> -> memref<1x10000x128xf32, #tpu.memory_space<hbm>>
      %dma_wait3A_155 = tpu.memref_squeeze %dma_wait3A_154 : memref<1x10000x128xf32, #tpu.memory_space<hbm>> -> memref<10000x128xf32, #tpu.memory_space<hbm>>
      %dma_wait3A_156 = arith.constant 0 : i32
      %dma_wait3A_157 = tpu.memref_slice %dma_wait3A_155[%add3A_94, %dma_wait3A_156] : memref<10000x128xf32, #tpu.memory_space<hbm>> -> memref<128x128xf32, #tpu.memory_space<hbm>>
      %dma_wait3A_158 = arith.constant 0 : i32
      %dma_wait3A_159 = arith.constant 0 : i32
      %dma_wait3A_160 = tpu.memref_slice %arg9[%run_scoped3A_96, %dma_wait3A_158, %dma_wait3A_159] : memref<2x128x128xf32, #tpu.memory_space<vmem>> -> memref<1x128x128xf32, #tpu.memory_space<vmem>>
      %dma_wait3A_161 = tpu.memref_squeeze %dma_wait3A_160 : memref<1x128x128xf32, #tpu.memory_space<vmem>> -> memref<128x128xf32, #tpu.memory_space<vmem>>
      %dma_wait3A_162 = arith.constant 0 : i32
      %dma_wait3A_163 = arith.constant 0 : i32
      %dma_wait3A_164 = tpu.memref_slice %dma_wait3A_161[%dma_wait3A_162, %dma_wait3A_163] : memref<128x128xf32, #tpu.memory_space<vmem>> -> memref<128x128xf32, #tpu.memory_space<vmem>>
      tpu.wait_dma2 semaphore(%run_scoped3A_113 : memref<!tpu.dma_semaphore, #tpu.memory_space<semaphore_mem>>) src(%dma_wait3A_164 : memref<128x128xf32, #tpu.memory_space<vmem>>) dst(%dma_wait3A_157 : memref<128x128xf32, #tpu.memory_space<hbm>>)
      tpu.yield
    }) : () -> ()
    %mul3A_97 = arith.constant 624 : i32
    %mul3A_98 = arith.muli %arg1, %mul3A_97 : i32
    %add3A_99 = arith.constant 384 : i32
    %add3A_100 = arith.addi %mul3A_98, %add3A_99 : i32
    %run_scoped3A_101 = arith.constant 0 : i32
    "tpu.region"() ({
      %run_scoped3A_113 = tpu.sem_alloc : memref<!tpu.dma_semaphore, #tpu.memory_space<semaphore_mem>>
      %dma_start3A_114 = arith.constant 0 : i32
      %dma_start3A_115 = arith.constant 0 : i32
      %dma_start3A_116 = tpu.memref_slice %arg9[%run_scoped3A_101, %dma_start3A_114, %dma_start3A_115] : memref<2x128x128xf32, #tpu.memory_space<vmem>> -> memref<1x128x128xf32, #tpu.memory_space<vmem>>
      %dma_start3A_117 = tpu.memref_squeeze %dma_start3A_116 : memref<1x128x128xf32, #tpu.memory_space<vmem>> -> memref<128x128xf32, #tpu.memory_space<vmem>>
      %dma_start3A_118 = arith.constant 0 : i32
      %dma_start3A_119 = arith.constant 0 : i32
      %dma_start3A_120 = tpu.memref_slice %dma_start3A_117[%dma_start3A_118, %dma_start3A_119] : memref<128x128xf32, #tpu.memory_space<vmem>> -> memref<128x128xf32, #tpu.memory_space<vmem>>
      %dma_start3A_121 = arith.constant 0 : i32
      %dma_start3A_122 = tpu.memref_slice %arg10[%add3A_100, %dma_start3A_121] : memref<10112x128xf32, #tpu.memory_space<vmem_shared>> -> memref<128x128xf32, #tpu.memory_space<vmem_shared>>
      %dma_start3A_123 = arith.constant 0 : i32
      %dma_start3A_124 = arith.constant 0 : i32
      %dma_start3A_125 = tpu.memref_slice %arg9[%run_scoped3A_101, %dma_start3A_123, %dma_start3A_124] : memref<2x128x128xf32, #tpu.memory_space<vmem>> -> memref<1x128x128xf32, #tpu.memory_space<vmem>>
      %dma_start3A_126 = tpu.memref_squeeze %dma_start3A_125 : memref<1x128x128xf32, #tpu.memory_space<vmem>> -> memref<128x128xf32, #tpu.memory_space<vmem>>
      %dma_start3A_127 = arith.constant 0 : i32
      %dma_start3A_128 = arith.constant 0 : i32
      %dma_start3A_129 = tpu.memref_slice %dma_start3A_126[%dma_start3A_127, %dma_start3A_128] : memref<128x128xf32, #tpu.memory_space<vmem>> -> memref<128x128xf32, #tpu.memory_space<vmem>>
      %dma_start3A_130 = arith.constant 0 : i32
      %dma_start3A_131 = tpu.memref_slice %arg10[%add3A_100, %dma_start3A_130] : memref<10112x128xf32, #tpu.memory_space<vmem_shared>> -> memref<128x128xf32, #tpu.memory_space<vmem_shared>>
      tpu.enqueue_dma source(%dma_start3A_131 : memref<128x128xf32, #tpu.memory_space<vmem_shared>>) target(%dma_start3A_129 : memref<128x128xf32, #tpu.memory_space<vmem>>) target_semaphore(%run_scoped3A_113 : memref<!tpu.dma_semaphore, #tpu.memory_space<semaphore_mem>>)
      %dma_wait3A = arith.constant 0 : i32
      %dma_wait3A_132 = arith.constant 0 : i32
      %dma_wait3A_133 = tpu.memref_slice %arg9[%run_scoped3A_101, %dma_wait3A, %dma_wait3A_132] : memref<2x128x128xf32, #tpu.memory_space<vmem>> -> memref<1x128x128xf32, #tpu.memory_space<vmem>>
      %dma_wait3A_134 = tpu.memref_squeeze %dma_wait3A_133 : memref<1x128x128xf32, #tpu.memory_space<vmem>> -> memref<128x128xf32, #tpu.memory_space<vmem>>
      %dma_wait3A_135 = arith.constant 0 : i32
      %dma_wait3A_136 = arith.constant 0 : i32
      %dma_wait3A_137 = tpu.memref_slice %dma_wait3A_134[%dma_wait3A_135, %dma_wait3A_136] : memref<128x128xf32, #tpu.memory_space<vmem>> -> memref<128x128xf32, #tpu.memory_space<vmem>>
      %dma_wait3A_138 = arith.constant 0 : i32
      %dma_wait3A_139 = tpu.memref_slice %arg10[%add3A_100, %dma_wait3A_138] : memref<10112x128xf32, #tpu.memory_space<vmem_shared>> -> memref<128x128xf32, #tpu.memory_space<vmem_shared>>
      %dma_wait3A_140 = arith.constant 0 : i32
      %dma_wait3A_141 = arith.constant 0 : i32
      %dma_wait3A_142 = tpu.memref_slice %arg9[%run_scoped3A_101, %dma_wait3A_140, %dma_wait3A_141] : memref<2x128x128xf32, #tpu.memory_space<vmem>> -> memref<1x128x128xf32, #tpu.memory_space<vmem>>
      %dma_wait3A_143 = tpu.memref_squeeze %dma_wait3A_142 : memref<1x128x128xf32, #tpu.memory_space<vmem>> -> memref<128x128xf32, #tpu.memory_space<vmem>>
      %dma_wait3A_144 = arith.constant 0 : i32
      %dma_wait3A_145 = arith.constant 0 : i32
      %dma_wait3A_146 = tpu.memref_slice %dma_wait3A_143[%dma_wait3A_144, %dma_wait3A_145] : memref<128x128xf32, #tpu.memory_space<vmem>> -> memref<128x128xf32, #tpu.memory_space<vmem>>
      %dma_wait3A_147 = arith.constant 0 : i32
      %dma_wait3A_148 = tpu.memref_slice %arg10[%add3A_100, %dma_wait3A_147] : memref<10112x128xf32, #tpu.memory_space<vmem_shared>> -> memref<128x128xf32, #tpu.memory_space<vmem_shared>>
      tpu.wait_dma2 semaphore(%run_scoped3A_113 : memref<!tpu.dma_semaphore, #tpu.memory_space<semaphore_mem>>) src(%dma_wait3A_148 : memref<128x128xf32, #tpu.memory_space<vmem_shared>>) dst(%dma_wait3A_146 : memref<128x128xf32, #tpu.memory_space<vmem>>)
      tpu.yield
    }) : () -> ()
    %run_scoped3A_102 = arith.constant 0 : i32
    "tpu.region"() ({
      %run_scoped3A_113 = tpu.sem_alloc : memref<!tpu.dma_semaphore, #tpu.memory_space<semaphore_mem>>
      %dma_start3A_114 = arith.constant 0 : i32
      %dma_start3A_115 = arith.constant 0 : i32
      %dma_start3A_116 = tpu.memref_slice %arg9[%run_scoped3A_102, %dma_start3A_114, %dma_start3A_115] : memref<2x128x128xf32, #tpu.memory_space<vmem>> -> memref<1x128x128xf32, #tpu.memory_space<vmem>>
      %dma_start3A_117 = tpu.memref_squeeze %dma_start3A_116 : memref<1x128x128xf32, #tpu.memory_space<vmem>> -> memref<128x128xf32, #tpu.memory_space<vmem>>
      %dma_start3A_118 = arith.constant 0 : i32
      %dma_start3A_119 = arith.constant 0 : i32
      %dma_start3A_120 = tpu.memref_slice %dma_start3A_117[%dma_start3A_118, %dma_start3A_119] : memref<128x128xf32, #tpu.memory_space<vmem>> -> memref<128x128xf32, #tpu.memory_space<vmem>>
      %dma_start3A_121 = arith.constant 0 : i32
      %dma_start3A_122 = arith.constant 0 : i32
      %dma_start3A_123 = tpu.memref_slice %arg6[%arg0, %dma_start3A_121, %dma_start3A_122] : memref<2x10000x128xf32, #tpu.memory_space<hbm>> -> memref<1x10000x128xf32, #tpu.memory_space<hbm>>
      %dma_start3A_124 = tpu.memref_squeeze %dma_start3A_123 : memref<1x10000x128xf32, #tpu.memory_space<hbm>> -> memref<10000x128xf32, #tpu.memory_space<hbm>>
      %dma_start3A_125 = arith.constant 0 : i32
      %dma_start3A_126 = tpu.memref_slice %dma_start3A_124[%add3A_100, %dma_start3A_125] : memref<10000x128xf32, #tpu.memory_space<hbm>> -> memref<128x128xf32, #tpu.memory_space<hbm>>
      %dma_start3A_127 = arith.constant 0 : i32
      %dma_start3A_128 = arith.constant 0 : i32
      %dma_start3A_129 = tpu.memref_slice %arg6[%arg0, %dma_start3A_127, %dma_start3A_128] : memref<2x10000x128xf32, #tpu.memory_space<hbm>> -> memref<1x10000x128xf32, #tpu.memory_space<hbm>>
      %dma_start3A_130 = tpu.memref_squeeze %dma_start3A_129 : memref<1x10000x128xf32, #tpu.memory_space<hbm>> -> memref<10000x128xf32, #tpu.memory_space<hbm>>
      %dma_start3A_131 = arith.constant 0 : i32
      %dma_start3A_132 = tpu.memref_slice %dma_start3A_130[%add3A_100, %dma_start3A_131] : memref<10000x128xf32, #tpu.memory_space<hbm>> -> memref<128x128xf32, #tpu.memory_space<hbm>>
      %dma_start3A_133 = arith.constant 0 : i32
      %dma_start3A_134 = arith.constant 0 : i32
      %dma_start3A_135 = tpu.memref_slice %arg9[%run_scoped3A_102, %dma_start3A_133, %dma_start3A_134] : memref<2x128x128xf32, #tpu.memory_space<vmem>> -> memref<1x128x128xf32, #tpu.memory_space<vmem>>
      %dma_start3A_136 = tpu.memref_squeeze %dma_start3A_135 : memref<1x128x128xf32, #tpu.memory_space<vmem>> -> memref<128x128xf32, #tpu.memory_space<vmem>>
      %dma_start3A_137 = arith.constant 0 : i32
      %dma_start3A_138 = arith.constant 0 : i32
      %dma_start3A_139 = tpu.memref_slice %dma_start3A_136[%dma_start3A_137, %dma_start3A_138] : memref<128x128xf32, #tpu.memory_space<vmem>> -> memref<128x128xf32, #tpu.memory_space<vmem>>
      tpu.enqueue_dma source(%dma_start3A_139 : memref<128x128xf32, #tpu.memory_space<vmem>>) target(%dma_start3A_132 : memref<128x128xf32, #tpu.memory_space<hbm>>) target_semaphore(%run_scoped3A_113 : memref<!tpu.dma_semaphore, #tpu.memory_space<semaphore_mem>>)
      %dma_wait3A = arith.constant 0 : i32
      %dma_wait3A_140 = arith.constant 0 : i32
      %dma_wait3A_141 = tpu.memref_slice %arg9[%run_scoped3A_102, %dma_wait3A, %dma_wait3A_140] : memref<2x128x128xf32, #tpu.memory_space<vmem>> -> memref<1x128x128xf32, #tpu.memory_space<vmem>>
      %dma_wait3A_142 = tpu.memref_squeeze %dma_wait3A_141 : memref<1x128x128xf32, #tpu.memory_space<vmem>> -> memref<128x128xf32, #tpu.memory_space<vmem>>
      %dma_wait3A_143 = arith.constant 0 : i32
      %dma_wait3A_144 = arith.constant 0 : i32
      %dma_wait3A_145 = tpu.memref_slice %dma_wait3A_142[%dma_wait3A_143, %dma_wait3A_144] : memref<128x128xf32, #tpu.memory_space<vmem>> -> memref<128x128xf32, #tpu.memory_space<vmem>>
      %dma_wait3A_146 = arith.constant 0 : i32
      %dma_wait3A_147 = arith.constant 0 : i32
      %dma_wait3A_148 = tpu.memref_slice %arg6[%arg0, %dma_wait3A_146, %dma_wait3A_147] : memref<2x10000x128xf32, #tpu.memory_space<hbm>> -> memref<1x10000x128xf32, #tpu.memory_space<hbm>>
      %dma_wait3A_149 = tpu.memref_squeeze %dma_wait3A_148 : memref<1x10000x128xf32, #tpu.memory_space<hbm>> -> memref<10000x128xf32, #tpu.memory_space<hbm>>
      %dma_wait3A_150 = arith.constant 0 : i32
      %dma_wait3A_151 = tpu.memref_slice %dma_wait3A_149[%add3A_100, %dma_wait3A_150] : memref<10000x128xf32, #tpu.memory_space<hbm>> -> memref<128x128xf32, #tpu.memory_space<hbm>>
      %dma_wait3A_152 = arith.constant 0 : i32
      %dma_wait3A_153 = arith.constant 0 : i32
      %dma_wait3A_154 = tpu.memref_slice %arg6[%arg0, %dma_wait3A_152, %dma_wait3A_153] : memref<2x10000x128xf32, #tpu.memory_space<hbm>> -> memref<1x10000x128xf32, #tpu.memory_space<hbm>>
      %dma_wait3A_155 = tpu.memref_squeeze %dma_wait3A_154 : memref<1x10000x128xf32, #tpu.memory_space<hbm>> -> memref<10000x128xf32, #tpu.memory_space<hbm>>
      %dma_wait3A_156 = arith.constant 0 : i32
      %dma_wait3A_157 = tpu.memref_slice %dma_wait3A_155[%add3A_100, %dma_wait3A_156] : memref<10000x128xf32, #tpu.memory_space<hbm>> -> memref<128x128xf32, #tpu.memory_space<hbm>>
      %dma_wait3A_158 = arith.constant 0 : i32
      %dma_wait3A_159 = arith.constant 0 : i32
      %dma_wait3A_160 = tpu.memref_slice %arg9[%run_scoped3A_102, %dma_wait3A_158, %dma_wait3A_159] : memref<2x128x128xf32, #tpu.memory_space<vmem>> -> memref<1x128x128xf32, #tpu.memory_space<vmem>>
      %dma_wait3A_161 = tpu.memref_squeeze %dma_wait3A_160 : memref<1x128x128xf32, #tpu.memory_space<vmem>> -> memref<128x128xf32, #tpu.memory_space<vmem>>
      %dma_wait3A_162 = arith.constant 0 : i32
      %dma_wait3A_163 = arith.constant 0 : i32
      %dma_wait3A_164 = tpu.memref_slice %dma_wait3A_161[%dma_wait3A_162, %dma_wait3A_163] : memref<128x128xf32, #tpu.memory_space<vmem>> -> memref<128x128xf32, #tpu.memory_space<vmem>>
      tpu.wait_dma2 semaphore(%run_scoped3A_113 : memref<!tpu.dma_semaphore, #tpu.memory_space<semaphore_mem>>) src(%dma_wait3A_164 : memref<128x128xf32, #tpu.memory_space<vmem>>) dst(%dma_wait3A_157 : memref<128x128xf32, #tpu.memory_space<hbm>>)
      tpu.yield
    }) : () -> ()
    %mul3A_103 = arith.constant 624 : i32
    %mul3A_104 = arith.muli %arg1, %mul3A_103 : i32
    %add3A_105 = arith.constant 512 : i32
    %add3A_106 = arith.addi %mul3A_104, %add3A_105 : i32
    %run_scoped3A_107 = arith.constant 0 : i32
    "tpu.region"() ({
      %run_scoped3A_113 = tpu.sem_alloc : memref<!tpu.dma_semaphore, #tpu.memory_space<semaphore_mem>>
      %dma_start3A_114 = arith.constant 0 : i32
      %dma_start3A_115 = arith.constant 0 : i32
      %dma_start3A_116 = tpu.memref_slice %arg9[%run_scoped3A_107, %dma_start3A_114, %dma_start3A_115] : memref<2x128x128xf32, #tpu.memory_space<vmem>> -> memref<1x128x128xf32, #tpu.memory_space<vmem>>
      %dma_start3A_117 = tpu.memref_squeeze %dma_start3A_116 : memref<1x128x128xf32, #tpu.memory_space<vmem>> -> memref<128x128xf32, #tpu.memory_space<vmem>>
      %dma_start3A_118 = arith.constant 0 : i32
      %dma_start3A_119 = arith.constant 0 : i32
      %dma_start3A_120 = tpu.memref_slice %dma_start3A_117[%dma_start3A_118, %dma_start3A_119] : memref<128x128xf32, #tpu.memory_space<vmem>> -> memref<112x128xf32, #tpu.memory_space<vmem>>
      %dma_start3A_121 = arith.constant 0 : i32
      %dma_start3A_122 = tpu.memref_slice %arg10[%add3A_106, %dma_start3A_121] : memref<10112x128xf32, #tpu.memory_space<vmem_shared>> -> memref<112x128xf32, #tpu.memory_space<vmem_shared>>
      %dma_start3A_123 = arith.constant 0 : i32
      %dma_start3A_124 = arith.constant 0 : i32
      %dma_start3A_125 = tpu.memref_slice %arg9[%run_scoped3A_107, %dma_start3A_123, %dma_start3A_124] : memref<2x128x128xf32, #tpu.memory_space<vmem>> -> memref<1x128x128xf32, #tpu.memory_space<vmem>>
      %dma_start3A_126 = tpu.memref_squeeze %dma_start3A_125 : memref<1x128x128xf32, #tpu.memory_space<vmem>> -> memref<128x128xf32, #tpu.memory_space<vmem>>
      %dma_start3A_127 = arith.constant 0 : i32
      %dma_start3A_128 = arith.constant 0 : i32
      %dma_start3A_129 = tpu.memref_slice %dma_start3A_126[%dma_start3A_127, %dma_start3A_128] : memref<128x128xf32, #tpu.memory_space<vmem>> -> memref<112x128xf32, #tpu.memory_space<vmem>>
      %dma_start3A_130 = arith.constant 0 : i32
      %dma_start3A_131 = tpu.memref_slice %arg10[%add3A_106, %dma_start3A_130] : memref<10112x128xf32, #tpu.memory_space<vmem_shared>> -> memref<112x128xf32, #tpu.memory_space<vmem_shared>>
      tpu.enqueue_dma source(%dma_start3A_131 : memref<112x128xf32, #tpu.memory_space<vmem_shared>>) target(%dma_start3A_129 : memref<112x128xf32, #tpu.memory_space<vmem>>) target_semaphore(%run_scoped3A_113 : memref<!tpu.dma_semaphore, #tpu.memory_space<semaphore_mem>>)
      %dma_wait3A = arith.constant 0 : i32
      %dma_wait3A_132 = arith.constant 0 : i32
      %dma_wait3A_133 = tpu.memref_slice %arg9[%run_scoped3A_107, %dma_wait3A, %dma_wait3A_132] : memref<2x128x128xf32, #tpu.memory_space<vmem>> -> memref<1x128x128xf32, #tpu.memory_space<vmem>>
      %dma_wait3A_134 = tpu.memref_squeeze %dma_wait3A_133 : memref<1x128x128xf32, #tpu.memory_space<vmem>> -> memref<128x128xf32, #tpu.memory_space<vmem>>
      %dma_wait3A_135 = arith.constant 0 : i32
      %dma_wait3A_136 = arith.constant 0 : i32
      %dma_wait3A_137 = tpu.memref_slice %dma_wait3A_134[%dma_wait3A_135, %dma_wait3A_136] : memref<128x128xf32, #tpu.memory_space<vmem>> -> memref<112x128xf32, #tpu.memory_space<vmem>>
      %dma_wait3A_138 = arith.constant 0 : i32
      %dma_wait3A_139 = tpu.memref_slice %arg10[%add3A_106, %dma_wait3A_138] : memref<10112x128xf32, #tpu.memory_space<vmem_shared>> -> memref<112x128xf32, #tpu.memory_space<vmem_shared>>
      %dma_wait3A_140 = arith.constant 0 : i32
      %dma_wait3A_141 = arith.constant 0 : i32
      %dma_wait3A_142 = tpu.memref_slice %arg9[%run_scoped3A_107, %dma_wait3A_140, %dma_wait3A_141] : memref<2x128x128xf32, #tpu.memory_space<vmem>> -> memref<1x128x128xf32, #tpu.memory_space<vmem>>
      %dma_wait3A_143 = tpu.memref_squeeze %dma_wait3A_142 : memref<1x128x128xf32, #tpu.memory_space<vmem>> -> memref<128x128xf32, #tpu.memory_space<vmem>>
      %dma_wait3A_144 = arith.constant 0 : i32
      %dma_wait3A_145 = arith.constant 0 : i32
      %dma_wait3A_146 = tpu.memref_slice %dma_wait3A_143[%dma_wait3A_144, %dma_wait3A_145] : memref<128x128xf32, #tpu.memory_space<vmem>> -> memref<112x128xf32, #tpu.memory_space<vmem>>
      %dma_wait3A_147 = arith.constant 0 : i32
      %dma_wait3A_148 = tpu.memref_slice %arg10[%add3A_106, %dma_wait3A_147] : memref<10112x128xf32, #tpu.memory_space<vmem_shared>> -> memref<112x128xf32, #tpu.memory_space<vmem_shared>>
      tpu.wait_dma2 semaphore(%run_scoped3A_113 : memref<!tpu.dma_semaphore, #tpu.memory_space<semaphore_mem>>) src(%dma_wait3A_148 : memref<112x128xf32, #tpu.memory_space<vmem_shared>>) dst(%dma_wait3A_146 : memref<112x128xf32, #tpu.memory_space<vmem>>)
      tpu.yield
    }) : () -> ()
    %run_scoped3A_108 = arith.constant 0 : i32
    "tpu.region"() ({
      %run_scoped3A_113 = tpu.sem_alloc : memref<!tpu.dma_semaphore, #tpu.memory_space<semaphore_mem>>
      %dma_start3A_114 = arith.constant 0 : i32
      %dma_start3A_115 = arith.constant 0 : i32
      %dma_start3A_116 = tpu.memref_slice %arg9[%run_scoped3A_108, %dma_start3A_114, %dma_start3A_115] : memref<2x128x128xf32, #tpu.memory_space<vmem>> -> memref<1x128x128xf32, #tpu.memory_space<vmem>>
      %dma_start3A_117 = tpu.memref_squeeze %dma_start3A_116 : memref<1x128x128xf32, #tpu.memory_space<vmem>> -> memref<128x128xf32, #tpu.memory_space<vmem>>
      %dma_start3A_118 = arith.constant 0 : i32
      %dma_start3A_119 = arith.constant 0 : i32
      %dma_start3A_120 = tpu.memref_slice %dma_start3A_117[%dma_start3A_118, %dma_start3A_119] : memref<128x128xf32, #tpu.memory_space<vmem>> -> memref<112x128xf32, #tpu.memory_space<vmem>>
      %dma_start3A_121 = arith.constant 0 : i32
      %dma_start3A_122 = arith.constant 0 : i32
      %dma_start3A_123 = tpu.memref_slice %arg6[%arg0, %dma_start3A_121, %dma_start3A_122] : memref<2x10000x128xf32, #tpu.memory_space<hbm>> -> memref<1x10000x128xf32, #tpu.memory_space<hbm>>
      %dma_start3A_124 = tpu.memref_squeeze %dma_start3A_123 : memref<1x10000x128xf32, #tpu.memory_space<hbm>> -> memref<10000x128xf32, #tpu.memory_space<hbm>>
      %dma_start3A_125 = arith.constant 0 : i32
      %dma_start3A_126 = tpu.memref_slice %dma_start3A_124[%add3A_106, %dma_start3A_125] : memref<10000x128xf32, #tpu.memory_space<hbm>> -> memref<112x128xf32, #tpu.memory_space<hbm>>
      %dma_start3A_127 = arith.constant 0 : i32
      %dma_start3A_128 = arith.constant 0 : i32
      %dma_start3A_129 = tpu.memref_slice %arg6[%arg0, %dma_start3A_127, %dma_start3A_128] : memref<2x10000x128xf32, #tpu.memory_space<hbm>> -> memref<1x10000x128xf32, #tpu.memory_space<hbm>>
      %dma_start3A_130 = tpu.memref_squeeze %dma_start3A_129 : memref<1x10000x128xf32, #tpu.memory_space<hbm>> -> memref<10000x128xf32, #tpu.memory_space<hbm>>
      %dma_start3A_131 = arith.constant 0 : i32
      %dma_start3A_132 = tpu.memref_slice %dma_start3A_130[%add3A_106, %dma_start3A_131] : memref<10000x128xf32, #tpu.memory_space<hbm>> -> memref<112x128xf32, #tpu.memory_space<hbm>>
      %dma_start3A_133 = arith.constant 0 : i32
      %dma_start3A_134 = arith.constant 0 : i32
      %dma_start3A_135 = tpu.memref_slice %arg9[%run_scoped3A_108, %dma_start3A_133, %dma_start3A_134] : memref<2x128x128xf32, #tpu.memory_space<vmem>> -> memref<1x128x128xf32, #tpu.memory_space<vmem>>
      %dma_start3A_136 = tpu.memref_squeeze %dma_start3A_135 : memref<1x128x128xf32, #tpu.memory_space<vmem>> -> memref<128x128xf32, #tpu.memory_space<vmem>>
      %dma_start3A_137 = arith.constant 0 : i32
      %dma_start3A_138 = arith.constant 0 : i32
      %dma_start3A_139 = tpu.memref_slice %dma_start3A_136[%dma_start3A_137, %dma_start3A_138] : memref<128x128xf32, #tpu.memory_space<vmem>> -> memref<112x128xf32, #tpu.memory_space<vmem>>
      tpu.enqueue_dma source(%dma_start3A_139 : memref<112x128xf32, #tpu.memory_space<vmem>>) target(%dma_start3A_132 : memref<112x128xf32, #tpu.memory_space<hbm>>) target_semaphore(%run_scoped3A_113 : memref<!tpu.dma_semaphore, #tpu.memory_space<semaphore_mem>>)
      %dma_wait3A = arith.constant 0 : i32
      %dma_wait3A_140 = arith.constant 0 : i32
      %dma_wait3A_141 = tpu.memref_slice %arg9[%run_scoped3A_108, %dma_wait3A, %dma_wait3A_140] : memref<2x128x128xf32, #tpu.memory_space<vmem>> -> memref<1x128x128xf32, #tpu.memory_space<vmem>>
      %dma_wait3A_142 = tpu.memref_squeeze %dma_wait3A_141 : memref<1x128x128xf32, #tpu.memory_space<vmem>> -> memref<128x128xf32, #tpu.memory_space<vmem>>
      %dma_wait3A_143 = arith.constant 0 : i32
      %dma_wait3A_144 = arith.constant 0 : i32
      %dma_wait3A_145 = tpu.memref_slice %dma_wait3A_142[%dma_wait3A_143, %dma_wait3A_144] : memref<128x128xf32, #tpu.memory_space<vmem>> -> memref<112x128xf32, #tpu.memory_space<vmem>>
      %dma_wait3A_146 = arith.constant 0 : i32
      %dma_wait3A_147 = arith.constant 0 : i32
      %dma_wait3A_148 = tpu.memref_slice %arg6[%arg0, %dma_wait3A_146, %dma_wait3A_147] : memref<2x10000x128xf32, #tpu.memory_space<hbm>> -> memref<1x10000x128xf32, #tpu.memory_space<hbm>>
      %dma_wait3A_149 = tpu.memref_squeeze %dma_wait3A_148 : memref<1x10000x128xf32, #tpu.memory_space<hbm>> -> memref<10000x128xf32, #tpu.memory_space<hbm>>
      %dma_wait3A_150 = arith.constant 0 : i32
      %dma_wait3A_151 = tpu.memref_slice %dma_wait3A_149[%add3A_106, %dma_wait3A_150] : memref<10000x128xf32, #tpu.memory_space<hbm>> -> memref<112x128xf32, #tpu.memory_space<hbm>>
      %dma_wait3A_152 = arith.constant 0 : i32
      %dma_wait3A_153 = arith.constant 0 : i32
      %dma_wait3A_154 = tpu.memref_slice %arg6[%arg0, %dma_wait3A_152, %dma_wait3A_153] : memref<2x10000x128xf32, #tpu.memory_space<hbm>> -> memref<1x10000x128xf32, #tpu.memory_space<hbm>>
      %dma_wait3A_155 = tpu.memref_squeeze %dma_wait3A_154 : memref<1x10000x128xf32, #tpu.memory_space<hbm>> -> memref<10000x128xf32, #tpu.memory_space<hbm>>
      %dma_wait3A_156 = arith.constant 0 : i32
      %dma_wait3A_157 = tpu.memref_slice %dma_wait3A_155[%add3A_106, %dma_wait3A_156] : memref<10000x128xf32, #tpu.memory_space<hbm>> -> memref<112x128xf32, #tpu.memory_space<hbm>>
      %dma_wait3A_158 = arith.constant 0 : i32
      %dma_wait3A_159 = arith.constant 0 : i32
      %dma_wait3A_160 = tpu.memref_slice %arg9[%run_scoped3A_108, %dma_wait3A_158, %dma_wait3A_159] : memref<2x128x128xf32, #tpu.memory_space<vmem>> -> memref<1x128x128xf32, #tpu.memory_space<vmem>>
      %dma_wait3A_161 = tpu.memref_squeeze %dma_wait3A_160 : memref<1x128x128xf32, #tpu.memory_space<vmem>> -> memref<128x128xf32, #tpu.memory_space<vmem>>
      %dma_wait3A_162 = arith.constant 0 : i32
      %dma_wait3A_163 = arith.constant 0 : i32
      %dma_wait3A_164 = tpu.memref_slice %dma_wait3A_161[%dma_wait3A_162, %dma_wait3A_163] : memref<128x128xf32, #tpu.memory_space<vmem>> -> memref<112x128xf32, #tpu.memory_space<vmem>>
      tpu.wait_dma2 semaphore(%run_scoped3A_113 : memref<!tpu.dma_semaphore, #tpu.memory_space<semaphore_mem>>) src(%dma_wait3A_164 : memref<112x128xf32, #tpu.memory_space<vmem>>) dst(%dma_wait3A_157 : memref<112x128xf32, #tpu.memory_space<hbm>>)
      tpu.yield
    }) : () -> ()
    %eq3A_109 = arith.constant 15 : i32
    %eq3A_110 = arith.cmpi eq, %arg1, %eq3A_109 : i32
    %convert_element_type3A = arith.extui %eq3A_110 : i1 to i32
    %cond3A = arith.constant 0 : i32
    %cond3A_111 = arith.constant 0 : i32
    %cond3A_112 = arith.cmpi ne, %convert_element_type3A, %cond3A_111 : i32
    scf.if %cond3A_112 {
      "tpu.region"() ({
        %run_scoped3A_113 = tpu.sem_alloc : memref<!tpu.dma_semaphore, #tpu.memory_space<semaphore_mem>>
        %dma_start3A_114 = arith.constant 0 : i32
        %dma_start3A_115 = arith.constant 0 : i32
        %dma_start3A_116 = tpu.memref_slice %arg9[%cond3A, %dma_start3A_114, %dma_start3A_115] : memref<2x128x128xf32, #tpu.memory_space<vmem>> -> memref<1x128x128xf32, #tpu.memory_space<vmem>>
        %dma_start3A_117 = tpu.memref_squeeze %dma_start3A_116 : memref<1x128x128xf32, #tpu.memory_space<vmem>> -> memref<128x128xf32, #tpu.memory_space<vmem>>
        %dma_start3A_118 = arith.constant 0 : i32
        %dma_start3A_119 = arith.constant 0 : i32
        %dma_start3A_120 = tpu.memref_slice %dma_start3A_117[%dma_start3A_118, %dma_start3A_119] : memref<128x128xf32, #tpu.memory_space<vmem>> -> memref<16x128xf32, #tpu.memory_space<vmem>>
        %dma_start3A_121 = arith.constant 9984 : i32
        %dma_start3A_122 = arith.constant 0 : i32
        %dma_start3A_123 = tpu.memref_slice %arg10[%dma_start3A_121, %dma_start3A_122] : memref<10112x128xf32, #tpu.memory_space<vmem_shared>> -> memref<16x128xf32, #tpu.memory_space<vmem_shared>>
        %dma_start3A_124 = arith.constant 0 : i32
        %dma_start3A_125 = arith.constant 0 : i32
        %dma_start3A_126 = tpu.memref_slice %arg9[%cond3A, %dma_start3A_124, %dma_start3A_125] : memref<2x128x128xf32, #tpu.memory_space<vmem>> -> memref<1x128x128xf32, #tpu.memory_space<vmem>>
        %dma_start3A_127 = tpu.memref_squeeze %dma_start3A_126 : memref<1x128x128xf32, #tpu.memory_space<vmem>> -> memref<128x128xf32, #tpu.memory_space<vmem>>
        %dma_start3A_128 = arith.constant 0 : i32
        %dma_start3A_129 = arith.constant 0 : i32
        %dma_start3A_130 = tpu.memref_slice %dma_start3A_127[%dma_start3A_128, %dma_start3A_129] : memref<128x128xf32, #tpu.memory_space<vmem>> -> memref<16x128xf32, #tpu.memory_space<vmem>>
        %dma_start3A_131 = arith.constant 9984 : i32
        %dma_start3A_132 = arith.constant 0 : i32
        %dma_start3A_133 = tpu.memref_slice %arg10[%dma_start3A_131, %dma_start3A_132] : memref<10112x128xf32, #tpu.memory_space<vmem_shared>> -> memref<16x128xf32, #tpu.memory_space<vmem_shared>>
        tpu.enqueue_dma source(%dma_start3A_133 : memref<16x128xf32, #tpu.memory_space<vmem_shared>>) target(%dma_start3A_130 : memref<16x128xf32, #tpu.memory_space<vmem>>) target_semaphore(%run_scoped3A_113 : memref<!tpu.dma_semaphore, #tpu.memory_space<semaphore_mem>>)
        %dma_wait3A = arith.constant 0 : i32
        %dma_wait3A_134 = arith.constant 0 : i32
        %dma_wait3A_135 = tpu.memref_slice %arg9[%cond3A, %dma_wait3A, %dma_wait3A_134] : memref<2x128x128xf32, #tpu.memory_space<vmem>> -> memref<1x128x128xf32, #tpu.memory_space<vmem>>
        %dma_wait3A_136 = tpu.memref_squeeze %dma_wait3A_135 : memref<1x128x128xf32, #tpu.memory_space<vmem>> -> memref<128x128xf32, #tpu.memory_space<vmem>>
        %dma_wait3A_137 = arith.constant 0 : i32
        %dma_wait3A_138 = arith.constant 0 : i32
        %dma_wait3A_139 = tpu.memref_slice %dma_wait3A_136[%dma_wait3A_137, %dma_wait3A_138] : memref<128x128xf32, #tpu.memory_space<vmem>> -> memref<16x128xf32, #tpu.memory_space<vmem>>
        %dma_wait3A_140 = arith.constant 9984 : i32
        %dma_wait3A_141 = arith.constant 0 : i32
        %dma_wait3A_142 = tpu.memref_slice %arg10[%dma_wait3A_140, %dma_wait3A_141] : memref<10112x128xf32, #tpu.memory_space<vmem_shared>> -> memref<16x128xf32, #tpu.memory_space<vmem_shared>>
        %dma_wait3A_143 = arith.constant 0 : i32
        %dma_wait3A_144 = arith.constant 0 : i32
        %dma_wait3A_145 = tpu.memref_slice %arg9[%cond3A, %dma_wait3A_143, %dma_wait3A_144] : memref<2x128x128xf32, #tpu.memory_space<vmem>> -> memref<1x128x128xf32, #tpu.memory_space<vmem>>
        %dma_wait3A_146 = tpu.memref_squeeze %dma_wait3A_145 : memref<1x128x128xf32, #tpu.memory_space<vmem>> -> memref<128x128xf32, #tpu.memory_space<vmem>>
        %dma_wait3A_147 = arith.constant 0 : i32
        %dma_wait3A_148 = arith.constant 0 : i32
        %dma_wait3A_149 = tpu.memref_slice %dma_wait3A_146[%dma_wait3A_147, %dma_wait3A_148] : memref<128x128xf32, #tpu.memory_space<vmem>> -> memref<16x128xf32, #tpu.memory_space<vmem>>
        %dma_wait3A_150 = arith.constant 9984 : i32
        %dma_wait3A_151 = arith.constant 0 : i32
        %dma_wait3A_152 = tpu.memref_slice %arg10[%dma_wait3A_150, %dma_wait3A_151] : memref<10112x128xf32, #tpu.memory_space<vmem_shared>> -> memref<16x128xf32, #tpu.memory_space<vmem_shared>>
        tpu.wait_dma2 semaphore(%run_scoped3A_113 : memref<!tpu.dma_semaphore, #tpu.memory_space<semaphore_mem>>) src(%dma_wait3A_152 : memref<16x128xf32, #tpu.memory_space<vmem_shared>>) dst(%dma_wait3A_149 : memref<16x128xf32, #tpu.memory_space<vmem>>)
        tpu.yield
      }) : () -> ()
      "tpu.region"() ({
        %run_scoped3A_113 = tpu.sem_alloc : memref<!tpu.dma_semaphore, #tpu.memory_space<semaphore_mem>>
        %dma_start3A_114 = arith.constant 0 : i32
        %dma_start3A_115 = arith.constant 0 : i32
        %dma_start3A_116 = tpu.memref_slice %arg9[%cond3A, %dma_start3A_114, %dma_start3A_115] : memref<2x128x128xf32, #tpu.memory_space<vmem>> -> memref<1x128x128xf32, #tpu.memory_space<vmem>>
        %dma_start3A_117 = tpu.memref_squeeze %dma_start3A_116 : memref<1x128x128xf32, #tpu.memory_space<vmem>> -> memref<128x128xf32, #tpu.memory_space<vmem>>
        %dma_start3A_118 = arith.constant 0 : i32
        %dma_start3A_119 = arith.constant 0 : i32
        %dma_start3A_120 = tpu.memref_slice %dma_start3A_117[%dma_start3A_118, %dma_start3A_119] : memref<128x128xf32, #tpu.memory_space<vmem>> -> memref<16x128xf32, #tpu.memory_space<vmem>>
        %dma_start3A_121 = arith.constant 0 : i32
        %dma_start3A_122 = arith.constant 0 : i32
        %dma_start3A_123 = tpu.memref_slice %arg6[%arg0, %dma_start3A_121, %dma_start3A_122] : memref<2x10000x128xf32, #tpu.memory_space<hbm>> -> memref<1x10000x128xf32, #tpu.memory_space<hbm>>
        %dma_start3A_124 = tpu.memref_squeeze %dma_start3A_123 : memref<1x10000x128xf32, #tpu.memory_space<hbm>> -> memref<10000x128xf32, #tpu.memory_space<hbm>>
        %dma_start3A_125 = arith.constant 9984 : i32
        %dma_start3A_126 = arith.constant 0 : i32
        %dma_start3A_127 = tpu.memref_slice %dma_start3A_124[%dma_start3A_125, %dma_start3A_126] : memref<10000x128xf32, #tpu.memory_space<hbm>> -> memref<16x128xf32, #tpu.memory_space<hbm>>
        %dma_start3A_128 = arith.constant 0 : i32
        %dma_start3A_129 = arith.constant 0 : i32
        %dma_start3A_130 = tpu.memref_slice %arg6[%arg0, %dma_start3A_128, %dma_start3A_129] : memref<2x10000x128xf32, #tpu.memory_space<hbm>> -> memref<1x10000x128xf32, #tpu.memory_space<hbm>>
        %dma_start3A_131 = tpu.memref_squeeze %dma_start3A_130 : memref<1x10000x128xf32, #tpu.memory_space<hbm>> -> memref<10000x128xf32, #tpu.memory_space<hbm>>
        %dma_start3A_132 = arith.constant 9984 : i32
        %dma_start3A_133 = arith.constant 0 : i32
        %dma_start3A_134 = tpu.memref_slice %dma_start3A_131[%dma_start3A_132, %dma_start3A_133] : memref<10000x128xf32, #tpu.memory_space<hbm>> -> memref<16x128xf32, #tpu.memory_space<hbm>>
        %dma_start3A_135 = arith.constant 0 : i32
        %dma_start3A_136 = arith.constant 0 : i32
        %dma_start3A_137 = tpu.memref_slice %arg9[%cond3A, %dma_start3A_135, %dma_start3A_136] : memref<2x128x128xf32, #tpu.memory_space<vmem>> -> memref<1x128x128xf32, #tpu.memory_space<vmem>>
        %dma_start3A_138 = tpu.memref_squeeze %dma_start3A_137 : memref<1x128x128xf32, #tpu.memory_space<vmem>> -> memref<128x128xf32, #tpu.memory_space<vmem>>
        %dma_start3A_139 = arith.constant 0 : i32
        %dma_start3A_140 = arith.constant 0 : i32
        %dma_start3A_141 = tpu.memref_slice %dma_start3A_138[%dma_start3A_139, %dma_start3A_140] : memref<128x128xf32, #tpu.memory_space<vmem>> -> memref<16x128xf32, #tpu.memory_space<vmem>>
        tpu.enqueue_dma source(%dma_start3A_141 : memref<16x128xf32, #tpu.memory_space<vmem>>) target(%dma_start3A_134 : memref<16x128xf32, #tpu.memory_space<hbm>>) target_semaphore(%run_scoped3A_113 : memref<!tpu.dma_semaphore, #tpu.memory_space<semaphore_mem>>)
        %dma_wait3A = arith.constant 0 : i32
        %dma_wait3A_142 = arith.constant 0 : i32
        %dma_wait3A_143 = tpu.memref_slice %arg9[%cond3A, %dma_wait3A, %dma_wait3A_142] : memref<2x128x128xf32, #tpu.memory_space<vmem>> -> memref<1x128x128xf32, #tpu.memory_space<vmem>>
        %dma_wait3A_144 = tpu.memref_squeeze %dma_wait3A_143 : memref<1x128x128xf32, #tpu.memory_space<vmem>> -> memref<128x128xf32, #tpu.memory_space<vmem>>
        %dma_wait3A_145 = arith.constant 0 : i32
        %dma_wait3A_146 = arith.constant 0 : i32
        %dma_wait3A_147 = tpu.memref_slice %dma_wait3A_144[%dma_wait3A_145, %dma_wait3A_146] : memref<128x128xf32, #tpu.memory_space<vmem>> -> memref<16x128xf32, #tpu.memory_space<vmem>>
        %dma_wait3A_148 = arith.constant 0 : i32
        %dma_wait3A_149 = arith.constant 0 : i32
        %dma_wait3A_150 = tpu.memref_slice %arg6[%arg0, %dma_wait3A_148, %dma_wait3A_149] : memref<2x10000x128xf32, #tpu.memory_space<hbm>> -> memref<1x10000x128xf32, #tpu.memory_space<hbm>>
        %dma_wait3A_151 = tpu.memref_squeeze %dma_wait3A_150 : memref<1x10000x128xf32, #tpu.memory_space<hbm>> -> memref<10000x128xf32, #tpu.memory_space<hbm>>
        %dma_wait3A_152 = arith.constant 9984 : i32
        %dma_wait3A_153 = arith.constant 0 : i32
        %dma_wait3A_154 = tpu.memref_slice %dma_wait3A_151[%dma_wait3A_152, %dma_wait3A_153] : memref<10000x128xf32, #tpu.memory_space<hbm>> -> memref<16x128xf32, #tpu.memory_space<hbm>>
        %dma_wait3A_155 = arith.constant 0 : i32
        %dma_wait3A_156 = arith.constant 0 : i32
        %dma_wait3A_157 = tpu.memref_slice %arg6[%arg0, %dma_wait3A_155, %dma_wait3A_156] : memref<2x10000x128xf32, #tpu.memory_space<hbm>> -> memref<1x10000x128xf32, #tpu.memory_space<hbm>>
        %dma_wait3A_158 = tpu.memref_squeeze %dma_wait3A_157 : memref<1x10000x128xf32, #tpu.memory_space<hbm>> -> memref<10000x128xf32, #tpu.memory_space<hbm>>
        %dma_wait3A_159 = arith.constant 9984 : i32
        %dma_wait3A_160 = arith.constant 0 : i32
        %dma_wait3A_161 = tpu.memref_slice %dma_wait3A_158[%dma_wait3A_159, %dma_wait3A_160] : memref<10000x128xf32, #tpu.memory_space<hbm>> -> memref<16x128xf32, #tpu.memory_space<hbm>>
        %dma_wait3A_162 = arith.constant 0 : i32
        %dma_wait3A_163 = arith.constant 0 : i32
        %dma_wait3A_164 = tpu.memref_slice %arg9[%cond3A, %dma_wait3A_162, %dma_wait3A_163] : memref<2x128x128xf32, #tpu.memory_space<vmem>> -> memref<1x128x128xf32, #tpu.memory_space<vmem>>
        %dma_wait3A_165 = tpu.memref_squeeze %dma_wait3A_164 : memref<1x128x128xf32, #tpu.memory_space<vmem>> -> memref<128x128xf32, #tpu.memory_space<vmem>>
        %dma_wait3A_166 = arith.constant 0 : i32
        %dma_wait3A_167 = arith.constant 0 : i32
        %dma_wait3A_168 = tpu.memref_slice %dma_wait3A_165[%dma_wait3A_166, %dma_wait3A_167] : memref<128x128xf32, #tpu.memory_space<vmem>> -> memref<16x128xf32, #tpu.memory_space<vmem>>
        tpu.wait_dma2 semaphore(%run_scoped3A_113 : memref<!tpu.dma_semaphore, #tpu.memory_space<semaphore_mem>>) src(%dma_wait3A_168 : memref<16x128xf32, #tpu.memory_space<vmem>>) dst(%dma_wait3A_161 : memref<16x128xf32, #tpu.memory_space<hbm>>)
        tpu.yield
      }) : () -> ()
    } else {
    }
    return
  }
}

module attributes {stable_mosaic.version = 14 : i64} {
  func.func @body(%arg0: i32, %arg1: memref<1000x128xf32, #tpu.memory_space<vmem>>, %arg2: memref<128x128xf32, #tpu.memory_space<vmem>>, %arg3: memref<1000x128xf32, #tpu.memory_space<vmem>>) attributes {dimension_semantics = [#tpu.dimension_semantics<arbitrary>], iteration_bounds = array<i64: 10>, scalar_prefetch = 0 : i64, scratch_operands = 0 : i64, tpu.core_type = #tpu.core_type<tc>, window_params = [{transform_indices = @transform_0, window_bounds = array<i64: 1000, 128>}, {pipeline_mode = #tpu.pipeline_mode<synchronous>, transform_indices = @transform_1, window_bounds = array<i64: 128, 128>}, {transform_indices = @transform_2, window_bounds = array<i64: 1000, 128>}]} {
    %get3A = arith.constant 0 : index
    %get3A_0 = arith.constant 0 : index
    %get3A_1 = vector.load %arg1[%get3A, %get3A_0] : memref<1000x128xf32, #tpu.memory_space<vmem>>, vector<1000x128xf32>
    %get3A_2 = arith.constant 0 : index
    %get3A_3 = arith.constant 0 : index
    %get3A_4 = vector.load %arg2[%get3A_2, %get3A_3] : memref<128x128xf32, #tpu.memory_space<vmem>>, vector<128x128xf32>
    %dot_general3A = arith.constant dense<0.000000e+00> : vector<1000x128xf32>
    %dot_general3A_5 = tpu.matmul %get3A_1, %get3A_4, %dot_general3A {dimension_numbers = #tpu.dot_dimension_numbers<[1], [0], [0], [1], [0, 0, 1, 1], [], []>, transpose_lhs_hint = false} : vector<1000x128xf32>, vector<128x128xf32>, vector<1000x128xf32> -> vector<1000x128xf32>
    %swap3A = arith.constant 0 : index
    %swap3A_6 = arith.constant 0 : index
    %swap3A_7 = vector.load %arg3[%swap3A, %swap3A_6] : memref<1000x128xf32, #tpu.memory_space<vmem>>, vector<1000x128xf32>
    tpu.vector_store %arg3[%swap3A, %swap3A_6], %dot_general3A_5 {strides = array<i32>} : memref<1000x128xf32, #tpu.memory_space<vmem>>, vector<1000x128xf32>,
    return
  }
  func.func @transform_0(%arg0: i32) -> (i32, i32) {
    %c0_i32 = arith.constant 0 : i32
    %c0_i32_0 = arith.constant 0 : i32
    return %arg0, %c0_i32 : i32, i32
  }
  func.func @transform_1(%arg0: i32) -> (i32, i32) {
    %c0_i32 = arith.constant 0 : i32
    %c0_i32_0 = arith.constant 0 : i32
    %c0_i32_1 = arith.constant 0 : i32
    return %c0_i32, %c0_i32_0 : i32, i32
  }
  func.func @transform_2(%arg0: i32) -> (i32, i32) {
    %c0_i32 = arith.constant 0 : i32
    %c0_i32_0 = arith.constant 0 : i32
    return %arg0, %c0_i32 : i32, i32
  }
}

module attributes {stable_mosaic.version = 14 : i64} {
  func.func @body(%arg0: i32, %arg1: memref<1000x128xf32, #tpu.memory_space<vmem>>, %arg2: memref<1000x128xf32, #tpu.memory_space<vmem>>, %arg3: memref<1000x128xf32, #tpu.memory_space<vmem>>, %arg4: memref<1000x128xf32, #tpu.memory_space<vmem>>, %arg5: memref<1000x1xf32, #tpu.memory_space<vmem>>) attributes {dimension_semantics = [#tpu.dimension_semantics<arbitrary>], iteration_bounds = array<i64: 10>, scalar_prefetch = 0 : i64, scratch_operands = 0 : i64, tpu.core_type = #tpu.core_type<tc>, window_params = [{transform_indices = @transform_0, window_bounds = array<i64: 1000, 128>}, {transform_indices = @transform_1, window_bounds = array<i64: 1000, 128>}, {transform_indices = @transform_2, window_bounds = array<i64: 1000, 128>}, {transform_indices = @transform_3, window_bounds = array<i64: 1000, 128>}, {transform_indices = @transform_4, window_bounds = array<i64: 1000, 1>}]} {
    %get3A = arith.constant 0 : index
    %get3A_0 = arith.constant 0 : index
    %get3A_1 = vector.load %arg1[%get3A, %get3A_0] : memref<1000x128xf32, #tpu.memory_space<vmem>>, vector<1000x1xf32>
    %get3A_2 = arith.constant 0 : index
    %get3A_3 = arith.constant 0 : index
    %get3A_4 = vector.load %arg2[%get3A_2, %get3A_3] : memref<1000x128xf32, #tpu.memory_space<vmem>>, vector<1000x1xf32>
    %add3A = arith.addf %get3A_1, %get3A_4 : vector<1000x1xf32>
    %gt3A = arith.constant 0.000000e+00 : f32
    %gt3A_5 = vector.broadcast %gt3A : f32 to vector<1000x1xf32>
    %gt3A_6 = arith.cmpf ogt, %add3A, %gt3A_5 : vector<1000x1xf32>
    %rsqrt3A = math.rsqrt %add3A : vector<1000x1xf32>
    %jit3A = arith.constant 0.000000e+00 : f32
    %broadcast_in_dim3A = vector.broadcast %jit3A : f32 to vector<1000x1xf32>
    %select_n3A = arith.select %gt3A_6, %rsqrt3A, %broadcast_in_dim3A : vector<1000x1xi1>, vector<1000x1xf32>
    %get3A_7 = arith.constant 0 : index
    %get3A_8 = arith.constant 0 : index
    %get3A_9 = vector.load %arg3[%get3A_7, %get3A_8] : memref<1000x128xf32, #tpu.memory_space<vmem>>, vector<1000x128xf32>
    %mul3A = vector.broadcast %select_n3A : vector<1000x1xf32> to vector<1000x128xf32>
    %mul3A_10 = arith.mulf %mul3A, %get3A_9 : vector<1000x128xf32>
    %swap3A = arith.constant 0 : index
    %swap3A_11 = arith.constant 0 : index
    %swap3A_12 = vector.load %arg4[%swap3A, %swap3A_11] : memref<1000x128xf32, #tpu.memory_space<vmem>>, vector<1000x128xf32>
    tpu.vector_store %arg4[%swap3A, %swap3A_11], %mul3A_10 {strides = array<i32>} : memref<1000x128xf32, #tpu.memory_space<vmem>>, vector<1000x128xf32>,
    %swap3A_13 = arith.constant 0 : index
    %swap3A_14 = arith.constant 0 : index
    %swap3A_15 = vector.load %arg5[%swap3A_13, %swap3A_14] : memref<1000x1xf32, #tpu.memory_space<vmem>>, vector<1000x1xf32>
    tpu.vector_store %arg5[%swap3A_13, %swap3A_14], %select_n3A {strides = array<i32>} : memref<1000x1xf32, #tpu.memory_space<vmem>>, vector<1000x1xf32>,
    return
  }
  func.func @transform_0(%arg0: i32) -> (i32, i32) {
    %c0_i32 = arith.constant 0 : i32
    %c0_i32_0 = arith.constant 0 : i32
    return %arg0, %c0_i32 : i32, i32
  }
  func.func @transform_1(%arg0: i32) -> (i32, i32) {
    %c0_i32 = arith.constant 0 : i32
    %c0_i32_0 = arith.constant 0 : i32
    return %arg0, %c0_i32 : i32, i32
  }
  func.func @transform_2(%arg0: i32) -> (i32, i32) {
    %c0_i32 = arith.constant 0 : i32
    %c0_i32_0 = arith.constant 0 : i32
    return %arg0, %c0_i32 : i32, i32
  }
  func.func @transform_3(%arg0: i32) -> (i32, i32) {
    %c0_i32 = arith.constant 0 : i32
    %c0_i32_0 = arith.constant 0 : i32
    return %arg0, %c0_i32 : i32, i32
  }
  func.func @transform_4(%arg0: i32) -> (i32, i32) {
    %c0_i32 = arith.constant 0 : i32
    %c0_i32_0 = arith.constant 0 : i32
    return %arg0, %c0_i32 : i32, i32
  }
}

module attributes {stable_mosaic.version = 14 : i64} {
  func.func @body(%arg0: i32, %arg1: memref<1000x128xf32, #tpu.memory_space<vmem>>, %arg2: memref<1000x128xf32, #tpu.memory_space<vmem>>, %arg3: memref<1000x1xf32, #tpu.memory_space<vmem>>, %arg4: memref<1000x128xf32, #tpu.memory_space<vmem>>, %arg5: memref<2x128xf32, #tpu.memory_space<vmem>>) attributes {dimension_semantics = [#tpu.dimension_semantics<arbitrary>], iteration_bounds = array<i64: 10>, scalar_prefetch = 0 : i64, scratch_operands = 0 : i64, tpu.core_type = #tpu.core_type<tc>, window_params = [{transform_indices = @transform_0, window_bounds = array<i64: 1000, 128>}, {transform_indices = @transform_1, window_bounds = array<i64: 1000, 128>}, {transform_indices = @transform_2, window_bounds = array<i64: 1000, 1>}, {transform_indices = @transform_3, window_bounds = array<i64: 1000, 128>}, {pipeline_mode = #tpu.pipeline_mode<synchronous>, transform_indices = @transform_4, window_bounds = array<i64: 2, 128>}]} {
    %get3A = arith.constant 0 : index
    %get3A_0 = arith.constant 0 : index
    %get3A_1 = vector.load %arg3[%get3A, %get3A_0] : memref<1000x1xf32, #tpu.memory_space<vmem>>, vector<1000x1xf32>
    %get3A_2 = arith.constant 0 : index
    %get3A_3 = arith.constant 0 : index
    %get3A_4 = vector.load %arg1[%get3A_2, %get3A_3] : memref<1000x128xf32, #tpu.memory_space<vmem>>, vector<1000x128xf32>
    %get3A_5 = arith.constant 0 : index
    %get3A_6 = arith.constant 0 : index
    %get3A_7 = vector.load %arg2[%get3A_5, %get3A_6] : memref<1000x128xf32, #tpu.memory_space<vmem>>, vector<1000x128xf32>
    %add3A = arith.addf %get3A_4, %get3A_7 : vector<1000x128xf32>
    %mul3A = vector.broadcast %get3A_1 : vector<1000x1xf32> to vector<1000x128xf32>
    %mul3A_8 = arith.mulf %mul3A, %add3A : vector<1000x128xf32>
    %swap3A = arith.constant 0 : index
    %swap3A_9 = arith.constant 0 : index
    %swap3A_10 = vector.load %arg4[%swap3A, %swap3A_9] : memref<1000x128xf32, #tpu.memory_space<vmem>>, vector<1000x128xf32>
    tpu.vector_store %arg4[%swap3A, %swap3A_9], %mul3A_8 {strides = array<i32>} : memref<1000x128xf32, #tpu.memory_space<vmem>>, vector<1000x128xf32>,
    %eq3A = arith.constant 0 : i32
    %eq3A_11 = arith.cmpi eq, %arg0, %eq3A : i32
    %convert_element_type3A = arith.extui %eq3A_11 : i1 to i32
    %cond3A = arith.constant 0 : i32
    %cond3A_12 = arith.cmpi ne, %convert_element_type3A, %cond3A : i32
    scf.if %cond3A_12 {
      %broadcast_in_dim3A_32 = arith.constant 0.000000e+00 : f32
      %broadcast_in_dim3A_33 = vector.broadcast %broadcast_in_dim3A_32 : f32 to vector<2x128xf32>
      %swap3A_34 = arith.constant 0 : index
      %swap3A_35 = arith.constant 0 : index
      %swap3A_36 = vector.load %arg5[%swap3A_34, %swap3A_35] : memref<2x128xf32, #tpu.memory_space<vmem>>, vector<2x128xf32>
      tpu.vector_store %arg5[%swap3A_34, %swap3A_35], %broadcast_in_dim3A_33 {strides = array<i32>} : memref<2x128xf32, #tpu.memory_space<vmem>>, vector<2x128xf32>,
    } else {
    }
    %get3A_13 = arith.constant 0 : index
    %get3A_14 = arith.constant 0 : index
    %get3A_15 = vector.load %arg5[%get3A_13, %get3A_14] : memref<2x128xf32, #tpu.memory_space<vmem>>, vector<1x128xf32>
    %reduce_sum3A = arith.constant dense<0.000000e+00> : vector<128xf32>
    %reduce_sum3A_16 = vector.multi_reduction <add>, %mul3A_8, %reduce_sum3A [0] : vector<1000x128xf32> to vector<128xf32>
    %broadcast_in_dim3A = vector.shape_cast %reduce_sum3A_16 : vector<128xf32> to vector<1x128xf32>
    %add3A_17 = arith.addf %get3A_15, %broadcast_in_dim3A : vector<1x128xf32>
    %swap3A_18 = arith.constant 0 : index
    %swap3A_19 = arith.constant 0 : index
    %swap3A_20 = vector.load %arg5[%swap3A_18, %swap3A_19] : memref<2x128xf32, #tpu.memory_space<vmem>>, vector<1x128xf32>
    tpu.vector_store %arg5[%swap3A_18, %swap3A_19], %add3A_17 {strides = array<i32>} : memref<2x128xf32, #tpu.memory_space<vmem>>, vector<1x128xf32>,
    %get3A_21 = arith.constant 1 : index
    %get3A_22 = arith.constant 0 : index
    %get3A_23 = vector.load %arg5[%get3A_21, %get3A_22] : memref<2x128xf32, #tpu.memory_space<vmem>>, vector<1x128xf32>
    %mul3A_24 = arith.mulf %mul3A_8, %mul3A_8 : vector<1000x128xf32>
    %reduce_sum3A_25 = arith.constant dense<0.000000e+00> : vector<128xf32>
    %reduce_sum3A_26 = vector.multi_reduction <add>, %mul3A_24, %reduce_sum3A_25 [0] : vector<1000x128xf32> to vector<128xf32>
    %broadcast_in_dim3A_27 = vector.shape_cast %reduce_sum3A_26 : vector<128xf32> to vector<1x128xf32>
    %add3A_28 = arith.addf %get3A_23, %broadcast_in_dim3A_27 : vector<1x128xf32>
    %swap3A_29 = arith.constant 1 : index
    %swap3A_30 = arith.constant 0 : index
    %swap3A_31 = vector.load %arg5[%swap3A_29, %swap3A_30] : memref<2x128xf32, #tpu.memory_space<vmem>>, vector<1x128xf32>
    tpu.vector_store %arg5[%swap3A_29, %swap3A_30], %add3A_28 {strides = array<i32>} : memref<2x128xf32, #tpu.memory_space<vmem>>, vector<1x128xf32>,
    return
  }
  func.func @transform_0(%arg0: i32) -> (i32, i32) {
    %c0_i32 = arith.constant 0 : i32
    %c0_i32_0 = arith.constant 0 : i32
    return %arg0, %c0_i32 : i32, i32
  }
  func.func @transform_1(%arg0: i32) -> (i32, i32) {
    %c0_i32 = arith.constant 0 : i32
    %c0_i32_0 = arith.constant 0 : i32
    return %arg0, %c0_i32 : i32, i32
  }
  func.func @transform_2(%arg0: i32) -> (i32, i32) {
    %c0_i32 = arith.constant 0 : i32
    %c0_i32_0 = arith.constant 0 : i32
    return %arg0, %c0_i32 : i32, i32
  }
  func.func @transform_3(%arg0: i32) -> (i32, i32) {
    %c0_i32 = arith.constant 0 : i32
    %c0_i32_0 = arith.constant 0 : i32
    return %arg0, %c0_i32 : i32, i32
  }
  func.func @transform_4(%arg0: i32) -> (i32, i32) {
    %c0_i32 = arith.constant 0 : i32
    %c0_i32_0 = arith.constant 0 : i32
    %c0_i32_1 = arith.constant 0 : i32
    return %c0_i32, %c0_i32_0 : i32, i32
  }
}

module attributes {stable_mosaic.version = 14 : i64} {
  func.func @body(%arg0: i32, %arg1: memref<1000x128xf32, #tpu.memory_space<vmem>>, %arg2: memref<2x128xf32, #tpu.memory_space<vmem>>, %arg3: memref<1000x1xf32, #tpu.memory_space<vmem>>, %arg4: memref<128x128xf32, #tpu.memory_space<vmem>>, %arg5: memref<1000x128xf32, #tpu.memory_space<vmem>>) attributes {dimension_semantics = [#tpu.dimension_semantics<arbitrary>], iteration_bounds = array<i64: 10>, scalar_prefetch = 0 : i64, scratch_operands = 0 : i64, tpu.core_type = #tpu.core_type<tc>, window_params = [{transform_indices = @transform_0, window_bounds = array<i64: 1000, 128>}, {pipeline_mode = #tpu.pipeline_mode<synchronous>, transform_indices = @transform_1, window_bounds = array<i64: 2, 128>}, {transform_indices = @transform_2, window_bounds = array<i64: 1000, 1>}, {pipeline_mode = #tpu.pipeline_mode<synchronous>, transform_indices = @transform_3, window_bounds = array<i64: 128, 128>}, {transform_indices = @transform_4, window_bounds = array<i64: 1000, 128>}]} {
    %get3A = arith.constant 0 : index
    %get3A_0 = arith.constant 0 : index
    %get3A_1 = vector.load %arg2[%get3A, %get3A_0] : memref<2x128xf32, #tpu.memory_space<vmem>>, vector<1x128xf32>
    %div3A = arith.constant 1.000000e+04 : f32
    %div3A_2 = vector.broadcast %div3A : f32 to vector<1x128xf32>
    %div3A_3 = arith.divf %get3A_1, %div3A_2 : vector<1x128xf32>
    %get3A_4 = arith.constant 1 : index
    %get3A_5 = arith.constant 0 : index
    %get3A_6 = vector.load %arg2[%get3A_4, %get3A_5] : memref<2x128xf32, #tpu.memory_space<vmem>>, vector<1x128xf32>
    %div3A_7 = arith.constant 1.000000e+04 : f32
    %div3A_8 = vector.broadcast %div3A_7 : f32 to vector<1x128xf32>
    %div3A_9 = arith.divf %get3A_6, %div3A_8 : vector<1x128xf32>
    %mul3A = arith.mulf %div3A_3, %div3A_3 : vector<1x128xf32>
    %sub3A = arith.subf %div3A_9, %mul3A : vector<1x128xf32>
    %get3A_10 = arith.constant 0 : index
    %get3A_11 = arith.constant 0 : index
    %get3A_12 = vector.load %arg1[%get3A_10, %get3A_11] : memref<1000x128xf32, #tpu.memory_space<vmem>>, vector<1000x128xf32>
    %sub3A_13 = vector.broadcast %div3A_3 : vector<1x128xf32> to vector<1000x128xf32>
    %sub3A_14 = arith.subf %get3A_12, %sub3A_13 : vector<1000x128xf32>
    %add3A = arith.constant 9.99999974E-6 : f32
    %add3A_15 = vector.broadcast %add3A : f32 to vector<1x128xf32>
    %add3A_16 = arith.addf %sub3A, %add3A_15 : vector<1x128xf32>
    %rsqrt3A = math.rsqrt %add3A_16 : vector<1x128xf32>
    %mul3A_17 = vector.broadcast %rsqrt3A : vector<1x128xf32> to vector<1000x128xf32>
    %mul3A_18 = arith.mulf %sub3A_14, %mul3A_17 : vector<1000x128xf32>
    %max3A = arith.constant 0.000000e+00 : f32
    %max3A_19 = vector.broadcast %max3A : f32 to vector<1000x128xf32>
    %max3A_20 = arith.maximumf %mul3A_18, %max3A_19 : vector<1000x128xf32>
    %get3A_21 = arith.constant 0 : index
    %get3A_22 = arith.constant 0 : index
    %get3A_23 = vector.load %arg3[%get3A_21, %get3A_22] : memref<1000x1xf32, #tpu.memory_space<vmem>>, vector<1000x1xf32>
    %get3A_24 = arith.constant 0 : index
    %get3A_25 = arith.constant 0 : index
    %get3A_26 = vector.load %arg4[%get3A_24, %get3A_25] : memref<128x128xf32, #tpu.memory_space<vmem>>, vector<128x128xf32>
    %dot_general3A = arith.constant dense<0.000000e+00> : vector<1000x128xf32>
    %dot_general3A_27 = tpu.matmul %max3A_20, %get3A_26, %dot_general3A {dimension_numbers = #tpu.dot_dimension_numbers<[1], [0], [0], [1], [0, 0, 1, 1], [], []>, transpose_lhs_hint = false} : vector<1000x128xf32>, vector<128x128xf32>, vector<1000x128xf32> -> vector<1000x128xf32>
    %mul3A_28 = vector.broadcast %get3A_23 : vector<1000x1xf32> to vector<1000x128xf32>
    %mul3A_29 = arith.mulf %mul3A_28, %dot_general3A_27 : vector<1000x128xf32>
    %swap3A = arith.constant 0 : index
    %swap3A_30 = arith.constant 0 : index
    %swap3A_31 = vector.load %arg5[%swap3A, %swap3A_30] : memref<1000x128xf32, #tpu.memory_space<vmem>>, vector<1000x128xf32>
    tpu.vector_store %arg5[%swap3A, %swap3A_30], %mul3A_29 {strides = array<i32>} : memref<1000x128xf32, #tpu.memory_space<vmem>>, vector<1000x128xf32>,
    return
  }
  func.func @transform_0(%arg0: i32) -> (i32, i32) {
    %c0_i32 = arith.constant 0 : i32
    %c0_i32_0 = arith.constant 0 : i32
    return %arg0, %c0_i32 : i32, i32
  }
  func.func @transform_1(%arg0: i32) -> (i32, i32) {
    %c0_i32 = arith.constant 0 : i32
    %c0_i32_0 = arith.constant 0 : i32
    %c0_i32_1 = arith.constant 0 : i32
    return %c0_i32, %c0_i32_0 : i32, i32
  }
  func.func @transform_2(%arg0: i32) -> (i32, i32) {
    %c0_i32 = arith.constant 0 : i32
    %c0_i32_0 = arith.constant 0 : i32
    return %arg0, %c0_i32 : i32, i32
  }
  func.func @transform_3(%arg0: i32) -> (i32, i32) {
    %c0_i32 = arith.constant 0 : i32
    %c0_i32_0 = arith.constant 0 : i32
    %c0_i32_1 = arith.constant 0 : i32
    return %c0_i32, %c0_i32_0 : i32, i32
  }
  func.func @transform_4(%arg0: i32) -> (i32, i32) {
    %c0_i32 = arith.constant 0 : i32
    %c0_i32_0 = arith.constant 0 : i32
    return %arg0, %c0_i32 : i32, i32
  }
}

module attributes {stable_mosaic.version = 14 : i64} {
  func.func @body(%arg0: i32, %arg1: memref<1000x128xf32, #tpu.memory_space<vmem>>, %arg2: memref<1000x128xf32, #tpu.memory_space<vmem>>, %arg3: memref<1000x1xf32, #tpu.memory_space<vmem>>, %arg4: memref<1x128xf32, #tpu.memory_space<vmem>>, %arg5: memref<1000x128xf32, #tpu.memory_space<vmem>>) attributes {dimension_semantics = [#tpu.dimension_semantics<arbitrary>], iteration_bounds = array<i64: 10>, scalar_prefetch = 0 : i64, scratch_operands = 0 : i64, tpu.core_type = #tpu.core_type<tc>, window_params = [{transform_indices = @transform_0, window_bounds = array<i64: 1000, 128>}, {transform_indices = @transform_1, window_bounds = array<i64: 1000, 128>}, {transform_indices = @transform_2, window_bounds = array<i64: 1000, 1>}, {pipeline_mode = #tpu.pipeline_mode<synchronous>, transform_indices = @transform_3, window_bounds = array<i64: 1, 128>}, {transform_indices = @transform_4, window_bounds = array<i64: 1000, 128>}]} {
    %get3A = arith.constant 0 : index
    %get3A_0 = arith.constant 0 : index
    %get3A_1 = vector.load %arg3[%get3A, %get3A_0] : memref<1000x1xf32, #tpu.memory_space<vmem>>, vector<1000x1xf32>
    %get3A_2 = arith.constant 0 : index
    %get3A_3 = arith.constant 0 : index
    %get3A_4 = vector.load %arg1[%get3A_2, %get3A_3] : memref<1000x128xf32, #tpu.memory_space<vmem>>, vector<1000x128xf32>
    %get3A_5 = arith.constant 0 : index
    %get3A_6 = arith.constant 0 : index
    %get3A_7 = vector.load %arg2[%get3A_5, %get3A_6] : memref<1000x128xf32, #tpu.memory_space<vmem>>, vector<1000x128xf32>
    %add3A = arith.addf %get3A_4, %get3A_7 : vector<1000x128xf32>
    %mul3A = vector.broadcast %get3A_1 : vector<1000x1xf32> to vector<1000x128xf32>
    %mul3A_8 = arith.mulf %mul3A, %add3A : vector<1000x128xf32>
    %get3A_9 = arith.constant 0 : index
    %get3A_10 = arith.constant 0 : index
    %get3A_11 = vector.load %arg4[%get3A_9, %get3A_10] : memref<1x128xf32, #tpu.memory_space<vmem>>, vector<1x128xf32>
    %add3A_12 = vector.broadcast %get3A_11 : vector<1x128xf32> to vector<1000x128xf32>
    %add3A_13 = arith.addf %mul3A_8, %add3A_12 : vector<1000x128xf32>
    %swap3A = arith.constant 0 : index
    %swap3A_14 = arith.constant 0 : index
    %swap3A_15 = vector.load %arg5[%swap3A, %swap3A_14] : memref<1000x128xf32, #tpu.memory_space<vmem>>, vector<1000x128xf32>
    tpu.vector_store %arg5[%swap3A, %swap3A_14], %add3A_13 {strides = array<i32>} : memref<1000x128xf32, #tpu.memory_space<vmem>>, vector<1000x128xf32>,
    return
  }
  func.func @transform_0(%arg0: i32) -> (i32, i32) {
    %c0_i32 = arith.constant 0 : i32
    %c0_i32_0 = arith.constant 0 : i32
    return %arg0, %c0_i32 : i32, i32
  }
  func.func @transform_1(%arg0: i32) -> (i32, i32) {
    %c0_i32 = arith.constant 0 : i32
    %c0_i32_0 = arith.constant 0 : i32
    return %arg0, %c0_i32 : i32, i32
  }
  func.func @transform_2(%arg0: i32) -> (i32, i32) {
    %c0_i32 = arith.constant 0 : i32
    %c0_i32_0 = arith.constant 0 : i32
    return %arg0, %c0_i32 : i32, i32
  }
  func.func @transform_3(%arg0: i32) -> (i32, i32) {
    %c0_i32 = arith.constant 0 : i32
    %c0_i32_0 = arith.constant 0 : i32
    %c0_i32_1 = arith.constant 0 : i32
    return %c0_i32, %c0_i32_0 : i32, i32
  }
  func.func @transform_4(%arg0: i32) -> (i32, i32) {
    %c0_i32 = arith.constant 0 : i32
    %c0_i32_0 = arith.constant 0 : i32
    return %arg0, %c0_i32 : i32, i32
  }
}

</mosaic_0001>

<sc_bundles>
// kernel: kernel.10.cloned.1.call-start
scs
__scs_entry_jumppad:
0x0: {  	(pc) =	sbr.rel $0x88, $3  }
0x1: {  	(tag) =	ssettag $0x0;
	lr =	simm.s32 $0x1  }
0x2: {  	[smem:$0x3F9C] =	sst lr;
	_ =	strace $0xD0000000  }
0x3: {  	_ = 	snop  }
0x4: {  	_ = 	snop  }
0x5: {  	_ = 	snop  }
0x6: {  	_ = 	snop  }
0x7: {  	_ = 	snop  }
__scs_overlays_trampoline_lowered:
0x8: {  	[smem:$0x3FAB] =	sst s0  }
0x9: {  	[smem:$0x3FAC] =	sst s1  }
0xa: {  	[smem:$0x3FAD] =	sst s2  }
0xb: {  	[smem:$0x3FAE] =	sst s3  }
0xc: {  	[smem:$0x3FAF] =	sst s4  }
0xd: {  	[smem:$0x3FB0] =	sst s5  }
0xe: {  	[smem:$0x3FB1] =	sst s6  }
0xf: {  	[smem:$0x3FB2] =	sst s7  }
0x10: {  	[smem:$0x3FB3] =	sst s8  }
0x11: {  	[smem:$0x3FB4] =	sst s9;
	s0 =	simm.s32 @!p0 $0x0  }
0x12: {  	s1 =	sld [smem:$0x3F9A];
	s0 =	simm.s32 @p0 $0x1  }
0x13: {  	[smem:$0x3FB5] =	sst s0;
	s0 =	simm.s32 @!p1 $0x0  }
0x14: {  	s2 =	sld [smem:$0x3F99];
	s0 =	simm.s32 @p1 $0x1  }
0x15: {  	[smem:$0x3FB6] =	sst s0;
	s0 =	simm.s32 @!p2 $0x0  }
0x16: {  	s3 =	sld [smem:$0x3FDB];
	s0 =	simm.s32 @p2 $0x1  }
0x17: {  	s4 =	simm.s32 $0x1BF5;
	[smem:$0x3FB8] =	sst s0  }
0x18: {  	s0 =	sld [smem:$0x3F9B];
	_ =	swait.ge [sflag:s4], $0x0  }
0x19: {  	s7 =	sld [smem:$0x3F9C]  }
0x1a: {  	s8 =	sadd.s32 $0xFFFFE003, lr  }
0x1b: {  	s9 =	sadd.s32 $0xFFFFFEF7, lr;
	s5 =	simm.s32 $0xFFFFFFFF;
	p2 =	slt.u32 s8, $0xFFFFF086  }
0x1c: {  	p1 =	slt.u32 s9, $0xF7A;
	s5 =	simm.s32 @!p2 $0x0  }
0x1d: {  	s5 =	simm.s32 @p1 $0x1;
	p0 =	seq.s32 s7, s2  }
0x1e: {  	s7 =	smul.u32 @!p0 $0xF7A, s2;
	p2 =	seq.s32 @!p0 s5, $0x0  }
0x1f: {  	s9 =	smul.u32 $0xF7A, s1;
	s8 =	simm.s32 @!p0 $0x1BF5;
	p2 =	por !p2, p0  }
0x20: {  	[sflag:s8] =	ssyncset.s32 @!p0 $0xFFFFF086;
	s6 =	sadd.s32 @!p0 s3, s7;
	s7 =	simm.s32 @!p0 $0x108  }
0x21: {  	s3 =	sadd.s32 s3, s9;
	s6 =	sadd.s32 @!p0 $0x88, s6;
	s7 =	simm.s32 @p2 $0x1082  }
0x22: {  	[simem:s7], [sflag:s8] =	dma.local @!p0 [hbm:s6], $0xF7A  }
0x23: {  	s9 =	sor.u32 $0xD0000000, s2;
	s6 =	simm.s32 $0x108;
	_ =	swait.ge @!p0 [sflag:s8], $0x0  }
0x24: {  	s3 =	sadd.s32 $0x88, s3;
	s6 =	simm.s32 @!p1 $0x1082;
	[sflag:s4] =	ssyncset.s32 $0xFFFFF086  }
0x25: {  	[simem:s6], [sflag:s4] =	dma.local [hbm:s3], $0xF7A  }
0x26: {  	[smem:$0x3F9C] =	sst s1;
	(tag) =	ssettag s2;
	_ =	strace s9  }
0x27: {  	s1 =	sld [smem:$0x3FAC]  }
0x28: {  	s2 =	sld [smem:$0x3FAD]  }
0x29: {  	s4 =	sld [smem:$0x3FAF]  }
0x2a: {  	p0 =	seq.s32 s5, $0x0;
	s5 =	sld [smem:$0x3FB0]  }
0x2b: {  	s6 =	sld [smem:$0x3FB1]  }
0x2c: {  	s7 =	sld [smem:$0x3FB2]  }
0x2d: {  	s3 =	simm.s32 $0x108;
	s8 =	sld [smem:$0x3FB3]  }
0x2e: {  	s3 =	simm.s32 @!p0 $0x1082;
	s9 =	sld [smem:$0x3FB4]  }
0x2f: {  	lr =	sadd.s32 s0, s3;
	s0 =	sld [smem:$0x3FAB]  }
0x30: {  	s3 =	sld [smem:$0x3FAE]  }
0x31: {  	[smem:$0x3FB7] =	sst s10  }
0x32: {  	s10 =	sld [smem:$0x3FB5];
	_ =	sdelay $0x3  }
0x33: {  	p0 =	seq.s32 s10, $0x1;
	s10 =	sld [smem:$0x3FB7];
	_ =	sdelay $0x3  }
0x34: {  	[smem:$0x3FB7] =	sst s10  }
0x35: {  	s10 =	sld [smem:$0x3FB6];
	_ =	sdelay $0x3  }
0x36: {  	p1 =	seq.s32 s10, $0x1;
	s10 =	sld [smem:$0x3FB7];
	_ =	sdelay $0x3  }
0x37: {  	[smem:$0x3FB7] =	sst s10  }
0x38: {  	s10 =	sld [smem:$0x3FB8]  }
0x39: {  	_ = 	snop;
	(pc) =	sbr.ind lr, $3  }
0x3a: {  	_ = 	snop  }
0x3b: {  	_ = 	snop  }
0x3c: {  	p2 =	seq.s32 s10, $0x1;
	s10 =	sld [smem:$0x3FB7]  }
0x3d: {  	_ =	shalt  }
0x3e: {  	_ =	shalt  }
0x3f: {  	_ =	shalt  }
0x40: {  	_ =	shalt  }
0x41: {  	_ =	shalt  }
0x42: {  	_ =	shalt  }
0x43: {  	_ =	shalt  }
0x44: {  	_ =	shalt  }
0x45: {  	_ =	shalt  }
0x46: {  	_ =	shalt  }
0x47: {  	_ =	shalt  }
0x48: {  	_ =	shalt  }
0x49: {  	_ =	shalt  }
0x4a: {  	_ =	shalt  }
0x4b: {  	_ =	shalt  }
0x4c: {  	_ =	shalt  }
0x4d: {  	_ =	shalt  }
0x4e: {  	_ =	shalt  }
0x4f: {  	_ =	shalt  }
0x50: {  	_ =	shalt  }
0x51: {  	_ =	shalt  }
0x52: {  	_ =	shalt  }
0x53: {  	_ =	shalt  }
0x54: {  	_ =	shalt  }
0x55: {  	_ =	shalt  }
0x56: {  	_ =	shalt  }
0x57: {  	_ =	shalt  }
0x58: {  	_ =	shalt  }
0x59: {  	_ =	shalt  }
0x5a: {  	_ =	shalt  }
0x5b: {  	_ =	shalt  }
0x5c: {  	_ =	shalt  }
0x5d: {  	_ =	shalt  }
0x5e: {  	_ =	shalt  }
0x5f: {  	_ =	shalt  }
0x60: {  	_ =	shalt  }
0x61: {  	_ =	shalt  }
0x62: {  	_ =	shalt  }
0x63: {  	_ =	shalt  }
0x64: {  	_ =	shalt  }
0x65: {  	_ =	shalt  }
0x66: {  	_ =	shalt  }
0x67: {  	_ =	shalt  }
0x68: {  	_ =	shalt  }
0x69: {  	_ =	shalt  }
0x6a: {  	_ =	shalt  }
0x6b: {  	_ =	shalt  }
0x6c: {  	_ =	shalt  }
0x6d: {  	_ =	shalt  }
0x6e: {  	_ =	shalt  }
0x6f: {  	_ =	shalt  }
0x70: {  	_ =	shalt  }
0x71: {  	_ =	shalt  }
0x72: {  	_ =	shalt  }
0x73: {  	_ =	shalt  }
0x74: {  	_ =	shalt  }
0x75: {  	_ =	shalt  }
0x76: {  	_ =	shalt  }
0x77: {  	_ =	shalt  }
0x78: {  	_ =	shalt  }
0x79: {  	_ =	shalt  }
0x7a: {  	_ =	shalt  }
0x7b: {  	_ =	shalt  }
0x7c: {  	_ =	shalt  }
0x7d: {  	_ =	shalt  }
0x7e: {  	_ =	shalt  }
0x7f: {  	_ =	shalt  }
0x80: {  	_ =	shalt  }
0x81: {  	_ =	shalt  }
0x82: {  	_ =	shalt  }
0x83: {  	_ =	shalt  }
0x84: {  	_ =	shalt  }
0x85: {  	_ =	shalt  }
0x86: {  	_ =	shalt  }
0x87: {  	_ =	shalt  }
.Lfunc_end0:
.L_simem_size_0:
called_computation_lowered:
.L_overlay_start_0:
0x88: {  	s2 =	sld [smem:$0x3FD9]  }
0x89: {  	s3 =	sld [smem:$0x3FFE];
	_ =	sdelay $0x1  }
0x8a: {  	s1 =	srdreg.scid  }
0x8b: {  	s0 =	sand.u32 $0x1, s1  }
0x8c: {  	s16 =	sshll.u32 s0, $0xA;
	s2 =	sadd.s32 s3, s2  }
0x8d: {  	s2 =	sadd.s32 s2, s16  }
0x8e: {  	[smem:$0x3FC3] =	sst s2  }
0x8f: {  	_ = 	snop  }
0x90: {  	(tm) =	ssettm $0x1  }
0x91: {  	s17 =	sld [smem:$0x3FFB];
	_ =	sdelay $0x3  }
0x92: {  	_ =	strace s17  }
0x93: {  	s2 =	sld [smem:$0x3FFC];
	_ =	sdelay $0x3  }
0x94: {  	_ =	strace s2  }
0x95: {  	s2 =	sld [smem:$0x3FFD];
	_ =	sdelay $0x3  }
0x96: {  	_ =	strace s2  }
0x97: {  	_ =	strace $0x8FFFFFFF  }
0x98: {  	s18 =	sld [smem:$0x3FDB];
	_ =	sdelay $0x1  }
0x99: {  	s19 =	simm.s32 $_scs_section_size  }
0x9a: {  	s4 =	simm.s32 $_size__tile_overlayer_lowered;
	s5 =	simm.s32 $_tile_overlayer_lowered  }
0x9b: {  	s22 =	simm.s32 $0x1BFF;
	s21 =	sshll.u32 s5, $0x1;
	s2 =	sadd.s32 s19, s18  }
0x9c: {  	s6 =	simm.s32 $0x0;
	s20 =	sshll.u32 s4, $0x1;
	s4 =	sadd.s32 s21, s2  }
0x9d: {  	[timem:s6], [sflag:s22] =	dma.local [hbm:s4], s20  }
0x9e: {  	_ =	swait.ge [sflag:s22], s20  }
0x9f: {  	s3 =	ssub.s32 $0x0, s20;
	[sflag:s22] =	ssyncset.done $0x0  }
0xa0: {  	[sflag:s22] =	ssyncadd.s32 s3;
	_ =	sdelay $0x1  }
0xa1: {  	s23 =	simm.s32 $0x1B8B  }
0xa2: {  	_ =	swait.ge [sflag:s23], $0x1  }
0xa3: {  	[sflag:s23] =	ssyncset.done $0x0  }
0xa4: {  	s25 =	simm.s32 $0x1B8E;
	s24 =	sld [smem:$0x3FFE];
	[sflag:s23] =	ssyncadd.s32 $0xFFFFFFFF  }
0xa5: {  	s26 =	simm.s32 $execute0_lowered;
	[smem:$0x3FD2] =	sst s25  }
0xa6: {  	s4 =	sshll.u32 s26, $0x1;
	_ =	strace $0x80000046;
	[dreg:$0x1] =	wrdreg $0xFFFFFFFF  }
0xa7: {  	s28 =	simm.s32 $_size_execute0_lowered;
	s2 =	sadd.s32 s2, s4;
	[dreg:$0x0] =	wrdreg $0x0  }
0xa8: {  	s4 =	sshll.u32 s28, $0x1;
	[dreg:$0x2] =	wrdreg s2  }
0xa9: {  	[dreg:$0x3] =	wrdreg s4  }
0xaa: {  	[dreg:$0x4] =	wrdreg $0xC0  }
0xab: {  	_ =	task [dreg:s6], $0x5FFFF  }
0xac: {  	[dreg:$0x1] =	wrdreg $0xFFFFFFFF  }
0xad: {  	[dreg:$0x0] =	wrdreg $0x60  }
0xae: {  	[dreg:$0x2] =	wrdreg s24  }
0xaf: {  	[dreg:$0x3] =	wrdreg $0x67800  }
0xb0: {  	[dreg:$0x4] =	wrdreg $0x9  }
0xb1: {  	_ =	task.clear_ibuf [dreg:s6], $0x5FFFF;
	_ =	strace $0x90000046  }
0xb2: {  	s29 =	simm.s32 $0x9;
	_ =	strace $0x80000048  }
0xb3: {  	_ =	swait.ge [sflag:s29], $0x1  }
0xb4: {  	[sflag:s29] =	ssyncadd.s32 $0xFFFFFFFF  }
0xb5: {  	_ =	strace $0x90000048  }
0xb6: {  	_ =	sfence  }
0xb7: {  	s30 =	sld [smem:$0x0];
	_ =	sdelay $0x2  }
0xb8: {  	s31 =	sshll.u32 s1, $0xD;
	s1 =	sshrl.u32 s1, $0x2  }
0xb9: {  	s3 =	sand.u32 $0x4000, s31;
	s1 =	sadd.s32 s1, s30  }
0xba: {  	s0 =	sor.u32 s3, s0;
	s1 =	sshll.u32 s1, $0x11  }
0xbb: {  	s0 =	sor.u32 s1, s0  }
0xbc: {  	s0 =	sadd.s32 $0x8F2B, s0  }
0xbd: {  	[sflag:s0] =	ssyncadd.remote.s32 $0x1  }
0xbe: {  	_ =	sfence.sel $0xFFFF  }
0xbf: {  	[dreg:$0x0] =	wrdreg $0xFFFFFFFF;
	(pc) =	sbr.abs _section_cstart, $3  }
0xc0: {  	[dreg:$0x1] =	wrdreg $0xFFFFFFFF  }
0xc1: {  	_ =	task.clear_ibuf [dreg:s6], $0x2FFFF;
	_ =	strace $0x9FFFFFFF  }
0xc2: {  	(tm) =	ssettm $0x7FFFFFFF  }
0xc3: {  	_ =	shalt  }
tec
execute0_lowered:
.L_overlay_start_1:
0x0: {  	(tag) =	ssettag $0x1  }
0x1: {  	s0 =	srdreg.scid;
	s1 =	rddreg [dreg:$0x0]  }
0x2: {  	s5 =	stileid.u32;
	s2 =	rddreg [dreg:$0x1];
	s28 =	simm.s32 $0x2  }
0x3: {  	s29 =	simm.s32 $0x80;
	s0 =	sand.u32 $0x1, s0;
	s8 =	smul.u32 $0x4F000, s5  }
0x4: {  	s3 =	sshll.u32 s5, $0x1;
	s20 =	sadd.s32 $0xC000, s1;
	s11 =	smul.u32 $0x4E000, s5  }
0x5: {  	s21 =	sadd.s32 $0xC800, s1;
	s16 =	smul.u32 $0x270, s5;
	p0 =	sne.s32 s5, $0xF  }
0x6: {  	s4 =	sor.u32 s0, s3;
	s3 =	simm.s32 $0x0;
	s7 =	smul.u32 $0x27100, s0  }
0x7: {  	s0 =	ssub.s32 $0x2, s0;
	s6 =	smul.u32 $0x4F0, s4;
	[smem:$0x7FF] =	sst s3  }
0x8: {  	s22 =	sshrl.u32 s0, $0x1;
	s23 =	sshrl.u32 s8, $0x2;
	s12 =	sshrl.u32 s11, $0x2  }
0x9: {  	s15 =	sadd.s32 $0x80, s16;
	s17 =	sadd.s32 $0x100, s16;
	s26 =	sadd.s32 $0x180, s16  }
0xa: {  	s18 =	sadd.s32 $0x200, s16;
	_ =	strace $0x80000047;
	[dreg:$0x3] =	wrdreg s20  }
0xb: {  	[dreg:$0x4] =	wrdreg s21;
	s0 =	ssub.s32 s0, s22;
	s12 =	sadd.s32 s12, s2  }
0xc: {  	s24 =	sshll.u32 s15, $0x7;
	s21 =	smul.u32 $0x2700, s5;
	s25 =	sshll.u32 s17, $0x7  }
0xd: {  	s22 =	sshll.u32 s15, $0x4;
	s30 =	sshll.u32 s26, $0x7;
	s31 =	sshll.u32 s18, $0x7  }
0xe: {  	s20 =	simm.s32 $0x2780;
	s9 =	sadd.s32 s6, s1;
	s1 =	sadd.s32 s7, s1  }
0xf: {  	s6 =	sadd.s32 s23, s2;
	s14 =	sadd.s32 s24, s2;
	s15 =	sadd.s32 s25, s2  }
0x10: {  	s23 =	sshll.u32 s17, $0x4;
	s16 =	sadd.s32 s30, s2;
	s17 =	sadd.s32 s31, s2  }
0x11: {  	s25 =	sshll.u32 s18, $0x4;
	s18 =	sadd.s32 $0x138000, s2;
	s19 =	smax.u32 s0, $0x1  }
0x12: {  	s0 =	simm.s32 $0x0;
	s7 =	sadd.s32 $0x2200, s9;
	s8 =	sadd.s32 $0x4000, s6  }
0x13: {  	s9 =	sadd.s32 $0x8000, s6;
	s10 =	sadd.s32 $0xC000, s6;
	s11 =	sadd.s32 $0x10000, s6  }
0x14: {  	s13 =	sadd.s32 $0xD000, s1;
	s1 =	sshll.u32 s26, $0x4;
	s26 =	simm.s32 $0x3  }
0x15: {  	s21 =	sadd.s32 s21, s13;
	s22 =	sadd.s32 s22, s13;
	s23 =	sadd.s32 s23, s13  }
0x16: {  	s24 =	sadd.s32 s1, s13;
	s25 =	sadd.s32 s25, s13;
	s1 =	simm.s32 $0x1  }
.LBB2_1:
0x17: {  	[tilespmem:s3], [sflag:$0x2] =	stream.linear.gather [hbm4b:s7+s3], $0x2780, $0x38;
	[tilespmem:$0x1A380] =	vst v63  }
0x18: {  	s4 =	rddreg [dreg:$0x3]  }
0x19: {  	[tilespmem:s20], [sflag:$0x3] =	stream.linear.gather [hbm4b:s4+s3], $0x4000, $0x38;
	[tilespmem:$0x1A380] =	vst v63  }
0x1a: {  	_ =	swait.ge [sflag:s26], $0x4000  }
0x1b: {  	[sflag:s26] =	ssyncset.done $0x0  }
0x1c: {  	[sflag:s26] =	ssyncadd.s32 $0xFFFFC000  }
0x1d: {  	[spmem:s6] =	stream.linear.scatter [tilespmem:s20], [sflag:$0x3], $0x4000, $0x38;
	[tilespmem:$0x1A380] =	vst v63  }
0x1e: {  	_ =	swait.ge [sflag:s26], $0x4000  }
0x1f: {  	[sflag:s26] =	ssyncset.done $0x0  }
0x20: {  	[sflag:s26] =	ssyncadd.s32 $0xFFFFC000  }
0x21: {  	[spmem:s8] =	stream.linear.scatter [tilespmem:s20], [sflag:$0x3], $0x4000, $0x38;
	[tilespmem:$0x1A380] =	vst v63  }
0x22: {  	_ =	swait.ge [sflag:s26], $0x4000  }
0x23: {  	[sflag:s26] =	ssyncset.done $0x0  }
0x24: {  	[sflag:s26] =	ssyncadd.s32 $0xFFFFC000  }
0x25: {  	[spmem:s9] =	stream.linear.scatter [tilespmem:s20], [sflag:$0x3], $0x4000, $0x38;
	[tilespmem:$0x1A380] =	vst v63  }
0x26: {  	_ =	swait.ge [sflag:s26], $0x4000  }
0x27: {  	[sflag:s26] =	ssyncset.done $0x0  }
0x28: {  	[sflag:s26] =	ssyncadd.s32 $0xFFFFC000  }
0x29: {  	[spmem:s10] =	stream.linear.scatter [tilespmem:s20], [sflag:$0x3], $0x4000, $0x38;
	[tilespmem:$0x1A380] =	vst v63  }
0x2a: {  	_ =	swait.ge [sflag:s26], $0x4000  }
0x2b: {  	[sflag:s26] =	ssyncset.done $0x0  }
0x2c: {  	[sflag:s26] =	ssyncadd.s32 $0xFFFFC000  }
0x2d: {  	[spmem:s11] =	stream.linear.scatter [tilespmem:s20], [sflag:$0x3], $0x3C00, $0x38;
	[tilespmem:$0x1A380] =	vst v63  }
0x2e: {  	_ =	swait.ge [sflag:s26], $0x3C00  }
0x2f: {  	[sflag:s26] =	ssyncset.done $0x0  }
0x30: {  	s31 =	rddreg [dreg:$0x4];
	[sflag:s26] =	ssyncadd.s32 $0xFFFFC400  }
0x31: {  	[tilespmem:s20], [sflag:$0x3] =	stream.linear.gather [hbm4b:s31+s3], $0x4000, $0x38;
	[tilespmem:$0x1A380] =	vst v63  }
0x32: {  	_ =	swait.ge [sflag:s26], $0x4000  }
0x33: {  	[sflag:s26] =	ssyncset.done $0x0  }
0x34: {  	[sflag:s26] =	ssyncadd.s32 $0xFFFFC000  }
0x35: {  	_ =	swait.ge [sflag:s28], $0x2780  }
0x36: {  	[sflag:s28] =	ssyncset.done $0x0  }
0x37: {  	[sflag:s28] =	ssyncadd.s32 $0xFFFFD880  }
0x38: {  	[bflag:$0x0] =	sbarrier.arrive $0xFFFF  }
0x39: {  	[spmem:s2] =	stream.indirect.scatter.add.f32 [tilespmem:s20], [sflag:$0x1], $0x80, s3, s29, $0xb8;
	[tilespmem:$0x1A380] =	vst v63  }
0x3a: {  	_ = 	snop  }
0x3b: {  	[spmem:s2] =	stream.indirect.scatter.add.f32 [tilespmem:s20], [sflag:$0x1], $0x80, s29, s29, $0xb8;
	[tilespmem:$0x1A380] =	vst v63  }
0x3c: {  	s5 =	simm.s32 $0x100  }
0x3d: {  	[spmem:s2] =	stream.indirect.scatter.add.f32 [tilespmem:s20], [sflag:$0x1], $0x80, s5, s29, $0xb8;
	[tilespmem:$0x1A380] =	vst v63  }
0x3e: {  	s31 =	simm.s32 $0x180  }
0x3f: {  	[spmem:s2] =	stream.indirect.scatter.add.f32 [tilespmem:s20], [sflag:$0x1], $0x80, s31, s29, $0xb8;
	[tilespmem:$0x1A380] =	vst v63  }
0x40: {  	s30 =	simm.s32 $0x200  }
0x41: {  	[spmem:s2] =	stream.indirect.scatter.add.f32 [tilespmem:s20], [sflag:$0x1], $0x80, s30, s29, $0xb8;
	[tilespmem:$0x1A380] =	vst v63  }
0x42: {  	_ =	swait.ge [sflag:s1], $0x4000  }
0x43: {  	s30 =	simm.s32 $0xA00;
	[sflag:s1] =	ssyncset.done $0x0  }
.LBB2_2:
0x44: {  	s31 =	sshra.s32 s30, $0x2;
	[sflag:s1] =	ssyncadd.s32 $0xFFFFC000;
	p1 =	sne.s32 s30, $0x9C00  }
0x45: {  	[spmem:s2] =	stream.indirect.scatter.add.f32 [tilespmem:s20], [sflag:$0x1], $0x80, s31, s29, $0xb8;
	[tilespmem:$0x1A380] =	vst v63  }
.Ltmp0:
0x46: {  	_ = 	snop;
	(pc) =	sbr.rel @p1 .LBB2_2-.Ltmp0, $4  }
0x47: {  	_ = 	snop  }
0x48: {  	s30 =	sadd.s32 $0x200, s30  }
0x49: {  	_ =	swait.ge [sflag:s1], $0x4000  }
0x4a: {  	[sflag:s1] =	ssyncset.done $0x0  }
0x4b: {  	[sflag:s1] =	ssyncadd.s32 $0xFFFFC000  }
0x4c: {  	_ =	swait.ge [sflag:s1], $0x4000  }
0x4d: {  	[sflag:s1] =	ssyncset.done $0x0  }
0x4e: {  	[sflag:s1] =	ssyncadd.s32 $0xFFFFC000  }
0x4f: {  	_ =	swait.ge [sflag:s1], $0x4000  }
0x50: {  	[sflag:s1] =	ssyncset.done $0x0  }
0x51: {  	[sflag:s1] =	ssyncadd.s32 $0xFFFFC000  }
0x52: {  	_ =	swait.ge [sflag:s1], $0x4000  }
0x53: {  	[sflag:s1] =	ssyncset.done $0x0  }
0x54: {  	[sflag:s1] =	ssyncadd.s32 $0xFFFFC000  }
0x55: {  	_ =	swait.ge [sflag:s1], $0x4000  }
0x56: {  	[sflag:s1] =	ssyncset.done $0x0  }
0x57: {  	[sflag:s1] =	ssyncadd.s32 $0xFFFFC000  }
0x58: {  	[bflag:$0x0] =	sbarrier.arrive $0xFFFF  }
0x59: {  	[tilespmem:s20], [sflag:$0x3] =	stream.linear.gather [spmem:s12], $0x4000, $0x38;
	[tilespmem:$0x1A380] =	vst v63  }
0x5a: {  	_ =	swait.ge [sflag:s26], $0x4000  }
0x5b: {  	[sflag:s26] =	ssyncset.done $0x0  }
0x5c: {  	[sflag:s26] =	ssyncadd.s32 $0xFFFFC000  }
0x5d: {  	[hbm4b:s21+s3] =	stream.linear.scatter [tilespmem:s20], [sflag:$0x3], $0x4000, $0x38;
	[tilespmem:$0x1A380] =	vst v63  }
0x5e: {  	_ =	swait.ge [sflag:s26], $0x4000  }
0x5f: {  	[sflag:s26] =	ssyncset.done $0x0  }
0x60: {  	[sflag:s26] =	ssyncadd.s32 $0xFFFFC000  }
0x61: {  	[tilespmem:s20], [sflag:$0x3] =	stream.linear.gather [spmem:s14], $0x4000, $0x38;
	[tilespmem:$0x1A380] =	vst v63  }
0x62: {  	_ =	swait.ge [sflag:s26], $0x4000  }
0x63: {  	[sflag:s26] =	ssyncset.done $0x0  }
0x64: {  	[sflag:s26] =	ssyncadd.s32 $0xFFFFC000  }
0x65: {  	[hbm4b:s22+s3] =	stream.linear.scatter [tilespmem:s20], [sflag:$0x3], $0x4000, $0x38;
	[tilespmem:$0x1A380] =	vst v63  }
0x66: {  	_ =	swait.ge [sflag:s26], $0x4000  }
0x67: {  	[sflag:s26] =	ssyncset.done $0x0  }
0x68: {  	[sflag:s26] =	ssyncadd.s32 $0xFFFFC000  }
0x69: {  	[tilespmem:s20], [sflag:$0x3] =	stream.linear.gather [spmem:s15], $0x4000, $0x38;
	[tilespmem:$0x1A380] =	vst v63  }
0x6a: {  	_ =	swait.ge [sflag:s26], $0x4000  }
0x6b: {  	[sflag:s26] =	ssyncset.done $0x0  }
0x6c: {  	[sflag:s26] =	ssyncadd.s32 $0xFFFFC000  }
0x6d: {  	[hbm4b:s23+s3] =	stream.linear.scatter [tilespmem:s20], [sflag:$0x3], $0x4000, $0x38;
	[tilespmem:$0x1A380] =	vst v63  }
0x6e: {  	_ =	swait.ge [sflag:s26], $0x4000  }
0x6f: {  	[sflag:s26] =	ssyncset.done $0x0  }
0x70: {  	[sflag:s26] =	ssyncadd.s32 $0xFFFFC000  }
0x71: {  	[tilespmem:s20], [sflag:$0x3] =	stream.linear.gather [spmem:s16], $0x4000, $0x38;
	[tilespmem:$0x1A380] =	vst v63  }
0x72: {  	_ =	swait.ge [sflag:s26], $0x4000  }
0x73: {  	[sflag:s26] =	ssyncset.done $0x0  }
0x74: {  	[sflag:s26] =	ssyncadd.s32 $0xFFFFC000  }
0x75: {  	[hbm4b:s24+s3] =	stream.linear.scatter [tilespmem:s20], [sflag:$0x3], $0x4000, $0x38;
	[tilespmem:$0x1A380] =	vst v63  }
0x76: {  	_ =	swait.ge [sflag:s26], $0x4000  }
0x77: {  	[sflag:s26] =	ssyncset.done $0x0  }
0x78: {  	[sflag:s26] =	ssyncadd.s32 $0xFFFFC000  }
0x79: {  	[tilespmem:s20], [sflag:$0x3] =	stream.linear.gather [spmem:s17], $0x3800, $0x38;
	[tilespmem:$0x1A380] =	vst v63  }
0x7a: {  	_ =	swait.ge [sflag:s26], $0x3800  }
0x7b: {  	[sflag:s26] =	ssyncset.done $0x0  }
0x7c: {  	[sflag:s26] =	ssyncadd.s32 $0xFFFFC800  }
0x7d: {  	[hbm4b:s25+s3] =	stream.linear.scatter [tilespmem:s20], [sflag:$0x3], $0x3800, $0x38;
	[tilespmem:$0x1A380] =	vst v63  }
0x7e: {  	_ =	swait.ge [sflag:s26], $0x3800  }
0x7f: {  	[sflag:s26] =	ssyncset.done $0x0  }
0x80: {  	s30 =	simm.s32 @!p0 $0x2780;
	s31 =	simm.s32 @!p0 $0x3;
	[sflag:s26] =	ssyncadd.s32 $0xFFFFC800  }
0x81: {  	[tilespmem:s30], [sflag:$0x3] =	stream.linear.gather @!p0 [spmem:s18], $0x800, $0x38;
	[tilespmem:$0x1A380] =	vst v63  }
0x82: {  	s0 =	sadd.s32 $0x1, s0;
	_ =	swait.ge @!p0 [sflag:s31], $0x800  }
0x83: {  	s4 =	sadd.s32 @!p0 $0x27000, s13;
	p1 =	sne.s32 s0, s19;
	[sflag:s31] =	ssyncset.done @!p0 $0x0  }
.Ltmp1:
0x84: {  	s5 =	simm.s32 @!p0 $0x0;
	[sflag:s31] =	ssyncadd.s32 @!p0 $0xFFFFF800;
	(pc) =	sbr.rel @p1 .LBB2_1-.Ltmp1, $4  }
0x85: {  	[hbm4b:s4+s5] =	stream.linear.scatter @!p0 [tilespmem:s30], [sflag:$0x3], $0x800, $0x38;
	[tilespmem:$0x1A380] =	vst v63  }
0x86: {  	_ =	swait.ge @!p0 [sflag:s31], $0x800  }
0x87: {  	[sflag:s31] =	ssyncset.done @!p0 $0x0  }
0x88: {  	[sflag:s31] =	ssyncadd.s32 @!p0 $0xFFFFF800  }
0x89: {  	_ =	sfence.sel $0x180000  }
0x8a: {  	[bflag:$0x0] =	sbarrier.arrive $0xFFFF  }
0x8b: {  	_ =	strace $0x90000047  }
0x8c: {  	s0 =	stileid.u32;
	[bflag:$0x2] =	sbarrier.arrive $0xFFFF  }
0x8d: {  	p0 =	sne.s32 s0, $0x0;
	s0 =	rddreg [dreg:$0x2]  }
0x8e: {  	s0 =	sadd.s32 @!p0 $0x100000, s0  }
0x8f: {  	[sflag:s0] =	ssyncadd.tile.s32 @!p0 $0x1;
	_ =	shalt  }
.Lfunc_end2:
_tile_overlayer_lowered:
.L_overlay_start_2:
0x90: {  	(tag) =	ssettag $0x2  }
0x91: {  	s0 =	rddreg [dreg:$0x0];
	s2 =	stileid.u32  }
0x92: {  	s1 =	rddreg [dreg:$0x1];
	p0 =	sne.s32 s2, $0x0  }
0x93: {  	s3 =	rddreg [dreg:$0x2];
	[bflag:$0x3] =	sbarrier.arrive $0xFFFF;
	s2 =	simm.s32 @!p0 $0x1C03  }
0x94: {  	[timem:s3], [sflag:s2] =	dma.local @!p0 [hbm:s0], s1  }
0x95: {  	s0 =	simm.s32 @!p0 $0x3  }
0x96: {  	_ =	swait.ge @!p0 [sflag:s0], s1  }
0x97: {  	s1 =	ssub.s32 @!p0 $0x0, s1;
	[sflag:s0] =	ssyncset.done @!p0 $0x0  }
0x98: {  	[sflag:s0] =	ssyncadd.s32 @!p0 s1  }
0x99: {  	[bflag:$0x3] =	sbarrier.arrive $0xFFFF  }
0x9a: {  	_ =	shalt  }

// kernel: kernel.13.cloned.1.call-start
scs
__scs_entry_jumppad:
0x0: {  	(pc) =	sbr.rel $0x88, $3  }
0x1: {  	(tag) =	ssettag $0x0;
	lr =	simm.s32 $0x1  }
0x2: {  	[smem:$0x3F9C] =	sst lr;
	_ =	strace $0xD0000000  }
0x3: {  	_ = 	snop  }
0x4: {  	_ = 	snop  }
0x5: {  	_ = 	snop  }
0x6: {  	_ = 	snop  }
0x7: {  	_ = 	snop  }
__scs_overlays_trampoline_lowered:
0x8: {  	[smem:$0x3FAB] =	sst s0  }
0x9: {  	[smem:$0x3FAC] =	sst s1  }
0xa: {  	[smem:$0x3FAD] =	sst s2  }
0xb: {  	[smem:$0x3FAE] =	sst s3  }
0xc: {  	[smem:$0x3FAF] =	sst s4  }
0xd: {  	[smem:$0x3FB0] =	sst s5  }
0xe: {  	[smem:$0x3FB1] =	sst s6  }
0xf: {  	[smem:$0x3FB2] =	sst s7  }
0x10: {  	[smem:$0x3FB3] =	sst s8  }
0x11: {  	[smem:$0x3FB4] =	sst s9;
	s0 =	simm.s32 @!p0 $0x0  }
0x12: {  	s1 =	sld [smem:$0x3F9A];
	s0 =	simm.s32 @p0 $0x1  }
0x13: {  	[smem:$0x3FB5] =	sst s0;
	s0 =	simm.s32 @!p1 $0x0  }
0x14: {  	s2 =	sld [smem:$0x3F99];
	s0 =	simm.s32 @p1 $0x1  }
0x15: {  	[smem:$0x3FB6] =	sst s0;
	s0 =	simm.s32 @!p2 $0x0  }
0x16: {  	s3 =	sld [smem:$0x3FDB];
	s0 =	simm.s32 @p2 $0x1  }
0x17: {  	s4 =	simm.s32 $0x1BF5;
	[smem:$0x3FB8] =	sst s0  }
0x18: {  	s0 =	sld [smem:$0x3F9B];
	_ =	swait.ge [sflag:s4], $0x0  }
0x19: {  	s7 =	sld [smem:$0x3F9C]  }
0x1a: {  	s8 =	sadd.s32 $0xFFFFE003, lr  }
0x1b: {  	s9 =	sadd.s32 $0xFFFFFEF7, lr;
	s5 =	simm.s32 $0xFFFFFFFF;
	p2 =	slt.u32 s8, $0xFFFFF086  }
0x1c: {  	p1 =	slt.u32 s9, $0xF7A;
	s5 =	simm.s32 @!p2 $0x0  }
0x1d: {  	s5 =	simm.s32 @p1 $0x1;
	p0 =	seq.s32 s7, s2  }
0x1e: {  	s7 =	smul.u32 @!p0 $0xF7A, s2;
	p2 =	seq.s32 @!p0 s5, $0x0  }
0x1f: {  	s9 =	smul.u32 $0xF7A, s1;
	s8 =	simm.s32 @!p0 $0x1BF5;
	p2 =	por !p2, p0  }
0x20: {  	[sflag:s8] =	ssyncset.s32 @!p0 $0xFFFFF086;
	s6 =	sadd.s32 @!p0 s3, s7;
	s7 =	simm.s32 @!p0 $0x108  }
0x21: {  	s3 =	sadd.s32 s3, s9;
	s6 =	sadd.s32 @!p0 $0x88, s6;
	s7 =	simm.s32 @p2 $0x1082  }
0x22: {  	[simem:s7], [sflag:s8] =	dma.local @!p0 [hbm:s6], $0xF7A  }
0x23: {  	s9 =	sor.u32 $0xD0000000, s2;
	s6 =	simm.s32 $0x108;
	_ =	swait.ge @!p0 [sflag:s8], $0x0  }
0x24: {  	s3 =	sadd.s32 $0x88, s3;
	s6 =	simm.s32 @!p1 $0x1082;
	[sflag:s4] =	ssyncset.s32 $0xFFFFF086  }
0x25: {  	[simem:s6], [sflag:s4] =	dma.local [hbm:s3], $0xF7A  }
0x26: {  	[smem:$0x3F9C] =	sst s1;
	(tag) =	ssettag s2;
	_ =	strace s9  }
0x27: {  	s1 =	sld [smem:$0x3FAC]  }
0x28: {  	s2 =	sld [smem:$0x3FAD]  }
0x29: {  	s4 =	sld [smem:$0x3FAF]  }
0x2a: {  	p0 =	seq.s32 s5, $0x0;
	s5 =	sld [smem:$0x3FB0]  }
0x2b: {  	s6 =	sld [smem:$0x3FB1]  }
0x2c: {  	s7 =	sld [smem:$0x3FB2]  }
0x2d: {  	s3 =	simm.s32 $0x108;
	s8 =	sld [smem:$0x3FB3]  }
0x2e: {  	s3 =	simm.s32 @!p0 $0x1082;
	s9 =	sld [smem:$0x3FB4]  }
0x2f: {  	lr =	sadd.s32 s0, s3;
	s0 =	sld [smem:$0x3FAB]  }
0x30: {  	s3 =	sld [smem:$0x3FAE]  }
0x31: {  	[smem:$0x3FB7] =	sst s10  }
0x32: {  	s10 =	sld [smem:$0x3FB5];
	_ =	sdelay $0x3  }
0x33: {  	p0 =	seq.s32 s10, $0x1;
	s10 =	sld [smem:$0x3FB7];
	_ =	sdelay $0x3  }
0x34: {  	[smem:$0x3FB7] =	sst s10  }
0x35: {  	s10 =	sld [smem:$0x3FB6];
	_ =	sdelay $0x3  }
0x36: {  	p1 =	seq.s32 s10, $0x1;
	s10 =	sld [smem:$0x3FB7];
	_ =	sdelay $0x3  }
0x37: {  	[smem:$0x3FB7] =	sst s10  }
0x38: {  	s10 =	sld [smem:$0x3FB8]  }
0x39: {  	_ = 	snop;
	(pc) =	sbr.ind lr, $3  }
0x3a: {  	_ = 	snop  }
0x3b: {  	_ = 	snop  }
0x3c: {  	p2 =	seq.s32 s10, $0x1;
	s10 =	sld [smem:$0x3FB7]  }
0x3d: {  	_ =	shalt  }
0x3e: {  	_ =	shalt  }
0x3f: {  	_ =	shalt  }
0x40: {  	_ =	shalt  }
0x41: {  	_ =	shalt  }
0x42: {  	_ =	shalt  }
0x43: {  	_ =	shalt  }
0x44: {  	_ =	shalt  }
0x45: {  	_ =	shalt  }
0x46: {  	_ =	shalt  }
0x47: {  	_ =	shalt  }
0x48: {  	_ =	shalt  }
0x49: {  	_ =	shalt  }
0x4a: {  	_ =	shalt  }
0x4b: {  	_ =	shalt  }
0x4c: {  	_ =	shalt  }
0x4d: {  	_ =	shalt  }
0x4e: {  	_ =	shalt  }
0x4f: {  	_ =	shalt  }
0x50: {  	_ =	shalt  }
0x51: {  	_ =	shalt  }
0x52: {  	_ =	shalt  }
0x53: {  	_ =	shalt  }
0x54: {  	_ =	shalt  }
0x55: {  	_ =	shalt  }
0x56: {  	_ =	shalt  }
0x57: {  	_ =	shalt  }
0x58: {  	_ =	shalt  }
0x59: {  	_ =	shalt  }
0x5a: {  	_ =	shalt  }
0x5b: {  	_ =	shalt  }
0x5c: {  	_ =	shalt  }
0x5d: {  	_ =	shalt  }
0x5e: {  	_ =	shalt  }
0x5f: {  	_ =	shalt  }
0x60: {  	_ =	shalt  }
0x61: {  	_ =	shalt  }
0x62: {  	_ =	shalt  }
0x63: {  	_ =	shalt  }
0x64: {  	_ =	shalt  }
0x65: {  	_ =	shalt  }
0x66: {  	_ =	shalt  }
0x67: {  	_ =	shalt  }
0x68: {  	_ =	shalt  }
0x69: {  	_ =	shalt  }
0x6a: {  	_ =	shalt  }
0x6b: {  	_ =	shalt  }
0x6c: {  	_ =	shalt  }
0x6d: {  	_ =	shalt  }
0x6e: {  	_ =	shalt  }
0x6f: {  	_ =	shalt  }
0x70: {  	_ =	shalt  }
0x71: {  	_ =	shalt  }
0x72: {  	_ =	shalt  }
0x73: {  	_ =	shalt  }
0x74: {  	_ =	shalt  }
0x75: {  	_ =	shalt  }
0x76: {  	_ =	shalt  }
0x77: {  	_ =	shalt  }
0x78: {  	_ =	shalt  }
0x79: {  	_ =	shalt  }
0x7a: {  	_ =	shalt  }
0x7b: {  	_ =	shalt  }
0x7c: {  	_ =	shalt  }
0x7d: {  	_ =	shalt  }
0x7e: {  	_ =	shalt  }
0x7f: {  	_ =	shalt  }
0x80: {  	_ =	shalt  }
0x81: {  	_ =	shalt  }
0x82: {  	_ =	shalt  }
0x83: {  	_ =	shalt  }
0x84: {  	_ =	shalt  }
0x85: {  	_ =	shalt  }
0x86: {  	_ =	shalt  }
0x87: {  	_ =	shalt  }
.Lfunc_end0:
.L_simem_size_0:
called_computation.1_lowered:
.L_overlay_start_0:
0x88: {  	s2 =	sld [smem:$0x3FD9]  }
0x89: {  	s3 =	sld [smem:$0x3FFE];
	_ =	sdelay $0x1  }
0x8a: {  	s1 =	srdreg.scid  }
0x8b: {  	s0 =	sand.u32 $0x1, s1  }
0x8c: {  	s17 =	sshll.u32 s0, $0xA;
	s2 =	sadd.s32 s3, s2  }
0x8d: {  	s2 =	sadd.s32 s2, s17  }
0x8e: {  	[smem:$0x3FC3] =	sst s2  }
0x8f: {  	_ = 	snop  }
0x90: {  	s2 =	sld [smem:$0x3FD0];
	(tm) =	ssettm $0x1  }
0x91: {  	s18 =	sld [smem:$0x3FFB];
	_ =	sdelay $0x3  }
0x92: {  	_ =	strace s18  }
0x93: {  	s3 =	sld [smem:$0x3FFC];
	_ =	sdelay $0x3  }
0x94: {  	_ =	strace s3  }
0x95: {  	s3 =	sld [smem:$0x3FFD];
	_ =	sdelay $0x3  }
0x96: {  	_ =	strace s3  }
0x97: {  	_ =	strace $0x8FFFFFFF  }
0x98: {  	s19 =	sld [smem:$0x3FDB];
	_ =	sdelay $0x1  }
0x99: {  	s4 =	simm.s32 $_scs_section_size  }
0x9a: {  	s5 =	simm.s32 $_size__tile_overlayer_lowered;
	s6 =	simm.s32 $_tile_overlayer_lowered  }
0x9b: {  	s22 =	simm.s32 $0x1BFF;
	s21 =	sshll.u32 s6, $0x1;
	s3 =	sadd.s32 s4, s19  }
0x9c: {  	s7 =	simm.s32 $0x0;
	s20 =	sshll.u32 s5, $0x1;
	s5 =	sadd.s32 s21, s3  }
0x9d: {  	[timem:s7], [sflag:s22] =	dma.local [hbm:s5], s20  }
0x9e: {  	_ =	swait.ge [sflag:s22], s20  }
0x9f: {  	s4 =	ssub.s32 $0x0, s20;
	[sflag:s22] =	ssyncset.done $0x0  }
0xa0: {  	[sflag:s22] =	ssyncadd.s32 s4;
	_ =	sdelay $0x1  }
0xa1: {  	s23 =	simm.s32 $0x1B8B  }
0xa2: {  	_ =	swait.ge [sflag:s23], $0x1  }
0xa3: {  	[sflag:s23] =	ssyncset.done $0x0  }
0xa4: {  	s25 =	simm.s32 $0x1B8E;
	s24 =	sld [smem:$0x3FFE];
	[sflag:s23] =	ssyncadd.s32 $0xFFFFFFFF  }
0xa5: {  	s26 =	simm.s32 $execute0_lowered;
	[smem:$0x3FD2] =	sst s25  }
0xa6: {  	s5 =	sshll.u32 s26, $0x1;
	_ =	strace $0x80000049;
	[dreg:$0x1] =	wrdreg $0xFFFFFFFF  }
0xa7: {  	s28 =	simm.s32 $_size_execute0_lowered;
	s3 =	sadd.s32 s3, s5;
	[dreg:$0x0] =	wrdreg $0x0  }
0xa8: {  	s5 =	sshll.u32 s28, $0x1;
	[dreg:$0x2] =	wrdreg s3  }
0xa9: {  	[dreg:$0x3] =	wrdreg s5  }
0xaa: {  	[dreg:$0x4] =	wrdreg $0xC0  }
0xab: {  	_ =	task [dreg:s7], $0x5FFFF  }
0xac: {  	[dreg:$0x1] =	wrdreg $0xFFFFFFFF  }
0xad: {  	[dreg:$0x0] =	wrdreg $0x60  }
0xae: {  	[dreg:$0x2] =	wrdreg s2  }
0xaf: {  	[dreg:$0x3] =	wrdreg s24  }
0xb0: {  	[dreg:$0x4] =	wrdreg $0x82000  }
0xb1: {  	[dreg:$0x5] =	wrdreg $0x9  }
0xb2: {  	_ =	task.clear_ibuf [dreg:s7], $0x6FFFF;
	_ =	strace $0x90000049  }
0xb3: {  	s29 =	simm.s32 $0x9;
	_ =	strace $0x8000004B  }
0xb4: {  	_ =	swait.ge [sflag:s29], $0x1  }
0xb5: {  	[sflag:s29] =	ssyncadd.s32 $0xFFFFFFFF  }
0xb6: {  	_ =	strace $0x9000004B  }
0xb7: {  	_ =	sfence  }
0xb8: {  	s30 =	sld [smem:$0x0];
	_ =	sdelay $0x2  }
0xb9: {  	s31 =	sshll.u32 s1, $0xD;
	s1 =	sshrl.u32 s1, $0x2  }
0xba: {  	s3 =	sand.u32 $0x4000, s31;
	s1 =	sadd.s32 s1, s30  }
0xbb: {  	s0 =	sor.u32 s3, s0;
	s1 =	sshll.u32 s1, $0x11  }
0xbc: {  	s0 =	sor.u32 s1, s0  }
0xbd: {  	s0 =	sadd.s32 $0x8F2B, s0  }
0xbe: {  	[sflag:s0] =	ssyncadd.remote.s32 $0x1  }
0xbf: {  	_ =	sfence.sel $0xFFFF  }
0xc0: {  	[dreg:$0x0] =	wrdreg $0xFFFFFFFF;
	(pc) =	sbr.abs _section_cstart, $3  }
0xc1: {  	[dreg:$0x1] =	wrdreg $0xFFFFFFFF  }
0xc2: {  	_ =	task.clear_ibuf [dreg:s7], $0x2FFFF;
	_ =	strace $0x9FFFFFFF  }
0xc3: {  	(tm) =	ssettm $0x7FFFFFFF  }
tec
execute0_lowered:
.L_overlay_start_1:
0x0: {  	(tag) =	ssettag $0x1  }
0x1: {  	s2 =	rddreg [dreg:$0x0]  }
0x2: {  	s0 =	rddreg [dreg:$0x1];
	s16 =	stileid.u32  }
0x3: {  	s3 =	rddreg [dreg:$0x2];
	s5 =	smul.u32 $0x38, s16  }
0x4: {  	s1 =	srdreg.scid;
	s6 =	smul.u32 $0x66, s16  }
0x5: {  	s4 =	simm.s32 $0x0;
	s29 =	simm.s32 $0x200;
	s7 =	smul.u32 $0x4F000, s16  }
0x6: {  	s30 =	simm.s32 $0x3;
	s31 =	simm.s32 $0x100;
	s24 =	smul.u32 $0x4E000, s16  }
0x7: {  	s1 =	sand.u32 $0x1, s1;
	[smem:$0x7FF] =	sst s4;
	s26 =	smul.u32 $0x270, s16  }
0x8: {  	s8 =	sadd.s32 $0xC000, s0;
	p0 =	seq.s32 s1, $0x0;
	s21 =	smul.u32 $0x27100, s1  }
0x9: {  	_ =	strace $0x8000004A;
	[dreg:$0x7] =	wrdreg s8;
	s1 =	ssub.s32 $0x2, s1  }
0xa: {  	s5 =	sadd.s32 $0x660, s5;
	s22 =	sshrl.u32 s1, $0x1;
	s7 =	sshrl.u32 s7, $0x2  }
0xb: {  	s8 =	sshrl.u32 s24, $0x2;
	s14 =	sadd.s32 $0x80, s26;
	s18 =	sadd.s32 $0x100, s26  }
0xc: {  	s5 =	smov.u32 @p0 s6;
	s1 =	ssub.s32 s1, s22;
	s6 =	simm.s32 $0x66  }
0xd: {  	s7 =	sadd.s32 s7, s3;
	s11 =	sadd.s32 s8, s3;
	s10 =	sshll.u32 s14, $0x7  }
0xe: {  	s8 =	sshll.u32 s14, $0x4;
	s14 =	sshll.u32 s18, $0x7;
	[dreg:$0x8] =	wrdreg s7  }
0xf: {  	s5 =	sshll.u32 s5, $0x4;
	s23 =	sadd.s32 $0x4000, s7;
	[dreg:$0xd] =	wrdreg s11  }
0x10: {  	s6 =	simm.s32 @!p0 $0x38;
	s9 =	sadd.s32 $0x8000, s7;
	[dreg:$0x9] =	wrdreg s23  }
0x11: {  	s25 =	sadd.s32 $0xC000, s7;
	s7 =	sadd.s32 $0x10000, s7;
	[dreg:$0xa] =	wrdreg s9  }
0x12: {  	s17 =	sadd.s32 s10, s3;
	s19 =	sadd.s32 s14, s3;
	[dreg:$0xb] =	wrdreg s25  }
0x13: {  	s10 =	sshll.u32 s18, $0x4;
	p0 =	sne.s32 s16, $0xF;
	[dreg:$0xc] =	wrdreg s7  }
0x14: {  	s5 =	sadd.s32 s5, s0;
	s0 =	sadd.s32 s21, s0;
	[dreg:$0xe] =	wrdreg s17  }
0x15: {  	s11 =	sshll.u32 s6, $0x4;
	[dreg:$0xf] =	wrdreg s19;
	s21 =	sadd.s32 $0x180, s26  }
0x16: {  	s9 =	sadd.s32 $0x200, s26;
	s28 =	sadd.s32 $0xFFFFFFFE, s6;
	s12 =	sadd.s32 $0x5B200, s5  }
0x17: {  	s13 =	sadd.s32 $0x2200, s5;
	s15 =	sadd.s32 $0xC800, s0;
	s0 =	smul.u32 $0x2700, s16  }
0x18: {  	s11 =	sadd.s32 $0xFFFFFFE0, s11;
	s20 =	sadd.s32 $0x5B210, s5;
	s22 =	sshll.u32 s21, $0x7  }
0x19: {  	s5 =	sadd.s32 $0x2210, s5;
	s24 =	sshll.u32 s9, $0x7;
	[dreg:$0x4] =	wrdreg s11  }
0x1a: {  	s25 =	sshll.u32 s21, $0x4;
	s26 =	sshll.u32 s9, $0x4;
	[dreg:$0x5] =	wrdreg s20  }
0x1b: {  	s9 =	simm.s32 $0x4200;
	s23 =	sadd.s32 s22, s3;
	[dreg:$0x6] =	wrdreg s5  }
0x1c: {  	s5 =	sadd.s32 s24, s3;
	s20 =	smax.u32 s1, $0x1;
	s22 =	sadd.s32 s8, s15  }
0x1d: {  	s24 =	sadd.s32 s25, s15;
	s25 =	sadd.s32 s26, s15;
	s26 =	sadd.s32 $0x138000, s3  }
0x1e: {  	s1 =	simm.s32 $0x1;
	s8 =	simm.s32 $0x180;
	[dreg:$0x10] =	wrdreg s23  }
0x1f: {  	[dreg:$0x11] =	wrdreg s5;
	s21 =	sadd.s32 s0, s15;
	s23 =	sadd.s32 s10, s15  }
0x20: {  	s0 =	simm.s32 $0x80;
	s5 =	simm.s32 $0x2;
	s10 =	simm.s32 $0x0  }
.LBB2_1:
0x21: {  	s7 =	rddreg [dreg:$0x7]  }
0x22: {  	[tilespmem:s29], [sflag:$0x3] =	stream.linear.gather [hbm4b:s7+s4], $0x4000, $0x38;
	[tilespmem:$0x1BE00] =	vst v63  }
0x23: {  	_ =	swait.ge [sflag:s30], $0x4000  }
0x24: {  	[sflag:s30] =	ssyncset.done $0x0  }
0x25: {  	s14 =	rddreg [dreg:$0x8];
	[sflag:s30] =	ssyncadd.s32 $0xFFFFC000  }
0x26: {  	[spmem:s14] =	stream.linear.scatter [tilespmem:s29], [sflag:$0x3], $0x4000, $0x38;
	[tilespmem:$0x1BE00] =	vst v63  }
0x27: {  	_ =	swait.ge [sflag:s30], $0x4000  }
0x28: {  	[sflag:s30] =	ssyncset.done $0x0  }
0x29: {  	s16 =	rddreg [dreg:$0x9];
	[sflag:s30] =	ssyncadd.s32 $0xFFFFC000  }
0x2a: {  	[spmem:s16] =	stream.linear.scatter [tilespmem:s29], [sflag:$0x3], $0x4000, $0x38;
	[tilespmem:$0x1BE00] =	vst v63  }
0x2b: {  	_ =	swait.ge [sflag:s30], $0x4000  }
0x2c: {  	[sflag:s30] =	ssyncset.done $0x0  }
0x2d: {  	s17 =	rddreg [dreg:$0xa];
	[sflag:s30] =	ssyncadd.s32 $0xFFFFC000  }
0x2e: {  	[spmem:s17] =	stream.linear.scatter [tilespmem:s29], [sflag:$0x3], $0x4000, $0x38;
	[tilespmem:$0x1BE00] =	vst v63  }
0x2f: {  	_ =	swait.ge [sflag:s30], $0x4000  }
0x30: {  	[sflag:s30] =	ssyncset.done $0x0  }
0x31: {  	s18 =	rddreg [dreg:$0xb];
	[sflag:s30] =	ssyncadd.s32 $0xFFFFC000  }
0x32: {  	[spmem:s18] =	stream.linear.scatter [tilespmem:s29], [sflag:$0x3], $0x4000, $0x38;
	[tilespmem:$0x1BE00] =	vst v63  }
0x33: {  	_ =	swait.ge [sflag:s30], $0x4000  }
0x34: {  	[sflag:s30] =	ssyncset.done $0x0  }
0x35: {  	s19 =	rddreg [dreg:$0xc];
	[sflag:s30] =	ssyncadd.s32 $0xFFFFC000  }
0x36: {  	[spmem:s19] =	stream.linear.scatter [tilespmem:s29], [sflag:$0x3], $0x3C00, $0x38;
	[tilespmem:$0x1BE00] =	vst v63  }
0x37: {  	_ =	swait.ge [sflag:s30], $0x3C00  }
0x38: {  	[sflag:s30] =	ssyncset.done $0x0  }
0x39: {  	[sflag:s30] =	ssyncadd.s32 $0xFFFFC400  }
0x3a: {  	[bflag:$0x0] =	sbarrier.arrive $0xFFFF  }
0x3b: {  	[tilespmem:s4], [sflag:$0x3] =	stream.linear.gather [hbm4b:s12+s4], $0x80, $0x38;
	[tilespmem:$0x1BE00] =	vst v63  }
0x3c: {  	_ =	swait.ge [sflag:s30], $0x80  }
0x3d: {  	[sflag:s30] =	ssyncset.done $0x0  }
0x3e: {  	[sflag:s30] =	ssyncadd.s32 $0xFFFFFF80  }
0x3f: {  	[tilespmem:s31], [sflag:$0x3] =	stream.linear.gather [hbm4b:s13+s4], $0x80, $0x38;
	[tilespmem:$0x1BE00] =	vst v63  }
0x40: {  	_ =	swait.ge [sflag:s30], $0x80  }
0x41: {  	[sflag:s30] =	ssyncset.done $0x0  }
0x42: {  	s11 =	simm.s32 $0x0;
	s14 =	simm.s32 $0x0;
	[sflag:s30] =	ssyncadd.s32 $0xFFFFFF80  }
0x43: {  	[tilespmem:s29], [sflag:$0x1] =	stream.indirect.gather [hbm4b:s2+s0], $0x80, s4, s0, $0xb8;
	[tilespmem:$0x1BE00] =	vst v63  }
.LBB2_2:
0x44: {  	s17 =	sadd.s32 $0x1, s14  }
0x45: {  	s16 =	rddreg [dreg:$0x5];
	p1 =	sge.u32 s17, s6  }
0x46: {  	s16 =	sadd.s32 @!p1 s11, s16;
	s17 =	simm.s32 @!p1 $0x0;
	s18 =	simm.s32 @!p1 $0x80  }
0x47: {  	[tilespmem:s18], [sflag:$0x3] =	stream.linear.gather @!p1 [hbm4b:s16+s17], $0x80, $0x38;
	[tilespmem:$0x1BE00] =	vst v63  }
0x48: {  	s16 =	simm.s32 @!p1 $0x3  }
0x49: {  	_ =	swait.ge @!p1 [sflag:s16], $0x80  }
0x4a: {  	s7 =	rddreg [dreg:$0x6];
	[sflag:s16] =	ssyncset.done @!p1 $0x0  }
0x4b: {  	s19 =	simm.s32 @!p1 $0x180;
	[sflag:s16] =	ssyncadd.s32 @!p1 $0xFFFFFF80;
	s7 =	sadd.s32 @!p1 s11, s7  }
0x4c: {  	[tilespmem:s19], [sflag:$0x3] =	stream.linear.gather @!p1 [hbm4b:s7+s17], $0x80, $0x38;
	[tilespmem:$0x1BE00] =	vst v63  }
0x4d: {  	_ =	swait.ge @!p1 [sflag:s16], $0x80  }
0x4e: {  	[sflag:s16] =	ssyncset.done @!p1 $0x0  }
0x4f: {  	s7 =	simm.s32 @!p1 $0x4200;
	[sflag:s16] =	ssyncadd.s32 @!p1 $0xFFFFFF80  }
0x50: {  	[tilespmem:s7], [sflag:$0x2] =	stream.indirect.gather @!p1 [hbm4b:s2+s18], $0x80, s18, s18, $0xb8;
	[tilespmem:$0x1BE00] =	vst v63  }
0x51: {  	_ =	swait.ge [sflag:s1], $0x4000  }
0x52: {  	[sflag:s1] =	ssyncset.done $0x0  }
0x53: {  	[sflag:s1] =	ssyncadd.s32 $0xFFFFC000  }
0x54: {  	[spmem:s3] =	stream.indirect.scatter.add.f32 [tilespmem:s29], [sflag:$0x3], $0x80, s31, s0, $0xb8;
	[tilespmem:$0x1BE00] =	vst v63  }
0x55: {  	p1 =	sge.u32 s14, s28;
	_ =	swait.ge [sflag:s30], $0x4000  }
0x56: {  	s7 =	sadd.s32 @!p1 s11, s12;
	[sflag:s30] =	ssyncset.done $0x0  }
0x57: {  	s16 =	simm.s32 @!p1 $0x0;
	s7 =	sadd.s32 @!p1 $0x20, s7;
	[sflag:s30] =	ssyncadd.s32 $0xFFFFC000  }
0x58: {  	[tilespmem:s16], [sflag:$0x3] =	stream.linear.gather @!p1 [hbm4b:s7+s16], $0x80, $0x38;
	[tilespmem:$0x1BE00] =	vst v63  }
0x59: {  	s7 =	simm.s32 @!p1 $0x3  }
0x5a: {  	_ =	swait.ge @!p1 [sflag:s7], $0x80  }
0x5b: {  	s17 =	sadd.s32 @!p1 s11, s13;
	[sflag:s7] =	ssyncset.done @!p1 $0x0  }
0x5c: {  	s18 =	simm.s32 @!p1 $0x100;
	s17 =	sadd.s32 @!p1 $0x20, s17;
	[sflag:s7] =	ssyncadd.s32 @!p1 $0xFFFFFF80  }
0x5d: {  	[tilespmem:s18], [sflag:$0x3] =	stream.linear.gather @!p1 [hbm4b:s17+s16], $0x80, $0x38;
	[tilespmem:$0x1BE00] =	vst v63  }
0x5e: {  	_ =	swait.ge @!p1 [sflag:s7], $0x80  }
0x5f: {  	[sflag:s7] =	ssyncset.done @!p1 $0x0  }
0x60: {  	s17 =	simm.s32 @!p1 $0x200;
	[sflag:s7] =	ssyncadd.s32 @!p1 $0xFFFFFF80;
	s7 =	simm.s32 @!p1 $0x80  }
0x61: {  	[tilespmem:s17], [sflag:$0x1] =	stream.indirect.gather @!p1 [hbm4b:s2+s7], $0x80, s16, s7, $0xb8;
	[tilespmem:$0x1BE00] =	vst v63  }
0x62: {  	_ =	swait.ge [sflag:s5], $0x4000  }
0x63: {  	[sflag:s5] =	ssyncset.done $0x0  }
0x64: {  	[sflag:s5] =	ssyncadd.s32 $0xFFFFC000  }
0x65: {  	[spmem:s3] =	stream.indirect.scatter.add.f32 [tilespmem:s9], [sflag:$0x3], $0x80, s8, s0, $0xb8;
	[tilespmem:$0x1BE00] =	vst v63  }
0x66: {  	_ =	swait.ge [sflag:s30], $0x4000  }
0x67: {  	s11 =	sadd.s32 $0x20, s11;
	s19 =	rddreg [dreg:$0x4]  }
0x68: {  	p1 =	sne.s32 s19, s11  }
.Ltmp0:
0x69: {  	_ = 	snop;
	(pc) =	sbr.rel @p1 .LBB2_2-.Ltmp0, $3  }
0x6a: {  	_ =	sdelay $0x1  }
0x6b: {  	[sflag:s30] =	ssyncset.done $0x0  }
0x6c: {  	s14 =	sadd.s32 $0x2, s14;
	[sflag:s30] =	ssyncadd.s32 $0xFFFFC000  }
0x6d: {  	s7 =	sadd.s32 $0x1, s14  }
0x6e: {  	p1 =	sge.u32 s7, s6  }
0x6f: {  	s7 =	sadd.s32 @!p1 s11, s12  }
0x70: {  	s16 =	simm.s32 @!p1 $0x0;
	s17 =	simm.s32 @!p1 $0x80;
	s7 =	sadd.s32 @!p1 $0x10, s7  }
0x71: {  	[tilespmem:s17], [sflag:$0x3] =	stream.linear.gather @!p1 [hbm4b:s7+s16], $0x80, $0x38;
	[tilespmem:$0x1BE00] =	vst v63  }
0x72: {  	s7 =	simm.s32 @!p1 $0x3  }
0x73: {  	_ =	swait.ge @!p1 [sflag:s7], $0x80  }
0x74: {  	s18 =	sadd.s32 @!p1 s11, s13;
	[sflag:s7] =	ssyncset.done @!p1 $0x0  }
0x75: {  	s19 =	simm.s32 @!p1 $0x180;
	s18 =	sadd.s32 @!p1 $0x10, s18;
	[sflag:s7] =	ssyncadd.s32 @!p1 $0xFFFFFF80  }
0x76: {  	[tilespmem:s19], [sflag:$0x3] =	stream.linear.gather @!p1 [hbm4b:s18+s16], $0x80, $0x38;
	[tilespmem:$0x1BE00] =	vst v63  }
0x77: {  	_ =	swait.ge @!p1 [sflag:s7], $0x80  }
0x78: {  	[sflag:s7] =	ssyncset.done @!p1 $0x0  }
0x79: {  	[sflag:s7] =	ssyncadd.s32 @!p1 $0xFFFFFF80;
	s7 =	simm.s32 @!p1 $0x4200  }
0x7a: {  	[tilespmem:s7], [sflag:$0x2] =	stream.indirect.gather @!p1 [hbm4b:s2+s17], $0x80, s17, s17, $0xb8;
	[tilespmem:$0x1BE00] =	vst v63  }
0x7b: {  	_ =	swait.ge [sflag:s1], $0x4000  }
0x7c: {  	[sflag:s1] =	ssyncset.done $0x0  }
0x7d: {  	[sflag:s1] =	ssyncadd.s32 $0xFFFFC000  }
0x7e: {  	[spmem:s3] =	stream.indirect.scatter.add.f32 [tilespmem:s29], [sflag:$0x3], $0x80, s31, s0, $0xb8;
	[tilespmem:$0x1BE00] =	vst v63  }
0x7f: {  	p1 =	sge.u32 s14, s28;
	_ =	swait.ge [sflag:s30], $0x4000  }
0x80: {  	s7 =	sadd.s32 @!p1 s11, s12;
	[sflag:s30] =	ssyncset.done $0x0  }
0x81: {  	s14 =	simm.s32 @!p1 $0x0;
	s7 =	sadd.s32 @!p1 $0x20, s7;
	[sflag:s30] =	ssyncadd.s32 $0xFFFFC000  }
0x82: {  	[tilespmem:s14], [sflag:$0x3] =	stream.linear.gather @!p1 [hbm4b:s7+s14], $0x80, $0x38;
	[tilespmem:$0x1BE00] =	vst v63  }
0x83: {  	s7 =	simm.s32 @!p1 $0x3  }
0x84: {  	_ =	swait.ge @!p1 [sflag:s7], $0x80  }
0x85: {  	s11 =	sadd.s32 @!p1 s11, s13;
	[sflag:s7] =	ssyncset.done @!p1 $0x0  }
0x86: {  	s16 =	simm.s32 @!p1 $0x100;
	s11 =	sadd.s32 @!p1 $0x20, s11;
	[sflag:s7] =	ssyncadd.s32 @!p1 $0xFFFFFF80  }
0x87: {  	[tilespmem:s16], [sflag:$0x3] =	stream.linear.gather @!p1 [hbm4b:s11+s14], $0x80, $0x38;
	[tilespmem:$0x1BE00] =	vst v63  }
0x88: {  	_ =	swait.ge @!p1 [sflag:s7], $0x80  }
0x89: {  	[sflag:s7] =	ssyncset.done @!p1 $0x0  }
0x8a: {  	s11 =	simm.s32 @!p1 $0x200;
	[sflag:s7] =	ssyncadd.s32 @!p1 $0xFFFFFF80;
	s7 =	simm.s32 @!p1 $0x80  }
0x8b: {  	[tilespmem:s11], [sflag:$0x1] =	stream.indirect.gather @!p1 [hbm4b:s2+s7], $0x80, s14, s7, $0xb8;
	[tilespmem:$0x1BE00] =	vst v63  }
0x8c: {  	_ =	swait.ge [sflag:s5], $0x4000  }
0x8d: {  	[sflag:s5] =	ssyncset.done $0x0  }
0x8e: {  	[sflag:s5] =	ssyncadd.s32 $0xFFFFC000  }
0x8f: {  	[spmem:s3] =	stream.indirect.scatter.add.f32 [tilespmem:s9], [sflag:$0x3], $0x80, s8, s0, $0xb8;
	[tilespmem:$0x1BE00] =	vst v63  }
0x90: {  	_ =	swait.ge [sflag:s30], $0x4000  }
0x91: {  	[sflag:s30] =	ssyncset.done $0x0  }
0x92: {  	[sflag:s30] =	ssyncadd.s32 $0xFFFFC000  }
0x93: {  	[bflag:$0x0] =	sbarrier.arrive $0xFFFF  }
0x94: {  	s14 =	rddreg [dreg:$0xd]  }
0x95: {  	[tilespmem:s29], [sflag:$0x3] =	stream.linear.gather [spmem:s14], $0x4000, $0x38;
	[tilespmem:$0x1BE00] =	vst v63  }
0x96: {  	_ =	swait.ge [sflag:s30], $0x4000  }
0x97: {  	[sflag:s30] =	ssyncset.done $0x0  }
0x98: {  	[sflag:s30] =	ssyncadd.s32 $0xFFFFC000  }
0x99: {  	[hbm4b:s21+s4] =	stream.linear.scatter [tilespmem:s29], [sflag:$0x3], $0x4000, $0x38;
	[tilespmem:$0x1BE00] =	vst v63  }
0x9a: {  	_ =	swait.ge [sflag:s30], $0x4000  }
0x9b: {  	[sflag:s30] =	ssyncset.done $0x0  }
0x9c: {  	s16 =	rddreg [dreg:$0xe];
	[sflag:s30] =	ssyncadd.s32 $0xFFFFC000  }
0x9d: {  	[tilespmem:s29], [sflag:$0x3] =	stream.linear.gather [spmem:s16], $0x4000, $0x38;
	[tilespmem:$0x1BE00] =	vst v63  }
0x9e: {  	_ =	swait.ge [sflag:s30], $0x4000  }
0x9f: {  	[sflag:s30] =	ssyncset.done $0x0  }
0xa0: {  	[sflag:s30] =	ssyncadd.s32 $0xFFFFC000  }
0xa1: {  	[hbm4b:s22+s4] =	stream.linear.scatter [tilespmem:s29], [sflag:$0x3], $0x4000, $0x38;
	[tilespmem:$0x1BE00] =	vst v63  }
0xa2: {  	_ =	swait.ge [sflag:s30], $0x4000  }
0xa3: {  	[sflag:s30] =	ssyncset.done $0x0  }
0xa4: {  	s17 =	rddreg [dreg:$0xf];
	[sflag:s30] =	ssyncadd.s32 $0xFFFFC000  }
0xa5: {  	[tilespmem:s29], [sflag:$0x3] =	stream.linear.gather [spmem:s17], $0x4000, $0x38;
	[tilespmem:$0x1BE00] =	vst v63  }
0xa6: {  	_ =	swait.ge [sflag:s30], $0x4000  }
0xa7: {  	[sflag:s30] =	ssyncset.done $0x0  }
0xa8: {  	[sflag:s30] =	ssyncadd.s32 $0xFFFFC000  }
0xa9: {  	[hbm4b:s23+s4] =	stream.linear.scatter [tilespmem:s29], [sflag:$0x3], $0x4000, $0x38;
	[tilespmem:$0x1BE00] =	vst v63  }
0xaa: {  	_ =	swait.ge [sflag:s30], $0x4000  }
0xab: {  	[sflag:s30] =	ssyncset.done $0x0  }
0xac: {  	s18 =	rddreg [dreg:$0x10];
	[sflag:s30] =	ssyncadd.s32 $0xFFFFC000  }
0xad: {  	[tilespmem:s29], [sflag:$0x3] =	stream.linear.gather [spmem:s18], $0x4000, $0x38;
	[tilespmem:$0x1BE00] =	vst v63  }
0xae: {  	_ =	swait.ge [sflag:s30], $0x4000  }
0xaf: {  	[sflag:s30] =	ssyncset.done $0x0  }
0xb0: {  	[sflag:s30] =	ssyncadd.s32 $0xFFFFC000  }
0xb1: {  	[hbm4b:s24+s4] =	stream.linear.scatter [tilespmem:s29], [sflag:$0x3], $0x4000, $0x38;
	[tilespmem:$0x1BE00] =	vst v63  }
0xb2: {  	_ =	swait.ge [sflag:s30], $0x4000  }
0xb3: {  	[sflag:s30] =	ssyncset.done $0x0  }
0xb4: {  	s19 =	rddreg [dreg:$0x11];
	[sflag:s30] =	ssyncadd.s32 $0xFFFFC000  }
0xb5: {  	[tilespmem:s29], [sflag:$0x3] =	stream.linear.gather [spmem:s19], $0x3800, $0x38;
	[tilespmem:$0x1BE00] =	vst v63  }
0xb6: {  	_ =	swait.ge [sflag:s30], $0x3800  }
0xb7: {  	[sflag:s30] =	ssyncset.done $0x0  }
0xb8: {  	[sflag:s30] =	ssyncadd.s32 $0xFFFFC800  }
0xb9: {  	[hbm4b:s25+s4] =	stream.linear.scatter [tilespmem:s29], [sflag:$0x3], $0x3800, $0x38;
	[tilespmem:$0x1BE00] =	vst v63  }
0xba: {  	_ =	swait.ge [sflag:s30], $0x3800  }
0xbb: {  	[sflag:s30] =	ssyncset.done $0x0  }
0xbc: {  	s7 =	simm.s32 @!p0 $0x200;
	s11 =	simm.s32 @!p0 $0x3;
	[sflag:s30] =	ssyncadd.s32 $0xFFFFC800  }
0xbd: {  	[tilespmem:s7], [sflag:$0x3] =	stream.linear.gather @!p0 [spmem:s26], $0x800, $0x38;
	[tilespmem:$0x1BE00] =	vst v63  }
0xbe: {  	s10 =	sadd.s32 $0x1, s10;
	_ =	swait.ge @!p0 [sflag:s11], $0x800  }
0xbf: {  	p1 =	sne.s32 s10, s20;
	s14 =	sadd.s32 @!p0 $0x27000, s15;
	[sflag:s11] =	ssyncset.done @!p0 $0x0  }
.Ltmp1:
0xc0: {  	s16 =	simm.s32 @!p0 $0x0;
	[sflag:s11] =	ssyncadd.s32 @!p0 $0xFFFFF800;
	(pc) =	sbr.rel @p1 .LBB2_1-.Ltmp1, $4  }
0xc1: {  	[hbm4b:s14+s16] =	stream.linear.scatter @!p0 [tilespmem:s7], [sflag:$0x3], $0x800, $0x38;
	[tilespmem:$0x1BE00] =	vst v63  }
0xc2: {  	_ =	swait.ge @!p0 [sflag:s11], $0x800  }
0xc3: {  	[sflag:s11] =	ssyncset.done @!p0 $0x0  }
0xc4: {  	[sflag:s11] =	ssyncadd.s32 @!p0 $0xFFFFF800  }
0xc5: {  	_ =	sfence.sel $0x180000  }
0xc6: {  	[bflag:$0x0] =	sbarrier.arrive $0xFFFF  }
0xc7: {  	_ =	strace $0x9000004A  }
0xc8: {  	s0 =	stileid.u32;
	[bflag:$0x2] =	sbarrier.arrive $0xFFFF  }
0xc9: {  	p0 =	sne.s32 s0, $0x0;
	s0 =	rddreg [dreg:$0x3]  }
0xca: {  	s0 =	sadd.s32 @!p0 $0x100000, s0  }
0xcb: {  	[sflag:s0] =	ssyncadd.tile.s32 @!p0 $0x1;
	_ =	shalt  }
.Lfunc_end2:
_tile_overlayer_lowered:
.L_overlay_start_2:
0xcc: {  	(tag) =	ssettag $0x2  }
0xcd: {  	s0 =	rddreg [dreg:$0x0];
	s2 =	stileid.u32  }
0xce: {  	s1 =	rddreg [dreg:$0x1];
	p0 =	sne.s32 s2, $0x0  }
0xcf: {  	s3 =	rddreg [dreg:$0x2];
	[bflag:$0x3] =	sbarrier.arrive $0xFFFF;
	s2 =	simm.s32 @!p0 $0x1C03  }
0xd0: {  	[timem:s3], [sflag:s2] =	dma.local @!p0 [hbm:s0], s1  }
0xd1: {  	s0 =	simm.s32 @!p0 $0x3  }
0xd2: {  	_ =	swait.ge @!p0 [sflag:s0], s1  }
0xd3: {  	s1 =	ssub.s32 @!p0 $0x0, s1;
	[sflag:s0] =	ssyncset.done @!p0 $0x0  }
0xd4: {  	[sflag:s0] =	ssyncadd.s32 @!p0 s1  }
0xd5: {  	[bflag:$0x3] =	sbarrier.arrive $0xFFFF  }
0xd6: {  	_ =	shalt  }

// kernel: kernel.16.cloned.1.call-start
scs
__scs_entry_jumppad:
0x0: {  	(pc) =	sbr.rel $0x88, $3  }
0x1: {  	(tag) =	ssettag $0x0;
	lr =	simm.s32 $0x1  }
0x2: {  	[smem:$0x3F9C] =	sst lr;
	_ =	strace $0xD0000000  }
0x3: {  	_ = 	snop  }
0x4: {  	_ = 	snop  }
0x5: {  	_ = 	snop  }
0x6: {  	_ = 	snop  }
0x7: {  	_ = 	snop  }
__scs_overlays_trampoline_lowered:
0x8: {  	[smem:$0x3FAB] =	sst s0  }
0x9: {  	[smem:$0x3FAC] =	sst s1  }
0xa: {  	[smem:$0x3FAD] =	sst s2  }
0xb: {  	[smem:$0x3FAE] =	sst s3  }
0xc: {  	[smem:$0x3FAF] =	sst s4  }
0xd: {  	[smem:$0x3FB0] =	sst s5  }
0xe: {  	[smem:$0x3FB1] =	sst s6  }
0xf: {  	[smem:$0x3FB2] =	sst s7  }
0x10: {  	[smem:$0x3FB3] =	sst s8  }
0x11: {  	[smem:$0x3FB4] =	sst s9;
	s0 =	simm.s32 @!p0 $0x0  }
0x12: {  	s1 =	sld [smem:$0x3F9A];
	s0 =	simm.s32 @p0 $0x1  }
0x13: {  	[smem:$0x3FB5] =	sst s0;
	s0 =	simm.s32 @!p1 $0x0  }
0x14: {  	s2 =	sld [smem:$0x3F99];
	s0 =	simm.s32 @p1 $0x1  }
0x15: {  	[smem:$0x3FB6] =	sst s0;
	s0 =	simm.s32 @!p2 $0x0  }
0x16: {  	s3 =	sld [smem:$0x3FDB];
	s0 =	simm.s32 @p2 $0x1  }
0x17: {  	s4 =	simm.s32 $0x1BF5;
	[smem:$0x3FB8] =	sst s0  }
0x18: {  	s0 =	sld [smem:$0x3F9B];
	_ =	swait.ge [sflag:s4], $0x0  }
0x19: {  	s7 =	sld [smem:$0x3F9C]  }
0x1a: {  	s8 =	sadd.s32 $0xFFFFE003, lr  }
0x1b: {  	s9 =	sadd.s32 $0xFFFFFEF7, lr;
	s5 =	simm.s32 $0xFFFFFFFF;
	p2 =	slt.u32 s8, $0xFFFFF086  }
0x1c: {  	p1 =	slt.u32 s9, $0xF7A;
	s5 =	simm.s32 @!p2 $0x0  }
0x1d: {  	s5 =	simm.s32 @p1 $0x1;
	p0 =	seq.s32 s7, s2  }
0x1e: {  	s7 =	smul.u32 @!p0 $0xF7A, s2;
	p2 =	seq.s32 @!p0 s5, $0x0  }
0x1f: {  	s9 =	smul.u32 $0xF7A, s1;
	s8 =	simm.s32 @!p0 $0x1BF5;
	p2 =	por !p2, p0  }
0x20: {  	[sflag:s8] =	ssyncset.s32 @!p0 $0xFFFFF086;
	s6 =	sadd.s32 @!p0 s3, s7;
	s7 =	simm.s32 @!p0 $0x108  }
0x21: {  	s3 =	sadd.s32 s3, s9;
	s6 =	sadd.s32 @!p0 $0x88, s6;
	s7 =	simm.s32 @p2 $0x1082  }
0x22: {  	[simem:s7], [sflag:s8] =	dma.local @!p0 [hbm:s6], $0xF7A  }
0x23: {  	s9 =	sor.u32 $0xD0000000, s2;
	s6 =	simm.s32 $0x108;
	_ =	swait.ge @!p0 [sflag:s8], $0x0  }
0x24: {  	s3 =	sadd.s32 $0x88, s3;
	s6 =	simm.s32 @!p1 $0x1082;
	[sflag:s4] =	ssyncset.s32 $0xFFFFF086  }
0x25: {  	[simem:s6], [sflag:s4] =	dma.local [hbm:s3], $0xF7A  }
0x26: {  	[smem:$0x3F9C] =	sst s1;
	(tag) =	ssettag s2;
	_ =	strace s9  }
0x27: {  	s1 =	sld [smem:$0x3FAC]  }
0x28: {  	s2 =	sld [smem:$0x3FAD]  }
0x29: {  	s4 =	sld [smem:$0x3FAF]  }
0x2a: {  	p0 =	seq.s32 s5, $0x0;
	s5 =	sld [smem:$0x3FB0]  }
0x2b: {  	s6 =	sld [smem:$0x3FB1]  }
0x2c: {  	s7 =	sld [smem:$0x3FB2]  }
0x2d: {  	s3 =	simm.s32 $0x108;
	s8 =	sld [smem:$0x3FB3]  }
0x2e: {  	s3 =	simm.s32 @!p0 $0x1082;
	s9 =	sld [smem:$0x3FB4]  }
0x2f: {  	lr =	sadd.s32 s0, s3;
	s0 =	sld [smem:$0x3FAB]  }
0x30: {  	s3 =	sld [smem:$0x3FAE]  }
0x31: {  	[smem:$0x3FB7] =	sst s10  }
0x32: {  	s10 =	sld [smem:$0x3FB5];
	_ =	sdelay $0x3  }
0x33: {  	p0 =	seq.s32 s10, $0x1;
	s10 =	sld [smem:$0x3FB7];
	_ =	sdelay $0x3  }
0x34: {  	[smem:$0x3FB7] =	sst s10  }
0x35: {  	s10 =	sld [smem:$0x3FB6];
	_ =	sdelay $0x3  }
0x36: {  	p1 =	seq.s32 s10, $0x1;
	s10 =	sld [smem:$0x3FB7];
	_ =	sdelay $0x3  }
0x37: {  	[smem:$0x3FB7] =	sst s10  }
0x38: {  	s10 =	sld [smem:$0x3FB8]  }
0x39: {  	_ = 	snop;
	(pc) =	sbr.ind lr, $3  }
0x3a: {  	_ = 	snop  }
0x3b: {  	_ = 	snop  }
0x3c: {  	p2 =	seq.s32 s10, $0x1;
	s10 =	sld [smem:$0x3FB7]  }
0x3d: {  	_ =	shalt  }
0x3e: {  	_ =	shalt  }
0x3f: {  	_ =	shalt  }
0x40: {  	_ =	shalt  }
0x41: {  	_ =	shalt  }
0x42: {  	_ =	shalt  }
0x43: {  	_ =	shalt  }
0x44: {  	_ =	shalt  }
0x45: {  	_ =	shalt  }
0x46: {  	_ =	shalt  }
0x47: {  	_ =	shalt  }
0x48: {  	_ =	shalt  }
0x49: {  	_ =	shalt  }
0x4a: {  	_ =	shalt  }
0x4b: {  	_ =	shalt  }
0x4c: {  	_ =	shalt  }
0x4d: {  	_ =	shalt  }
0x4e: {  	_ =	shalt  }
0x4f: {  	_ =	shalt  }
0x50: {  	_ =	shalt  }
0x51: {  	_ =	shalt  }
0x52: {  	_ =	shalt  }
0x53: {  	_ =	shalt  }
0x54: {  	_ =	shalt  }
0x55: {  	_ =	shalt  }
0x56: {  	_ =	shalt  }
0x57: {  	_ =	shalt  }
0x58: {  	_ =	shalt  }
0x59: {  	_ =	shalt  }
0x5a: {  	_ =	shalt  }
0x5b: {  	_ =	shalt  }
0x5c: {  	_ =	shalt  }
0x5d: {  	_ =	shalt  }
0x5e: {  	_ =	shalt  }
0x5f: {  	_ =	shalt  }
0x60: {  	_ =	shalt  }
0x61: {  	_ =	shalt  }
0x62: {  	_ =	shalt  }
0x63: {  	_ =	shalt  }
0x64: {  	_ =	shalt  }
0x65: {  	_ =	shalt  }
0x66: {  	_ =	shalt  }
0x67: {  	_ =	shalt  }
0x68: {  	_ =	shalt  }
0x69: {  	_ =	shalt  }
0x6a: {  	_ =	shalt  }
0x6b: {  	_ =	shalt  }
0x6c: {  	_ =	shalt  }
0x6d: {  	_ =	shalt  }
0x6e: {  	_ =	shalt  }
0x6f: {  	_ =	shalt  }
0x70: {  	_ =	shalt  }
0x71: {  	_ =	shalt  }
0x72: {  	_ =	shalt  }
0x73: {  	_ =	shalt  }
0x74: {  	_ =	shalt  }
0x75: {  	_ =	shalt  }
0x76: {  	_ =	shalt  }
0x77: {  	_ =	shalt  }
0x78: {  	_ =	shalt  }
0x79: {  	_ =	shalt  }
0x7a: {  	_ =	shalt  }
0x7b: {  	_ =	shalt  }
0x7c: {  	_ =	shalt  }
0x7d: {  	_ =	shalt  }
0x7e: {  	_ =	shalt  }
0x7f: {  	_ =	shalt  }
0x80: {  	_ =	shalt  }
0x81: {  	_ =	shalt  }
0x82: {  	_ =	shalt  }
0x83: {  	_ =	shalt  }
0x84: {  	_ =	shalt  }
0x85: {  	_ =	shalt  }
0x86: {  	_ =	shalt  }
0x87: {  	_ =	shalt  }
.Lfunc_end0:
.L_simem_size_0:
called_computation.2_lowered:
.L_overlay_start_0:
0x88: {  	s2 =	sld [smem:$0x3FD9]  }
0x89: {  	s3 =	sld [smem:$0x3FFE];
	_ =	sdelay $0x1  }
0x8a: {  	s1 =	srdreg.scid  }
0x8b: {  	s0 =	sand.u32 $0x1, s1  }
0x8c: {  	s17 =	sshll.u32 s0, $0xA;
	s2 =	sadd.s32 s3, s2  }
0x8d: {  	s2 =	sadd.s32 s2, s17  }
0x8e: {  	[smem:$0x3FC3] =	sst s2  }
0x8f: {  	_ = 	snop  }
0x90: {  	s2 =	sld [smem:$0x3FD0];
	(tm) =	ssettm $0x1  }
0x91: {  	s18 =	sld [smem:$0x3FFB];
	_ =	sdelay $0x3  }
0x92: {  	_ =	strace s18  }
0x93: {  	s3 =	sld [smem:$0x3FFC];
	_ =	sdelay $0x3  }
0x94: {  	_ =	strace s3  }
0x95: {  	s3 =	sld [smem:$0x3FFD];
	_ =	sdelay $0x3  }
0x96: {  	_ =	strace s3  }
0x97: {  	_ =	strace $0x8FFFFFFF  }
0x98: {  	s19 =	sld [smem:$0x3FDB];
	_ =	sdelay $0x1  }
0x99: {  	s4 =	simm.s32 $_scs_section_size  }
0x9a: {  	s5 =	simm.s32 $_size__tile_overlayer_lowered;
	s6 =	simm.s32 $_tile_overlayer_lowered  }
0x9b: {  	s22 =	simm.s32 $0x1BFF;
	s21 =	sshll.u32 s6, $0x1;
	s3 =	sadd.s32 s4, s19  }
0x9c: {  	s7 =	simm.s32 $0x0;
	s20 =	sshll.u32 s5, $0x1;
	s5 =	sadd.s32 s21, s3  }
0x9d: {  	[timem:s7], [sflag:s22] =	dma.local [hbm:s5], s20  }
0x9e: {  	_ =	swait.ge [sflag:s22], s20  }
0x9f: {  	s4 =	ssub.s32 $0x0, s20;
	[sflag:s22] =	ssyncset.done $0x0  }
0xa0: {  	[sflag:s22] =	ssyncadd.s32 s4;
	_ =	sdelay $0x1  }
0xa1: {  	s23 =	simm.s32 $0x1B8B  }
0xa2: {  	_ =	swait.ge [sflag:s23], $0x1  }
0xa3: {  	[sflag:s23] =	ssyncset.done $0x0  }
0xa4: {  	s25 =	simm.s32 $0x1B8E;
	s24 =	sld [smem:$0x3FFE];
	[sflag:s23] =	ssyncadd.s32 $0xFFFFFFFF  }
0xa5: {  	s26 =	simm.s32 $execute0_lowered;
	[smem:$0x3FD2] =	sst s25  }
0xa6: {  	s5 =	sshll.u32 s26, $0x1;
	_ =	strace $0x8000004C;
	[dreg:$0x1] =	wrdreg $0xFFFFFFFF  }
0xa7: {  	s28 =	simm.s32 $_size_execute0_lowered;
	s3 =	sadd.s32 s3, s5;
	[dreg:$0x0] =	wrdreg $0x0  }
0xa8: {  	s5 =	sshll.u32 s28, $0x1;
	[dreg:$0x2] =	wrdreg s3  }
0xa9: {  	[dreg:$0x3] =	wrdreg s5  }
0xaa: {  	[dreg:$0x4] =	wrdreg $0xC0  }
0xab: {  	_ =	task [dreg:s7], $0x5FFFF  }
0xac: {  	[dreg:$0x1] =	wrdreg $0xFFFFFFFF  }
0xad: {  	[dreg:$0x0] =	wrdreg $0x60  }
0xae: {  	[dreg:$0x2] =	wrdreg s2  }
0xaf: {  	[dreg:$0x3] =	wrdreg s24  }
0xb0: {  	[dreg:$0x4] =	wrdreg $0x82000  }
0xb1: {  	[dreg:$0x5] =	wrdreg $0x9  }
0xb2: {  	_ =	task.clear_ibuf [dreg:s7], $0x6FFFF;
	_ =	strace $0x9000004C  }
0xb3: {  	s29 =	simm.s32 $0x9;
	_ =	strace $0x8000004E  }
0xb4: {  	_ =	swait.ge [sflag:s29], $0x1  }
0xb5: {  	[sflag:s29] =	ssyncadd.s32 $0xFFFFFFFF  }
0xb6: {  	_ =	strace $0x9000004E  }
0xb7: {  	_ =	sfence  }
0xb8: {  	s30 =	sld [smem:$0x0];
	_ =	sdelay $0x2  }
0xb9: {  	s31 =	sshll.u32 s1, $0xD;
	s1 =	sshrl.u32 s1, $0x2  }
0xba: {  	s3 =	sand.u32 $0x4000, s31;
	s1 =	sadd.s32 s1, s30  }
0xbb: {  	s0 =	sor.u32 s3, s0;
	s1 =	sshll.u32 s1, $0x11  }
0xbc: {  	s0 =	sor.u32 s1, s0  }
0xbd: {  	s0 =	sadd.s32 $0x8F2B, s0  }
0xbe: {  	[sflag:s0] =	ssyncadd.remote.s32 $0x1  }
0xbf: {  	_ =	sfence.sel $0xFFFF  }
0xc0: {  	[dreg:$0x0] =	wrdreg $0xFFFFFFFF;
	(pc) =	sbr.abs _section_cstart, $3  }
0xc1: {  	[dreg:$0x1] =	wrdreg $0xFFFFFFFF  }
0xc2: {  	_ =	task.clear_ibuf [dreg:s7], $0x2FFFF;
	_ =	strace $0x9FFFFFFF  }
0xc3: {  	(tm) =	ssettm $0x7FFFFFFF  }
tec
execute0_lowered:
.L_overlay_start_1:
0x0: {  	(tag) =	ssettag $0x1  }
0x1: {  	s2 =	rddreg [dreg:$0x0]  }
0x2: {  	s0 =	rddreg [dreg:$0x1];
	s16 =	stileid.u32  }
0x3: {  	s3 =	rddreg [dreg:$0x2];
	s5 =	smul.u32 $0x38, s16  }
0x4: {  	s1 =	srdreg.scid;
	s6 =	smul.u32 $0x66, s16  }
0x5: {  	s4 =	simm.s32 $0x0;
	s29 =	simm.s32 $0x200;
	s7 =	smul.u32 $0x4F000, s16  }
0x6: {  	s30 =	simm.s32 $0x3;
	s31 =	simm.s32 $0x100;
	s24 =	smul.u32 $0x4E000, s16  }
0x7: {  	s1 =	sand.u32 $0x1, s1;
	[smem:$0x7FF] =	sst s4;
	s26 =	smul.u32 $0x270, s16  }
0x8: {  	s8 =	sadd.s32 $0xC000, s0;
	p0 =	seq.s32 s1, $0x0;
	s21 =	smul.u32 $0x27100, s1  }
0x9: {  	_ =	strace $0x8000004D;
	[dreg:$0x7] =	wrdreg s8;
	s1 =	ssub.s32 $0x2, s1  }
0xa: {  	s5 =	sadd.s32 $0x660, s5;
	s22 =	sshrl.u32 s1, $0x1;
	s7 =	sshrl.u32 s7, $0x2  }
0xb: {  	s8 =	sshrl.u32 s24, $0x2;
	s14 =	sadd.s32 $0x80, s26;
	s18 =	sadd.s32 $0x100, s26  }
0xc: {  	s5 =	smov.u32 @p0 s6;
	s1 =	ssub.s32 s1, s22;
	s6 =	simm.s32 $0x66  }
0xd: {  	s7 =	sadd.s32 s7, s3;
	s11 =	sadd.s32 s8, s3;
	s10 =	sshll.u32 s14, $0x7  }
0xe: {  	s8 =	sshll.u32 s14, $0x4;
	s14 =	sshll.u32 s18, $0x7;
	[dreg:$0x8] =	wrdreg s7  }
0xf: {  	s5 =	sshll.u32 s5, $0x4;
	s23 =	sadd.s32 $0x4000, s7;
	[dreg:$0xd] =	wrdreg s11  }
0x10: {  	s6 =	simm.s32 @!p0 $0x38;
	s9 =	sadd.s32 $0x8000, s7;
	[dreg:$0x9] =	wrdreg s23  }
0x11: {  	s25 =	sadd.s32 $0xC000, s7;
	s7 =	sadd.s32 $0x10000, s7;
	[dreg:$0xa] =	wrdreg s9  }
0x12: {  	s17 =	sadd.s32 s10, s3;
	s19 =	sadd.s32 s14, s3;
	[dreg:$0xb] =	wrdreg s25  }
0x13: {  	s10 =	sshll.u32 s18, $0x4;
	p0 =	sne.s32 s16, $0xF;
	[dreg:$0xc] =	wrdreg s7  }
0x14: {  	s5 =	sadd.s32 s5, s0;
	s0 =	sadd.s32 s21, s0;
	[dreg:$0xe] =	wrdreg s17  }
0x15: {  	s11 =	sshll.u32 s6, $0x4;
	[dreg:$0xf] =	wrdreg s19;
	s21 =	sadd.s32 $0x180, s26  }
0x16: {  	s9 =	sadd.s32 $0x200, s26;
	s28 =	sadd.s32 $0xFFFFFFFE, s6;
	s12 =	sadd.s32 $0x5B200, s5  }
0x17: {  	s13 =	sadd.s32 $0x2200, s5;
	s15 =	sadd.s32 $0xC800, s0;
	s0 =	smul.u32 $0x2700, s16  }
0x18: {  	s11 =	sadd.s32 $0xFFFFFFE0, s11;
	s20 =	sadd.s32 $0x5B210, s5;
	s22 =	sshll.u32 s21, $0x7  }
0x19: {  	s5 =	sadd.s32 $0x2210, s5;
	s24 =	sshll.u32 s9, $0x7;
	[dreg:$0x4] =	wrdreg s11  }
0x1a: {  	s25 =	sshll.u32 s21, $0x4;
	s26 =	sshll.u32 s9, $0x4;
	[dreg:$0x5] =	wrdreg s20  }
0x1b: {  	s9 =	simm.s32 $0x4200;
	s23 =	sadd.s32 s22, s3;
	[dreg:$0x6] =	wrdreg s5  }
0x1c: {  	s5 =	sadd.s32 s24, s3;
	s20 =	smax.u32 s1, $0x1;
	s22 =	sadd.s32 s8, s15  }
0x1d: {  	s24 =	sadd.s32 s25, s15;
	s25 =	sadd.s32 s26, s15;
	s26 =	sadd.s32 $0x138000, s3  }
0x1e: {  	s1 =	simm.s32 $0x1;
	s8 =	simm.s32 $0x180;
	[dreg:$0x10] =	wrdreg s23  }
0x1f: {  	[dreg:$0x11] =	wrdreg s5;
	s21 =	sadd.s32 s0, s15;
	s23 =	sadd.s32 s10, s15  }
0x20: {  	s0 =	simm.s32 $0x80;
	s5 =	simm.s32 $0x2;
	s10 =	simm.s32 $0x0  }
.LBB2_1:
0x21: {  	s7 =	rddreg [dreg:$0x7]  }
0x22: {  	[tilespmem:s29], [sflag:$0x3] =	stream.linear.gather [hbm4b:s7+s4], $0x4000, $0x38;
	[tilespmem:$0x1BE00] =	vst v63  }
0x23: {  	_ =	swait.ge [sflag:s30], $0x4000  }
0x24: {  	[sflag:s30] =	ssyncset.done $0x0  }
0x25: {  	s14 =	rddreg [dreg:$0x8];
	[sflag:s30] =	ssyncadd.s32 $0xFFFFC000  }
0x26: {  	[spmem:s14] =	stream.linear.scatter [tilespmem:s29], [sflag:$0x3], $0x4000, $0x38;
	[tilespmem:$0x1BE00] =	vst v63  }
0x27: {  	_ =	swait.ge [sflag:s30], $0x4000  }
0x28: {  	[sflag:s30] =	ssyncset.done $0x0  }
0x29: {  	s16 =	rddreg [dreg:$0x9];
	[sflag:s30] =	ssyncadd.s32 $0xFFFFC000  }
0x2a: {  	[spmem:s16] =	stream.linear.scatter [tilespmem:s29], [sflag:$0x3], $0x4000, $0x38;
	[tilespmem:$0x1BE00] =	vst v63  }
0x2b: {  	_ =	swait.ge [sflag:s30], $0x4000  }
0x2c: {  	[sflag:s30] =	ssyncset.done $0x0  }
0x2d: {  	s17 =	rddreg [dreg:$0xa];
	[sflag:s30] =	ssyncadd.s32 $0xFFFFC000  }
0x2e: {  	[spmem:s17] =	stream.linear.scatter [tilespmem:s29], [sflag:$0x3], $0x4000, $0x38;
	[tilespmem:$0x1BE00] =	vst v63  }
0x2f: {  	_ =	swait.ge [sflag:s30], $0x4000  }
0x30: {  	[sflag:s30] =	ssyncset.done $0x0  }
0x31: {  	s18 =	rddreg [dreg:$0xb];
	[sflag:s30] =	ssyncadd.s32 $0xFFFFC000  }
0x32: {  	[spmem:s18] =	stream.linear.scatter [tilespmem:s29], [sflag:$0x3], $0x4000, $0x38;
	[tilespmem:$0x1BE00] =	vst v63  }
0x33: {  	_ =	swait.ge [sflag:s30], $0x4000  }
0x34: {  	[sflag:s30] =	ssyncset.done $0x0  }
0x35: {  	s19 =	rddreg [dreg:$0xc];
	[sflag:s30] =	ssyncadd.s32 $0xFFFFC000  }
0x36: {  	[spmem:s19] =	stream.linear.scatter [tilespmem:s29], [sflag:$0x3], $0x3C00, $0x38;
	[tilespmem:$0x1BE00] =	vst v63  }
0x37: {  	_ =	swait.ge [sflag:s30], $0x3C00  }
0x38: {  	[sflag:s30] =	ssyncset.done $0x0  }
0x39: {  	[sflag:s30] =	ssyncadd.s32 $0xFFFFC400  }
0x3a: {  	[bflag:$0x0] =	sbarrier.arrive $0xFFFF  }
0x3b: {  	[tilespmem:s4], [sflag:$0x3] =	stream.linear.gather [hbm4b:s12+s4], $0x80, $0x38;
	[tilespmem:$0x1BE00] =	vst v63  }
0x3c: {  	_ =	swait.ge [sflag:s30], $0x80  }
0x3d: {  	[sflag:s30] =	ssyncset.done $0x0  }
0x3e: {  	[sflag:s30] =	ssyncadd.s32 $0xFFFFFF80  }
0x3f: {  	[tilespmem:s31], [sflag:$0x3] =	stream.linear.gather [hbm4b:s13+s4], $0x80, $0x38;
	[tilespmem:$0x1BE00] =	vst v63  }
0x40: {  	_ =	swait.ge [sflag:s30], $0x80  }
0x41: {  	[sflag:s30] =	ssyncset.done $0x0  }
0x42: {  	s11 =	simm.s32 $0x0;
	s14 =	simm.s32 $0x0;
	[sflag:s30] =	ssyncadd.s32 $0xFFFFFF80  }
0x43: {  	[tilespmem:s29], [sflag:$0x1] =	stream.indirect.gather [hbm4b:s2+s0], $0x80, s4, s0, $0xb8;
	[tilespmem:$0x1BE00] =	vst v63  }
.LBB2_2:
0x44: {  	s17 =	sadd.s32 $0x1, s14  }
0x45: {  	s16 =	rddreg [dreg:$0x5];
	p1 =	sge.u32 s17, s6  }
0x46: {  	s16 =	sadd.s32 @!p1 s11, s16;
	s17 =	simm.s32 @!p1 $0x0;
	s18 =	simm.s32 @!p1 $0x80  }
0x47: {  	[tilespmem:s18], [sflag:$0x3] =	stream.linear.gather @!p1 [hbm4b:s16+s17], $0x80, $0x38;
	[tilespmem:$0x1BE00] =	vst v63  }
0x48: {  	s16 =	simm.s32 @!p1 $0x3  }
0x49: {  	_ =	swait.ge @!p1 [sflag:s16], $0x80  }
0x4a: {  	s7 =	rddreg [dreg:$0x6];
	[sflag:s16] =	ssyncset.done @!p1 $0x0  }
0x4b: {  	s19 =	simm.s32 @!p1 $0x180;
	[sflag:s16] =	ssyncadd.s32 @!p1 $0xFFFFFF80;
	s7 =	sadd.s32 @!p1 s11, s7  }
0x4c: {  	[tilespmem:s19], [sflag:$0x3] =	stream.linear.gather @!p1 [hbm4b:s7+s17], $0x80, $0x38;
	[tilespmem:$0x1BE00] =	vst v63  }
0x4d: {  	_ =	swait.ge @!p1 [sflag:s16], $0x80  }
0x4e: {  	[sflag:s16] =	ssyncset.done @!p1 $0x0  }
0x4f: {  	s7 =	simm.s32 @!p1 $0x4200;
	[sflag:s16] =	ssyncadd.s32 @!p1 $0xFFFFFF80  }
0x50: {  	[tilespmem:s7], [sflag:$0x2] =	stream.indirect.gather @!p1 [hbm4b:s2+s18], $0x80, s18, s18, $0xb8;
	[tilespmem:$0x1BE00] =	vst v63  }
0x51: {  	_ =	swait.ge [sflag:s1], $0x4000  }
0x52: {  	[sflag:s1] =	ssyncset.done $0x0  }
0x53: {  	[sflag:s1] =	ssyncadd.s32 $0xFFFFC000  }
0x54: {  	[spmem:s3] =	stream.indirect.scatter.add.f32 [tilespmem:s29], [sflag:$0x3], $0x80, s31, s0, $0xb8;
	[tilespmem:$0x1BE00] =	vst v63  }
0x55: {  	p1 =	sge.u32 s14, s28;
	_ =	swait.ge [sflag:s30], $0x4000  }
0x56: {  	s7 =	sadd.s32 @!p1 s11, s12;
	[sflag:s30] =	ssyncset.done $0x0  }
0x57: {  	s16 =	simm.s32 @!p1 $0x0;
	s7 =	sadd.s32 @!p1 $0x20, s7;
	[sflag:s30] =	ssyncadd.s32 $0xFFFFC000  }
0x58: {  	[tilespmem:s16], [sflag:$0x3] =	stream.linear.gather @!p1 [hbm4b:s7+s16], $0x80, $0x38;
	[tilespmem:$0x1BE00] =	vst v63  }
0x59: {  	s7 =	simm.s32 @!p1 $0x3  }
0x5a: {  	_ =	swait.ge @!p1 [sflag:s7], $0x80  }
0x5b: {  	s17 =	sadd.s32 @!p1 s11, s13;
	[sflag:s7] =	ssyncset.done @!p1 $0x0  }
0x5c: {  	s18 =	simm.s32 @!p1 $0x100;
	s17 =	sadd.s32 @!p1 $0x20, s17;
	[sflag:s7] =	ssyncadd.s32 @!p1 $0xFFFFFF80  }
0x5d: {  	[tilespmem:s18], [sflag:$0x3] =	stream.linear.gather @!p1 [hbm4b:s17+s16], $0x80, $0x38;
	[tilespmem:$0x1BE00] =	vst v63  }
0x5e: {  	_ =	swait.ge @!p1 [sflag:s7], $0x80  }
0x5f: {  	[sflag:s7] =	ssyncset.done @!p1 $0x0  }
0x60: {  	s17 =	simm.s32 @!p1 $0x200;
	[sflag:s7] =	ssyncadd.s32 @!p1 $0xFFFFFF80;
	s7 =	simm.s32 @!p1 $0x80  }
0x61: {  	[tilespmem:s17], [sflag:$0x1] =	stream.indirect.gather @!p1 [hbm4b:s2+s7], $0x80, s16, s7, $0xb8;
	[tilespmem:$0x1BE00] =	vst v63  }
0x62: {  	_ =	swait.ge [sflag:s5], $0x4000  }
0x63: {  	[sflag:s5] =	ssyncset.done $0x0  }
0x64: {  	[sflag:s5] =	ssyncadd.s32 $0xFFFFC000  }
0x65: {  	[spmem:s3] =	stream.indirect.scatter.add.f32 [tilespmem:s9], [sflag:$0x3], $0x80, s8, s0, $0xb8;
	[tilespmem:$0x1BE00] =	vst v63  }
0x66: {  	_ =	swait.ge [sflag:s30], $0x4000  }
0x67: {  	s11 =	sadd.s32 $0x20, s11;
	s19 =	rddreg [dreg:$0x4]  }
0x68: {  	p1 =	sne.s32 s19, s11  }
.Ltmp0:
0x69: {  	_ = 	snop;
	(pc) =	sbr.rel @p1 .LBB2_2-.Ltmp0, $3  }
0x6a: {  	_ =	sdelay $0x1  }
0x6b: {  	[sflag:s30] =	ssyncset.done $0x0  }
0x6c: {  	s14 =	sadd.s32 $0x2, s14;
	[sflag:s30] =	ssyncadd.s32 $0xFFFFC000  }
0x6d: {  	s7 =	sadd.s32 $0x1, s14  }
0x6e: {  	p1 =	sge.u32 s7, s6  }
0x6f: {  	s7 =	sadd.s32 @!p1 s11, s12  }
0x70: {  	s16 =	simm.s32 @!p1 $0x0;
	s17 =	simm.s32 @!p1 $0x80;
	s7 =	sadd.s32 @!p1 $0x10, s7  }
0x71: {  	[tilespmem:s17], [sflag:$0x3] =	stream.linear.gather @!p1 [hbm4b:s7+s16], $0x80, $0x38;
	[tilespmem:$0x1BE00] =	vst v63  }
0x72: {  	s7 =	simm.s32 @!p1 $0x3  }
0x73: {  	_ =	swait.ge @!p1 [sflag:s7], $0x80  }
0x74: {  	s18 =	sadd.s32 @!p1 s11, s13;
	[sflag:s7] =	ssyncset.done @!p1 $0x0  }
0x75: {  	s19 =	simm.s32 @!p1 $0x180;
	s18 =	sadd.s32 @!p1 $0x10, s18;
	[sflag:s7] =	ssyncadd.s32 @!p1 $0xFFFFFF80  }
0x76: {  	[tilespmem:s19], [sflag:$0x3] =	stream.linear.gather @!p1 [hbm4b:s18+s16], $0x80, $0x38;
	[tilespmem:$0x1BE00] =	vst v63  }
0x77: {  	_ =	swait.ge @!p1 [sflag:s7], $0x80  }
0x78: {  	[sflag:s7] =	ssyncset.done @!p1 $0x0  }
0x79: {  	[sflag:s7] =	ssyncadd.s32 @!p1 $0xFFFFFF80;
	s7 =	simm.s32 @!p1 $0x4200  }
0x7a: {  	[tilespmem:s7], [sflag:$0x2] =	stream.indirect.gather @!p1 [hbm4b:s2+s17], $0x80, s17, s17, $0xb8;
	[tilespmem:$0x1BE00] =	vst v63  }
0x7b: {  	_ =	swait.ge [sflag:s1], $0x4000  }
0x7c: {  	[sflag:s1] =	ssyncset.done $0x0  }
0x7d: {  	[sflag:s1] =	ssyncadd.s32 $0xFFFFC000  }
0x7e: {  	[spmem:s3] =	stream.indirect.scatter.add.f32 [tilespmem:s29], [sflag:$0x3], $0x80, s31, s0, $0xb8;
	[tilespmem:$0x1BE00] =	vst v63  }
0x7f: {  	p1 =	sge.u32 s14, s28;
	_ =	swait.ge [sflag:s30], $0x4000  }
0x80: {  	s7 =	sadd.s32 @!p1 s11, s12;
	[sflag:s30] =	ssyncset.done $0x0  }
0x81: {  	s14 =	simm.s32 @!p1 $0x0;
	s7 =	sadd.s32 @!p1 $0x20, s7;
	[sflag:s30] =	ssyncadd.s32 $0xFFFFC000  }
0x82: {  	[tilespmem:s14], [sflag:$0x3] =	stream.linear.gather @!p1 [hbm4b:s7+s14], $0x80, $0x38;
	[tilespmem:$0x1BE00] =	vst v63  }
0x83: {  	s7 =	simm.s32 @!p1 $0x3  }
0x84: {  	_ =	swait.ge @!p1 [sflag:s7], $0x80  }
0x85: {  	s11 =	sadd.s32 @!p1 s11, s13;
	[sflag:s7] =	ssyncset.done @!p1 $0x0  }
0x86: {  	s16 =	simm.s32 @!p1 $0x100;
	s11 =	sadd.s32 @!p1 $0x20, s11;
	[sflag:s7] =	ssyncadd.s32 @!p1 $0xFFFFFF80  }
0x87: {  	[tilespmem:s16], [sflag:$0x3] =	stream.linear.gather @!p1 [hbm4b:s11+s14], $0x80, $0x38;
	[tilespmem:$0x1BE00] =	vst v63  }
0x88: {  	_ =	swait.ge @!p1 [sflag:s7], $0x80  }
0x89: {  	[sflag:s7] =	ssyncset.done @!p1 $0x0  }
0x8a: {  	s11 =	simm.s32 @!p1 $0x200;
	[sflag:s7] =	ssyncadd.s32 @!p1 $0xFFFFFF80;
	s7 =	simm.s32 @!p1 $0x80  }
0x8b: {  	[tilespmem:s11], [sflag:$0x1] =	stream.indirect.gather @!p1 [hbm4b:s2+s7], $0x80, s14, s7, $0xb8;
	[tilespmem:$0x1BE00] =	vst v63  }
0x8c: {  	_ =	swait.ge [sflag:s5], $0x4000  }
0x8d: {  	[sflag:s5] =	ssyncset.done $0x0  }
0x8e: {  	[sflag:s5] =	ssyncadd.s32 $0xFFFFC000  }
0x8f: {  	[spmem:s3] =	stream.indirect.scatter.add.f32 [tilespmem:s9], [sflag:$0x3], $0x80, s8, s0, $0xb8;
	[tilespmem:$0x1BE00] =	vst v63  }
0x90: {  	_ =	swait.ge [sflag:s30], $0x4000  }
0x91: {  	[sflag:s30] =	ssyncset.done $0x0  }
0x92: {  	[sflag:s30] =	ssyncadd.s32 $0xFFFFC000  }
0x93: {  	[bflag:$0x0] =	sbarrier.arrive $0xFFFF  }
0x94: {  	s14 =	rddreg [dreg:$0xd]  }
0x95: {  	[tilespmem:s29], [sflag:$0x3] =	stream.linear.gather [spmem:s14], $0x4000, $0x38;
	[tilespmem:$0x1BE00] =	vst v63  }
0x96: {  	_ =	swait.ge [sflag:s30], $0x4000  }
0x97: {  	[sflag:s30] =	ssyncset.done $0x0  }
0x98: {  	[sflag:s30] =	ssyncadd.s32 $0xFFFFC000  }
0x99: {  	[hbm4b:s21+s4] =	stream.linear.scatter [tilespmem:s29], [sflag:$0x3], $0x4000, $0x38;
	[tilespmem:$0x1BE00] =	vst v63  }
0x9a: {  	_ =	swait.ge [sflag:s30], $0x4000  }
0x9b: {  	[sflag:s30] =	ssyncset.done $0x0  }
0x9c: {  	s16 =	rddreg [dreg:$0xe];
	[sflag:s30] =	ssyncadd.s32 $0xFFFFC000  }
0x9d: {  	[tilespmem:s29], [sflag:$0x3] =	stream.linear.gather [spmem:s16], $0x4000, $0x38;
	[tilespmem:$0x1BE00] =	vst v63  }
0x9e: {  	_ =	swait.ge [sflag:s30], $0x4000  }
0x9f: {  	[sflag:s30] =	ssyncset.done $0x0  }
0xa0: {  	[sflag:s30] =	ssyncadd.s32 $0xFFFFC000  }
0xa1: {  	[hbm4b:s22+s4] =	stream.linear.scatter [tilespmem:s29], [sflag:$0x3], $0x4000, $0x38;
	[tilespmem:$0x1BE00] =	vst v63  }
0xa2: {  	_ =	swait.ge [sflag:s30], $0x4000  }
0xa3: {  	[sflag:s30] =	ssyncset.done $0x0  }
0xa4: {  	s17 =	rddreg [dreg:$0xf];
	[sflag:s30] =	ssyncadd.s32 $0xFFFFC000  }
0xa5: {  	[tilespmem:s29], [sflag:$0x3] =	stream.linear.gather [spmem:s17], $0x4000, $0x38;
	[tilespmem:$0x1BE00] =	vst v63  }
0xa6: {  	_ =	swait.ge [sflag:s30], $0x4000  }
0xa7: {  	[sflag:s30] =	ssyncset.done $0x0  }
0xa8: {  	[sflag:s30] =	ssyncadd.s32 $0xFFFFC000  }
0xa9: {  	[hbm4b:s23+s4] =	stream.linear.scatter [tilespmem:s29], [sflag:$0x3], $0x4000, $0x38;
	[tilespmem:$0x1BE00] =	vst v63  }
0xaa: {  	_ =	swait.ge [sflag:s30], $0x4000  }
0xab: {  	[sflag:s30] =	ssyncset.done $0x0  }
0xac: {  	s18 =	rddreg [dreg:$0x10];
	[sflag:s30] =	ssyncadd.s32 $0xFFFFC000  }
0xad: {  	[tilespmem:s29], [sflag:$0x3] =	stream.linear.gather [spmem:s18], $0x4000, $0x38;
	[tilespmem:$0x1BE00] =	vst v63  }
0xae: {  	_ =	swait.ge [sflag:s30], $0x4000  }
0xaf: {  	[sflag:s30] =	ssyncset.done $0x0  }
0xb0: {  	[sflag:s30] =	ssyncadd.s32 $0xFFFFC000  }
0xb1: {  	[hbm4b:s24+s4] =	stream.linear.scatter [tilespmem:s29], [sflag:$0x3], $0x4000, $0x38;
	[tilespmem:$0x1BE00] =	vst v63  }
0xb2: {  	_ =	swait.ge [sflag:s30], $0x4000  }
0xb3: {  	[sflag:s30] =	ssyncset.done $0x0  }
0xb4: {  	s19 =	rddreg [dreg:$0x11];
	[sflag:s30] =	ssyncadd.s32 $0xFFFFC000  }
0xb5: {  	[tilespmem:s29], [sflag:$0x3] =	stream.linear.gather [spmem:s19], $0x3800, $0x38;
	[tilespmem:$0x1BE00] =	vst v63  }
0xb6: {  	_ =	swait.ge [sflag:s30], $0x3800  }
0xb7: {  	[sflag:s30] =	ssyncset.done $0x0  }
0xb8: {  	[sflag:s30] =	ssyncadd.s32 $0xFFFFC800  }
0xb9: {  	[hbm4b:s25+s4] =	stream.linear.scatter [tilespmem:s29], [sflag:$0x3], $0x3800, $0x38;
	[tilespmem:$0x1BE00] =	vst v63  }
0xba: {  	_ =	swait.ge [sflag:s30], $0x3800  }
0xbb: {  	[sflag:s30] =	ssyncset.done $0x0  }
0xbc: {  	s7 =	simm.s32 @!p0 $0x200;
	s11 =	simm.s32 @!p0 $0x3;
	[sflag:s30] =	ssyncadd.s32 $0xFFFFC800  }
0xbd: {  	[tilespmem:s7], [sflag:$0x3] =	stream.linear.gather @!p0 [spmem:s26], $0x800, $0x38;
	[tilespmem:$0x1BE00] =	vst v63  }
0xbe: {  	s10 =	sadd.s32 $0x1, s10;
	_ =	swait.ge @!p0 [sflag:s11], $0x800  }
0xbf: {  	p1 =	sne.s32 s10, s20;
	s14 =	sadd.s32 @!p0 $0x27000, s15;
	[sflag:s11] =	ssyncset.done @!p0 $0x0  }
.Ltmp1:
0xc0: {  	s16 =	simm.s32 @!p0 $0x0;
	[sflag:s11] =	ssyncadd.s32 @!p0 $0xFFFFF800;
	(pc) =	sbr.rel @p1 .LBB2_1-.Ltmp1, $4  }
0xc1: {  	[hbm4b:s14+s16] =	stream.linear.scatter @!p0 [tilespmem:s7], [sflag:$0x3], $0x800, $0x38;
	[tilespmem:$0x1BE00] =	vst v63  }
0xc2: {  	_ =	swait.ge @!p0 [sflag:s11], $0x800  }
0xc3: {  	[sflag:s11] =	ssyncset.done @!p0 $0x0  }
0xc4: {  	[sflag:s11] =	ssyncadd.s32 @!p0 $0xFFFFF800  }
0xc5: {  	_ =	sfence.sel $0x180000  }
0xc6: {  	[bflag:$0x0] =	sbarrier.arrive $0xFFFF  }
0xc7: {  	_ =	strace $0x9000004D  }
0xc8: {  	s0 =	stileid.u32;
	[bflag:$0x2] =	sbarrier.arrive $0xFFFF  }
0xc9: {  	p0 =	sne.s32 s0, $0x0;
	s0 =	rddreg [dreg:$0x3]  }
0xca: {  	s0 =	sadd.s32 @!p0 $0x100000, s0  }
0xcb: {  	[sflag:s0] =	ssyncadd.tile.s32 @!p0 $0x1;
	_ =	shalt  }
.Lfunc_end2:
_tile_overlayer_lowered:
.L_overlay_start_2:
0xcc: {  	(tag) =	ssettag $0x2  }
0xcd: {  	s0 =	rddreg [dreg:$0x0];
	s2 =	stileid.u32  }
0xce: {  	s1 =	rddreg [dreg:$0x1];
	p0 =	sne.s32 s2, $0x0  }
0xcf: {  	s3 =	rddreg [dreg:$0x2];
	[bflag:$0x3] =	sbarrier.arrive $0xFFFF;
	s2 =	simm.s32 @!p0 $0x1C03  }
0xd0: {  	[timem:s3], [sflag:s2] =	dma.local @!p0 [hbm:s0], s1  }
0xd1: {  	s0 =	simm.s32 @!p0 $0x3  }
0xd2: {  	_ =	swait.ge @!p0 [sflag:s0], s1  }
0xd3: {  	s1 =	ssub.s32 @!p0 $0x0, s1;
	[sflag:s0] =	ssyncset.done @!p0 $0x0  }
0xd4: {  	[sflag:s0] =	ssyncadd.s32 @!p0 s1  }
0xd5: {  	[bflag:$0x3] =	sbarrier.arrive $0xFFFF  }
0xd6: {  	_ =	shalt  }

</sc_bundles>
